<compile_context>
chip_gen: v7x
topology: tpu7x:2x2x1
jax: 0.10.2.dev20260603
libtpu: 0.0.44.dev20260713+nightly
codegen_flags: <defaults>
</compile_context>

<pallas_src>
import functools

import jax
import jax.numpy as jnp
from jax import lax
from jax.experimental import pallas as pl
from jax.experimental.pallas import tpu as pltpu
from jax.experimental.pallas import tpu_sc as plsc

EPS = 1e-7
N = 10000
D = 256
H2 = 512
H4 = 1024
RB = 1000
NSTEP = N // RB

NE = 160000
CHUNK = 128
NCHUNK = 79
EPT = CHUNK * NCHUNK
NBUF = 2
NEP = EPT * 16
NP = 10112
STRIPE = NP // 16


def _bdot(x, w):
    return jnp.dot(x, w, preferred_element_type=jnp.float32)


def _ln(z, g, b):
    mu = jnp.mean(z, axis=-1, keepdims=True)
    var = jnp.mean((z - mu) ** 2, axis=-1, keepdims=True)
    return (z - mu) * lax.rsqrt(var + 1e-5) * g + b


def _tables(h, t):
    msg = jnp.maximum(h, 0.0) + EPS
    e = jnp.exp(msg * t)
    me = msg * e
    blocks = []
    for b in range(4):
        sl = slice(64 * b, 64 * (b + 1))
        blocks.append(jnp.concatenate([e[:, sl], me[:, sl]], axis=1)[None])
    return jnp.concatenate(blocks, axis=0)




def _fc_body(x_ref, w_ref, b_ref, t_ref, xn_ref, tab_ref):
    xn = jnp.maximum(
        _bdot(x_ref[...], w_ref[...])
        + b_ref[...], 0.0)
    xn_ref[...] = xn
    tab_ref[...] = _tables(xn, t_ref[0, 0])


def _run_fc(x, w, b, t0):
    return pl.pallas_call(
        _fc_body,
        grid=(NSTEP,),
        in_specs=[
            pl.BlockSpec((RB, D), lambda i: (i, 0)),
            pl.BlockSpec((D, D), lambda i: (0, 0)),
            pl.BlockSpec((1, D), lambda i: (0, 0)),
            pl.BlockSpec(memory_space=pltpu.SMEM),
        ],
        out_specs=[
            pl.BlockSpec((RB, D), lambda i: (i, 0)),
            pl.BlockSpec((4, RB, 128), lambda i: (0, i, 0)),
        ],
        out_shape=[
            jax.ShapeDtypeStruct((N, D), jnp.float32),
            jax.ShapeDtypeStruct((4, N, 128), jnp.float32),
        ],
    )(x, w, b.reshape(1, D), t0.reshape(1, 1))




def _mlp_body(is_res, emit_tab, acc_ref, h_ref, w1_ref, b1_ref, g1_ref,
              be1_ref, w2_ref, b2_ref, lng_ref, lnb_ref, t_ref,
              hn_ref, tab_ref=None):
    h = h_ref[...]
    blk = acc_ref[...]
    aggr = jnp.concatenate(
        [blk[b, :, 64:128] / (blk[b, :, 0:64] + 1e-16) for b in range(4)],
        axis=1)
    out = aggr + h
    z = _bdot(out, w1_ref[...]) + b1_ref[...]
    z = jnp.maximum(_ln(z, g1_ref[...], be1_ref[...]), 0.0)
    z = _bdot(z, w2_ref[...]) + b2_ref[...]
    if is_res:
        hh = jnp.maximum(_ln(z, lng_ref[...], lnb_ref[...]), 0.0)
        hn = h + hh
    else:
        hn = z
    hn_ref[...] = hn
    if emit_tab:
        tab_ref[...] = _tables(hn, t_ref[0, 0])


def _run_mlp(acc, h, p, is_res, t_next):
    emit_tab = t_next is not None
    out_specs = [pl.BlockSpec((RB, D), lambda i: (i, 0))]
    out_shape = [jax.ShapeDtypeStruct((N, D), jnp.float32)]
    if emit_tab:
        out_specs.append(pl.BlockSpec((4, RB, 128), lambda i: (0, i, 0)))
        out_shape.append(jax.ShapeDtypeStruct((4, N, 128), jnp.float32))
    lng = p['ln_g']
    lnb = p['ln_b']
    t = t_next if emit_tab else jnp.float32(1.0)
    return pl.pallas_call(
        functools.partial(_mlp_body, is_res, emit_tab),
        grid=(NSTEP,),
        in_specs=[
            pl.BlockSpec((4, RB, 128), lambda i: (0, i, 0)),
            pl.BlockSpec((RB, D), lambda i: (i, 0)),
            pl.BlockSpec((D, H2), lambda i: (0, 0)),
            pl.BlockSpec((1, H2), lambda i: (0, 0)),
            pl.BlockSpec((1, H2), lambda i: (0, 0)),
            pl.BlockSpec((1, H2), lambda i: (0, 0)),
            pl.BlockSpec((H2, D), lambda i: (0, 0)),
            pl.BlockSpec((1, D), lambda i: (0, 0)),
            pl.BlockSpec((1, D), lambda i: (0, 0)),
            pl.BlockSpec((1, D), lambda i: (0, 0)),
            pl.BlockSpec(memory_space=pltpu.SMEM),
        ],
        out_specs=out_specs,
        out_shape=out_shape,
    )(acc, h, p['W1'], p['b1'].reshape(1, H2), p['g1'].reshape(1, H2),
      p['be1'].reshape(1, H2), p['W2'], p['b2'].reshape(1, D),
      lng.reshape(1, D), lnb.reshape(1, D), t.reshape(1, 1))




def _head_body(xn_ref, h1_ref, h2_ref, h3_ref, phi_ref, phib_ref,
               wa_ref, ba_ref, wb_ref, bb_ref, wc_ref, bc_ref,
               rho_ref, rhob_ref, cls_ref, clsb_ref, out_ref,
               num_ref, den_ref):
    i = pl.program_id(0)

    @pl.when(i == 0)
    def _init():
        num_ref[...] = jnp.zeros_like(num_ref)
        den_ref[...] = jnp.zeros_like(den_ref)

    phi = phi_ref[...]
    hp = (_bdot(xn_ref[...], phi[0:D])
          + _bdot(h1_ref[...], phi[D:2 * D])
          + _bdot(h2_ref[...], phi[2 * D:3 * D])
          + _bdot(h3_ref[...], phi[3 * D:4 * D])
          + phib_ref[...])
    hp = jnp.maximum(hp, 0.0)
    a = jnp.tanh(_bdot(hp, wa_ref[...])
                 + ba_ref[...])
    b = jax.nn.sigmoid(_bdot(hp, wb_ref[...])
                       + bb_ref[...])
    A = jnp.sum((a * b) * wc_ref[...], axis=1, keepdims=True) + bc_ref[0, 0]
    w = jnp.exp(A)
    num_ref[...] += jnp.sum(w * hp, axis=0, keepdims=True)
    den_ref[...] += jnp.sum(w)

    @pl.when(i == NSTEP - 1)
    def _final():
        pooled = num_ref[...] / den_ref[0, 0]
        hout = jnp.maximum(
            _bdot(pooled, rho_ref[...])
            + rhob_ref[...], 0.0)
        logit = jnp.sum(hout * cls_ref[...]) + clsb_ref[0, 0]
        out_ref[...] = jnp.full((1, 1), logit, jnp.float32)


def _run_head(xn, h1, h2, h3, params):
    full = lambda shp: pl.BlockSpec(shp, lambda i: tuple(0 for _ in shp))
    rb = pl.BlockSpec((RB, D), lambda i: (i, 0))
    return pl.pallas_call(
        _head_body,
        grid=(NSTEP,),
        in_specs=[
            rb, rb, rb, rb,
            full((H4, H4)), full((1, H4)),
            full((H4, H4)), full((1, H4)),
            full((H4, H4)), full((1, H4)),
            full((1, H4)), full((1, 1)),
            full((H4, H4)), full((1, H4)),
            full((1, H4)), full((1, 1)),
        ],
        out_specs=pl.BlockSpec((1, 1), lambda i: (0, 0)),
        out_shape=jax.ShapeDtypeStruct((1, 1), jnp.float32),
        scratch_shapes=[
            pltpu.VMEM((1, H4), jnp.float32),
            pltpu.VMEM((1, 1), jnp.float32),
        ],
    )(xn, h1, h2, h3,
      params['phi_W'], params['phi_b'].reshape(1, H4),
      params['Wa'], params['ba'].reshape(1, H4),
      params['Wb'], params['bb'].reshape(1, H4),
      params['Wc'].reshape(1, H4), params['bc'].reshape(1, 1),
      params['rho_W'], params['rho_b'].reshape(1, H4),
      params['cls_W'].reshape(1, H4), params['cls_b'].reshape(1, 1))




SUBS = (40, 39)


def _agg_body(tab_ref, srcidx_ref, dstidx_ref, out_ref,
              acc_ref, srcslab_ref, dstslab_ref, gbuf_ref, gsem):
    c = lax.axis_index("c")
    s = lax.axis_index("s")
    base = s * STRIPE

    def _zero_stripe():
        def _z(k, _):
            gbuf_ref[0, k // 8, pl.ds((k % 8) * 16, 16)] = jnp.zeros(
                (16,), jnp.float32)
            return _
        lax.fori_loop(0, CHUNK * 8, _z, None)
        for k in range(STRIPE // CHUNK):
            pltpu.sync_copy(gbuf_ref.at[0],
                            acc_ref.at[pl.ds(base + CHUNK * k, CHUNK)])
        rem = STRIPE % CHUNK
        pltpu.sync_copy(gbuf_ref.at[0, pl.ds(0, rem)],
                        acc_ref.at[pl.ds(base + STRIPE - rem, rem)])

    _zero_stripe()
    plsc.subcore_barrier()

    for bi in range(2):
        b = 2 * c + bi
        for sub, nch in enumerate(SUBS):
            h0 = sub * SUBS[0]
            pltpu.sync_copy(srcidx_ref.at[b, s, pl.ds(h0, nch)],
                            srcslab_ref.at[pl.ds(0, nch)])
            pltpu.sync_copy(dstidx_ref.at[s, pl.ds(h0, nch)],
                            dstslab_ref.at[pl.ds(0, nch)])
            for k in range(NBUF - 1):
                pltpu.async_copy(tab_ref.at[srcslab_ref.at[k]],
                                 gbuf_ref.at[k], gsem)

            def _chunk(k, _):
                j = lax.rem(k, NBUF)

                @pl.when(k < nch - (NBUF - 1))
                def _():
                    pltpu.async_copy(
                        tab_ref.at[srcslab_ref.at[k + NBUF - 1]],
                        gbuf_ref.at[lax.rem(k + NBUF - 1, NBUF)], gsem)
                pltpu.make_async_copy(tab_ref.at[pl.ds(0, CHUNK)],
                                      gbuf_ref.at[j], gsem).wait()
                pltpu.sync_copy(gbuf_ref.at[j],
                                acc_ref.at[dstslab_ref.at[k]], add=True)
                return _
            lax.fori_loop(0, nch, _chunk, None)
        plsc.subcore_barrier()

        pltpu.sync_copy(acc_ref.at[pl.ds(base, STRIPE)],
                        out_ref.at[b, pl.ds(base, STRIPE)])
        if bi == 0:
            _zero_stripe()
            plsc.subcore_barrier()


def _run_agg(tabflat, srcidx, dstidx):
    mesh = plsc.VectorSubcoreMesh(core_axis_name="c", subcore_axis_name="s")
    return pl.kernel(
        _agg_body,
        out_type=jax.ShapeDtypeStruct((4, NP, 128), jnp.float32),
        mesh=mesh,
        scratch_types=[
            pltpu.VMEM_SHARED((NP, 128), jnp.float32),
            pltpu.VMEM((SUBS[0], CHUNK), jnp.int32),
            pltpu.VMEM((SUBS[0], CHUNK), jnp.int32),
            pltpu.VMEM((NBUF, CHUNK, 128), jnp.float32),
            pltpu.SemaphoreType.DMA,
        ],
    )(tabflat, srcidx, dstidx)


PAD_PER = EPT - NE // 16


def _edge_slabs(edge_index):
    src = edge_index[0].astype(jnp.int32).reshape(16, NE // 16)
    dst = edge_index[1].astype(jnp.int32).reshape(16, NE // 16)
    pad_src = jnp.broadcast_to(jnp.arange(PAD_PER, dtype=jnp.int32) % 997,
                               (16, PAD_PER))
    pad_dst = jnp.broadcast_to(
        N + jnp.arange(PAD_PER, dtype=jnp.int32) % (NP - N), (16, PAD_PER))
    src_p = jnp.concatenate([src, pad_src], axis=1)
    dst_p = jnp.concatenate([dst, pad_dst], axis=1)
    offs = (jnp.arange(4, dtype=jnp.int32) * N)[:, None, None]
    srcidx = (src_p[None] + offs).reshape(4, 16, NCHUNK, CHUNK)
    dstidx = dst_p.reshape(16, NCHUNK, CHUNK)
    return srcidx, dstidx


def kernel(fea_old, x, edge_index, edge_attr, params):
    L = params['layers']
    srcidx, dstidx = _edge_slabs(edge_index)
    xn, tab = _run_fc(x, params['fc_W'], params['fc_b'], L[0]['t'])
    acc = _run_agg(tab.reshape(4 * N, 128), srcidx, dstidx)[:, :N, :]
    h1, tab = _run_mlp(acc, xn, L[0], False, L[1]['t'])
    acc = _run_agg(tab.reshape(4 * N, 128), srcidx, dstidx)[:, :N, :]
    h2, tab = _run_mlp(acc, h1, L[1], True, L[2]['t'])
    acc = _run_agg(tab.reshape(4 * N, 128), srcidx, dstidx)[:, :N, :]
    (h3,) = _run_mlp(acc, h2, L[2], True, None)
    return _run_head(xn, h1, h2, h3, params)

# --- scband reference (transcript-rebuilt; emitter-appended) ---
"""Pipeline reference for scband-patch-gcn-surv-causal-75462575391233 (READ-ONLY COPY).

The authoritative reference and input builder live on the scoring server;
editing this copy changes nothing except your own understanding.
"""

import jax, jax.numpy as jnp
import numpy as np

N_NODES = 10000
N_EDGES = 160000
D_FEAT = 256
HID = 256
N_GCN_LAYERS = 3  # num_layers - 1
EPS = 1e-7


def _layer_norm(x, g, b):
    mu = jnp.mean(x, axis=-1, keepdims=True)
    var = jnp.var(x, axis=-1, keepdims=True)
    return (x - mu) / jnp.sqrt(var + 1e-5) * g + b


def _genconv(h, src, dst, p, num_nodes):
    # GENConv(aggr='softmax', t learned, num_layers=2, norm='layer'), edge_attr=None
    msg = jax.nn.relu(h[src]) + EPS
    logits = msg * p['t']
    m = jax.ops.segment_max(logits, dst, num_segments=num_nodes)
    m = jnp.where(jnp.isfinite(m), m, 0.0)
    e = jnp.exp(logits - m[dst])
    denom = jax.ops.segment_sum(e, dst, num_segments=num_nodes)
    alpha = e / (denom[dst] + 1e-16)
    aggr = jax.ops.segment_sum(msg * alpha, dst, num_segments=num_nodes)
    out = aggr + h
    z = out @ p['W1'] + p['b1']
    z = _layer_norm(z, p['g1'], p['be1'])
    z = jax.nn.relu(z)
    z = z @ p['W2'] + p['b2']
    return z


def _forward(fea_old, x, edge_index, params):
    N = x.shape[0]
    src = edge_index[0]
    dst = edge_index[1]
    # fc on concatenated old/new features (dropout identity at eval)
    x_old_new = jnp.concatenate([fea_old, x], axis=0)
    h0 = jax.nn.relu(x_old_new @ params['fc_W'] + params['fc_b'])
    xn = h0[h0.shape[0] // 2:]
    # GCN_forward: layers[0].conv raw, then DeepGCNLayer 'res' blocks
    h = _genconv(xn, src, dst, params['layers'][0], N)
    feats = [xn, h]
    for p in params['layers'][1:]:
        hh = _genconv(h, src, dst, p, N)
        hh = _layer_norm(hh, p['ln_g'], p['ln_b'])
        hh = jax.nn.relu(hh)
        h = h + hh  # res block; dropout identity at eval
        feats.append(h)
    h_path = jnp.concatenate(feats, axis=1)  # [N, 4*HID]
    h_path = jax.nn.relu(h_path @ params['phi_W'] + params['phi_b'])
    # Attn_Net_Gated
    a = jnp.tanh(h_path @ params['Wa'] + params['ba'])
    b = jax.nn.sigmoid(h_path @ params['Wb'] + params['bb'])
    A = (a * b) @ params['Wc'] + params['bc']  # [N, 1]
    A = A.T  # [1, N]
    # batch = zeros -> single segment softmax over all nodes
    A = jax.nn.softmax(A, axis=-1)
    h_p = A @ h_path  # [1, 4*HID]
    h_out = jax.nn.relu(h_p @ params['rho_W'] + params['rho_b'])
    logits = h_out @ params['cls_W'] + params['cls_b']  # [1, n_classes]
    return logits


def setup_inputs(seed: int = 0) -> dict:
    key = jax.random.key(seed)
    ks = jax.random.split(key, 40)
    ki = iter(range(40))

    def dense(i, o):
        return jax.random.normal(ks[next(ki)], (i, o), dtype=jnp.float32) * 0.02

    fea_old = jax.random.normal(ks[next(ki)], (N_NODES, D_FEAT), dtype=jnp.float32)
    x = jax.random.normal(ks[next(ki)], (N_NODES, D_FEAT), dtype=jnp.float32)
    edge_index = jax.random.randint(ks[next(ki)], (2, N_EDGES), 0, N_NODES)
    edge_attr = jnp.zeros((N_EDGES, 4), dtype=jnp.float32)

    layers = []
    for _ in range(N_GCN_LAYERS):
        layers.append({
            'W1': dense(HID, 2 * HID), 'b1': jnp.zeros((2 * HID,), jnp.float32),
            'g1': jnp.ones((2 * HID,), jnp.float32), 'be1': jnp.zeros((2 * HID,), jnp.float32),
            'W2': dense(2 * HID, HID), 'b2': jnp.zeros((HID,), jnp.float32),
            't': jnp.float32(1.0),
            'ln_g': jnp.ones((HID,), jnp.float32), 'ln_b': jnp.zeros((HID,), jnp.float32),
        })
    H4 = 4 * HID
    params = {
        'fc_W': dense(D_FEAT, HID), 'fc_b': jnp.zeros((HID,), jnp.float32),
        'layers': layers,
        'phi_W': dense(H4, H4), 'phi_b': jnp.zeros((H4,), jnp.float32),
        'Wa': dense(H4, H4), 'ba': jnp.zeros((H4,), jnp.float32),
        'Wb': dense(H4, H4), 'bb': jnp.zeros((H4,), jnp.float32),
        'Wc': dense(H4, 1), 'bc': jnp.zeros((1,), jnp.float32),
        'rho_W': dense(H4, H4), 'rho_b': jnp.zeros((H4,), jnp.float32),
        'cls_W': dense(H4, 1), 'cls_b': jnp.zeros((1,), jnp.float32),
    }
    return {'fea_old': fea_old, 'x': x, 'edge_index': edge_index, 'edge_attr': edge_attr, 'params': params}


def reference(fea_old, x, edge_index, edge_attr, params):
    # edge_attr is overwritten to None in the original forward
    return _forward(fea_old, x, edge_index, params)

if __name__ == "__main__":
    import jax
    _d = setup_inputs()
    print(jax.jit(kernel)(*tuple(_d.values())))

</pallas_src>

<mosaic_0001>
#map = affine_map<(d0, d1) -> (0, 0)>
#map1 = affine_map<(d0, d1) -> (0, 0, 0, 0)>
#map2 = affine_map<(d0, d1) -> (0, 0, 0)>
module attributes {stable_mosaic.version = 14 : i64} {
  func.func @_agg_body(%arg0: i32, %arg1: i32, %arg2: memref<40000x128xf32, #tpu.memory_space<hbm>>, %arg3: memref<4x16x79x128xi32, #tpu.memory_space<hbm>>, %arg4: memref<16x79x128xi32, #tpu.memory_space<hbm>>, %arg5: memref<4x10112x128xf32, #tpu.memory_space<hbm>>, %arg6: memref<10112x128xf32, #tpu.memory_space<vmem_shared>>, %arg7: memref<40x128xi32, #tpu.memory_space<vmem>>, %arg8: memref<40x128xi32, #tpu.memory_space<vmem>>, %arg9: memref<2x128x128xf32, #tpu.memory_space<vmem>>, %arg10: memref<!tpu.dma_semaphore, #tpu.memory_space<semaphore_mem>>) attributes {dimension_semantics = [#tpu.dimension_semantics<core_parallel>, #tpu.dimension_semantics<subcore_parallel>], iteration_bounds = array<i64: 2, 16>, scalar_prefetch = 0 : i64, scratch_operands = 5 : i64, tpu.core_type = #tpu.core_type<sc_vector_subcore>, window_params = [{transform_indices = #map}, {transform_indices = #map1}, {transform_indices = #map2}, {transform_indices = #map2}]} {
    %mul3A = arith.constant 632 : i32
    %mul3A_0 = arith.muli %arg1, %mul3A : i32
    %scan3A = arith.constant 0 : i32
    %scan3A_1 = arith.constant 1024 : i32
    %scan3A_2 = arith.addi %scan3A, %scan3A_1 : i32
    %scan3A_3 = arith.constant 1 : i32
    scf.for %scan3A_119 = %scan3A to %scan3A_2 step %scan3A_3  : i32 {
      %broadcast_in_dim3A = arith.constant 0.000000e+00 : f32
      %broadcast_in_dim3A_120 = vector.broadcast %broadcast_in_dim3A : f32 to vector<16xf32>
      %jit3A = arith.constant 8 : i32
      %div3A = arith.divsi %scan3A_119, %jit3A : i32
      %sign3A = arith.constant 0 : i32
      %sign3A_121 = arith.cmpi sgt, %scan3A_119, %sign3A : i32
      %sign3A_122 = arith.extui %sign3A_121 : i1 to i32
      %sign3A_123 = arith.constant 0 : i32
      %sign3A_124 = arith.cmpi slt, %scan3A_119, %sign3A_123 : i32
      %sign3A_125 = arith.extui %sign3A_124 : i1 to i32
      %sign3A_126 = arith.subi %sign3A_122, %sign3A_125 : i32
      %sign3A_127 = arith.constant 0 : i32
      %sign3A_128 = arith.cmpi sgt, %jit3A, %sign3A_127 : i32
      %sign3A_129 = arith.extui %sign3A_128 : i1 to i32
      %sign3A_130 = arith.constant 0 : i32
      %sign3A_131 = arith.cmpi slt, %jit3A, %sign3A_130 : i32
      %sign3A_132 = arith.extui %sign3A_131 : i1 to i32
      %sign3A_133 = arith.subi %sign3A_129, %sign3A_132 : i32
      %ne3A = arith.cmpi ne, %sign3A_126, %sign3A_133 : i32
      %rem3A = arith.remsi %scan3A_119, %jit3A : i32
      %ne3A_134 = arith.constant 0 : i32
      %ne3A_135 = arith.cmpi ne, %rem3A, %ne3A_134 : i32
      %and3A = arith.andi %ne3A, %ne3A_135 : i1
      %sub3A_136 = arith.constant 1 : i32
      %sub3A_137 = arith.subi %div3A, %sub3A_136 : i32
      %select_n3A = arith.select %and3A, %sub3A_137, %div3A : i32
      %jit3A_138 = arith.constant 8 : i32
      %eq3A = arith.constant 0 : i32
      %eq3A_139 = arith.cmpi eq, %jit3A_138, %eq3A : i32
      %jit3A_140 = arith.constant 1 : i32
      %select_n3A_141 = arith.select %eq3A_139, %jit3A_140, %jit3A_138 : i32
      %rem3A_142 = arith.remsi %scan3A_119, %select_n3A_141 : i32
      %ne3A_143 = arith.constant 0 : i32
      %ne3A_144 = arith.cmpi ne, %rem3A_142, %ne3A_143 : i32
      %lt3A = arith.constant 0 : i32
      %lt3A_145 = arith.cmpi slt, %rem3A_142, %lt3A : i32
      %lt3A_146 = arith.constant 0 : i32
      %lt3A_147 = arith.cmpi slt, %select_n3A_141, %lt3A_146 : i32
      %ne3A_148 = arith.xori %lt3A_145, %lt3A_147 : i1
      %and3A_149 = arith.andi %ne3A_148, %ne3A_144 : i1
      %add3A_150 = arith.addi %rem3A_142, %select_n3A_141 : i32
      %select_n3A_151 = arith.select %and3A_149, %add3A_150, %rem3A_142 : i32
      %mul3A_152 = arith.constant 16 : i32
      %mul3A_153 = arith.muli %select_n3A_151, %mul3A_152 : i32
      %swap3A = arith.constant 0 : i32
      %swap3A_154 = arith.index_cast %swap3A : i32 to index
      %swap3A_155 = arith.index_cast %select_n3A : i32 to index
      %swap3A_156 = arith.index_cast %mul3A_153 : i32 to index
      %swap3A_157 = tpu.vector_load %arg9[%swap3A_154, %swap3A_155, %swap3A_156] {strides = array<i32>} : memref<2x128x128xf32, #tpu.memory_space<vmem>>, vector<1x1x16xf32>,
      %swap3A_158 = vector.shape_cast %swap3A_157 : vector<1x1x16xf32> to vector<16xf32>
      %swap3A_159 = vector.shape_cast %broadcast_in_dim3A_120 : vector<16xf32> to vector<1x1x16xf32>
      tpu.vector_store %arg9[%swap3A_154, %swap3A_155, %swap3A_156], %swap3A_159 {strides = array<i32>} : memref<2x128x128xf32, #tpu.memory_space<vmem>>, vector<1x1x16xf32>,
    }
    %scan3A_4 = arith.constant 1024 : i32
    %add3A = arith.constant 0 : i32
    %add3A_5 = arith.addi %mul3A_0, %add3A : i32
    %run_scoped3A = arith.constant 0 : i32
    "tpu.region"() ({
      %run_scoped3A_119 = tpu.sem_alloc : memref<!tpu.dma_semaphore, #tpu.memory_space<semaphore_mem>>
      %dma_start3A_120 = arith.constant 0 : i32
      %dma_start3A_121 = arith.constant 0 : i32
      %dma_start3A_122 = tpu.memref_slice %arg9[%run_scoped3A, %dma_start3A_120, %dma_start3A_121] : memref<2x128x128xf32, #tpu.memory_space<vmem>> -> memref<1x128x128xf32, #tpu.memory_space<vmem>>
      %dma_start3A_123 = tpu.memref_squeeze %dma_start3A_122 : memref<1x128x128xf32, #tpu.memory_space<vmem>> -> memref<128x128xf32, #tpu.memory_space<vmem>>
      %dma_start3A_124 = arith.constant 0 : i32
      %dma_start3A_125 = tpu.memref_slice %arg6[%add3A_5, %dma_start3A_124] : memref<10112x128xf32, #tpu.memory_space<vmem_shared>> -> memref<128x128xf32, #tpu.memory_space<vmem_shared>>
      %dma_start3A_126 = arith.constant 0 : i32
      %dma_start3A_127 = tpu.memref_slice %arg6[%add3A_5, %dma_start3A_126] : memref<10112x128xf32, #tpu.memory_space<vmem_shared>> -> memref<128x128xf32, #tpu.memory_space<vmem_shared>>
      %dma_start3A_128 = arith.constant 0 : i32
      %dma_start3A_129 = arith.constant 0 : i32
      %dma_start3A_130 = tpu.memref_slice %arg9[%run_scoped3A, %dma_start3A_128, %dma_start3A_129] : memref<2x128x128xf32, #tpu.memory_space<vmem>> -> memref<1x128x128xf32, #tpu.memory_space<vmem>>
      %dma_start3A_131 = tpu.memref_squeeze %dma_start3A_130 : memref<1x128x128xf32, #tpu.memory_space<vmem>> -> memref<128x128xf32, #tpu.memory_space<vmem>>
      tpu.enqueue_dma source(%dma_start3A_131 : memref<128x128xf32, #tpu.memory_space<vmem>>) target(%dma_start3A_127 : memref<128x128xf32, #tpu.memory_space<vmem_shared>>) target_semaphore(%run_scoped3A_119 : memref<!tpu.dma_semaphore, #tpu.memory_space<semaphore_mem>>)
      %dma_wait3A = arith.constant 0 : i32
      %dma_wait3A_132 = arith.constant 0 : i32
      %dma_wait3A_133 = tpu.memref_slice %arg9[%run_scoped3A, %dma_wait3A, %dma_wait3A_132] : memref<2x128x128xf32, #tpu.memory_space<vmem>> -> memref<1x128x128xf32, #tpu.memory_space<vmem>>
      %dma_wait3A_134 = tpu.memref_squeeze %dma_wait3A_133 : memref<1x128x128xf32, #tpu.memory_space<vmem>> -> memref<128x128xf32, #tpu.memory_space<vmem>>
      %dma_wait3A_135 = arith.constant 0 : i32
      %dma_wait3A_136 = tpu.memref_slice %arg6[%add3A_5, %dma_wait3A_135] : memref<10112x128xf32, #tpu.memory_space<vmem_shared>> -> memref<128x128xf32, #tpu.memory_space<vmem_shared>>
      %dma_wait3A_137 = arith.constant 0 : i32
      %dma_wait3A_138 = tpu.memref_slice %arg6[%add3A_5, %dma_wait3A_137] : memref<10112x128xf32, #tpu.memory_space<vmem_shared>> -> memref<128x128xf32, #tpu.memory_space<vmem_shared>>
      %dma_wait3A_139 = arith.constant 0 : i32
      %dma_wait3A_140 = arith.constant 0 : i32
      %dma_wait3A_141 = tpu.memref_slice %arg9[%run_scoped3A, %dma_wait3A_139, %dma_wait3A_140] : memref<2x128x128xf32, #tpu.memory_space<vmem>> -> memref<1x128x128xf32, #tpu.memory_space<vmem>>
      %dma_wait3A_142 = tpu.memref_squeeze %dma_wait3A_141 : memref<1x128x128xf32, #tpu.memory_space<vmem>> -> memref<128x128xf32, #tpu.memory_space<vmem>>
      tpu.wait_dma2 semaphore(%run_scoped3A_119 : memref<!tpu.dma_semaphore, #tpu.memory_space<semaphore_mem>>) src(%dma_wait3A_142 : memref<128x128xf32, #tpu.memory_space<vmem>>) dst(%dma_wait3A_138 : memref<128x128xf32, #tpu.memory_space<vmem_shared>>)
      tpu.yield
    }) : () -> ()
    %add3A_6 = arith.constant 128 : i32
    %add3A_7 = arith.addi %mul3A_0, %add3A_6 : i32
    %run_scoped3A_8 = arith.constant 0 : i32
    "tpu.region"() ({
      %run_scoped3A_119 = tpu.sem_alloc : memref<!tpu.dma_semaphore, #tpu.memory_space<semaphore_mem>>
      %dma_start3A_120 = arith.constant 0 : i32
      %dma_start3A_121 = arith.constant 0 : i32
      %dma_start3A_122 = tpu.memref_slice %arg9[%run_scoped3A_8, %dma_start3A_120, %dma_start3A_121] : memref<2x128x128xf32, #tpu.memory_space<vmem>> -> memref<1x128x128xf32, #tpu.memory_space<vmem>>
      %dma_start3A_123 = tpu.memref_squeeze %dma_start3A_122 : memref<1x128x128xf32, #tpu.memory_space<vmem>> -> memref<128x128xf32, #tpu.memory_space<vmem>>
      %dma_start3A_124 = arith.constant 0 : i32
      %dma_start3A_125 = tpu.memref_slice %arg6[%add3A_7, %dma_start3A_124] : memref<10112x128xf32, #tpu.memory_space<vmem_shared>> -> memref<128x128xf32, #tpu.memory_space<vmem_shared>>
      %dma_start3A_126 = arith.constant 0 : i32
      %dma_start3A_127 = tpu.memref_slice %arg6[%add3A_7, %dma_start3A_126] : memref<10112x128xf32, #tpu.memory_space<vmem_shared>> -> memref<128x128xf32, #tpu.memory_space<vmem_shared>>
      %dma_start3A_128 = arith.constant 0 : i32
      %dma_start3A_129 = arith.constant 0 : i32
      %dma_start3A_130 = tpu.memref_slice %arg9[%run_scoped3A_8, %dma_start3A_128, %dma_start3A_129] : memref<2x128x128xf32, #tpu.memory_space<vmem>> -> memref<1x128x128xf32, #tpu.memory_space<vmem>>
      %dma_start3A_131 = tpu.memref_squeeze %dma_start3A_130 : memref<1x128x128xf32, #tpu.memory_space<vmem>> -> memref<128x128xf32, #tpu.memory_space<vmem>>
      tpu.enqueue_dma source(%dma_start3A_131 : memref<128x128xf32, #tpu.memory_space<vmem>>) target(%dma_start3A_127 : memref<128x128xf32, #tpu.memory_space<vmem_shared>>) target_semaphore(%run_scoped3A_119 : memref<!tpu.dma_semaphore, #tpu.memory_space<semaphore_mem>>)
      %dma_wait3A = arith.constant 0 : i32
      %dma_wait3A_132 = arith.constant 0 : i32
      %dma_wait3A_133 = tpu.memref_slice %arg9[%run_scoped3A_8, %dma_wait3A, %dma_wait3A_132] : memref<2x128x128xf32, #tpu.memory_space<vmem>> -> memref<1x128x128xf32, #tpu.memory_space<vmem>>
      %dma_wait3A_134 = tpu.memref_squeeze %dma_wait3A_133 : memref<1x128x128xf32, #tpu.memory_space<vmem>> -> memref<128x128xf32, #tpu.memory_space<vmem>>
      %dma_wait3A_135 = arith.constant 0 : i32
      %dma_wait3A_136 = tpu.memref_slice %arg6[%add3A_7, %dma_wait3A_135] : memref<10112x128xf32, #tpu.memory_space<vmem_shared>> -> memref<128x128xf32, #tpu.memory_space<vmem_shared>>
      %dma_wait3A_137 = arith.constant 0 : i32
      %dma_wait3A_138 = tpu.memref_slice %arg6[%add3A_7, %dma_wait3A_137] : memref<10112x128xf32, #tpu.memory_space<vmem_shared>> -> memref<128x128xf32, #tpu.memory_space<vmem_shared>>
      %dma_wait3A_139 = arith.constant 0 : i32
      %dma_wait3A_140 = arith.constant 0 : i32
      %dma_wait3A_141 = tpu.memref_slice %arg9[%run_scoped3A_8, %dma_wait3A_139, %dma_wait3A_140] : memref<2x128x128xf32, #tpu.memory_space<vmem>> -> memref<1x128x128xf32, #tpu.memory_space<vmem>>
      %dma_wait3A_142 = tpu.memref_squeeze %dma_wait3A_141 : memref<1x128x128xf32, #tpu.memory_space<vmem>> -> memref<128x128xf32, #tpu.memory_space<vmem>>
      tpu.wait_dma2 semaphore(%run_scoped3A_119 : memref<!tpu.dma_semaphore, #tpu.memory_space<semaphore_mem>>) src(%dma_wait3A_142 : memref<128x128xf32, #tpu.memory_space<vmem>>) dst(%dma_wait3A_138 : memref<128x128xf32, #tpu.memory_space<vmem_shared>>)
      tpu.yield
    }) : () -> ()
    %add3A_9 = arith.constant 256 : i32
    %add3A_10 = arith.addi %mul3A_0, %add3A_9 : i32
    %run_scoped3A_11 = arith.constant 0 : i32
    "tpu.region"() ({
      %run_scoped3A_119 = tpu.sem_alloc : memref<!tpu.dma_semaphore, #tpu.memory_space<semaphore_mem>>
      %dma_start3A_120 = arith.constant 0 : i32
      %dma_start3A_121 = arith.constant 0 : i32
      %dma_start3A_122 = tpu.memref_slice %arg9[%run_scoped3A_11, %dma_start3A_120, %dma_start3A_121] : memref<2x128x128xf32, #tpu.memory_space<vmem>> -> memref<1x128x128xf32, #tpu.memory_space<vmem>>
      %dma_start3A_123 = tpu.memref_squeeze %dma_start3A_122 : memref<1x128x128xf32, #tpu.memory_space<vmem>> -> memref<128x128xf32, #tpu.memory_space<vmem>>
      %dma_start3A_124 = arith.constant 0 : i32
      %dma_start3A_125 = tpu.memref_slice %arg6[%add3A_10, %dma_start3A_124] : memref<10112x128xf32, #tpu.memory_space<vmem_shared>> -> memref<128x128xf32, #tpu.memory_space<vmem_shared>>
      %dma_start3A_126 = arith.constant 0 : i32
      %dma_start3A_127 = tpu.memref_slice %arg6[%add3A_10, %dma_start3A_126] : memref<10112x128xf32, #tpu.memory_space<vmem_shared>> -> memref<128x128xf32, #tpu.memory_space<vmem_shared>>
      %dma_start3A_128 = arith.constant 0 : i32
      %dma_start3A_129 = arith.constant 0 : i32
      %dma_start3A_130 = tpu.memref_slice %arg9[%run_scoped3A_11, %dma_start3A_128, %dma_start3A_129] : memref<2x128x128xf32, #tpu.memory_space<vmem>> -> memref<1x128x128xf32, #tpu.memory_space<vmem>>
      %dma_start3A_131 = tpu.memref_squeeze %dma_start3A_130 : memref<1x128x128xf32, #tpu.memory_space<vmem>> -> memref<128x128xf32, #tpu.memory_space<vmem>>
      tpu.enqueue_dma source(%dma_start3A_131 : memref<128x128xf32, #tpu.memory_space<vmem>>) target(%dma_start3A_127 : memref<128x128xf32, #tpu.memory_space<vmem_shared>>) target_semaphore(%run_scoped3A_119 : memref<!tpu.dma_semaphore, #tpu.memory_space<semaphore_mem>>)
      %dma_wait3A = arith.constant 0 : i32
      %dma_wait3A_132 = arith.constant 0 : i32
      %dma_wait3A_133 = tpu.memref_slice %arg9[%run_scoped3A_11, %dma_wait3A, %dma_wait3A_132] : memref<2x128x128xf32, #tpu.memory_space<vmem>> -> memref<1x128x128xf32, #tpu.memory_space<vmem>>
      %dma_wait3A_134 = tpu.memref_squeeze %dma_wait3A_133 : memref<1x128x128xf32, #tpu.memory_space<vmem>> -> memref<128x128xf32, #tpu.memory_space<vmem>>
      %dma_wait3A_135 = arith.constant 0 : i32
      %dma_wait3A_136 = tpu.memref_slice %arg6[%add3A_10, %dma_wait3A_135] : memref<10112x128xf32, #tpu.memory_space<vmem_shared>> -> memref<128x128xf32, #tpu.memory_space<vmem_shared>>
      %dma_wait3A_137 = arith.constant 0 : i32
      %dma_wait3A_138 = tpu.memref_slice %arg6[%add3A_10, %dma_wait3A_137] : memref<10112x128xf32, #tpu.memory_space<vmem_shared>> -> memref<128x128xf32, #tpu.memory_space<vmem_shared>>
      %dma_wait3A_139 = arith.constant 0 : i32
      %dma_wait3A_140 = arith.constant 0 : i32
      %dma_wait3A_141 = tpu.memref_slice %arg9[%run_scoped3A_11, %dma_wait3A_139, %dma_wait3A_140] : memref<2x128x128xf32, #tpu.memory_space<vmem>> -> memref<1x128x128xf32, #tpu.memory_space<vmem>>
      %dma_wait3A_142 = tpu.memref_squeeze %dma_wait3A_141 : memref<1x128x128xf32, #tpu.memory_space<vmem>> -> memref<128x128xf32, #tpu.memory_space<vmem>>
      tpu.wait_dma2 semaphore(%run_scoped3A_119 : memref<!tpu.dma_semaphore, #tpu.memory_space<semaphore_mem>>) src(%dma_wait3A_142 : memref<128x128xf32, #tpu.memory_space<vmem>>) dst(%dma_wait3A_138 : memref<128x128xf32, #tpu.memory_space<vmem_shared>>)
      tpu.yield
    }) : () -> ()
    %add3A_12 = arith.constant 384 : i32
    %add3A_13 = arith.addi %mul3A_0, %add3A_12 : i32
    %run_scoped3A_14 = arith.constant 0 : i32
    "tpu.region"() ({
      %run_scoped3A_119 = tpu.sem_alloc : memref<!tpu.dma_semaphore, #tpu.memory_space<semaphore_mem>>
      %dma_start3A_120 = arith.constant 0 : i32
      %dma_start3A_121 = arith.constant 0 : i32
      %dma_start3A_122 = tpu.memref_slice %arg9[%run_scoped3A_14, %dma_start3A_120, %dma_start3A_121] : memref<2x128x128xf32, #tpu.memory_space<vmem>> -> memref<1x128x128xf32, #tpu.memory_space<vmem>>
      %dma_start3A_123 = tpu.memref_squeeze %dma_start3A_122 : memref<1x128x128xf32, #tpu.memory_space<vmem>> -> memref<128x128xf32, #tpu.memory_space<vmem>>
      %dma_start3A_124 = arith.constant 0 : i32
      %dma_start3A_125 = tpu.memref_slice %arg6[%add3A_13, %dma_start3A_124] : memref<10112x128xf32, #tpu.memory_space<vmem_shared>> -> memref<128x128xf32, #tpu.memory_space<vmem_shared>>
      %dma_start3A_126 = arith.constant 0 : i32
      %dma_start3A_127 = tpu.memref_slice %arg6[%add3A_13, %dma_start3A_126] : memref<10112x128xf32, #tpu.memory_space<vmem_shared>> -> memref<128x128xf32, #tpu.memory_space<vmem_shared>>
      %dma_start3A_128 = arith.constant 0 : i32
      %dma_start3A_129 = arith.constant 0 : i32
      %dma_start3A_130 = tpu.memref_slice %arg9[%run_scoped3A_14, %dma_start3A_128, %dma_start3A_129] : memref<2x128x128xf32, #tpu.memory_space<vmem>> -> memref<1x128x128xf32, #tpu.memory_space<vmem>>
      %dma_start3A_131 = tpu.memref_squeeze %dma_start3A_130 : memref<1x128x128xf32, #tpu.memory_space<vmem>> -> memref<128x128xf32, #tpu.memory_space<vmem>>
      tpu.enqueue_dma source(%dma_start3A_131 : memref<128x128xf32, #tpu.memory_space<vmem>>) target(%dma_start3A_127 : memref<128x128xf32, #tpu.memory_space<vmem_shared>>) target_semaphore(%run_scoped3A_119 : memref<!tpu.dma_semaphore, #tpu.memory_space<semaphore_mem>>)
      %dma_wait3A = arith.constant 0 : i32
      %dma_wait3A_132 = arith.constant 0 : i32
      %dma_wait3A_133 = tpu.memref_slice %arg9[%run_scoped3A_14, %dma_wait3A, %dma_wait3A_132] : memref<2x128x128xf32, #tpu.memory_space<vmem>> -> memref<1x128x128xf32, #tpu.memory_space<vmem>>
      %dma_wait3A_134 = tpu.memref_squeeze %dma_wait3A_133 : memref<1x128x128xf32, #tpu.memory_space<vmem>> -> memref<128x128xf32, #tpu.memory_space<vmem>>
      %dma_wait3A_135 = arith.constant 0 : i32
      %dma_wait3A_136 = tpu.memref_slice %arg6[%add3A_13, %dma_wait3A_135] : memref<10112x128xf32, #tpu.memory_space<vmem_shared>> -> memref<128x128xf32, #tpu.memory_space<vmem_shared>>
      %dma_wait3A_137 = arith.constant 0 : i32
      %dma_wait3A_138 = tpu.memref_slice %arg6[%add3A_13, %dma_wait3A_137] : memref<10112x128xf32, #tpu.memory_space<vmem_shared>> -> memref<128x128xf32, #tpu.memory_space<vmem_shared>>
      %dma_wait3A_139 = arith.constant 0 : i32
      %dma_wait3A_140 = arith.constant 0 : i32
      %dma_wait3A_141 = tpu.memref_slice %arg9[%run_scoped3A_14, %dma_wait3A_139, %dma_wait3A_140] : memref<2x128x128xf32, #tpu.memory_space<vmem>> -> memref<1x128x128xf32, #tpu.memory_space<vmem>>
      %dma_wait3A_142 = tpu.memref_squeeze %dma_wait3A_141 : memref<1x128x128xf32, #tpu.memory_space<vmem>> -> memref<128x128xf32, #tpu.memory_space<vmem>>
      tpu.wait_dma2 semaphore(%run_scoped3A_119 : memref<!tpu.dma_semaphore, #tpu.memory_space<semaphore_mem>>) src(%dma_wait3A_142 : memref<128x128xf32, #tpu.memory_space<vmem>>) dst(%dma_wait3A_138 : memref<128x128xf32, #tpu.memory_space<vmem_shared>>)
      tpu.yield
    }) : () -> ()
    %add3A_15 = arith.constant 632 : i32
    %add3A_16 = arith.addi %mul3A_0, %add3A_15 : i32
    %sub3A = arith.constant 120 : i32
    %sub3A_17 = arith.subi %add3A_16, %sub3A : i32
    %run_scoped3A_18 = arith.constant 0 : i32
    "tpu.region"() ({
      %run_scoped3A_119 = tpu.sem_alloc : memref<!tpu.dma_semaphore, #tpu.memory_space<semaphore_mem>>
      %dma_start3A_120 = arith.constant 0 : i32
      %dma_start3A_121 = arith.constant 0 : i32
      %dma_start3A_122 = tpu.memref_slice %arg9[%run_scoped3A_18, %dma_start3A_120, %dma_start3A_121] : memref<2x128x128xf32, #tpu.memory_space<vmem>> -> memref<1x120x128xf32, #tpu.memory_space<vmem>>
      %dma_start3A_123 = tpu.memref_squeeze %dma_start3A_122 : memref<1x120x128xf32, #tpu.memory_space<vmem>> -> memref<120x128xf32, #tpu.memory_space<vmem>>
      %dma_start3A_124 = arith.constant 0 : i32
      %dma_start3A_125 = tpu.memref_slice %arg6[%sub3A_17, %dma_start3A_124] : memref<10112x128xf32, #tpu.memory_space<vmem_shared>> -> memref<120x128xf32, #tpu.memory_space<vmem_shared>>
      %dma_start3A_126 = arith.constant 0 : i32
      %dma_start3A_127 = tpu.memref_slice %arg6[%sub3A_17, %dma_start3A_126] : memref<10112x128xf32, #tpu.memory_space<vmem_shared>> -> memref<120x128xf32, #tpu.memory_space<vmem_shared>>
      %dma_start3A_128 = arith.constant 0 : i32
      %dma_start3A_129 = arith.constant 0 : i32
      %dma_start3A_130 = tpu.memref_slice %arg9[%run_scoped3A_18, %dma_start3A_128, %dma_start3A_129] : memref<2x128x128xf32, #tpu.memory_space<vmem>> -> memref<1x120x128xf32, #tpu.memory_space<vmem>>
      %dma_start3A_131 = tpu.memref_squeeze %dma_start3A_130 : memref<1x120x128xf32, #tpu.memory_space<vmem>> -> memref<120x128xf32, #tpu.memory_space<vmem>>
      tpu.enqueue_dma source(%dma_start3A_131 : memref<120x128xf32, #tpu.memory_space<vmem>>) target(%dma_start3A_127 : memref<120x128xf32, #tpu.memory_space<vmem_shared>>) target_semaphore(%run_scoped3A_119 : memref<!tpu.dma_semaphore, #tpu.memory_space<semaphore_mem>>)
      %dma_wait3A = arith.constant 0 : i32
      %dma_wait3A_132 = arith.constant 0 : i32
      %dma_wait3A_133 = tpu.memref_slice %arg9[%run_scoped3A_18, %dma_wait3A, %dma_wait3A_132] : memref<2x128x128xf32, #tpu.memory_space<vmem>> -> memref<1x120x128xf32, #tpu.memory_space<vmem>>
      %dma_wait3A_134 = tpu.memref_squeeze %dma_wait3A_133 : memref<1x120x128xf32, #tpu.memory_space<vmem>> -> memref<120x128xf32, #tpu.memory_space<vmem>>
      %dma_wait3A_135 = arith.constant 0 : i32
      %dma_wait3A_136 = tpu.memref_slice %arg6[%sub3A_17, %dma_wait3A_135] : memref<10112x128xf32, #tpu.memory_space<vmem_shared>> -> memref<120x128xf32, #tpu.memory_space<vmem_shared>>
      %dma_wait3A_137 = arith.constant 0 : i32
      %dma_wait3A_138 = tpu.memref_slice %arg6[%sub3A_17, %dma_wait3A_137] : memref<10112x128xf32, #tpu.memory_space<vmem_shared>> -> memref<120x128xf32, #tpu.memory_space<vmem_shared>>
      %dma_wait3A_139 = arith.constant 0 : i32
      %dma_wait3A_140 = arith.constant 0 : i32
      %dma_wait3A_141 = tpu.memref_slice %arg9[%run_scoped3A_18, %dma_wait3A_139, %dma_wait3A_140] : memref<2x128x128xf32, #tpu.memory_space<vmem>> -> memref<1x120x128xf32, #tpu.memory_space<vmem>>
      %dma_wait3A_142 = tpu.memref_squeeze %dma_wait3A_141 : memref<1x120x128xf32, #tpu.memory_space<vmem>> -> memref<120x128xf32, #tpu.memory_space<vmem>>
      tpu.wait_dma2 semaphore(%run_scoped3A_119 : memref<!tpu.dma_semaphore, #tpu.memory_space<semaphore_mem>>) src(%dma_wait3A_142 : memref<120x128xf32, #tpu.memory_space<vmem>>) dst(%dma_wait3A_138 : memref<120x128xf32, #tpu.memory_space<vmem_shared>>)
      tpu.yield
    }) : () -> ()
    %barrier3A = arith.constant 0 : index
    tpu.barrier barrier_id(%barrier3A)
    %mul3A_19 = arith.constant 2 : i32
    %mul3A_20 = arith.muli %mul3A_19, %arg0 : i32
    %add3A_21 = arith.constant 0 : i32
    %add3A_22 = arith.addi %mul3A_20, %add3A_21 : i32
    "tpu.region"() ({
      %run_scoped3A_119 = tpu.sem_alloc : memref<!tpu.dma_semaphore, #tpu.memory_space<semaphore_mem>>
      %dma_start3A_120 = arith.constant 0 : i32
      %dma_start3A_121 = arith.constant 0 : i32
      %dma_start3A_122 = tpu.memref_slice %arg7[%dma_start3A_120, %dma_start3A_121] : memref<40x128xi32, #tpu.memory_space<vmem>> -> memref<40x128xi32, #tpu.memory_space<vmem>>
      %dma_start3A_123 = arith.constant 0 : i32
      %dma_start3A_124 = arith.constant 0 : i32
      %dma_start3A_125 = tpu.memref_slice %arg3[%add3A_22, %arg1, %dma_start3A_123, %dma_start3A_124] : memref<4x16x79x128xi32, #tpu.memory_space<hbm>> -> memref<1x1x40x128xi32, #tpu.memory_space<hbm>>
      %dma_start3A_126 = tpu.memref_squeeze %dma_start3A_125 : memref<1x1x40x128xi32, #tpu.memory_space<hbm>> -> memref<40x128xi32, #tpu.memory_space<hbm>>
      %dma_start3A_127 = arith.constant 0 : i32
      %dma_start3A_128 = arith.constant 0 : i32
      %dma_start3A_129 = tpu.memref_slice %arg7[%dma_start3A_127, %dma_start3A_128] : memref<40x128xi32, #tpu.memory_space<vmem>> -> memref<40x128xi32, #tpu.memory_space<vmem>>
      %dma_start3A_130 = arith.constant 0 : i32
      %dma_start3A_131 = arith.constant 0 : i32
      %dma_start3A_132 = tpu.memref_slice %arg3[%add3A_22, %arg1, %dma_start3A_130, %dma_start3A_131] : memref<4x16x79x128xi32, #tpu.memory_space<hbm>> -> memref<1x1x40x128xi32, #tpu.memory_space<hbm>>
      %dma_start3A_133 = tpu.memref_squeeze %dma_start3A_132 : memref<1x1x40x128xi32, #tpu.memory_space<hbm>> -> memref<40x128xi32, #tpu.memory_space<hbm>>
      tpu.enqueue_dma source(%dma_start3A_133 : memref<40x128xi32, #tpu.memory_space<hbm>>) target(%dma_start3A_129 : memref<40x128xi32, #tpu.memory_space<vmem>>) target_semaphore(%run_scoped3A_119 : memref<!tpu.dma_semaphore, #tpu.memory_space<semaphore_mem>>)
      %dma_wait3A = arith.constant 0 : i32
      %dma_wait3A_134 = arith.constant 0 : i32
      %dma_wait3A_135 = tpu.memref_slice %arg7[%dma_wait3A, %dma_wait3A_134] : memref<40x128xi32, #tpu.memory_space<vmem>> -> memref<40x128xi32, #tpu.memory_space<vmem>>
      %dma_wait3A_136 = arith.constant 0 : i32
      %dma_wait3A_137 = arith.constant 0 : i32
      %dma_wait3A_138 = tpu.memref_slice %arg3[%add3A_22, %arg1, %dma_wait3A_136, %dma_wait3A_137] : memref<4x16x79x128xi32, #tpu.memory_space<hbm>> -> memref<1x1x40x128xi32, #tpu.memory_space<hbm>>
      %dma_wait3A_139 = tpu.memref_squeeze %dma_wait3A_138 : memref<1x1x40x128xi32, #tpu.memory_space<hbm>> -> memref<40x128xi32, #tpu.memory_space<hbm>>
      %dma_wait3A_140 = arith.constant 0 : i32
      %dma_wait3A_141 = arith.constant 0 : i32
      %dma_wait3A_142 = tpu.memref_slice %arg7[%dma_wait3A_140, %dma_wait3A_141] : memref<40x128xi32, #tpu.memory_space<vmem>> -> memref<40x128xi32, #tpu.memory_space<vmem>>
      %dma_wait3A_143 = arith.constant 0 : i32
      %dma_wait3A_144 = arith.constant 0 : i32
      %dma_wait3A_145 = tpu.memref_slice %arg3[%add3A_22, %arg1, %dma_wait3A_143, %dma_wait3A_144] : memref<4x16x79x128xi32, #tpu.memory_space<hbm>> -> memref<1x1x40x128xi32, #tpu.memory_space<hbm>>
      %dma_wait3A_146 = tpu.memref_squeeze %dma_wait3A_145 : memref<1x1x40x128xi32, #tpu.memory_space<hbm>> -> memref<40x128xi32, #tpu.memory_space<hbm>>
      tpu.wait_dma2 semaphore(%run_scoped3A_119 : memref<!tpu.dma_semaphore, #tpu.memory_space<semaphore_mem>>) src(%dma_wait3A_146 : memref<40x128xi32, #tpu.memory_space<hbm>>) dst(%dma_wait3A_142 : memref<40x128xi32, #tpu.memory_space<vmem>>)
      tpu.yield
    }) : () -> ()
    "tpu.region"() ({
      %run_scoped3A_119 = tpu.sem_alloc : memref<!tpu.dma_semaphore, #tpu.memory_space<semaphore_mem>>
      %dma_start3A_120 = arith.constant 0 : i32
      %dma_start3A_121 = arith.constant 0 : i32
      %dma_start3A_122 = tpu.memref_slice %arg8[%dma_start3A_120, %dma_start3A_121] : memref<40x128xi32, #tpu.memory_space<vmem>> -> memref<40x128xi32, #tpu.memory_space<vmem>>
      %dma_start3A_123 = arith.constant 0 : i32
      %dma_start3A_124 = arith.constant 0 : i32
      %dma_start3A_125 = tpu.memref_slice %arg4[%arg1, %dma_start3A_123, %dma_start3A_124] : memref<16x79x128xi32, #tpu.memory_space<hbm>> -> memref<1x40x128xi32, #tpu.memory_space<hbm>>
      %dma_start3A_126 = tpu.memref_squeeze %dma_start3A_125 : memref<1x40x128xi32, #tpu.memory_space<hbm>> -> memref<40x128xi32, #tpu.memory_space<hbm>>
      %dma_start3A_127 = arith.constant 0 : i32
      %dma_start3A_128 = arith.constant 0 : i32
      %dma_start3A_129 = tpu.memref_slice %arg8[%dma_start3A_127, %dma_start3A_128] : memref<40x128xi32, #tpu.memory_space<vmem>> -> memref<40x128xi32, #tpu.memory_space<vmem>>
      %dma_start3A_130 = arith.constant 0 : i32
      %dma_start3A_131 = arith.constant 0 : i32
      %dma_start3A_132 = tpu.memref_slice %arg4[%arg1, %dma_start3A_130, %dma_start3A_131] : memref<16x79x128xi32, #tpu.memory_space<hbm>> -> memref<1x40x128xi32, #tpu.memory_space<hbm>>
      %dma_start3A_133 = tpu.memref_squeeze %dma_start3A_132 : memref<1x40x128xi32, #tpu.memory_space<hbm>> -> memref<40x128xi32, #tpu.memory_space<hbm>>
      tpu.enqueue_dma source(%dma_start3A_133 : memref<40x128xi32, #tpu.memory_space<hbm>>) target(%dma_start3A_129 : memref<40x128xi32, #tpu.memory_space<vmem>>) target_semaphore(%run_scoped3A_119 : memref<!tpu.dma_semaphore, #tpu.memory_space<semaphore_mem>>)
      %dma_wait3A = arith.constant 0 : i32
      %dma_wait3A_134 = arith.constant 0 : i32
      %dma_wait3A_135 = tpu.memref_slice %arg8[%dma_wait3A, %dma_wait3A_134] : memref<40x128xi32, #tpu.memory_space<vmem>> -> memref<40x128xi32, #tpu.memory_space<vmem>>
      %dma_wait3A_136 = arith.constant 0 : i32
      %dma_wait3A_137 = arith.constant 0 : i32
      %dma_wait3A_138 = tpu.memref_slice %arg4[%arg1, %dma_wait3A_136, %dma_wait3A_137] : memref<16x79x128xi32, #tpu.memory_space<hbm>> -> memref<1x40x128xi32, #tpu.memory_space<hbm>>
      %dma_wait3A_139 = tpu.memref_squeeze %dma_wait3A_138 : memref<1x40x128xi32, #tpu.memory_space<hbm>> -> memref<40x128xi32, #tpu.memory_space<hbm>>
      %dma_wait3A_140 = arith.constant 0 : i32
      %dma_wait3A_141 = arith.constant 0 : i32
      %dma_wait3A_142 = tpu.memref_slice %arg8[%dma_wait3A_140, %dma_wait3A_141] : memref<40x128xi32, #tpu.memory_space<vmem>> -> memref<40x128xi32, #tpu.memory_space<vmem>>
      %dma_wait3A_143 = arith.constant 0 : i32
      %dma_wait3A_144 = arith.constant 0 : i32
      %dma_wait3A_145 = tpu.memref_slice %arg4[%arg1, %dma_wait3A_143, %dma_wait3A_144] : memref<16x79x128xi32, #tpu.memory_space<hbm>> -> memref<1x40x128xi32, #tpu.memory_space<hbm>>
      %dma_wait3A_146 = tpu.memref_squeeze %dma_wait3A_145 : memref<1x40x128xi32, #tpu.memory_space<hbm>> -> memref<40x128xi32, #tpu.memory_space<hbm>>
      tpu.wait_dma2 semaphore(%run_scoped3A_119 : memref<!tpu.dma_semaphore, #tpu.memory_space<semaphore_mem>>) src(%dma_wait3A_146 : memref<40x128xi32, #tpu.memory_space<hbm>>) dst(%dma_wait3A_142 : memref<40x128xi32, #tpu.memory_space<vmem>>)
      tpu.yield
    }) : () -> ()
    %dma_start3A = arith.constant 0 : i32
    %dma_start3A_23 = arith.constant 0 : i32
    %dma_start3A_24 = arith.constant 0 : i32
    %dma_start3A_25 = arith.constant 0 : i32
    %dma_start3A_26 = tpu.memref_slice %arg9[%dma_start3A_23, %dma_start3A_24, %dma_start3A_25] : memref<2x128x128xf32, #tpu.memory_space<vmem>> -> memref<1x128x128xf32, #tpu.memory_space<vmem>>
    %dma_start3A_27 = tpu.memref_squeeze %dma_start3A_26 : memref<1x128x128xf32, #tpu.memory_space<vmem>> -> memref<128x128xf32, #tpu.memory_space<vmem>>
    %dma_start3A_28 = arith.constant 0 : i32
    %dma_start3A_29 = tpu.memref_slice %arg7[%dma_start3A, %dma_start3A_28] : memref<40x128xi32, #tpu.memory_space<vmem>> -> memref<1x128xi32, #tpu.memory_space<vmem>>
    %dma_start3A_30 = tpu.memref_squeeze %dma_start3A_29 : memref<1x128xi32, #tpu.memory_space<vmem>> -> memref<128xi32, #tpu.memory_space<vmem>>
    %dma_start3A_31 = arith.constant 0 : i32
    %dma_start3A_32 = arith.constant 0 : i32
    %dma_start3A_33 = tpu.memref_slice %arg2[%dma_start3A_31, %dma_start3A_32] : memref<40000x128xf32, #tpu.memory_space<hbm>> -> memref<40000x128xf32, #tpu.memory_space<hbm>>
    tpu.enqueue_indirect_dma source(%dma_start3A_33 : memref<40000x128xf32, #tpu.memory_space<hbm>>) target(%dma_start3A_27 : memref<128x128xf32, #tpu.memory_space<vmem>>) offsets(%dma_start3A_30 : memref<128xi32, #tpu.memory_space<vmem>>) semaphore(%arg10 : memref<!tpu.dma_semaphore, #tpu.memory_space<semaphore_mem>>)
    %scan3A_34 = arith.constant 0 : i32
    %scan3A_35 = arith.constant 40 : i32
    %scan3A_36 = arith.addi %scan3A_34, %scan3A_35 : i32
    %scan3A_37 = arith.constant 1 : i32
    scf.for %scan3A_119 = %scan3A_34 to %scan3A_36 step %scan3A_37  : i32 {
      %rem3A = arith.constant 2 : i32
      %rem3A_120 = arith.remsi %scan3A_119, %rem3A : i32
      %lt3A = arith.constant 39 : i32
      %lt3A_121 = arith.cmpi slt, %scan3A_119, %lt3A : i32
      %convert_element_type3A = arith.extui %lt3A_121 : i1 to i32
      %cond3A = arith.constant 0 : i32
      %cond3A_122 = arith.cmpi ne, %convert_element_type3A, %cond3A : i32
      scf.if %cond3A_122 {
        %add3A_136 = arith.constant 2 : i32
        %add3A_137 = arith.addi %scan3A_119, %add3A_136 : i32
        %sub3A_138 = arith.constant 1 : i32
        %sub3A_139 = arith.subi %add3A_137, %sub3A_138 : i32
        %add3A_140 = arith.constant 2 : i32
        %add3A_141 = arith.addi %scan3A_119, %add3A_140 : i32
        %sub3A_142 = arith.constant 1 : i32
        %sub3A_143 = arith.subi %add3A_141, %sub3A_142 : i32
        %rem3A_144 = arith.constant 2 : i32
        %rem3A_145 = arith.remsi %sub3A_143, %rem3A_144 : i32
        %dma_start3A_146 = arith.constant 0 : i32
        %dma_start3A_147 = arith.constant 0 : i32
        %dma_start3A_148 = tpu.memref_slice %arg9[%rem3A_145, %dma_start3A_146, %dma_start3A_147] : memref<2x128x128xf32, #tpu.memory_space<vmem>> -> memref<1x128x128xf32, #tpu.memory_space<vmem>>
        %dma_start3A_149 = tpu.memref_squeeze %dma_start3A_148 : memref<1x128x128xf32, #tpu.memory_space<vmem>> -> memref<128x128xf32, #tpu.memory_space<vmem>>
        %dma_start3A_150 = arith.constant 0 : i32
        %dma_start3A_151 = tpu.memref_slice %arg7[%sub3A_139, %dma_start3A_150] : memref<40x128xi32, #tpu.memory_space<vmem>> -> memref<1x128xi32, #tpu.memory_space<vmem>>
        %dma_start3A_152 = tpu.memref_squeeze %dma_start3A_151 : memref<1x128xi32, #tpu.memory_space<vmem>> -> memref<128xi32, #tpu.memory_space<vmem>>
        %dma_start3A_153 = arith.constant 0 : i32
        %dma_start3A_154 = arith.constant 0 : i32
        %dma_start3A_155 = tpu.memref_slice %arg2[%dma_start3A_153, %dma_start3A_154] : memref<40000x128xf32, #tpu.memory_space<hbm>> -> memref<40000x128xf32, #tpu.memory_space<hbm>>
        tpu.enqueue_indirect_dma source(%dma_start3A_155 : memref<40000x128xf32, #tpu.memory_space<hbm>>) target(%dma_start3A_149 : memref<128x128xf32, #tpu.memory_space<vmem>>) offsets(%dma_start3A_152 : memref<128xi32, #tpu.memory_space<vmem>>) semaphore(%arg10 : memref<!tpu.dma_semaphore, #tpu.memory_space<semaphore_mem>>)
      } else {
      }
      %dma_wait3A = arith.constant 0 : i32
      %dma_wait3A_123 = arith.constant 0 : i32
      %dma_wait3A_124 = tpu.memref_slice %arg9[%rem3A_120, %dma_wait3A, %dma_wait3A_123] : memref<2x128x128xf32, #tpu.memory_space<vmem>> -> memref<1x128x128xf32, #tpu.memory_space<vmem>>
      %dma_wait3A_125 = tpu.memref_squeeze %dma_wait3A_124 : memref<1x128x128xf32, #tpu.memory_space<vmem>> -> memref<128x128xf32, #tpu.memory_space<vmem>>
      %dma_wait3A_126 = arith.constant 0 : i32
      %dma_wait3A_127 = arith.constant 0 : i32
      %dma_wait3A_128 = tpu.memref_slice %arg2[%dma_wait3A_126, %dma_wait3A_127] : memref<40000x128xf32, #tpu.memory_space<hbm>> -> memref<128x128xf32, #tpu.memory_space<hbm>>
      %dma_wait3A_129 = arith.constant 0 : i32
      %dma_wait3A_130 = arith.constant 0 : i32
      %dma_wait3A_131 = tpu.memref_slice %arg9[%rem3A_120, %dma_wait3A_129, %dma_wait3A_130] : memref<2x128x128xf32, #tpu.memory_space<vmem>> -> memref<1x128x128xf32, #tpu.memory_space<vmem>>
      %dma_wait3A_132 = tpu.memref_squeeze %dma_wait3A_131 : memref<1x128x128xf32, #tpu.memory_space<vmem>> -> memref<128x128xf32, #tpu.memory_space<vmem>>
      %dma_wait3A_133 = arith.constant 0 : i32
      %dma_wait3A_134 = arith.constant 0 : i32
      %dma_wait3A_135 = tpu.memref_slice %arg2[%dma_wait3A_133, %dma_wait3A_134] : memref<40000x128xf32, #tpu.memory_space<hbm>> -> memref<128x128xf32, #tpu.memory_space<hbm>>
      tpu.wait_dma2 semaphore(%arg10 : memref<!tpu.dma_semaphore, #tpu.memory_space<semaphore_mem>>) src(%dma_wait3A_135 : memref<128x128xf32, #tpu.memory_space<hbm>>) dst(%dma_wait3A_132 : memref<128x128xf32, #tpu.memory_space<vmem>>)
      "tpu.region"() ({
        %run_scoped3A_136 = tpu.sem_alloc : memref<!tpu.dma_semaphore, #tpu.memory_space<semaphore_mem>>
        %dma_start3A_137 = arith.constant 0 : i32
        %dma_start3A_138 = arith.constant 0 : i32
        %dma_start3A_139 = tpu.memref_slice %arg9[%rem3A_120, %dma_start3A_137, %dma_start3A_138] : memref<2x128x128xf32, #tpu.memory_space<vmem>> -> memref<1x128x128xf32, #tpu.memory_space<vmem>>
        %dma_start3A_140 = tpu.memref_squeeze %dma_start3A_139 : memref<1x128x128xf32, #tpu.memory_space<vmem>> -> memref<128x128xf32, #tpu.memory_space<vmem>>
        %dma_start3A_141 = arith.constant 0 : i32
        %dma_start3A_142 = tpu.memref_slice %arg8[%scan3A_119, %dma_start3A_141] : memref<40x128xi32, #tpu.memory_space<vmem>> -> memref<1x128xi32, #tpu.memory_space<vmem>>
        %dma_start3A_143 = tpu.memref_squeeze %dma_start3A_142 : memref<1x128xi32, #tpu.memory_space<vmem>> -> memref<128xi32, #tpu.memory_space<vmem>>
        %dma_start3A_144 = arith.constant 0 : i32
        %dma_start3A_145 = arith.constant 0 : i32
        %dma_start3A_146 = tpu.memref_slice %arg6[%dma_start3A_144, %dma_start3A_145] : memref<10112x128xf32, #tpu.memory_space<vmem_shared>> -> memref<10112x128xf32, #tpu.memory_space<vmem_shared>>
        tpu.enqueue_indirect_dma source(%dma_start3A_140 : memref<128x128xf32, #tpu.memory_space<vmem>>) target(%dma_start3A_146 : memref<10112x128xf32, #tpu.memory_space<vmem_shared>>) offsets(%dma_start3A_143 : memref<128xi32, #tpu.memory_space<vmem>>) semaphore(%run_scoped3A_136 : memref<!tpu.dma_semaphore, #tpu.memory_space<semaphore_mem>>) {add = true}
        %dma_wait3A_147 = arith.constant 0 : i32
        %dma_wait3A_148 = arith.constant 0 : i32
        %dma_wait3A_149 = tpu.memref_slice %arg9[%rem3A_120, %dma_wait3A_147, %dma_wait3A_148] : memref<2x128x128xf32, #tpu.memory_space<vmem>> -> memref<1x128x128xf32, #tpu.memory_space<vmem>>
        %dma_wait3A_150 = tpu.memref_squeeze %dma_wait3A_149 : memref<1x128x128xf32, #tpu.memory_space<vmem>> -> memref<128x128xf32, #tpu.memory_space<vmem>>
        %dma_wait3A_151 = arith.constant 0 : i32
        %dma_wait3A_152 = tpu.memref_slice %arg8[%scan3A_119, %dma_wait3A_151] : memref<40x128xi32, #tpu.memory_space<vmem>> -> memref<1x128xi32, #tpu.memory_space<vmem>>
        %dma_wait3A_153 = tpu.memref_squeeze %dma_wait3A_152 : memref<1x128xi32, #tpu.memory_space<vmem>> -> memref<128xi32, #tpu.memory_space<vmem>>
        %dma_wait3A_154 = arith.constant 0 : i32
        %dma_wait3A_155 = arith.constant 0 : i32
        %dma_wait3A_156 = tpu.memref_slice %arg6[%dma_wait3A_154, %dma_wait3A_155] : memref<10112x128xf32, #tpu.memory_space<vmem_shared>> -> memref<10112x128xf32, #tpu.memory_space<vmem_shared>>
        tpu.wait_indirect_dma semaphore(%run_scoped3A_136 : memref<!tpu.dma_semaphore, #tpu.memory_space<semaphore_mem>>) src(%dma_wait3A_150 : memref<128x128xf32, #tpu.memory_space<vmem>>) dst(%dma_wait3A_156 : memref<10112x128xf32, #tpu.memory_space<vmem_shared>>)
        tpu.yield
      }) : () -> ()
    }
    %scan3A_38 = arith.constant 40 : i32
    "tpu.region"() ({
      %run_scoped3A_119 = tpu.sem_alloc : memref<!tpu.dma_semaphore, #tpu.memory_space<semaphore_mem>>
      %dma_start3A_120 = arith.constant 0 : i32
      %dma_start3A_121 = arith.constant 0 : i32
      %dma_start3A_122 = tpu.memref_slice %arg7[%dma_start3A_120, %dma_start3A_121] : memref<40x128xi32, #tpu.memory_space<vmem>> -> memref<39x128xi32, #tpu.memory_space<vmem>>
      %dma_start3A_123 = arith.constant 40 : i32
      %dma_start3A_124 = arith.constant 0 : i32
      %dma_start3A_125 = tpu.memref_slice %arg3[%add3A_22, %arg1, %dma_start3A_123, %dma_start3A_124] : memref<4x16x79x128xi32, #tpu.memory_space<hbm>> -> memref<1x1x39x128xi32, #tpu.memory_space<hbm>>
      %dma_start3A_126 = tpu.memref_squeeze %dma_start3A_125 : memref<1x1x39x128xi32, #tpu.memory_space<hbm>> -> memref<39x128xi32, #tpu.memory_space<hbm>>
      %dma_start3A_127 = arith.constant 0 : i32
      %dma_start3A_128 = arith.constant 0 : i32
      %dma_start3A_129 = tpu.memref_slice %arg7[%dma_start3A_127, %dma_start3A_128] : memref<40x128xi32, #tpu.memory_space<vmem>> -> memref<39x128xi32, #tpu.memory_space<vmem>>
      %dma_start3A_130 = arith.constant 40 : i32
      %dma_start3A_131 = arith.constant 0 : i32
      %dma_start3A_132 = tpu.memref_slice %arg3[%add3A_22, %arg1, %dma_start3A_130, %dma_start3A_131] : memref<4x16x79x128xi32, #tpu.memory_space<hbm>> -> memref<1x1x39x128xi32, #tpu.memory_space<hbm>>
      %dma_start3A_133 = tpu.memref_squeeze %dma_start3A_132 : memref<1x1x39x128xi32, #tpu.memory_space<hbm>> -> memref<39x128xi32, #tpu.memory_space<hbm>>
      tpu.enqueue_dma source(%dma_start3A_133 : memref<39x128xi32, #tpu.memory_space<hbm>>) target(%dma_start3A_129 : memref<39x128xi32, #tpu.memory_space<vmem>>) target_semaphore(%run_scoped3A_119 : memref<!tpu.dma_semaphore, #tpu.memory_space<semaphore_mem>>)
      %dma_wait3A = arith.constant 0 : i32
      %dma_wait3A_134 = arith.constant 0 : i32
      %dma_wait3A_135 = tpu.memref_slice %arg7[%dma_wait3A, %dma_wait3A_134] : memref<40x128xi32, #tpu.memory_space<vmem>> -> memref<39x128xi32, #tpu.memory_space<vmem>>
      %dma_wait3A_136 = arith.constant 40 : i32
      %dma_wait3A_137 = arith.constant 0 : i32
      %dma_wait3A_138 = tpu.memref_slice %arg3[%add3A_22, %arg1, %dma_wait3A_136, %dma_wait3A_137] : memref<4x16x79x128xi32, #tpu.memory_space<hbm>> -> memref<1x1x39x128xi32, #tpu.memory_space<hbm>>
      %dma_wait3A_139 = tpu.memref_squeeze %dma_wait3A_138 : memref<1x1x39x128xi32, #tpu.memory_space<hbm>> -> memref<39x128xi32, #tpu.memory_space<hbm>>
      %dma_wait3A_140 = arith.constant 0 : i32
      %dma_wait3A_141 = arith.constant 0 : i32
      %dma_wait3A_142 = tpu.memref_slice %arg7[%dma_wait3A_140, %dma_wait3A_141] : memref<40x128xi32, #tpu.memory_space<vmem>> -> memref<39x128xi32, #tpu.memory_space<vmem>>
      %dma_wait3A_143 = arith.constant 40 : i32
      %dma_wait3A_144 = arith.constant 0 : i32
      %dma_wait3A_145 = tpu.memref_slice %arg3[%add3A_22, %arg1, %dma_wait3A_143, %dma_wait3A_144] : memref<4x16x79x128xi32, #tpu.memory_space<hbm>> -> memref<1x1x39x128xi32, #tpu.memory_space<hbm>>
      %dma_wait3A_146 = tpu.memref_squeeze %dma_wait3A_145 : memref<1x1x39x128xi32, #tpu.memory_space<hbm>> -> memref<39x128xi32, #tpu.memory_space<hbm>>
      tpu.wait_dma2 semaphore(%run_scoped3A_119 : memref<!tpu.dma_semaphore, #tpu.memory_space<semaphore_mem>>) src(%dma_wait3A_146 : memref<39x128xi32, #tpu.memory_space<hbm>>) dst(%dma_wait3A_142 : memref<39x128xi32, #tpu.memory_space<vmem>>)
      tpu.yield
    }) : () -> ()
    "tpu.region"() ({
      %run_scoped3A_119 = tpu.sem_alloc : memref<!tpu.dma_semaphore, #tpu.memory_space<semaphore_mem>>
      %dma_start3A_120 = arith.constant 0 : i32
      %dma_start3A_121 = arith.constant 0 : i32
      %dma_start3A_122 = tpu.memref_slice %arg8[%dma_start3A_120, %dma_start3A_121] : memref<40x128xi32, #tpu.memory_space<vmem>> -> memref<39x128xi32, #tpu.memory_space<vmem>>
      %dma_start3A_123 = arith.constant 40 : i32
      %dma_start3A_124 = arith.constant 0 : i32
      %dma_start3A_125 = tpu.memref_slice %arg4[%arg1, %dma_start3A_123, %dma_start3A_124] : memref<16x79x128xi32, #tpu.memory_space<hbm>> -> memref<1x39x128xi32, #tpu.memory_space<hbm>>
      %dma_start3A_126 = tpu.memref_squeeze %dma_start3A_125 : memref<1x39x128xi32, #tpu.memory_space<hbm>> -> memref<39x128xi32, #tpu.memory_space<hbm>>
      %dma_start3A_127 = arith.constant 0 : i32
      %dma_start3A_128 = arith.constant 0 : i32
      %dma_start3A_129 = tpu.memref_slice %arg8[%dma_start3A_127, %dma_start3A_128] : memref<40x128xi32, #tpu.memory_space<vmem>> -> memref<39x128xi32, #tpu.memory_space<vmem>>
      %dma_start3A_130 = arith.constant 40 : i32
      %dma_start3A_131 = arith.constant 0 : i32
      %dma_start3A_132 = tpu.memref_slice %arg4[%arg1, %dma_start3A_130, %dma_start3A_131] : memref<16x79x128xi32, #tpu.memory_space<hbm>> -> memref<1x39x128xi32, #tpu.memory_space<hbm>>
      %dma_start3A_133 = tpu.memref_squeeze %dma_start3A_132 : memref<1x39x128xi32, #tpu.memory_space<hbm>> -> memref<39x128xi32, #tpu.memory_space<hbm>>
      tpu.enqueue_dma source(%dma_start3A_133 : memref<39x128xi32, #tpu.memory_space<hbm>>) target(%dma_start3A_129 : memref<39x128xi32, #tpu.memory_space<vmem>>) target_semaphore(%run_scoped3A_119 : memref<!tpu.dma_semaphore, #tpu.memory_space<semaphore_mem>>)
      %dma_wait3A = arith.constant 0 : i32
      %dma_wait3A_134 = arith.constant 0 : i32
      %dma_wait3A_135 = tpu.memref_slice %arg8[%dma_wait3A, %dma_wait3A_134] : memref<40x128xi32, #tpu.memory_space<vmem>> -> memref<39x128xi32, #tpu.memory_space<vmem>>
      %dma_wait3A_136 = arith.constant 40 : i32
      %dma_wait3A_137 = arith.constant 0 : i32
      %dma_wait3A_138 = tpu.memref_slice %arg4[%arg1, %dma_wait3A_136, %dma_wait3A_137] : memref<16x79x128xi32, #tpu.memory_space<hbm>> -> memref<1x39x128xi32, #tpu.memory_space<hbm>>
      %dma_wait3A_139 = tpu.memref_squeeze %dma_wait3A_138 : memref<1x39x128xi32, #tpu.memory_space<hbm>> -> memref<39x128xi32, #tpu.memory_space<hbm>>
      %dma_wait3A_140 = arith.constant 0 : i32
      %dma_wait3A_141 = arith.constant 0 : i32
      %dma_wait3A_142 = tpu.memref_slice %arg8[%dma_wait3A_140, %dma_wait3A_141] : memref<40x128xi32, #tpu.memory_space<vmem>> -> memref<39x128xi32, #tpu.memory_space<vmem>>
      %dma_wait3A_143 = arith.constant 40 : i32
      %dma_wait3A_144 = arith.constant 0 : i32
      %dma_wait3A_145 = tpu.memref_slice %arg4[%arg1, %dma_wait3A_143, %dma_wait3A_144] : memref<16x79x128xi32, #tpu.memory_space<hbm>> -> memref<1x39x128xi32, #tpu.memory_space<hbm>>
      %dma_wait3A_146 = tpu.memref_squeeze %dma_wait3A_145 : memref<1x39x128xi32, #tpu.memory_space<hbm>> -> memref<39x128xi32, #tpu.memory_space<hbm>>
      tpu.wait_dma2 semaphore(%run_scoped3A_119 : memref<!tpu.dma_semaphore, #tpu.memory_space<semaphore_mem>>) src(%dma_wait3A_146 : memref<39x128xi32, #tpu.memory_space<hbm>>) dst(%dma_wait3A_142 : memref<39x128xi32, #tpu.memory_space<vmem>>)
      tpu.yield
    }) : () -> ()
    %dma_start3A_39 = arith.constant 0 : i32
    %dma_start3A_40 = arith.constant 0 : i32
    %dma_start3A_41 = arith.constant 0 : i32
    %dma_start3A_42 = arith.constant 0 : i32
    %dma_start3A_43 = tpu.memref_slice %arg9[%dma_start3A_40, %dma_start3A_41, %dma_start3A_42] : memref<2x128x128xf32, #tpu.memory_space<vmem>> -> memref<1x128x128xf32, #tpu.memory_space<vmem>>
    %dma_start3A_44 = tpu.memref_squeeze %dma_start3A_43 : memref<1x128x128xf32, #tpu.memory_space<vmem>> -> memref<128x128xf32, #tpu.memory_space<vmem>>
    %dma_start3A_45 = arith.constant 0 : i32
    %dma_start3A_46 = tpu.memref_slice %arg7[%dma_start3A_39, %dma_start3A_45] : memref<40x128xi32, #tpu.memory_space<vmem>> -> memref<1x128xi32, #tpu.memory_space<vmem>>
    %dma_start3A_47 = tpu.memref_squeeze %dma_start3A_46 : memref<1x128xi32, #tpu.memory_space<vmem>> -> memref<128xi32, #tpu.memory_space<vmem>>
    %dma_start3A_48 = arith.constant 0 : i32
    %dma_start3A_49 = arith.constant 0 : i32
    %dma_start3A_50 = tpu.memref_slice %arg2[%dma_start3A_48, %dma_start3A_49] : memref<40000x128xf32, #tpu.memory_space<hbm>> -> memref<40000x128xf32, #tpu.memory_space<hbm>>
    tpu.enqueue_indirect_dma source(%dma_start3A_50 : memref<40000x128xf32, #tpu.memory_space<hbm>>) target(%dma_start3A_44 : memref<128x128xf32, #tpu.memory_space<vmem>>) offsets(%dma_start3A_47 : memref<128xi32, #tpu.memory_space<vmem>>) semaphore(%arg10 : memref<!tpu.dma_semaphore, #tpu.memory_space<semaphore_mem>>)
    %scan3A_51 = arith.constant 0 : i32
    %scan3A_52 = arith.constant 39 : i32
    %scan3A_53 = arith.addi %scan3A_51, %scan3A_52 : i32
    %scan3A_54 = arith.constant 1 : i32
    scf.for %scan3A_119 = %scan3A_51 to %scan3A_53 step %scan3A_54  : i32 {
      %rem3A = arith.constant 2 : i32
      %rem3A_120 = arith.remsi %scan3A_119, %rem3A : i32
      %lt3A = arith.constant 38 : i32
      %lt3A_121 = arith.cmpi slt, %scan3A_119, %lt3A : i32
      %convert_element_type3A = arith.extui %lt3A_121 : i1 to i32
      %cond3A = arith.constant 0 : i32
      %cond3A_122 = arith.cmpi ne, %convert_element_type3A, %cond3A : i32
      scf.if %cond3A_122 {
        %add3A_136 = arith.constant 2 : i32
        %add3A_137 = arith.addi %scan3A_119, %add3A_136 : i32
        %sub3A_138 = arith.constant 1 : i32
        %sub3A_139 = arith.subi %add3A_137, %sub3A_138 : i32
        %add3A_140 = arith.constant 2 : i32
        %add3A_141 = arith.addi %scan3A_119, %add3A_140 : i32
        %sub3A_142 = arith.constant 1 : i32
        %sub3A_143 = arith.subi %add3A_141, %sub3A_142 : i32
        %rem3A_144 = arith.constant 2 : i32
        %rem3A_145 = arith.remsi %sub3A_143, %rem3A_144 : i32
        %dma_start3A_146 = arith.constant 0 : i32
        %dma_start3A_147 = arith.constant 0 : i32
        %dma_start3A_148 = tpu.memref_slice %arg9[%rem3A_145, %dma_start3A_146, %dma_start3A_147] : memref<2x128x128xf32, #tpu.memory_space<vmem>> -> memref<1x128x128xf32, #tpu.memory_space<vmem>>
        %dma_start3A_149 = tpu.memref_squeeze %dma_start3A_148 : memref<1x128x128xf32, #tpu.memory_space<vmem>> -> memref<128x128xf32, #tpu.memory_space<vmem>>
        %dma_start3A_150 = arith.constant 0 : i32
        %dma_start3A_151 = tpu.memref_slice %arg7[%sub3A_139, %dma_start3A_150] : memref<40x128xi32, #tpu.memory_space<vmem>> -> memref<1x128xi32, #tpu.memory_space<vmem>>
        %dma_start3A_152 = tpu.memref_squeeze %dma_start3A_151 : memref<1x128xi32, #tpu.memory_space<vmem>> -> memref<128xi32, #tpu.memory_space<vmem>>
        %dma_start3A_153 = arith.constant 0 : i32
        %dma_start3A_154 = arith.constant 0 : i32
        %dma_start3A_155 = tpu.memref_slice %arg2[%dma_start3A_153, %dma_start3A_154] : memref<40000x128xf32, #tpu.memory_space<hbm>> -> memref<40000x128xf32, #tpu.memory_space<hbm>>
        tpu.enqueue_indirect_dma source(%dma_start3A_155 : memref<40000x128xf32, #tpu.memory_space<hbm>>) target(%dma_start3A_149 : memref<128x128xf32, #tpu.memory_space<vmem>>) offsets(%dma_start3A_152 : memref<128xi32, #tpu.memory_space<vmem>>) semaphore(%arg10 : memref<!tpu.dma_semaphore, #tpu.memory_space<semaphore_mem>>)
      } else {
      }
      %dma_wait3A = arith.constant 0 : i32
      %dma_wait3A_123 = arith.constant 0 : i32
      %dma_wait3A_124 = tpu.memref_slice %arg9[%rem3A_120, %dma_wait3A, %dma_wait3A_123] : memref<2x128x128xf32, #tpu.memory_space<vmem>> -> memref<1x128x128xf32, #tpu.memory_space<vmem>>
      %dma_wait3A_125 = tpu.memref_squeeze %dma_wait3A_124 : memref<1x128x128xf32, #tpu.memory_space<vmem>> -> memref<128x128xf32, #tpu.memory_space<vmem>>
      %dma_wait3A_126 = arith.constant 0 : i32
      %dma_wait3A_127 = arith.constant 0 : i32
      %dma_wait3A_128 = tpu.memref_slice %arg2[%dma_wait3A_126, %dma_wait3A_127] : memref<40000x128xf32, #tpu.memory_space<hbm>> -> memref<128x128xf32, #tpu.memory_space<hbm>>
      %dma_wait3A_129 = arith.constant 0 : i32
      %dma_wait3A_130 = arith.constant 0 : i32
      %dma_wait3A_131 = tpu.memref_slice %arg9[%rem3A_120, %dma_wait3A_129, %dma_wait3A_130] : memref<2x128x128xf32, #tpu.memory_space<vmem>> -> memref<1x128x128xf32, #tpu.memory_space<vmem>>
      %dma_wait3A_132 = tpu.memref_squeeze %dma_wait3A_131 : memref<1x128x128xf32, #tpu.memory_space<vmem>> -> memref<128x128xf32, #tpu.memory_space<vmem>>
      %dma_wait3A_133 = arith.constant 0 : i32
      %dma_wait3A_134 = arith.constant 0 : i32
      %dma_wait3A_135 = tpu.memref_slice %arg2[%dma_wait3A_133, %dma_wait3A_134] : memref<40000x128xf32, #tpu.memory_space<hbm>> -> memref<128x128xf32, #tpu.memory_space<hbm>>
      tpu.wait_dma2 semaphore(%arg10 : memref<!tpu.dma_semaphore, #tpu.memory_space<semaphore_mem>>) src(%dma_wait3A_135 : memref<128x128xf32, #tpu.memory_space<hbm>>) dst(%dma_wait3A_132 : memref<128x128xf32, #tpu.memory_space<vmem>>)
      "tpu.region"() ({
        %run_scoped3A_136 = tpu.sem_alloc : memref<!tpu.dma_semaphore, #tpu.memory_space<semaphore_mem>>
        %dma_start3A_137 = arith.constant 0 : i32
        %dma_start3A_138 = arith.constant 0 : i32
        %dma_start3A_139 = tpu.memref_slice %arg9[%rem3A_120, %dma_start3A_137, %dma_start3A_138] : memref<2x128x128xf32, #tpu.memory_space<vmem>> -> memref<1x128x128xf32, #tpu.memory_space<vmem>>
        %dma_start3A_140 = tpu.memref_squeeze %dma_start3A_139 : memref<1x128x128xf32, #tpu.memory_space<vmem>> -> memref<128x128xf32, #tpu.memory_space<vmem>>
        %dma_start3A_141 = arith.constant 0 : i32
        %dma_start3A_142 = tpu.memref_slice %arg8[%scan3A_119, %dma_start3A_141] : memref<40x128xi32, #tpu.memory_space<vmem>> -> memref<1x128xi32, #tpu.memory_space<vmem>>
        %dma_start3A_143 = tpu.memref_squeeze %dma_start3A_142 : memref<1x128xi32, #tpu.memory_space<vmem>> -> memref<128xi32, #tpu.memory_space<vmem>>
        %dma_start3A_144 = arith.constant 0 : i32
        %dma_start3A_145 = arith.constant 0 : i32
        %dma_start3A_146 = tpu.memref_slice %arg6[%dma_start3A_144, %dma_start3A_145] : memref<10112x128xf32, #tpu.memory_space<vmem_shared>> -> memref<10112x128xf32, #tpu.memory_space<vmem_shared>>
        tpu.enqueue_indirect_dma source(%dma_start3A_140 : memref<128x128xf32, #tpu.memory_space<vmem>>) target(%dma_start3A_146 : memref<10112x128xf32, #tpu.memory_space<vmem_shared>>) offsets(%dma_start3A_143 : memref<128xi32, #tpu.memory_space<vmem>>) semaphore(%run_scoped3A_136 : memref<!tpu.dma_semaphore, #tpu.memory_space<semaphore_mem>>) {add = true}
        %dma_wait3A_147 = arith.constant 0 : i32
        %dma_wait3A_148 = arith.constant 0 : i32
        %dma_wait3A_149 = tpu.memref_slice %arg9[%rem3A_120, %dma_wait3A_147, %dma_wait3A_148] : memref<2x128x128xf32, #tpu.memory_space<vmem>> -> memref<1x128x128xf32, #tpu.memory_space<vmem>>
        %dma_wait3A_150 = tpu.memref_squeeze %dma_wait3A_149 : memref<1x128x128xf32, #tpu.memory_space<vmem>> -> memref<128x128xf32, #tpu.memory_space<vmem>>
        %dma_wait3A_151 = arith.constant 0 : i32
        %dma_wait3A_152 = tpu.memref_slice %arg8[%scan3A_119, %dma_wait3A_151] : memref<40x128xi32, #tpu.memory_space<vmem>> -> memref<1x128xi32, #tpu.memory_space<vmem>>
        %dma_wait3A_153 = tpu.memref_squeeze %dma_wait3A_152 : memref<1x128xi32, #tpu.memory_space<vmem>> -> memref<128xi32, #tpu.memory_space<vmem>>
        %dma_wait3A_154 = arith.constant 0 : i32
        %dma_wait3A_155 = arith.constant 0 : i32
        %dma_wait3A_156 = tpu.memref_slice %arg6[%dma_wait3A_154, %dma_wait3A_155] : memref<10112x128xf32, #tpu.memory_space<vmem_shared>> -> memref<10112x128xf32, #tpu.memory_space<vmem_shared>>
        tpu.wait_indirect_dma semaphore(%run_scoped3A_136 : memref<!tpu.dma_semaphore, #tpu.memory_space<semaphore_mem>>) src(%dma_wait3A_150 : memref<128x128xf32, #tpu.memory_space<vmem>>) dst(%dma_wait3A_156 : memref<10112x128xf32, #tpu.memory_space<vmem_shared>>)
        tpu.yield
      }) : () -> ()
    }
    %scan3A_55 = arith.constant 39 : i32
    %barrier3A_56 = arith.constant 0 : index
    tpu.barrier barrier_id(%barrier3A_56)
    "tpu.region"() ({
      %run_scoped3A_119 = tpu.sem_alloc : memref<!tpu.dma_semaphore, #tpu.memory_space<semaphore_mem>>
      %dma_start3A_120 = arith.constant 0 : i32
      %dma_start3A_121 = tpu.memref_slice %arg5[%add3A_22, %mul3A_0, %dma_start3A_120] : memref<4x10112x128xf32, #tpu.memory_space<hbm>> -> memref<1x632x128xf32, #tpu.memory_space<hbm>>
      %dma_start3A_122 = tpu.memref_squeeze %dma_start3A_121 : memref<1x632x128xf32, #tpu.memory_space<hbm>> -> memref<632x128xf32, #tpu.memory_space<hbm>>
      %dma_start3A_123 = arith.constant 0 : i32
      %dma_start3A_124 = tpu.memref_slice %arg6[%mul3A_0, %dma_start3A_123] : memref<10112x128xf32, #tpu.memory_space<vmem_shared>> -> memref<632x128xf32, #tpu.memory_space<vmem_shared>>
      tpu.enqueue_dma source(%dma_start3A_124 : memref<632x128xf32, #tpu.memory_space<vmem_shared>>) target(%dma_start3A_122 : memref<632x128xf32, #tpu.memory_space<hbm>>) target_semaphore(%run_scoped3A_119 : memref<!tpu.dma_semaphore, #tpu.memory_space<semaphore_mem>>)
      %dma_wait3A = arith.constant 0 : i32
      %dma_wait3A_125 = tpu.memref_slice %arg5[%add3A_22, %mul3A_0, %dma_wait3A] : memref<4x10112x128xf32, #tpu.memory_space<hbm>> -> memref<1x632x128xf32, #tpu.memory_space<hbm>>
      %dma_wait3A_126 = tpu.memref_squeeze %dma_wait3A_125 : memref<1x632x128xf32, #tpu.memory_space<hbm>> -> memref<632x128xf32, #tpu.memory_space<hbm>>
      %dma_wait3A_127 = arith.constant 0 : i32
      %dma_wait3A_128 = tpu.memref_slice %arg6[%mul3A_0, %dma_wait3A_127] : memref<10112x128xf32, #tpu.memory_space<vmem_shared>> -> memref<632x128xf32, #tpu.memory_space<vmem_shared>>
      tpu.wait_dma2 semaphore(%run_scoped3A_119 : memref<!tpu.dma_semaphore, #tpu.memory_space<semaphore_mem>>) src(%dma_wait3A_128 : memref<632x128xf32, #tpu.memory_space<vmem_shared>>) dst(%dma_wait3A_126 : memref<632x128xf32, #tpu.memory_space<hbm>>)
      tpu.yield
    }) : () -> ()
    %scan3A_57 = arith.constant 0 : i32
    %scan3A_58 = arith.constant 1024 : i32
    %scan3A_59 = arith.addi %scan3A_57, %scan3A_58 : i32
    %scan3A_60 = arith.constant 1 : i32
    scf.for %scan3A_119 = %scan3A_57 to %scan3A_59 step %scan3A_60  : i32 {
      %broadcast_in_dim3A = arith.constant 0.000000e+00 : f32
      %broadcast_in_dim3A_120 = vector.broadcast %broadcast_in_dim3A : f32 to vector<16xf32>
      %jit3A = arith.constant 8 : i32
      %div3A = arith.divsi %scan3A_119, %jit3A : i32
      %sign3A = arith.constant 0 : i32
      %sign3A_121 = arith.cmpi sgt, %scan3A_119, %sign3A : i32
      %sign3A_122 = arith.extui %sign3A_121 : i1 to i32
      %sign3A_123 = arith.constant 0 : i32
      %sign3A_124 = arith.cmpi slt, %scan3A_119, %sign3A_123 : i32
      %sign3A_125 = arith.extui %sign3A_124 : i1 to i32
      %sign3A_126 = arith.subi %sign3A_122, %sign3A_125 : i32
      %sign3A_127 = arith.constant 0 : i32
      %sign3A_128 = arith.cmpi sgt, %jit3A, %sign3A_127 : i32
      %sign3A_129 = arith.extui %sign3A_128 : i1 to i32
      %sign3A_130 = arith.constant 0 : i32
      %sign3A_131 = arith.cmpi slt, %jit3A, %sign3A_130 : i32
      %sign3A_132 = arith.extui %sign3A_131 : i1 to i32
      %sign3A_133 = arith.subi %sign3A_129, %sign3A_132 : i32
      %ne3A = arith.cmpi ne, %sign3A_126, %sign3A_133 : i32
      %rem3A = arith.remsi %scan3A_119, %jit3A : i32
      %ne3A_134 = arith.constant 0 : i32
      %ne3A_135 = arith.cmpi ne, %rem3A, %ne3A_134 : i32
      %and3A = arith.andi %ne3A, %ne3A_135 : i1
      %sub3A_136 = arith.constant 1 : i32
      %sub3A_137 = arith.subi %div3A, %sub3A_136 : i32
      %select_n3A = arith.select %and3A, %sub3A_137, %div3A : i32
      %jit3A_138 = arith.constant 8 : i32
      %eq3A = arith.constant 0 : i32
      %eq3A_139 = arith.cmpi eq, %jit3A_138, %eq3A : i32
      %jit3A_140 = arith.constant 1 : i32
      %select_n3A_141 = arith.select %eq3A_139, %jit3A_140, %jit3A_138 : i32
      %rem3A_142 = arith.remsi %scan3A_119, %select_n3A_141 : i32
      %ne3A_143 = arith.constant 0 : i32
      %ne3A_144 = arith.cmpi ne, %rem3A_142, %ne3A_143 : i32
      %lt3A = arith.constant 0 : i32
      %lt3A_145 = arith.cmpi slt, %rem3A_142, %lt3A : i32
      %lt3A_146 = arith.constant 0 : i32
      %lt3A_147 = arith.cmpi slt, %select_n3A_141, %lt3A_146 : i32
      %ne3A_148 = arith.xori %lt3A_145, %lt3A_147 : i1
      %and3A_149 = arith.andi %ne3A_148, %ne3A_144 : i1
      %add3A_150 = arith.addi %rem3A_142, %select_n3A_141 : i32
      %select_n3A_151 = arith.select %and3A_149, %add3A_150, %rem3A_142 : i32
      %mul3A_152 = arith.constant 16 : i32
      %mul3A_153 = arith.muli %select_n3A_151, %mul3A_152 : i32
      %swap3A = arith.constant 0 : i32
      %swap3A_154 = arith.index_cast %swap3A : i32 to index
      %swap3A_155 = arith.index_cast %select_n3A : i32 to index
      %swap3A_156 = arith.index_cast %mul3A_153 : i32 to index
      %swap3A_157 = tpu.vector_load %arg9[%swap3A_154, %swap3A_155, %swap3A_156] {strides = array<i32>} : memref<2x128x128xf32, #tpu.memory_space<vmem>>, vector<1x1x16xf32>,
      %swap3A_158 = vector.shape_cast %swap3A_157 : vector<1x1x16xf32> to vector<16xf32>
      %swap3A_159 = vector.shape_cast %broadcast_in_dim3A_120 : vector<16xf32> to vector<1x1x16xf32>
      tpu.vector_store %arg9[%swap3A_154, %swap3A_155, %swap3A_156], %swap3A_159 {strides = array<i32>} : memref<2x128x128xf32, #tpu.memory_space<vmem>>, vector<1x1x16xf32>,
    }
    %scan3A_61 = arith.constant 1024 : i32
    %add3A_62 = arith.constant 0 : i32
    %add3A_63 = arith.addi %mul3A_0, %add3A_62 : i32
    %run_scoped3A_64 = arith.constant 0 : i32
    "tpu.region"() ({
      %run_scoped3A_119 = tpu.sem_alloc : memref<!tpu.dma_semaphore, #tpu.memory_space<semaphore_mem>>
      %dma_start3A_120 = arith.constant 0 : i32
      %dma_start3A_121 = arith.constant 0 : i32
      %dma_start3A_122 = tpu.memref_slice %arg9[%run_scoped3A_64, %dma_start3A_120, %dma_start3A_121] : memref<2x128x128xf32, #tpu.memory_space<vmem>> -> memref<1x128x128xf32, #tpu.memory_space<vmem>>
      %dma_start3A_123 = tpu.memref_squeeze %dma_start3A_122 : memref<1x128x128xf32, #tpu.memory_space<vmem>> -> memref<128x128xf32, #tpu.memory_space<vmem>>
      %dma_start3A_124 = arith.constant 0 : i32
      %dma_start3A_125 = tpu.memref_slice %arg6[%add3A_63, %dma_start3A_124] : memref<10112x128xf32, #tpu.memory_space<vmem_shared>> -> memref<128x128xf32, #tpu.memory_space<vmem_shared>>
      %dma_start3A_126 = arith.constant 0 : i32
      %dma_start3A_127 = tpu.memref_slice %arg6[%add3A_63, %dma_start3A_126] : memref<10112x128xf32, #tpu.memory_space<vmem_shared>> -> memref<128x128xf32, #tpu.memory_space<vmem_shared>>
      %dma_start3A_128 = arith.constant 0 : i32
      %dma_start3A_129 = arith.constant 0 : i32
      %dma_start3A_130 = tpu.memref_slice %arg9[%run_scoped3A_64, %dma_start3A_128, %dma_start3A_129] : memref<2x128x128xf32, #tpu.memory_space<vmem>> -> memref<1x128x128xf32, #tpu.memory_space<vmem>>
      %dma_start3A_131 = tpu.memref_squeeze %dma_start3A_130 : memref<1x128x128xf32, #tpu.memory_space<vmem>> -> memref<128x128xf32, #tpu.memory_space<vmem>>
      tpu.enqueue_dma source(%dma_start3A_131 : memref<128x128xf32, #tpu.memory_space<vmem>>) target(%dma_start3A_127 : memref<128x128xf32, #tpu.memory_space<vmem_shared>>) target_semaphore(%run_scoped3A_119 : memref<!tpu.dma_semaphore, #tpu.memory_space<semaphore_mem>>)
      %dma_wait3A = arith.constant 0 : i32
      %dma_wait3A_132 = arith.constant 0 : i32
      %dma_wait3A_133 = tpu.memref_slice %arg9[%run_scoped3A_64, %dma_wait3A, %dma_wait3A_132] : memref<2x128x128xf32, #tpu.memory_space<vmem>> -> memref<1x128x128xf32, #tpu.memory_space<vmem>>
      %dma_wait3A_134 = tpu.memref_squeeze %dma_wait3A_133 : memref<1x128x128xf32, #tpu.memory_space<vmem>> -> memref<128x128xf32, #tpu.memory_space<vmem>>
      %dma_wait3A_135 = arith.constant 0 : i32
      %dma_wait3A_136 = tpu.memref_slice %arg6[%add3A_63, %dma_wait3A_135] : memref<10112x128xf32, #tpu.memory_space<vmem_shared>> -> memref<128x128xf32, #tpu.memory_space<vmem_shared>>
      %dma_wait3A_137 = arith.constant 0 : i32
      %dma_wait3A_138 = tpu.memref_slice %arg6[%add3A_63, %dma_wait3A_137] : memref<10112x128xf32, #tpu.memory_space<vmem_shared>> -> memref<128x128xf32, #tpu.memory_space<vmem_shared>>
      %dma_wait3A_139 = arith.constant 0 : i32
      %dma_wait3A_140 = arith.constant 0 : i32
      %dma_wait3A_141 = tpu.memref_slice %arg9[%run_scoped3A_64, %dma_wait3A_139, %dma_wait3A_140] : memref<2x128x128xf32, #tpu.memory_space<vmem>> -> memref<1x128x128xf32, #tpu.memory_space<vmem>>
      %dma_wait3A_142 = tpu.memref_squeeze %dma_wait3A_141 : memref<1x128x128xf32, #tpu.memory_space<vmem>> -> memref<128x128xf32, #tpu.memory_space<vmem>>
      tpu.wait_dma2 semaphore(%run_scoped3A_119 : memref<!tpu.dma_semaphore, #tpu.memory_space<semaphore_mem>>) src(%dma_wait3A_142 : memref<128x128xf32, #tpu.memory_space<vmem>>) dst(%dma_wait3A_138 : memref<128x128xf32, #tpu.memory_space<vmem_shared>>)
      tpu.yield
    }) : () -> ()
    %add3A_65 = arith.constant 128 : i32
    %add3A_66 = arith.addi %mul3A_0, %add3A_65 : i32
    %run_scoped3A_67 = arith.constant 0 : i32
    "tpu.region"() ({
      %run_scoped3A_119 = tpu.sem_alloc : memref<!tpu.dma_semaphore, #tpu.memory_space<semaphore_mem>>
      %dma_start3A_120 = arith.constant 0 : i32
      %dma_start3A_121 = arith.constant 0 : i32
      %dma_start3A_122 = tpu.memref_slice %arg9[%run_scoped3A_67, %dma_start3A_120, %dma_start3A_121] : memref<2x128x128xf32, #tpu.memory_space<vmem>> -> memref<1x128x128xf32, #tpu.memory_space<vmem>>
      %dma_start3A_123 = tpu.memref_squeeze %dma_start3A_122 : memref<1x128x128xf32, #tpu.memory_space<vmem>> -> memref<128x128xf32, #tpu.memory_space<vmem>>
      %dma_start3A_124 = arith.constant 0 : i32
      %dma_start3A_125 = tpu.memref_slice %arg6[%add3A_66, %dma_start3A_124] : memref<10112x128xf32, #tpu.memory_space<vmem_shared>> -> memref<128x128xf32, #tpu.memory_space<vmem_shared>>
      %dma_start3A_126 = arith.constant 0 : i32
      %dma_start3A_127 = tpu.memref_slice %arg6[%add3A_66, %dma_start3A_126] : memref<10112x128xf32, #tpu.memory_space<vmem_shared>> -> memref<128x128xf32, #tpu.memory_space<vmem_shared>>
      %dma_start3A_128 = arith.constant 0 : i32
      %dma_start3A_129 = arith.constant 0 : i32
      %dma_start3A_130 = tpu.memref_slice %arg9[%run_scoped3A_67, %dma_start3A_128, %dma_start3A_129] : memref<2x128x128xf32, #tpu.memory_space<vmem>> -> memref<1x128x128xf32, #tpu.memory_space<vmem>>
      %dma_start3A_131 = tpu.memref_squeeze %dma_start3A_130 : memref<1x128x128xf32, #tpu.memory_space<vmem>> -> memref<128x128xf32, #tpu.memory_space<vmem>>
      tpu.enqueue_dma source(%dma_start3A_131 : memref<128x128xf32, #tpu.memory_space<vmem>>) target(%dma_start3A_127 : memref<128x128xf32, #tpu.memory_space<vmem_shared>>) target_semaphore(%run_scoped3A_119 : memref<!tpu.dma_semaphore, #tpu.memory_space<semaphore_mem>>)
      %dma_wait3A = arith.constant 0 : i32
      %dma_wait3A_132 = arith.constant 0 : i32
      %dma_wait3A_133 = tpu.memref_slice %arg9[%run_scoped3A_67, %dma_wait3A, %dma_wait3A_132] : memref<2x128x128xf32, #tpu.memory_space<vmem>> -> memref<1x128x128xf32, #tpu.memory_space<vmem>>
      %dma_wait3A_134 = tpu.memref_squeeze %dma_wait3A_133 : memref<1x128x128xf32, #tpu.memory_space<vmem>> -> memref<128x128xf32, #tpu.memory_space<vmem>>
      %dma_wait3A_135 = arith.constant 0 : i32
      %dma_wait3A_136 = tpu.memref_slice %arg6[%add3A_66, %dma_wait3A_135] : memref<10112x128xf32, #tpu.memory_space<vmem_shared>> -> memref<128x128xf32, #tpu.memory_space<vmem_shared>>
      %dma_wait3A_137 = arith.constant 0 : i32
      %dma_wait3A_138 = tpu.memref_slice %arg6[%add3A_66, %dma_wait3A_137] : memref<10112x128xf32, #tpu.memory_space<vmem_shared>> -> memref<128x128xf32, #tpu.memory_space<vmem_shared>>
      %dma_wait3A_139 = arith.constant 0 : i32
      %dma_wait3A_140 = arith.constant 0 : i32
      %dma_wait3A_141 = tpu.memref_slice %arg9[%run_scoped3A_67, %dma_wait3A_139, %dma_wait3A_140] : memref<2x128x128xf32, #tpu.memory_space<vmem>> -> memref<1x128x128xf32, #tpu.memory_space<vmem>>
      %dma_wait3A_142 = tpu.memref_squeeze %dma_wait3A_141 : memref<1x128x128xf32, #tpu.memory_space<vmem>> -> memref<128x128xf32, #tpu.memory_space<vmem>>
      tpu.wait_dma2 semaphore(%run_scoped3A_119 : memref<!tpu.dma_semaphore, #tpu.memory_space<semaphore_mem>>) src(%dma_wait3A_142 : memref<128x128xf32, #tpu.memory_space<vmem>>) dst(%dma_wait3A_138 : memref<128x128xf32, #tpu.memory_space<vmem_shared>>)
      tpu.yield
    }) : () -> ()
    %add3A_68 = arith.constant 256 : i32
    %add3A_69 = arith.addi %mul3A_0, %add3A_68 : i32
    %run_scoped3A_70 = arith.constant 0 : i32
    "tpu.region"() ({
      %run_scoped3A_119 = tpu.sem_alloc : memref<!tpu.dma_semaphore, #tpu.memory_space<semaphore_mem>>
      %dma_start3A_120 = arith.constant 0 : i32
      %dma_start3A_121 = arith.constant 0 : i32
      %dma_start3A_122 = tpu.memref_slice %arg9[%run_scoped3A_70, %dma_start3A_120, %dma_start3A_121] : memref<2x128x128xf32, #tpu.memory_space<vmem>> -> memref<1x128x128xf32, #tpu.memory_space<vmem>>
      %dma_start3A_123 = tpu.memref_squeeze %dma_start3A_122 : memref<1x128x128xf32, #tpu.memory_space<vmem>> -> memref<128x128xf32, #tpu.memory_space<vmem>>
      %dma_start3A_124 = arith.constant 0 : i32
      %dma_start3A_125 = tpu.memref_slice %arg6[%add3A_69, %dma_start3A_124] : memref<10112x128xf32, #tpu.memory_space<vmem_shared>> -> memref<128x128xf32, #tpu.memory_space<vmem_shared>>
      %dma_start3A_126 = arith.constant 0 : i32
      %dma_start3A_127 = tpu.memref_slice %arg6[%add3A_69, %dma_start3A_126] : memref<10112x128xf32, #tpu.memory_space<vmem_shared>> -> memref<128x128xf32, #tpu.memory_space<vmem_shared>>
      %dma_start3A_128 = arith.constant 0 : i32
      %dma_start3A_129 = arith.constant 0 : i32
      %dma_start3A_130 = tpu.memref_slice %arg9[%run_scoped3A_70, %dma_start3A_128, %dma_start3A_129] : memref<2x128x128xf32, #tpu.memory_space<vmem>> -> memref<1x128x128xf32, #tpu.memory_space<vmem>>
      %dma_start3A_131 = tpu.memref_squeeze %dma_start3A_130 : memref<1x128x128xf32, #tpu.memory_space<vmem>> -> memref<128x128xf32, #tpu.memory_space<vmem>>
      tpu.enqueue_dma source(%dma_start3A_131 : memref<128x128xf32, #tpu.memory_space<vmem>>) target(%dma_start3A_127 : memref<128x128xf32, #tpu.memory_space<vmem_shared>>) target_semaphore(%run_scoped3A_119 : memref<!tpu.dma_semaphore, #tpu.memory_space<semaphore_mem>>)
      %dma_wait3A = arith.constant 0 : i32
      %dma_wait3A_132 = arith.constant 0 : i32
      %dma_wait3A_133 = tpu.memref_slice %arg9[%run_scoped3A_70, %dma_wait3A, %dma_wait3A_132] : memref<2x128x128xf32, #tpu.memory_space<vmem>> -> memref<1x128x128xf32, #tpu.memory_space<vmem>>
      %dma_wait3A_134 = tpu.memref_squeeze %dma_wait3A_133 : memref<1x128x128xf32, #tpu.memory_space<vmem>> -> memref<128x128xf32, #tpu.memory_space<vmem>>
      %dma_wait3A_135 = arith.constant 0 : i32
      %dma_wait3A_136 = tpu.memref_slice %arg6[%add3A_69, %dma_wait3A_135] : memref<10112x128xf32, #tpu.memory_space<vmem_shared>> -> memref<128x128xf32, #tpu.memory_space<vmem_shared>>
      %dma_wait3A_137 = arith.constant 0 : i32
      %dma_wait3A_138 = tpu.memref_slice %arg6[%add3A_69, %dma_wait3A_137] : memref<10112x128xf32, #tpu.memory_space<vmem_shared>> -> memref<128x128xf32, #tpu.memory_space<vmem_shared>>
      %dma_wait3A_139 = arith.constant 0 : i32
      %dma_wait3A_140 = arith.constant 0 : i32
      %dma_wait3A_141 = tpu.memref_slice %arg9[%run_scoped3A_70, %dma_wait3A_139, %dma_wait3A_140] : memref<2x128x128xf32, #tpu.memory_space<vmem>> -> memref<1x128x128xf32, #tpu.memory_space<vmem>>
      %dma_wait3A_142 = tpu.memref_squeeze %dma_wait3A_141 : memref<1x128x128xf32, #tpu.memory_space<vmem>> -> memref<128x128xf32, #tpu.memory_space<vmem>>
      tpu.wait_dma2 semaphore(%run_scoped3A_119 : memref<!tpu.dma_semaphore, #tpu.memory_space<semaphore_mem>>) src(%dma_wait3A_142 : memref<128x128xf32, #tpu.memory_space<vmem>>) dst(%dma_wait3A_138 : memref<128x128xf32, #tpu.memory_space<vmem_shared>>)
      tpu.yield
    }) : () -> ()
    %add3A_71 = arith.constant 384 : i32
    %add3A_72 = arith.addi %mul3A_0, %add3A_71 : i32
    %run_scoped3A_73 = arith.constant 0 : i32
    "tpu.region"() ({
      %run_scoped3A_119 = tpu.sem_alloc : memref<!tpu.dma_semaphore, #tpu.memory_space<semaphore_mem>>
      %dma_start3A_120 = arith.constant 0 : i32
      %dma_start3A_121 = arith.constant 0 : i32
      %dma_start3A_122 = tpu.memref_slice %arg9[%run_scoped3A_73, %dma_start3A_120, %dma_start3A_121] : memref<2x128x128xf32, #tpu.memory_space<vmem>> -> memref<1x128x128xf32, #tpu.memory_space<vmem>>
      %dma_start3A_123 = tpu.memref_squeeze %dma_start3A_122 : memref<1x128x128xf32, #tpu.memory_space<vmem>> -> memref<128x128xf32, #tpu.memory_space<vmem>>
      %dma_start3A_124 = arith.constant 0 : i32
      %dma_start3A_125 = tpu.memref_slice %arg6[%add3A_72, %dma_start3A_124] : memref<10112x128xf32, #tpu.memory_space<vmem_shared>> -> memref<128x128xf32, #tpu.memory_space<vmem_shared>>
      %dma_start3A_126 = arith.constant 0 : i32
      %dma_start3A_127 = tpu.memref_slice %arg6[%add3A_72, %dma_start3A_126] : memref<10112x128xf32, #tpu.memory_space<vmem_shared>> -> memref<128x128xf32, #tpu.memory_space<vmem_shared>>
      %dma_start3A_128 = arith.constant 0 : i32
      %dma_start3A_129 = arith.constant 0 : i32
      %dma_start3A_130 = tpu.memref_slice %arg9[%run_scoped3A_73, %dma_start3A_128, %dma_start3A_129] : memref<2x128x128xf32, #tpu.memory_space<vmem>> -> memref<1x128x128xf32, #tpu.memory_space<vmem>>
      %dma_start3A_131 = tpu.memref_squeeze %dma_start3A_130 : memref<1x128x128xf32, #tpu.memory_space<vmem>> -> memref<128x128xf32, #tpu.memory_space<vmem>>
      tpu.enqueue_dma source(%dma_start3A_131 : memref<128x128xf32, #tpu.memory_space<vmem>>) target(%dma_start3A_127 : memref<128x128xf32, #tpu.memory_space<vmem_shared>>) target_semaphore(%run_scoped3A_119 : memref<!tpu.dma_semaphore, #tpu.memory_space<semaphore_mem>>)
      %dma_wait3A = arith.constant 0 : i32
      %dma_wait3A_132 = arith.constant 0 : i32
      %dma_wait3A_133 = tpu.memref_slice %arg9[%run_scoped3A_73, %dma_wait3A, %dma_wait3A_132] : memref<2x128x128xf32, #tpu.memory_space<vmem>> -> memref<1x128x128xf32, #tpu.memory_space<vmem>>
      %dma_wait3A_134 = tpu.memref_squeeze %dma_wait3A_133 : memref<1x128x128xf32, #tpu.memory_space<vmem>> -> memref<128x128xf32, #tpu.memory_space<vmem>>
      %dma_wait3A_135 = arith.constant 0 : i32
      %dma_wait3A_136 = tpu.memref_slice %arg6[%add3A_72, %dma_wait3A_135] : memref<10112x128xf32, #tpu.memory_space<vmem_shared>> -> memref<128x128xf32, #tpu.memory_space<vmem_shared>>
      %dma_wait3A_137 = arith.constant 0 : i32
      %dma_wait3A_138 = tpu.memref_slice %arg6[%add3A_72, %dma_wait3A_137] : memref<10112x128xf32, #tpu.memory_space<vmem_shared>> -> memref<128x128xf32, #tpu.memory_space<vmem_shared>>
      %dma_wait3A_139 = arith.constant 0 : i32
      %dma_wait3A_140 = arith.constant 0 : i32
      %dma_wait3A_141 = tpu.memref_slice %arg9[%run_scoped3A_73, %dma_wait3A_139, %dma_wait3A_140] : memref<2x128x128xf32, #tpu.memory_space<vmem>> -> memref<1x128x128xf32, #tpu.memory_space<vmem>>
      %dma_wait3A_142 = tpu.memref_squeeze %dma_wait3A_141 : memref<1x128x128xf32, #tpu.memory_space<vmem>> -> memref<128x128xf32, #tpu.memory_space<vmem>>
      tpu.wait_dma2 semaphore(%run_scoped3A_119 : memref<!tpu.dma_semaphore, #tpu.memory_space<semaphore_mem>>) src(%dma_wait3A_142 : memref<128x128xf32, #tpu.memory_space<vmem>>) dst(%dma_wait3A_138 : memref<128x128xf32, #tpu.memory_space<vmem_shared>>)
      tpu.yield
    }) : () -> ()
    %add3A_74 = arith.constant 632 : i32
    %add3A_75 = arith.addi %mul3A_0, %add3A_74 : i32
    %sub3A_76 = arith.constant 120 : i32
    %sub3A_77 = arith.subi %add3A_75, %sub3A_76 : i32
    %run_scoped3A_78 = arith.constant 0 : i32
    "tpu.region"() ({
      %run_scoped3A_119 = tpu.sem_alloc : memref<!tpu.dma_semaphore, #tpu.memory_space<semaphore_mem>>
      %dma_start3A_120 = arith.constant 0 : i32
      %dma_start3A_121 = arith.constant 0 : i32
      %dma_start3A_122 = tpu.memref_slice %arg9[%run_scoped3A_78, %dma_start3A_120, %dma_start3A_121] : memref<2x128x128xf32, #tpu.memory_space<vmem>> -> memref<1x120x128xf32, #tpu.memory_space<vmem>>
      %dma_start3A_123 = tpu.memref_squeeze %dma_start3A_122 : memref<1x120x128xf32, #tpu.memory_space<vmem>> -> memref<120x128xf32, #tpu.memory_space<vmem>>
      %dma_start3A_124 = arith.constant 0 : i32
      %dma_start3A_125 = tpu.memref_slice %arg6[%sub3A_77, %dma_start3A_124] : memref<10112x128xf32, #tpu.memory_space<vmem_shared>> -> memref<120x128xf32, #tpu.memory_space<vmem_shared>>
      %dma_start3A_126 = arith.constant 0 : i32
      %dma_start3A_127 = tpu.memref_slice %arg6[%sub3A_77, %dma_start3A_126] : memref<10112x128xf32, #tpu.memory_space<vmem_shared>> -> memref<120x128xf32, #tpu.memory_space<vmem_shared>>
      %dma_start3A_128 = arith.constant 0 : i32
      %dma_start3A_129 = arith.constant 0 : i32
      %dma_start3A_130 = tpu.memref_slice %arg9[%run_scoped3A_78, %dma_start3A_128, %dma_start3A_129] : memref<2x128x128xf32, #tpu.memory_space<vmem>> -> memref<1x120x128xf32, #tpu.memory_space<vmem>>
      %dma_start3A_131 = tpu.memref_squeeze %dma_start3A_130 : memref<1x120x128xf32, #tpu.memory_space<vmem>> -> memref<120x128xf32, #tpu.memory_space<vmem>>
      tpu.enqueue_dma source(%dma_start3A_131 : memref<120x128xf32, #tpu.memory_space<vmem>>) target(%dma_start3A_127 : memref<120x128xf32, #tpu.memory_space<vmem_shared>>) target_semaphore(%run_scoped3A_119 : memref<!tpu.dma_semaphore, #tpu.memory_space<semaphore_mem>>)
      %dma_wait3A = arith.constant 0 : i32
      %dma_wait3A_132 = arith.constant 0 : i32
      %dma_wait3A_133 = tpu.memref_slice %arg9[%run_scoped3A_78, %dma_wait3A, %dma_wait3A_132] : memref<2x128x128xf32, #tpu.memory_space<vmem>> -> memref<1x120x128xf32, #tpu.memory_space<vmem>>
      %dma_wait3A_134 = tpu.memref_squeeze %dma_wait3A_133 : memref<1x120x128xf32, #tpu.memory_space<vmem>> -> memref<120x128xf32, #tpu.memory_space<vmem>>
      %dma_wait3A_135 = arith.constant 0 : i32
      %dma_wait3A_136 = tpu.memref_slice %arg6[%sub3A_77, %dma_wait3A_135] : memref<10112x128xf32, #tpu.memory_space<vmem_shared>> -> memref<120x128xf32, #tpu.memory_space<vmem_shared>>
      %dma_wait3A_137 = arith.constant 0 : i32
      %dma_wait3A_138 = tpu.memref_slice %arg6[%sub3A_77, %dma_wait3A_137] : memref<10112x128xf32, #tpu.memory_space<vmem_shared>> -> memref<120x128xf32, #tpu.memory_space<vmem_shared>>
      %dma_wait3A_139 = arith.constant 0 : i32
      %dma_wait3A_140 = arith.constant 0 : i32
      %dma_wait3A_141 = tpu.memref_slice %arg9[%run_scoped3A_78, %dma_wait3A_139, %dma_wait3A_140] : memref<2x128x128xf32, #tpu.memory_space<vmem>> -> memref<1x120x128xf32, #tpu.memory_space<vmem>>
      %dma_wait3A_142 = tpu.memref_squeeze %dma_wait3A_141 : memref<1x120x128xf32, #tpu.memory_space<vmem>> -> memref<120x128xf32, #tpu.memory_space<vmem>>
      tpu.wait_dma2 semaphore(%run_scoped3A_119 : memref<!tpu.dma_semaphore, #tpu.memory_space<semaphore_mem>>) src(%dma_wait3A_142 : memref<120x128xf32, #tpu.memory_space<vmem>>) dst(%dma_wait3A_138 : memref<120x128xf32, #tpu.memory_space<vmem_shared>>)
      tpu.yield
    }) : () -> ()
    %barrier3A_79 = arith.constant 0 : index
    tpu.barrier barrier_id(%barrier3A_79)
    %mul3A_80 = arith.constant 2 : i32
    %mul3A_81 = arith.muli %mul3A_80, %arg0 : i32
    %add3A_82 = arith.constant 1 : i32
    %add3A_83 = arith.addi %mul3A_81, %add3A_82 : i32
    "tpu.region"() ({
      %run_scoped3A_119 = tpu.sem_alloc : memref<!tpu.dma_semaphore, #tpu.memory_space<semaphore_mem>>
      %dma_start3A_120 = arith.constant 0 : i32
      %dma_start3A_121 = arith.constant 0 : i32
      %dma_start3A_122 = tpu.memref_slice %arg7[%dma_start3A_120, %dma_start3A_121] : memref<40x128xi32, #tpu.memory_space<vmem>> -> memref<40x128xi32, #tpu.memory_space<vmem>>
      %dma_start3A_123 = arith.constant 0 : i32
      %dma_start3A_124 = arith.constant 0 : i32
      %dma_start3A_125 = tpu.memref_slice %arg3[%add3A_83, %arg1, %dma_start3A_123, %dma_start3A_124] : memref<4x16x79x128xi32, #tpu.memory_space<hbm>> -> memref<1x1x40x128xi32, #tpu.memory_space<hbm>>
      %dma_start3A_126 = tpu.memref_squeeze %dma_start3A_125 : memref<1x1x40x128xi32, #tpu.memory_space<hbm>> -> memref<40x128xi32, #tpu.memory_space<hbm>>
      %dma_start3A_127 = arith.constant 0 : i32
      %dma_start3A_128 = arith.constant 0 : i32
      %dma_start3A_129 = tpu.memref_slice %arg7[%dma_start3A_127, %dma_start3A_128] : memref<40x128xi32, #tpu.memory_space<vmem>> -> memref<40x128xi32, #tpu.memory_space<vmem>>
      %dma_start3A_130 = arith.constant 0 : i32
      %dma_start3A_131 = arith.constant 0 : i32
      %dma_start3A_132 = tpu.memref_slice %arg3[%add3A_83, %arg1, %dma_start3A_130, %dma_start3A_131] : memref<4x16x79x128xi32, #tpu.memory_space<hbm>> -> memref<1x1x40x128xi32, #tpu.memory_space<hbm>>
      %dma_start3A_133 = tpu.memref_squeeze %dma_start3A_132 : memref<1x1x40x128xi32, #tpu.memory_space<hbm>> -> memref<40x128xi32, #tpu.memory_space<hbm>>
      tpu.enqueue_dma source(%dma_start3A_133 : memref<40x128xi32, #tpu.memory_space<hbm>>) target(%dma_start3A_129 : memref<40x128xi32, #tpu.memory_space<vmem>>) target_semaphore(%run_scoped3A_119 : memref<!tpu.dma_semaphore, #tpu.memory_space<semaphore_mem>>)
      %dma_wait3A = arith.constant 0 : i32
      %dma_wait3A_134 = arith.constant 0 : i32
      %dma_wait3A_135 = tpu.memref_slice %arg7[%dma_wait3A, %dma_wait3A_134] : memref<40x128xi32, #tpu.memory_space<vmem>> -> memref<40x128xi32, #tpu.memory_space<vmem>>
      %dma_wait3A_136 = arith.constant 0 : i32
      %dma_wait3A_137 = arith.constant 0 : i32
      %dma_wait3A_138 = tpu.memref_slice %arg3[%add3A_83, %arg1, %dma_wait3A_136, %dma_wait3A_137] : memref<4x16x79x128xi32, #tpu.memory_space<hbm>> -> memref<1x1x40x128xi32, #tpu.memory_space<hbm>>
      %dma_wait3A_139 = tpu.memref_squeeze %dma_wait3A_138 : memref<1x1x40x128xi32, #tpu.memory_space<hbm>> -> memref<40x128xi32, #tpu.memory_space<hbm>>
      %dma_wait3A_140 = arith.constant 0 : i32
      %dma_wait3A_141 = arith.constant 0 : i32
      %dma_wait3A_142 = tpu.memref_slice %arg7[%dma_wait3A_140, %dma_wait3A_141] : memref<40x128xi32, #tpu.memory_space<vmem>> -> memref<40x128xi32, #tpu.memory_space<vmem>>
      %dma_wait3A_143 = arith.constant 0 : i32
      %dma_wait3A_144 = arith.constant 0 : i32
      %dma_wait3A_145 = tpu.memref_slice %arg3[%add3A_83, %arg1, %dma_wait3A_143, %dma_wait3A_144] : memref<4x16x79x128xi32, #tpu.memory_space<hbm>> -> memref<1x1x40x128xi32, #tpu.memory_space<hbm>>
      %dma_wait3A_146 = tpu.memref_squeeze %dma_wait3A_145 : memref<1x1x40x128xi32, #tpu.memory_space<hbm>> -> memref<40x128xi32, #tpu.memory_space<hbm>>
      tpu.wait_dma2 semaphore(%run_scoped3A_119 : memref<!tpu.dma_semaphore, #tpu.memory_space<semaphore_mem>>) src(%dma_wait3A_146 : memref<40x128xi32, #tpu.memory_space<hbm>>) dst(%dma_wait3A_142 : memref<40x128xi32, #tpu.memory_space<vmem>>)
      tpu.yield
    }) : () -> ()
    "tpu.region"() ({
      %run_scoped3A_119 = tpu.sem_alloc : memref<!tpu.dma_semaphore, #tpu.memory_space<semaphore_mem>>
      %dma_start3A_120 = arith.constant 0 : i32
      %dma_start3A_121 = arith.constant 0 : i32
      %dma_start3A_122 = tpu.memref_slice %arg8[%dma_start3A_120, %dma_start3A_121] : memref<40x128xi32, #tpu.memory_space<vmem>> -> memref<40x128xi32, #tpu.memory_space<vmem>>
      %dma_start3A_123 = arith.constant 0 : i32
      %dma_start3A_124 = arith.constant 0 : i32
      %dma_start3A_125 = tpu.memref_slice %arg4[%arg1, %dma_start3A_123, %dma_start3A_124] : memref<16x79x128xi32, #tpu.memory_space<hbm>> -> memref<1x40x128xi32, #tpu.memory_space<hbm>>
      %dma_start3A_126 = tpu.memref_squeeze %dma_start3A_125 : memref<1x40x128xi32, #tpu.memory_space<hbm>> -> memref<40x128xi32, #tpu.memory_space<hbm>>
      %dma_start3A_127 = arith.constant 0 : i32
      %dma_start3A_128 = arith.constant 0 : i32
      %dma_start3A_129 = tpu.memref_slice %arg8[%dma_start3A_127, %dma_start3A_128] : memref<40x128xi32, #tpu.memory_space<vmem>> -> memref<40x128xi32, #tpu.memory_space<vmem>>
      %dma_start3A_130 = arith.constant 0 : i32
      %dma_start3A_131 = arith.constant 0 : i32
      %dma_start3A_132 = tpu.memref_slice %arg4[%arg1, %dma_start3A_130, %dma_start3A_131] : memref<16x79x128xi32, #tpu.memory_space<hbm>> -> memref<1x40x128xi32, #tpu.memory_space<hbm>>
      %dma_start3A_133 = tpu.memref_squeeze %dma_start3A_132 : memref<1x40x128xi32, #tpu.memory_space<hbm>> -> memref<40x128xi32, #tpu.memory_space<hbm>>
      tpu.enqueue_dma source(%dma_start3A_133 : memref<40x128xi32, #tpu.memory_space<hbm>>) target(%dma_start3A_129 : memref<40x128xi32, #tpu.memory_space<vmem>>) target_semaphore(%run_scoped3A_119 : memref<!tpu.dma_semaphore, #tpu.memory_space<semaphore_mem>>)
      %dma_wait3A = arith.constant 0 : i32
      %dma_wait3A_134 = arith.constant 0 : i32
      %dma_wait3A_135 = tpu.memref_slice %arg8[%dma_wait3A, %dma_wait3A_134] : memref<40x128xi32, #tpu.memory_space<vmem>> -> memref<40x128xi32, #tpu.memory_space<vmem>>
      %dma_wait3A_136 = arith.constant 0 : i32
      %dma_wait3A_137 = arith.constant 0 : i32
      %dma_wait3A_138 = tpu.memref_slice %arg4[%arg1, %dma_wait3A_136, %dma_wait3A_137] : memref<16x79x128xi32, #tpu.memory_space<hbm>> -> memref<1x40x128xi32, #tpu.memory_space<hbm>>
      %dma_wait3A_139 = tpu.memref_squeeze %dma_wait3A_138 : memref<1x40x128xi32, #tpu.memory_space<hbm>> -> memref<40x128xi32, #tpu.memory_space<hbm>>
      %dma_wait3A_140 = arith.constant 0 : i32
      %dma_wait3A_141 = arith.constant 0 : i32
      %dma_wait3A_142 = tpu.memref_slice %arg8[%dma_wait3A_140, %dma_wait3A_141] : memref<40x128xi32, #tpu.memory_space<vmem>> -> memref<40x128xi32, #tpu.memory_space<vmem>>
      %dma_wait3A_143 = arith.constant 0 : i32
      %dma_wait3A_144 = arith.constant 0 : i32
      %dma_wait3A_145 = tpu.memref_slice %arg4[%arg1, %dma_wait3A_143, %dma_wait3A_144] : memref<16x79x128xi32, #tpu.memory_space<hbm>> -> memref<1x40x128xi32, #tpu.memory_space<hbm>>
      %dma_wait3A_146 = tpu.memref_squeeze %dma_wait3A_145 : memref<1x40x128xi32, #tpu.memory_space<hbm>> -> memref<40x128xi32, #tpu.memory_space<hbm>>
      tpu.wait_dma2 semaphore(%run_scoped3A_119 : memref<!tpu.dma_semaphore, #tpu.memory_space<semaphore_mem>>) src(%dma_wait3A_146 : memref<40x128xi32, #tpu.memory_space<hbm>>) dst(%dma_wait3A_142 : memref<40x128xi32, #tpu.memory_space<vmem>>)
      tpu.yield
    }) : () -> ()
    %dma_start3A_84 = arith.constant 0 : i32
    %dma_start3A_85 = arith.constant 0 : i32
    %dma_start3A_86 = arith.constant 0 : i32
    %dma_start3A_87 = arith.constant 0 : i32
    %dma_start3A_88 = tpu.memref_slice %arg9[%dma_start3A_85, %dma_start3A_86, %dma_start3A_87] : memref<2x128x128xf32, #tpu.memory_space<vmem>> -> memref<1x128x128xf32, #tpu.memory_space<vmem>>
    %dma_start3A_89 = tpu.memref_squeeze %dma_start3A_88 : memref<1x128x128xf32, #tpu.memory_space<vmem>> -> memref<128x128xf32, #tpu.memory_space<vmem>>
    %dma_start3A_90 = arith.constant 0 : i32
    %dma_start3A_91 = tpu.memref_slice %arg7[%dma_start3A_84, %dma_start3A_90] : memref<40x128xi32, #tpu.memory_space<vmem>> -> memref<1x128xi32, #tpu.memory_space<vmem>>
    %dma_start3A_92 = tpu.memref_squeeze %dma_start3A_91 : memref<1x128xi32, #tpu.memory_space<vmem>> -> memref<128xi32, #tpu.memory_space<vmem>>
    %dma_start3A_93 = arith.constant 0 : i32
    %dma_start3A_94 = arith.constant 0 : i32
    %dma_start3A_95 = tpu.memref_slice %arg2[%dma_start3A_93, %dma_start3A_94] : memref<40000x128xf32, #tpu.memory_space<hbm>> -> memref<40000x128xf32, #tpu.memory_space<hbm>>
    tpu.enqueue_indirect_dma source(%dma_start3A_95 : memref<40000x128xf32, #tpu.memory_space<hbm>>) target(%dma_start3A_89 : memref<128x128xf32, #tpu.memory_space<vmem>>) offsets(%dma_start3A_92 : memref<128xi32, #tpu.memory_space<vmem>>) semaphore(%arg10 : memref<!tpu.dma_semaphore, #tpu.memory_space<semaphore_mem>>)
    %scan3A_96 = arith.constant 0 : i32
    %scan3A_97 = arith.constant 40 : i32
    %scan3A_98 = arith.addi %scan3A_96, %scan3A_97 : i32
    %scan3A_99 = arith.constant 1 : i32
    scf.for %scan3A_119 = %scan3A_96 to %scan3A_98 step %scan3A_99  : i32 {
      %rem3A = arith.constant 2 : i32
      %rem3A_120 = arith.remsi %scan3A_119, %rem3A : i32
      %lt3A = arith.constant 39 : i32
      %lt3A_121 = arith.cmpi slt, %scan3A_119, %lt3A : i32
      %convert_element_type3A = arith.extui %lt3A_121 : i1 to i32
      %cond3A = arith.constant 0 : i32
      %cond3A_122 = arith.cmpi ne, %convert_element_type3A, %cond3A : i32
      scf.if %cond3A_122 {
        %add3A_136 = arith.constant 2 : i32
        %add3A_137 = arith.addi %scan3A_119, %add3A_136 : i32
        %sub3A_138 = arith.constant 1 : i32
        %sub3A_139 = arith.subi %add3A_137, %sub3A_138 : i32
        %add3A_140 = arith.constant 2 : i32
        %add3A_141 = arith.addi %scan3A_119, %add3A_140 : i32
        %sub3A_142 = arith.constant 1 : i32
        %sub3A_143 = arith.subi %add3A_141, %sub3A_142 : i32
        %rem3A_144 = arith.constant 2 : i32
        %rem3A_145 = arith.remsi %sub3A_143, %rem3A_144 : i32
        %dma_start3A_146 = arith.constant 0 : i32
        %dma_start3A_147 = arith.constant 0 : i32
        %dma_start3A_148 = tpu.memref_slice %arg9[%rem3A_145, %dma_start3A_146, %dma_start3A_147] : memref<2x128x128xf32, #tpu.memory_space<vmem>> -> memref<1x128x128xf32, #tpu.memory_space<vmem>>
        %dma_start3A_149 = tpu.memref_squeeze %dma_start3A_148 : memref<1x128x128xf32, #tpu.memory_space<vmem>> -> memref<128x128xf32, #tpu.memory_space<vmem>>
        %dma_start3A_150 = arith.constant 0 : i32
        %dma_start3A_151 = tpu.memref_slice %arg7[%sub3A_139, %dma_start3A_150] : memref<40x128xi32, #tpu.memory_space<vmem>> -> memref<1x128xi32, #tpu.memory_space<vmem>>
        %dma_start3A_152 = tpu.memref_squeeze %dma_start3A_151 : memref<1x128xi32, #tpu.memory_space<vmem>> -> memref<128xi32, #tpu.memory_space<vmem>>
        %dma_start3A_153 = arith.constant 0 : i32
        %dma_start3A_154 = arith.constant 0 : i32
        %dma_start3A_155 = tpu.memref_slice %arg2[%dma_start3A_153, %dma_start3A_154] : memref<40000x128xf32, #tpu.memory_space<hbm>> -> memref<40000x128xf32, #tpu.memory_space<hbm>>
        tpu.enqueue_indirect_dma source(%dma_start3A_155 : memref<40000x128xf32, #tpu.memory_space<hbm>>) target(%dma_start3A_149 : memref<128x128xf32, #tpu.memory_space<vmem>>) offsets(%dma_start3A_152 : memref<128xi32, #tpu.memory_space<vmem>>) semaphore(%arg10 : memref<!tpu.dma_semaphore, #tpu.memory_space<semaphore_mem>>)
      } else {
      }
      %dma_wait3A = arith.constant 0 : i32
      %dma_wait3A_123 = arith.constant 0 : i32
      %dma_wait3A_124 = tpu.memref_slice %arg9[%rem3A_120, %dma_wait3A, %dma_wait3A_123] : memref<2x128x128xf32, #tpu.memory_space<vmem>> -> memref<1x128x128xf32, #tpu.memory_space<vmem>>
      %dma_wait3A_125 = tpu.memref_squeeze %dma_wait3A_124 : memref<1x128x128xf32, #tpu.memory_space<vmem>> -> memref<128x128xf32, #tpu.memory_space<vmem>>
      %dma_wait3A_126 = arith.constant 0 : i32
      %dma_wait3A_127 = arith.constant 0 : i32
      %dma_wait3A_128 = tpu.memref_slice %arg2[%dma_wait3A_126, %dma_wait3A_127] : memref<40000x128xf32, #tpu.memory_space<hbm>> -> memref<128x128xf32, #tpu.memory_space<hbm>>
      %dma_wait3A_129 = arith.constant 0 : i32
      %dma_wait3A_130 = arith.constant 0 : i32
      %dma_wait3A_131 = tpu.memref_slice %arg9[%rem3A_120, %dma_wait3A_129, %dma_wait3A_130] : memref<2x128x128xf32, #tpu.memory_space<vmem>> -> memref<1x128x128xf32, #tpu.memory_space<vmem>>
      %dma_wait3A_132 = tpu.memref_squeeze %dma_wait3A_131 : memref<1x128x128xf32, #tpu.memory_space<vmem>> -> memref<128x128xf32, #tpu.memory_space<vmem>>
      %dma_wait3A_133 = arith.constant 0 : i32
      %dma_wait3A_134 = arith.constant 0 : i32
      %dma_wait3A_135 = tpu.memref_slice %arg2[%dma_wait3A_133, %dma_wait3A_134] : memref<40000x128xf32, #tpu.memory_space<hbm>> -> memref<128x128xf32, #tpu.memory_space<hbm>>
      tpu.wait_dma2 semaphore(%arg10 : memref<!tpu.dma_semaphore, #tpu.memory_space<semaphore_mem>>) src(%dma_wait3A_135 : memref<128x128xf32, #tpu.memory_space<hbm>>) dst(%dma_wait3A_132 : memref<128x128xf32, #tpu.memory_space<vmem>>)
      "tpu.region"() ({
        %run_scoped3A_136 = tpu.sem_alloc : memref<!tpu.dma_semaphore, #tpu.memory_space<semaphore_mem>>
        %dma_start3A_137 = arith.constant 0 : i32
        %dma_start3A_138 = arith.constant 0 : i32
        %dma_start3A_139 = tpu.memref_slice %arg9[%rem3A_120, %dma_start3A_137, %dma_start3A_138] : memref<2x128x128xf32, #tpu.memory_space<vmem>> -> memref<1x128x128xf32, #tpu.memory_space<vmem>>
        %dma_start3A_140 = tpu.memref_squeeze %dma_start3A_139 : memref<1x128x128xf32, #tpu.memory_space<vmem>> -> memref<128x128xf32, #tpu.memory_space<vmem>>
        %dma_start3A_141 = arith.constant 0 : i32
        %dma_start3A_142 = tpu.memref_slice %arg8[%scan3A_119, %dma_start3A_141] : memref<40x128xi32, #tpu.memory_space<vmem>> -> memref<1x128xi32, #tpu.memory_space<vmem>>
        %dma_start3A_143 = tpu.memref_squeeze %dma_start3A_142 : memref<1x128xi32, #tpu.memory_space<vmem>> -> memref<128xi32, #tpu.memory_space<vmem>>
        %dma_start3A_144 = arith.constant 0 : i32
        %dma_start3A_145 = arith.constant 0 : i32
        %dma_start3A_146 = tpu.memref_slice %arg6[%dma_start3A_144, %dma_start3A_145] : memref<10112x128xf32, #tpu.memory_space<vmem_shared>> -> memref<10112x128xf32, #tpu.memory_space<vmem_shared>>
        tpu.enqueue_indirect_dma source(%dma_start3A_140 : memref<128x128xf32, #tpu.memory_space<vmem>>) target(%dma_start3A_146 : memref<10112x128xf32, #tpu.memory_space<vmem_shared>>) offsets(%dma_start3A_143 : memref<128xi32, #tpu.memory_space<vmem>>) semaphore(%run_scoped3A_136 : memref<!tpu.dma_semaphore, #tpu.memory_space<semaphore_mem>>) {add = true}
        %dma_wait3A_147 = arith.constant 0 : i32
        %dma_wait3A_148 = arith.constant 0 : i32
        %dma_wait3A_149 = tpu.memref_slice %arg9[%rem3A_120, %dma_wait3A_147, %dma_wait3A_148] : memref<2x128x128xf32, #tpu.memory_space<vmem>> -> memref<1x128x128xf32, #tpu.memory_space<vmem>>
        %dma_wait3A_150 = tpu.memref_squeeze %dma_wait3A_149 : memref<1x128x128xf32, #tpu.memory_space<vmem>> -> memref<128x128xf32, #tpu.memory_space<vmem>>
        %dma_wait3A_151 = arith.constant 0 : i32
        %dma_wait3A_152 = tpu.memref_slice %arg8[%scan3A_119, %dma_wait3A_151] : memref<40x128xi32, #tpu.memory_space<vmem>> -> memref<1x128xi32, #tpu.memory_space<vmem>>
        %dma_wait3A_153 = tpu.memref_squeeze %dma_wait3A_152 : memref<1x128xi32, #tpu.memory_space<vmem>> -> memref<128xi32, #tpu.memory_space<vmem>>
        %dma_wait3A_154 = arith.constant 0 : i32
        %dma_wait3A_155 = arith.constant 0 : i32
        %dma_wait3A_156 = tpu.memref_slice %arg6[%dma_wait3A_154, %dma_wait3A_155] : memref<10112x128xf32, #tpu.memory_space<vmem_shared>> -> memref<10112x128xf32, #tpu.memory_space<vmem_shared>>
        tpu.wait_indirect_dma semaphore(%run_scoped3A_136 : memref<!tpu.dma_semaphore, #tpu.memory_space<semaphore_mem>>) src(%dma_wait3A_150 : memref<128x128xf32, #tpu.memory_space<vmem>>) dst(%dma_wait3A_156 : memref<10112x128xf32, #tpu.memory_space<vmem_shared>>)
        tpu.yield
      }) : () -> ()
    }
    %scan3A_100 = arith.constant 40 : i32
    "tpu.region"() ({
      %run_scoped3A_119 = tpu.sem_alloc : memref<!tpu.dma_semaphore, #tpu.memory_space<semaphore_mem>>
      %dma_start3A_120 = arith.constant 0 : i32
      %dma_start3A_121 = arith.constant 0 : i32
      %dma_start3A_122 = tpu.memref_slice %arg7[%dma_start3A_120, %dma_start3A_121] : memref<40x128xi32, #tpu.memory_space<vmem>> -> memref<39x128xi32, #tpu.memory_space<vmem>>
      %dma_start3A_123 = arith.constant 40 : i32
      %dma_start3A_124 = arith.constant 0 : i32
      %dma_start3A_125 = tpu.memref_slice %arg3[%add3A_83, %arg1, %dma_start3A_123, %dma_start3A_124] : memref<4x16x79x128xi32, #tpu.memory_space<hbm>> -> memref<1x1x39x128xi32, #tpu.memory_space<hbm>>
      %dma_start3A_126 = tpu.memref_squeeze %dma_start3A_125 : memref<1x1x39x128xi32, #tpu.memory_space<hbm>> -> memref<39x128xi32, #tpu.memory_space<hbm>>
      %dma_start3A_127 = arith.constant 0 : i32
      %dma_start3A_128 = arith.constant 0 : i32
      %dma_start3A_129 = tpu.memref_slice %arg7[%dma_start3A_127, %dma_start3A_128] : memref<40x128xi32, #tpu.memory_space<vmem>> -> memref<39x128xi32, #tpu.memory_space<vmem>>
      %dma_start3A_130 = arith.constant 40 : i32
      %dma_start3A_131 = arith.constant 0 : i32
      %dma_start3A_132 = tpu.memref_slice %arg3[%add3A_83, %arg1, %dma_start3A_130, %dma_start3A_131] : memref<4x16x79x128xi32, #tpu.memory_space<hbm>> -> memref<1x1x39x128xi32, #tpu.memory_space<hbm>>
      %dma_start3A_133 = tpu.memref_squeeze %dma_start3A_132 : memref<1x1x39x128xi32, #tpu.memory_space<hbm>> -> memref<39x128xi32, #tpu.memory_space<hbm>>
      tpu.enqueue_dma source(%dma_start3A_133 : memref<39x128xi32, #tpu.memory_space<hbm>>) target(%dma_start3A_129 : memref<39x128xi32, #tpu.memory_space<vmem>>) target_semaphore(%run_scoped3A_119 : memref<!tpu.dma_semaphore, #tpu.memory_space<semaphore_mem>>)
      %dma_wait3A = arith.constant 0 : i32
      %dma_wait3A_134 = arith.constant 0 : i32
      %dma_wait3A_135 = tpu.memref_slice %arg7[%dma_wait3A, %dma_wait3A_134] : memref<40x128xi32, #tpu.memory_space<vmem>> -> memref<39x128xi32, #tpu.memory_space<vmem>>
      %dma_wait3A_136 = arith.constant 40 : i32
      %dma_wait3A_137 = arith.constant 0 : i32
      %dma_wait3A_138 = tpu.memref_slice %arg3[%add3A_83, %arg1, %dma_wait3A_136, %dma_wait3A_137] : memref<4x16x79x128xi32, #tpu.memory_space<hbm>> -> memref<1x1x39x128xi32, #tpu.memory_space<hbm>>
      %dma_wait3A_139 = tpu.memref_squeeze %dma_wait3A_138 : memref<1x1x39x128xi32, #tpu.memory_space<hbm>> -> memref<39x128xi32, #tpu.memory_space<hbm>>
      %dma_wait3A_140 = arith.constant 0 : i32
      %dma_wait3A_141 = arith.constant 0 : i32
      %dma_wait3A_142 = tpu.memref_slice %arg7[%dma_wait3A_140, %dma_wait3A_141] : memref<40x128xi32, #tpu.memory_space<vmem>> -> memref<39x128xi32, #tpu.memory_space<vmem>>
      %dma_wait3A_143 = arith.constant 40 : i32
      %dma_wait3A_144 = arith.constant 0 : i32
      %dma_wait3A_145 = tpu.memref_slice %arg3[%add3A_83, %arg1, %dma_wait3A_143, %dma_wait3A_144] : memref<4x16x79x128xi32, #tpu.memory_space<hbm>> -> memref<1x1x39x128xi32, #tpu.memory_space<hbm>>
      %dma_wait3A_146 = tpu.memref_squeeze %dma_wait3A_145 : memref<1x1x39x128xi32, #tpu.memory_space<hbm>> -> memref<39x128xi32, #tpu.memory_space<hbm>>
      tpu.wait_dma2 semaphore(%run_scoped3A_119 : memref<!tpu.dma_semaphore, #tpu.memory_space<semaphore_mem>>) src(%dma_wait3A_146 : memref<39x128xi32, #tpu.memory_space<hbm>>) dst(%dma_wait3A_142 : memref<39x128xi32, #tpu.memory_space<vmem>>)
      tpu.yield
    }) : () -> ()
    "tpu.region"() ({
      %run_scoped3A_119 = tpu.sem_alloc : memref<!tpu.dma_semaphore, #tpu.memory_space<semaphore_mem>>
      %dma_start3A_120 = arith.constant 0 : i32
      %dma_start3A_121 = arith.constant 0 : i32
      %dma_start3A_122 = tpu.memref_slice %arg8[%dma_start3A_120, %dma_start3A_121] : memref<40x128xi32, #tpu.memory_space<vmem>> -> memref<39x128xi32, #tpu.memory_space<vmem>>
      %dma_start3A_123 = arith.constant 40 : i32
      %dma_start3A_124 = arith.constant 0 : i32
      %dma_start3A_125 = tpu.memref_slice %arg4[%arg1, %dma_start3A_123, %dma_start3A_124] : memref<16x79x128xi32, #tpu.memory_space<hbm>> -> memref<1x39x128xi32, #tpu.memory_space<hbm>>
      %dma_start3A_126 = tpu.memref_squeeze %dma_start3A_125 : memref<1x39x128xi32, #tpu.memory_space<hbm>> -> memref<39x128xi32, #tpu.memory_space<hbm>>
      %dma_start3A_127 = arith.constant 0 : i32
      %dma_start3A_128 = arith.constant 0 : i32
      %dma_start3A_129 = tpu.memref_slice %arg8[%dma_start3A_127, %dma_start3A_128] : memref<40x128xi32, #tpu.memory_space<vmem>> -> memref<39x128xi32, #tpu.memory_space<vmem>>
      %dma_start3A_130 = arith.constant 40 : i32
      %dma_start3A_131 = arith.constant 0 : i32
      %dma_start3A_132 = tpu.memref_slice %arg4[%arg1, %dma_start3A_130, %dma_start3A_131] : memref<16x79x128xi32, #tpu.memory_space<hbm>> -> memref<1x39x128xi32, #tpu.memory_space<hbm>>
      %dma_start3A_133 = tpu.memref_squeeze %dma_start3A_132 : memref<1x39x128xi32, #tpu.memory_space<hbm>> -> memref<39x128xi32, #tpu.memory_space<hbm>>
      tpu.enqueue_dma source(%dma_start3A_133 : memref<39x128xi32, #tpu.memory_space<hbm>>) target(%dma_start3A_129 : memref<39x128xi32, #tpu.memory_space<vmem>>) target_semaphore(%run_scoped3A_119 : memref<!tpu.dma_semaphore, #tpu.memory_space<semaphore_mem>>)
      %dma_wait3A = arith.constant 0 : i32
      %dma_wait3A_134 = arith.constant 0 : i32
      %dma_wait3A_135 = tpu.memref_slice %arg8[%dma_wait3A, %dma_wait3A_134] : memref<40x128xi32, #tpu.memory_space<vmem>> -> memref<39x128xi32, #tpu.memory_space<vmem>>
      %dma_wait3A_136 = arith.constant 40 : i32
      %dma_wait3A_137 = arith.constant 0 : i32
      %dma_wait3A_138 = tpu.memref_slice %arg4[%arg1, %dma_wait3A_136, %dma_wait3A_137] : memref<16x79x128xi32, #tpu.memory_space<hbm>> -> memref<1x39x128xi32, #tpu.memory_space<hbm>>
      %dma_wait3A_139 = tpu.memref_squeeze %dma_wait3A_138 : memref<1x39x128xi32, #tpu.memory_space<hbm>> -> memref<39x128xi32, #tpu.memory_space<hbm>>
      %dma_wait3A_140 = arith.constant 0 : i32
      %dma_wait3A_141 = arith.constant 0 : i32
      %dma_wait3A_142 = tpu.memref_slice %arg8[%dma_wait3A_140, %dma_wait3A_141] : memref<40x128xi32, #tpu.memory_space<vmem>> -> memref<39x128xi32, #tpu.memory_space<vmem>>
      %dma_wait3A_143 = arith.constant 40 : i32
      %dma_wait3A_144 = arith.constant 0 : i32
      %dma_wait3A_145 = tpu.memref_slice %arg4[%arg1, %dma_wait3A_143, %dma_wait3A_144] : memref<16x79x128xi32, #tpu.memory_space<hbm>> -> memref<1x39x128xi32, #tpu.memory_space<hbm>>
      %dma_wait3A_146 = tpu.memref_squeeze %dma_wait3A_145 : memref<1x39x128xi32, #tpu.memory_space<hbm>> -> memref<39x128xi32, #tpu.memory_space<hbm>>
      tpu.wait_dma2 semaphore(%run_scoped3A_119 : memref<!tpu.dma_semaphore, #tpu.memory_space<semaphore_mem>>) src(%dma_wait3A_146 : memref<39x128xi32, #tpu.memory_space<hbm>>) dst(%dma_wait3A_142 : memref<39x128xi32, #tpu.memory_space<vmem>>)
      tpu.yield
    }) : () -> ()
    %dma_start3A_101 = arith.constant 0 : i32
    %dma_start3A_102 = arith.constant 0 : i32
    %dma_start3A_103 = arith.constant 0 : i32
    %dma_start3A_104 = arith.constant 0 : i32
    %dma_start3A_105 = tpu.memref_slice %arg9[%dma_start3A_102, %dma_start3A_103, %dma_start3A_104] : memref<2x128x128xf32, #tpu.memory_space<vmem>> -> memref<1x128x128xf32, #tpu.memory_space<vmem>>
    %dma_start3A_106 = tpu.memref_squeeze %dma_start3A_105 : memref<1x128x128xf32, #tpu.memory_space<vmem>> -> memref<128x128xf32, #tpu.memory_space<vmem>>
    %dma_start3A_107 = arith.constant 0 : i32
    %dma_start3A_108 = tpu.memref_slice %arg7[%dma_start3A_101, %dma_start3A_107] : memref<40x128xi32, #tpu.memory_space<vmem>> -> memref<1x128xi32, #tpu.memory_space<vmem>>
    %dma_start3A_109 = tpu.memref_squeeze %dma_start3A_108 : memref<1x128xi32, #tpu.memory_space<vmem>> -> memref<128xi32, #tpu.memory_space<vmem>>
    %dma_start3A_110 = arith.constant 0 : i32
    %dma_start3A_111 = arith.constant 0 : i32
    %dma_start3A_112 = tpu.memref_slice %arg2[%dma_start3A_110, %dma_start3A_111] : memref<40000x128xf32, #tpu.memory_space<hbm>> -> memref<40000x128xf32, #tpu.memory_space<hbm>>
    tpu.enqueue_indirect_dma source(%dma_start3A_112 : memref<40000x128xf32, #tpu.memory_space<hbm>>) target(%dma_start3A_106 : memref<128x128xf32, #tpu.memory_space<vmem>>) offsets(%dma_start3A_109 : memref<128xi32, #tpu.memory_space<vmem>>) semaphore(%arg10 : memref<!tpu.dma_semaphore, #tpu.memory_space<semaphore_mem>>)
    %scan3A_113 = arith.constant 0 : i32
    %scan3A_114 = arith.constant 39 : i32
    %scan3A_115 = arith.addi %scan3A_113, %scan3A_114 : i32
    %scan3A_116 = arith.constant 1 : i32
    scf.for %scan3A_119 = %scan3A_113 to %scan3A_115 step %scan3A_116  : i32 {
      %rem3A = arith.constant 2 : i32
      %rem3A_120 = arith.remsi %scan3A_119, %rem3A : i32
      %lt3A = arith.constant 38 : i32
      %lt3A_121 = arith.cmpi slt, %scan3A_119, %lt3A : i32
      %convert_element_type3A = arith.extui %lt3A_121 : i1 to i32
      %cond3A = arith.constant 0 : i32
      %cond3A_122 = arith.cmpi ne, %convert_element_type3A, %cond3A : i32
      scf.if %cond3A_122 {
        %add3A_136 = arith.constant 2 : i32
        %add3A_137 = arith.addi %scan3A_119, %add3A_136 : i32
        %sub3A_138 = arith.constant 1 : i32
        %sub3A_139 = arith.subi %add3A_137, %sub3A_138 : i32
        %add3A_140 = arith.constant 2 : i32
        %add3A_141 = arith.addi %scan3A_119, %add3A_140 : i32
        %sub3A_142 = arith.constant 1 : i32
        %sub3A_143 = arith.subi %add3A_141, %sub3A_142 : i32
        %rem3A_144 = arith.constant 2 : i32
        %rem3A_145 = arith.remsi %sub3A_143, %rem3A_144 : i32
        %dma_start3A_146 = arith.constant 0 : i32
        %dma_start3A_147 = arith.constant 0 : i32
        %dma_start3A_148 = tpu.memref_slice %arg9[%rem3A_145, %dma_start3A_146, %dma_start3A_147] : memref<2x128x128xf32, #tpu.memory_space<vmem>> -> memref<1x128x128xf32, #tpu.memory_space<vmem>>
        %dma_start3A_149 = tpu.memref_squeeze %dma_start3A_148 : memref<1x128x128xf32, #tpu.memory_space<vmem>> -> memref<128x128xf32, #tpu.memory_space<vmem>>
        %dma_start3A_150 = arith.constant 0 : i32
        %dma_start3A_151 = tpu.memref_slice %arg7[%sub3A_139, %dma_start3A_150] : memref<40x128xi32, #tpu.memory_space<vmem>> -> memref<1x128xi32, #tpu.memory_space<vmem>>
        %dma_start3A_152 = tpu.memref_squeeze %dma_start3A_151 : memref<1x128xi32, #tpu.memory_space<vmem>> -> memref<128xi32, #tpu.memory_space<vmem>>
        %dma_start3A_153 = arith.constant 0 : i32
        %dma_start3A_154 = arith.constant 0 : i32
        %dma_start3A_155 = tpu.memref_slice %arg2[%dma_start3A_153, %dma_start3A_154] : memref<40000x128xf32, #tpu.memory_space<hbm>> -> memref<40000x128xf32, #tpu.memory_space<hbm>>
        tpu.enqueue_indirect_dma source(%dma_start3A_155 : memref<40000x128xf32, #tpu.memory_space<hbm>>) target(%dma_start3A_149 : memref<128x128xf32, #tpu.memory_space<vmem>>) offsets(%dma_start3A_152 : memref<128xi32, #tpu.memory_space<vmem>>) semaphore(%arg10 : memref<!tpu.dma_semaphore, #tpu.memory_space<semaphore_mem>>)
      } else {
      }
      %dma_wait3A = arith.constant 0 : i32
      %dma_wait3A_123 = arith.constant 0 : i32
      %dma_wait3A_124 = tpu.memref_slice %arg9[%rem3A_120, %dma_wait3A, %dma_wait3A_123] : memref<2x128x128xf32, #tpu.memory_space<vmem>> -> memref<1x128x128xf32, #tpu.memory_space<vmem>>
      %dma_wait3A_125 = tpu.memref_squeeze %dma_wait3A_124 : memref<1x128x128xf32, #tpu.memory_space<vmem>> -> memref<128x128xf32, #tpu.memory_space<vmem>>
      %dma_wait3A_126 = arith.constant 0 : i32
      %dma_wait3A_127 = arith.constant 0 : i32
      %dma_wait3A_128 = tpu.memref_slice %arg2[%dma_wait3A_126, %dma_wait3A_127] : memref<40000x128xf32, #tpu.memory_space<hbm>> -> memref<128x128xf32, #tpu.memory_space<hbm>>
      %dma_wait3A_129 = arith.constant 0 : i32
      %dma_wait3A_130 = arith.constant 0 : i32
      %dma_wait3A_131 = tpu.memref_slice %arg9[%rem3A_120, %dma_wait3A_129, %dma_wait3A_130] : memref<2x128x128xf32, #tpu.memory_space<vmem>> -> memref<1x128x128xf32, #tpu.memory_space<vmem>>
      %dma_wait3A_132 = tpu.memref_squeeze %dma_wait3A_131 : memref<1x128x128xf32, #tpu.memory_space<vmem>> -> memref<128x128xf32, #tpu.memory_space<vmem>>
      %dma_wait3A_133 = arith.constant 0 : i32
      %dma_wait3A_134 = arith.constant 0 : i32
      %dma_wait3A_135 = tpu.memref_slice %arg2[%dma_wait3A_133, %dma_wait3A_134] : memref<40000x128xf32, #tpu.memory_space<hbm>> -> memref<128x128xf32, #tpu.memory_space<hbm>>
      tpu.wait_dma2 semaphore(%arg10 : memref<!tpu.dma_semaphore, #tpu.memory_space<semaphore_mem>>) src(%dma_wait3A_135 : memref<128x128xf32, #tpu.memory_space<hbm>>) dst(%dma_wait3A_132 : memref<128x128xf32, #tpu.memory_space<vmem>>)
      "tpu.region"() ({
        %run_scoped3A_136 = tpu.sem_alloc : memref<!tpu.dma_semaphore, #tpu.memory_space<semaphore_mem>>
        %dma_start3A_137 = arith.constant 0 : i32
        %dma_start3A_138 = arith.constant 0 : i32
        %dma_start3A_139 = tpu.memref_slice %arg9[%rem3A_120, %dma_start3A_137, %dma_start3A_138] : memref<2x128x128xf32, #tpu.memory_space<vmem>> -> memref<1x128x128xf32, #tpu.memory_space<vmem>>
        %dma_start3A_140 = tpu.memref_squeeze %dma_start3A_139 : memref<1x128x128xf32, #tpu.memory_space<vmem>> -> memref<128x128xf32, #tpu.memory_space<vmem>>
        %dma_start3A_141 = arith.constant 0 : i32
        %dma_start3A_142 = tpu.memref_slice %arg8[%scan3A_119, %dma_start3A_141] : memref<40x128xi32, #tpu.memory_space<vmem>> -> memref<1x128xi32, #tpu.memory_space<vmem>>
        %dma_start3A_143 = tpu.memref_squeeze %dma_start3A_142 : memref<1x128xi32, #tpu.memory_space<vmem>> -> memref<128xi32, #tpu.memory_space<vmem>>
        %dma_start3A_144 = arith.constant 0 : i32
        %dma_start3A_145 = arith.constant 0 : i32
        %dma_start3A_146 = tpu.memref_slice %arg6[%dma_start3A_144, %dma_start3A_145] : memref<10112x128xf32, #tpu.memory_space<vmem_shared>> -> memref<10112x128xf32, #tpu.memory_space<vmem_shared>>
        tpu.enqueue_indirect_dma source(%dma_start3A_140 : memref<128x128xf32, #tpu.memory_space<vmem>>) target(%dma_start3A_146 : memref<10112x128xf32, #tpu.memory_space<vmem_shared>>) offsets(%dma_start3A_143 : memref<128xi32, #tpu.memory_space<vmem>>) semaphore(%run_scoped3A_136 : memref<!tpu.dma_semaphore, #tpu.memory_space<semaphore_mem>>) {add = true}
        %dma_wait3A_147 = arith.constant 0 : i32
        %dma_wait3A_148 = arith.constant 0 : i32
        %dma_wait3A_149 = tpu.memref_slice %arg9[%rem3A_120, %dma_wait3A_147, %dma_wait3A_148] : memref<2x128x128xf32, #tpu.memory_space<vmem>> -> memref<1x128x128xf32, #tpu.memory_space<vmem>>
        %dma_wait3A_150 = tpu.memref_squeeze %dma_wait3A_149 : memref<1x128x128xf32, #tpu.memory_space<vmem>> -> memref<128x128xf32, #tpu.memory_space<vmem>>
        %dma_wait3A_151 = arith.constant 0 : i32
        %dma_wait3A_152 = tpu.memref_slice %arg8[%scan3A_119, %dma_wait3A_151] : memref<40x128xi32, #tpu.memory_space<vmem>> -> memref<1x128xi32, #tpu.memory_space<vmem>>
        %dma_wait3A_153 = tpu.memref_squeeze %dma_wait3A_152 : memref<1x128xi32, #tpu.memory_space<vmem>> -> memref<128xi32, #tpu.memory_space<vmem>>
        %dma_wait3A_154 = arith.constant 0 : i32
        %dma_wait3A_155 = arith.constant 0 : i32
        %dma_wait3A_156 = tpu.memref_slice %arg6[%dma_wait3A_154, %dma_wait3A_155] : memref<10112x128xf32, #tpu.memory_space<vmem_shared>> -> memref<10112x128xf32, #tpu.memory_space<vmem_shared>>
        tpu.wait_indirect_dma semaphore(%run_scoped3A_136 : memref<!tpu.dma_semaphore, #tpu.memory_space<semaphore_mem>>) src(%dma_wait3A_150 : memref<128x128xf32, #tpu.memory_space<vmem>>) dst(%dma_wait3A_156 : memref<10112x128xf32, #tpu.memory_space<vmem_shared>>)
        tpu.yield
      }) : () -> ()
    }
    %scan3A_117 = arith.constant 39 : i32
    %barrier3A_118 = arith.constant 0 : index
    tpu.barrier barrier_id(%barrier3A_118)
    "tpu.region"() ({
      %run_scoped3A_119 = tpu.sem_alloc : memref<!tpu.dma_semaphore, #tpu.memory_space<semaphore_mem>>
      %dma_start3A_120 = arith.constant 0 : i32
      %dma_start3A_121 = tpu.memref_slice %arg5[%add3A_83, %mul3A_0, %dma_start3A_120] : memref<4x10112x128xf32, #tpu.memory_space<hbm>> -> memref<1x632x128xf32, #tpu.memory_space<hbm>>
      %dma_start3A_122 = tpu.memref_squeeze %dma_start3A_121 : memref<1x632x128xf32, #tpu.memory_space<hbm>> -> memref<632x128xf32, #tpu.memory_space<hbm>>
      %dma_start3A_123 = arith.constant 0 : i32
      %dma_start3A_124 = tpu.memref_slice %arg6[%mul3A_0, %dma_start3A_123] : memref<10112x128xf32, #tpu.memory_space<vmem_shared>> -> memref<632x128xf32, #tpu.memory_space<vmem_shared>>
      tpu.enqueue_dma source(%dma_start3A_124 : memref<632x128xf32, #tpu.memory_space<vmem_shared>>) target(%dma_start3A_122 : memref<632x128xf32, #tpu.memory_space<hbm>>) target_semaphore(%run_scoped3A_119 : memref<!tpu.dma_semaphore, #tpu.memory_space<semaphore_mem>>)
      %dma_wait3A = arith.constant 0 : i32
      %dma_wait3A_125 = tpu.memref_slice %arg5[%add3A_83, %mul3A_0, %dma_wait3A] : memref<4x10112x128xf32, #tpu.memory_space<hbm>> -> memref<1x632x128xf32, #tpu.memory_space<hbm>>
      %dma_wait3A_126 = tpu.memref_squeeze %dma_wait3A_125 : memref<1x632x128xf32, #tpu.memory_space<hbm>> -> memref<632x128xf32, #tpu.memory_space<hbm>>
      %dma_wait3A_127 = arith.constant 0 : i32
      %dma_wait3A_128 = tpu.memref_slice %arg6[%mul3A_0, %dma_wait3A_127] : memref<10112x128xf32, #tpu.memory_space<vmem_shared>> -> memref<632x128xf32, #tpu.memory_space<vmem_shared>>
      tpu.wait_dma2 semaphore(%run_scoped3A_119 : memref<!tpu.dma_semaphore, #tpu.memory_space<semaphore_mem>>) src(%dma_wait3A_128 : memref<632x128xf32, #tpu.memory_space<vmem_shared>>) dst(%dma_wait3A_126 : memref<632x128xf32, #tpu.memory_space<hbm>>)
      tpu.yield
    }) : () -> ()
    return
  }
}

#map = affine_map<(d0, d1) -> (0, 0)>
#map1 = affine_map<(d0, d1) -> (0, 0, 0, 0)>
#map2 = affine_map<(d0, d1) -> (0, 0, 0)>
module attributes {stable_mosaic.version = 14 : i64} {
  func.func @_agg_body(%arg0: i32, %arg1: i32, %arg2: memref<40000x128xf32, #tpu.memory_space<hbm>>, %arg3: memref<4x16x79x128xi32, #tpu.memory_space<hbm>>, %arg4: memref<16x79x128xi32, #tpu.memory_space<hbm>>, %arg5: memref<4x10112x128xf32, #tpu.memory_space<hbm>>, %arg6: memref<10112x128xf32, #tpu.memory_space<vmem_shared>>, %arg7: memref<40x128xi32, #tpu.memory_space<vmem>>, %arg8: memref<40x128xi32, #tpu.memory_space<vmem>>, %arg9: memref<2x128x128xf32, #tpu.memory_space<vmem>>, %arg10: memref<!tpu.dma_semaphore, #tpu.memory_space<semaphore_mem>>) attributes {dimension_semantics = [#tpu.dimension_semantics<core_parallel>, #tpu.dimension_semantics<subcore_parallel>], iteration_bounds = array<i64: 2, 16>, scalar_prefetch = 0 : i64, scratch_operands = 5 : i64, tpu.core_type = #tpu.core_type<sc_vector_subcore>, window_params = [{transform_indices = #map}, {transform_indices = #map1}, {transform_indices = #map2}, {transform_indices = #map2}]} {
    %mul3A = arith.constant 632 : i32
    %mul3A_0 = arith.muli %arg1, %mul3A : i32
    %scan3A = arith.constant 0 : i32
    %scan3A_1 = arith.constant 1024 : i32
    %scan3A_2 = arith.addi %scan3A, %scan3A_1 : i32
    %scan3A_3 = arith.constant 1 : i32
    scf.for %scan3A_119 = %scan3A to %scan3A_2 step %scan3A_3  : i32 {
      %broadcast_in_dim3A = arith.constant 0.000000e+00 : f32
      %broadcast_in_dim3A_120 = vector.broadcast %broadcast_in_dim3A : f32 to vector<16xf32>
      %jit3A = arith.constant 8 : i32
      %div3A = arith.divsi %scan3A_119, %jit3A : i32
      %sign3A = arith.constant 0 : i32
      %sign3A_121 = arith.cmpi sgt, %scan3A_119, %sign3A : i32
      %sign3A_122 = arith.extui %sign3A_121 : i1 to i32
      %sign3A_123 = arith.constant 0 : i32
      %sign3A_124 = arith.cmpi slt, %scan3A_119, %sign3A_123 : i32
      %sign3A_125 = arith.extui %sign3A_124 : i1 to i32
      %sign3A_126 = arith.subi %sign3A_122, %sign3A_125 : i32
      %sign3A_127 = arith.constant 0 : i32
      %sign3A_128 = arith.cmpi sgt, %jit3A, %sign3A_127 : i32
      %sign3A_129 = arith.extui %sign3A_128 : i1 to i32
      %sign3A_130 = arith.constant 0 : i32
      %sign3A_131 = arith.cmpi slt, %jit3A, %sign3A_130 : i32
      %sign3A_132 = arith.extui %sign3A_131 : i1 to i32
      %sign3A_133 = arith.subi %sign3A_129, %sign3A_132 : i32
      %ne3A = arith.cmpi ne, %sign3A_126, %sign3A_133 : i32
      %rem3A = arith.remsi %scan3A_119, %jit3A : i32
      %ne3A_134 = arith.constant 0 : i32
      %ne3A_135 = arith.cmpi ne, %rem3A, %ne3A_134 : i32
      %and3A = arith.andi %ne3A, %ne3A_135 : i1
      %sub3A_136 = arith.constant 1 : i32
      %sub3A_137 = arith.subi %div3A, %sub3A_136 : i32
      %select_n3A = arith.select %and3A, %sub3A_137, %div3A : i32
      %jit3A_138 = arith.constant 8 : i32
      %eq3A = arith.constant 0 : i32
      %eq3A_139 = arith.cmpi eq, %jit3A_138, %eq3A : i32
      %jit3A_140 = arith.constant 1 : i32
      %select_n3A_141 = arith.select %eq3A_139, %jit3A_140, %jit3A_138 : i32
      %rem3A_142 = arith.remsi %scan3A_119, %select_n3A_141 : i32
      %ne3A_143 = arith.constant 0 : i32
      %ne3A_144 = arith.cmpi ne, %rem3A_142, %ne3A_143 : i32
      %lt3A = arith.constant 0 : i32
      %lt3A_145 = arith.cmpi slt, %rem3A_142, %lt3A : i32
      %lt3A_146 = arith.constant 0 : i32
      %lt3A_147 = arith.cmpi slt, %select_n3A_141, %lt3A_146 : i32
      %ne3A_148 = arith.xori %lt3A_145, %lt3A_147 : i1
      %and3A_149 = arith.andi %ne3A_148, %ne3A_144 : i1
      %add3A_150 = arith.addi %rem3A_142, %select_n3A_141 : i32
      %select_n3A_151 = arith.select %and3A_149, %add3A_150, %rem3A_142 : i32
      %mul3A_152 = arith.constant 16 : i32
      %mul3A_153 = arith.muli %select_n3A_151, %mul3A_152 : i32
      %swap3A = arith.constant 0 : i32
      %swap3A_154 = arith.index_cast %swap3A : i32 to index
      %swap3A_155 = arith.index_cast %select_n3A : i32 to index
      %swap3A_156 = arith.index_cast %mul3A_153 : i32 to index
      %swap3A_157 = tpu.vector_load %arg9[%swap3A_154, %swap3A_155, %swap3A_156] {strides = array<i32>} : memref<2x128x128xf32, #tpu.memory_space<vmem>>, vector<1x1x16xf32>,
      %swap3A_158 = vector.shape_cast %swap3A_157 : vector<1x1x16xf32> to vector<16xf32>
      %swap3A_159 = vector.shape_cast %broadcast_in_dim3A_120 : vector<16xf32> to vector<1x1x16xf32>
      tpu.vector_store %arg9[%swap3A_154, %swap3A_155, %swap3A_156], %swap3A_159 {strides = array<i32>} : memref<2x128x128xf32, #tpu.memory_space<vmem>>, vector<1x1x16xf32>,
    }
    %scan3A_4 = arith.constant 1024 : i32
    %add3A = arith.constant 0 : i32
    %add3A_5 = arith.addi %mul3A_0, %add3A : i32
    %run_scoped3A = arith.constant 0 : i32
    "tpu.region"() ({
      %run_scoped3A_119 = tpu.sem_alloc : memref<!tpu.dma_semaphore, #tpu.memory_space<semaphore_mem>>
      %dma_start3A_120 = arith.constant 0 : i32
      %dma_start3A_121 = arith.constant 0 : i32
      %dma_start3A_122 = tpu.memref_slice %arg9[%run_scoped3A, %dma_start3A_120, %dma_start3A_121] : memref<2x128x128xf32, #tpu.memory_space<vmem>> -> memref<1x128x128xf32, #tpu.memory_space<vmem>>
      %dma_start3A_123 = tpu.memref_squeeze %dma_start3A_122 : memref<1x128x128xf32, #tpu.memory_space<vmem>> -> memref<128x128xf32, #tpu.memory_space<vmem>>
      %dma_start3A_124 = arith.constant 0 : i32
      %dma_start3A_125 = tpu.memref_slice %arg6[%add3A_5, %dma_start3A_124] : memref<10112x128xf32, #tpu.memory_space<vmem_shared>> -> memref<128x128xf32, #tpu.memory_space<vmem_shared>>
      %dma_start3A_126 = arith.constant 0 : i32
      %dma_start3A_127 = tpu.memref_slice %arg6[%add3A_5, %dma_start3A_126] : memref<10112x128xf32, #tpu.memory_space<vmem_shared>> -> memref<128x128xf32, #tpu.memory_space<vmem_shared>>
      %dma_start3A_128 = arith.constant 0 : i32
      %dma_start3A_129 = arith.constant 0 : i32
      %dma_start3A_130 = tpu.memref_slice %arg9[%run_scoped3A, %dma_start3A_128, %dma_start3A_129] : memref<2x128x128xf32, #tpu.memory_space<vmem>> -> memref<1x128x128xf32, #tpu.memory_space<vmem>>
      %dma_start3A_131 = tpu.memref_squeeze %dma_start3A_130 : memref<1x128x128xf32, #tpu.memory_space<vmem>> -> memref<128x128xf32, #tpu.memory_space<vmem>>
      tpu.enqueue_dma source(%dma_start3A_131 : memref<128x128xf32, #tpu.memory_space<vmem>>) target(%dma_start3A_127 : memref<128x128xf32, #tpu.memory_space<vmem_shared>>) target_semaphore(%run_scoped3A_119 : memref<!tpu.dma_semaphore, #tpu.memory_space<semaphore_mem>>)
      %dma_wait3A = arith.constant 0 : i32
      %dma_wait3A_132 = arith.constant 0 : i32
      %dma_wait3A_133 = tpu.memref_slice %arg9[%run_scoped3A, %dma_wait3A, %dma_wait3A_132] : memref<2x128x128xf32, #tpu.memory_space<vmem>> -> memref<1x128x128xf32, #tpu.memory_space<vmem>>
      %dma_wait3A_134 = tpu.memref_squeeze %dma_wait3A_133 : memref<1x128x128xf32, #tpu.memory_space<vmem>> -> memref<128x128xf32, #tpu.memory_space<vmem>>
      %dma_wait3A_135 = arith.constant 0 : i32
      %dma_wait3A_136 = tpu.memref_slice %arg6[%add3A_5, %dma_wait3A_135] : memref<10112x128xf32, #tpu.memory_space<vmem_shared>> -> memref<128x128xf32, #tpu.memory_space<vmem_shared>>
      %dma_wait3A_137 = arith.constant 0 : i32
      %dma_wait3A_138 = tpu.memref_slice %arg6[%add3A_5, %dma_wait3A_137] : memref<10112x128xf32, #tpu.memory_space<vmem_shared>> -> memref<128x128xf32, #tpu.memory_space<vmem_shared>>
      %dma_wait3A_139 = arith.constant 0 : i32
      %dma_wait3A_140 = arith.constant 0 : i32
      %dma_wait3A_141 = tpu.memref_slice %arg9[%run_scoped3A, %dma_wait3A_139, %dma_wait3A_140] : memref<2x128x128xf32, #tpu.memory_space<vmem>> -> memref<1x128x128xf32, #tpu.memory_space<vmem>>
      %dma_wait3A_142 = tpu.memref_squeeze %dma_wait3A_141 : memref<1x128x128xf32, #tpu.memory_space<vmem>> -> memref<128x128xf32, #tpu.memory_space<vmem>>
      tpu.wait_dma2 semaphore(%run_scoped3A_119 : memref<!tpu.dma_semaphore, #tpu.memory_space<semaphore_mem>>) src(%dma_wait3A_142 : memref<128x128xf32, #tpu.memory_space<vmem>>) dst(%dma_wait3A_138 : memref<128x128xf32, #tpu.memory_space<vmem_shared>>)
      tpu.yield
    }) : () -> ()
    %add3A_6 = arith.constant 128 : i32
    %add3A_7 = arith.addi %mul3A_0, %add3A_6 : i32
    %run_scoped3A_8 = arith.constant 0 : i32
    "tpu.region"() ({
      %run_scoped3A_119 = tpu.sem_alloc : memref<!tpu.dma_semaphore, #tpu.memory_space<semaphore_mem>>
      %dma_start3A_120 = arith.constant 0 : i32
      %dma_start3A_121 = arith.constant 0 : i32
      %dma_start3A_122 = tpu.memref_slice %arg9[%run_scoped3A_8, %dma_start3A_120, %dma_start3A_121] : memref<2x128x128xf32, #tpu.memory_space<vmem>> -> memref<1x128x128xf32, #tpu.memory_space<vmem>>
      %dma_start3A_123 = tpu.memref_squeeze %dma_start3A_122 : memref<1x128x128xf32, #tpu.memory_space<vmem>> -> memref<128x128xf32, #tpu.memory_space<vmem>>
      %dma_start3A_124 = arith.constant 0 : i32
      %dma_start3A_125 = tpu.memref_slice %arg6[%add3A_7, %dma_start3A_124] : memref<10112x128xf32, #tpu.memory_space<vmem_shared>> -> memref<128x128xf32, #tpu.memory_space<vmem_shared>>
      %dma_start3A_126 = arith.constant 0 : i32
      %dma_start3A_127 = tpu.memref_slice %arg6[%add3A_7, %dma_start3A_126] : memref<10112x128xf32, #tpu.memory_space<vmem_shared>> -> memref<128x128xf32, #tpu.memory_space<vmem_shared>>
      %dma_start3A_128 = arith.constant 0 : i32
      %dma_start3A_129 = arith.constant 0 : i32
      %dma_start3A_130 = tpu.memref_slice %arg9[%run_scoped3A_8, %dma_start3A_128, %dma_start3A_129] : memref<2x128x128xf32, #tpu.memory_space<vmem>> -> memref<1x128x128xf32, #tpu.memory_space<vmem>>
      %dma_start3A_131 = tpu.memref_squeeze %dma_start3A_130 : memref<1x128x128xf32, #tpu.memory_space<vmem>> -> memref<128x128xf32, #tpu.memory_space<vmem>>
      tpu.enqueue_dma source(%dma_start3A_131 : memref<128x128xf32, #tpu.memory_space<vmem>>) target(%dma_start3A_127 : memref<128x128xf32, #tpu.memory_space<vmem_shared>>) target_semaphore(%run_scoped3A_119 : memref<!tpu.dma_semaphore, #tpu.memory_space<semaphore_mem>>)
      %dma_wait3A = arith.constant 0 : i32
      %dma_wait3A_132 = arith.constant 0 : i32
      %dma_wait3A_133 = tpu.memref_slice %arg9[%run_scoped3A_8, %dma_wait3A, %dma_wait3A_132] : memref<2x128x128xf32, #tpu.memory_space<vmem>> -> memref<1x128x128xf32, #tpu.memory_space<vmem>>
      %dma_wait3A_134 = tpu.memref_squeeze %dma_wait3A_133 : memref<1x128x128xf32, #tpu.memory_space<vmem>> -> memref<128x128xf32, #tpu.memory_space<vmem>>
      %dma_wait3A_135 = arith.constant 0 : i32
      %dma_wait3A_136 = tpu.memref_slice %arg6[%add3A_7, %dma_wait3A_135] : memref<10112x128xf32, #tpu.memory_space<vmem_shared>> -> memref<128x128xf32, #tpu.memory_space<vmem_shared>>
      %dma_wait3A_137 = arith.constant 0 : i32
      %dma_wait3A_138 = tpu.memref_slice %arg6[%add3A_7, %dma_wait3A_137] : memref<10112x128xf32, #tpu.memory_space<vmem_shared>> -> memref<128x128xf32, #tpu.memory_space<vmem_shared>>
      %dma_wait3A_139 = arith.constant 0 : i32
      %dma_wait3A_140 = arith.constant 0 : i32
      %dma_wait3A_141 = tpu.memref_slice %arg9[%run_scoped3A_8, %dma_wait3A_139, %dma_wait3A_140] : memref<2x128x128xf32, #tpu.memory_space<vmem>> -> memref<1x128x128xf32, #tpu.memory_space<vmem>>
      %dma_wait3A_142 = tpu.memref_squeeze %dma_wait3A_141 : memref<1x128x128xf32, #tpu.memory_space<vmem>> -> memref<128x128xf32, #tpu.memory_space<vmem>>
      tpu.wait_dma2 semaphore(%run_scoped3A_119 : memref<!tpu.dma_semaphore, #tpu.memory_space<semaphore_mem>>) src(%dma_wait3A_142 : memref<128x128xf32, #tpu.memory_space<vmem>>) dst(%dma_wait3A_138 : memref<128x128xf32, #tpu.memory_space<vmem_shared>>)
      tpu.yield
    }) : () -> ()
    %add3A_9 = arith.constant 256 : i32
    %add3A_10 = arith.addi %mul3A_0, %add3A_9 : i32
    %run_scoped3A_11 = arith.constant 0 : i32
    "tpu.region"() ({
      %run_scoped3A_119 = tpu.sem_alloc : memref<!tpu.dma_semaphore, #tpu.memory_space<semaphore_mem>>
      %dma_start3A_120 = arith.constant 0 : i32
      %dma_start3A_121 = arith.constant 0 : i32
      %dma_start3A_122 = tpu.memref_slice %arg9[%run_scoped3A_11, %dma_start3A_120, %dma_start3A_121] : memref<2x128x128xf32, #tpu.memory_space<vmem>> -> memref<1x128x128xf32, #tpu.memory_space<vmem>>
      %dma_start3A_123 = tpu.memref_squeeze %dma_start3A_122 : memref<1x128x128xf32, #tpu.memory_space<vmem>> -> memref<128x128xf32, #tpu.memory_space<vmem>>
      %dma_start3A_124 = arith.constant 0 : i32
      %dma_start3A_125 = tpu.memref_slice %arg6[%add3A_10, %dma_start3A_124] : memref<10112x128xf32, #tpu.memory_space<vmem_shared>> -> memref<128x128xf32, #tpu.memory_space<vmem_shared>>
      %dma_start3A_126 = arith.constant 0 : i32
      %dma_start3A_127 = tpu.memref_slice %arg6[%add3A_10, %dma_start3A_126] : memref<10112x128xf32, #tpu.memory_space<vmem_shared>> -> memref<128x128xf32, #tpu.memory_space<vmem_shared>>
      %dma_start3A_128 = arith.constant 0 : i32
      %dma_start3A_129 = arith.constant 0 : i32
      %dma_start3A_130 = tpu.memref_slice %arg9[%run_scoped3A_11, %dma_start3A_128, %dma_start3A_129] : memref<2x128x128xf32, #tpu.memory_space<vmem>> -> memref<1x128x128xf32, #tpu.memory_space<vmem>>
      %dma_start3A_131 = tpu.memref_squeeze %dma_start3A_130 : memref<1x128x128xf32, #tpu.memory_space<vmem>> -> memref<128x128xf32, #tpu.memory_space<vmem>>
      tpu.enqueue_dma source(%dma_start3A_131 : memref<128x128xf32, #tpu.memory_space<vmem>>) target(%dma_start3A_127 : memref<128x128xf32, #tpu.memory_space<vmem_shared>>) target_semaphore(%run_scoped3A_119 : memref<!tpu.dma_semaphore, #tpu.memory_space<semaphore_mem>>)
      %dma_wait3A = arith.constant 0 : i32
      %dma_wait3A_132 = arith.constant 0 : i32
      %dma_wait3A_133 = tpu.memref_slice %arg9[%run_scoped3A_11, %dma_wait3A, %dma_wait3A_132] : memref<2x128x128xf32, #tpu.memory_space<vmem>> -> memref<1x128x128xf32, #tpu.memory_space<vmem>>
      %dma_wait3A_134 = tpu.memref_squeeze %dma_wait3A_133 : memref<1x128x128xf32, #tpu.memory_space<vmem>> -> memref<128x128xf32, #tpu.memory_space<vmem>>
      %dma_wait3A_135 = arith.constant 0 : i32
      %dma_wait3A_136 = tpu.memref_slice %arg6[%add3A_10, %dma_wait3A_135] : memref<10112x128xf32, #tpu.memory_space<vmem_shared>> -> memref<128x128xf32, #tpu.memory_space<vmem_shared>>
      %dma_wait3A_137 = arith.constant 0 : i32
      %dma_wait3A_138 = tpu.memref_slice %arg6[%add3A_10, %dma_wait3A_137] : memref<10112x128xf32, #tpu.memory_space<vmem_shared>> -> memref<128x128xf32, #tpu.memory_space<vmem_shared>>
      %dma_wait3A_139 = arith.constant 0 : i32
      %dma_wait3A_140 = arith.constant 0 : i32
      %dma_wait3A_141 = tpu.memref_slice %arg9[%run_scoped3A_11, %dma_wait3A_139, %dma_wait3A_140] : memref<2x128x128xf32, #tpu.memory_space<vmem>> -> memref<1x128x128xf32, #tpu.memory_space<vmem>>
      %dma_wait3A_142 = tpu.memref_squeeze %dma_wait3A_141 : memref<1x128x128xf32, #tpu.memory_space<vmem>> -> memref<128x128xf32, #tpu.memory_space<vmem>>
      tpu.wait_dma2 semaphore(%run_scoped3A_119 : memref<!tpu.dma_semaphore, #tpu.memory_space<semaphore_mem>>) src(%dma_wait3A_142 : memref<128x128xf32, #tpu.memory_space<vmem>>) dst(%dma_wait3A_138 : memref<128x128xf32, #tpu.memory_space<vmem_shared>>)
      tpu.yield
    }) : () -> ()
    %add3A_12 = arith.constant 384 : i32
    %add3A_13 = arith.addi %mul3A_0, %add3A_12 : i32
    %run_scoped3A_14 = arith.constant 0 : i32
    "tpu.region"() ({
      %run_scoped3A_119 = tpu.sem_alloc : memref<!tpu.dma_semaphore, #tpu.memory_space<semaphore_mem>>
      %dma_start3A_120 = arith.constant 0 : i32
      %dma_start3A_121 = arith.constant 0 : i32
      %dma_start3A_122 = tpu.memref_slice %arg9[%run_scoped3A_14, %dma_start3A_120, %dma_start3A_121] : memref<2x128x128xf32, #tpu.memory_space<vmem>> -> memref<1x128x128xf32, #tpu.memory_space<vmem>>
      %dma_start3A_123 = tpu.memref_squeeze %dma_start3A_122 : memref<1x128x128xf32, #tpu.memory_space<vmem>> -> memref<128x128xf32, #tpu.memory_space<vmem>>
      %dma_start3A_124 = arith.constant 0 : i32
      %dma_start3A_125 = tpu.memref_slice %arg6[%add3A_13, %dma_start3A_124] : memref<10112x128xf32, #tpu.memory_space<vmem_shared>> -> memref<128x128xf32, #tpu.memory_space<vmem_shared>>
      %dma_start3A_126 = arith.constant 0 : i32
      %dma_start3A_127 = tpu.memref_slice %arg6[%add3A_13, %dma_start3A_126] : memref<10112x128xf32, #tpu.memory_space<vmem_shared>> -> memref<128x128xf32, #tpu.memory_space<vmem_shared>>
      %dma_start3A_128 = arith.constant 0 : i32
      %dma_start3A_129 = arith.constant 0 : i32
      %dma_start3A_130 = tpu.memref_slice %arg9[%run_scoped3A_14, %dma_start3A_128, %dma_start3A_129] : memref<2x128x128xf32, #tpu.memory_space<vmem>> -> memref<1x128x128xf32, #tpu.memory_space<vmem>>
      %dma_start3A_131 = tpu.memref_squeeze %dma_start3A_130 : memref<1x128x128xf32, #tpu.memory_space<vmem>> -> memref<128x128xf32, #tpu.memory_space<vmem>>
      tpu.enqueue_dma source(%dma_start3A_131 : memref<128x128xf32, #tpu.memory_space<vmem>>) target(%dma_start3A_127 : memref<128x128xf32, #tpu.memory_space<vmem_shared>>) target_semaphore(%run_scoped3A_119 : memref<!tpu.dma_semaphore, #tpu.memory_space<semaphore_mem>>)
      %dma_wait3A = arith.constant 0 : i32
      %dma_wait3A_132 = arith.constant 0 : i32
      %dma_wait3A_133 = tpu.memref_slice %arg9[%run_scoped3A_14, %dma_wait3A, %dma_wait3A_132] : memref<2x128x128xf32, #tpu.memory_space<vmem>> -> memref<1x128x128xf32, #tpu.memory_space<vmem>>
      %dma_wait3A_134 = tpu.memref_squeeze %dma_wait3A_133 : memref<1x128x128xf32, #tpu.memory_space<vmem>> -> memref<128x128xf32, #tpu.memory_space<vmem>>
      %dma_wait3A_135 = arith.constant 0 : i32
      %dma_wait3A_136 = tpu.memref_slice %arg6[%add3A_13, %dma_wait3A_135] : memref<10112x128xf32, #tpu.memory_space<vmem_shared>> -> memref<128x128xf32, #tpu.memory_space<vmem_shared>>
      %dma_wait3A_137 = arith.constant 0 : i32
      %dma_wait3A_138 = tpu.memref_slice %arg6[%add3A_13, %dma_wait3A_137] : memref<10112x128xf32, #tpu.memory_space<vmem_shared>> -> memref<128x128xf32, #tpu.memory_space<vmem_shared>>
      %dma_wait3A_139 = arith.constant 0 : i32
      %dma_wait3A_140 = arith.constant 0 : i32
      %dma_wait3A_141 = tpu.memref_slice %arg9[%run_scoped3A_14, %dma_wait3A_139, %dma_wait3A_140] : memref<2x128x128xf32, #tpu.memory_space<vmem>> -> memref<1x128x128xf32, #tpu.memory_space<vmem>>
      %dma_wait3A_142 = tpu.memref_squeeze %dma_wait3A_141 : memref<1x128x128xf32, #tpu.memory_space<vmem>> -> memref<128x128xf32, #tpu.memory_space<vmem>>
      tpu.wait_dma2 semaphore(%run_scoped3A_119 : memref<!tpu.dma_semaphore, #tpu.memory_space<semaphore_mem>>) src(%dma_wait3A_142 : memref<128x128xf32, #tpu.memory_space<vmem>>) dst(%dma_wait3A_138 : memref<128x128xf32, #tpu.memory_space<vmem_shared>>)
      tpu.yield
    }) : () -> ()
    %add3A_15 = arith.constant 632 : i32
    %add3A_16 = arith.addi %mul3A_0, %add3A_15 : i32
    %sub3A = arith.constant 120 : i32
    %sub3A_17 = arith.subi %add3A_16, %sub3A : i32
    %run_scoped3A_18 = arith.constant 0 : i32
    "tpu.region"() ({
      %run_scoped3A_119 = tpu.sem_alloc : memref<!tpu.dma_semaphore, #tpu.memory_space<semaphore_mem>>
      %dma_start3A_120 = arith.constant 0 : i32
      %dma_start3A_121 = arith.constant 0 : i32
      %dma_start3A_122 = tpu.memref_slice %arg9[%run_scoped3A_18, %dma_start3A_120, %dma_start3A_121] : memref<2x128x128xf32, #tpu.memory_space<vmem>> -> memref<1x120x128xf32, #tpu.memory_space<vmem>>
      %dma_start3A_123 = tpu.memref_squeeze %dma_start3A_122 : memref<1x120x128xf32, #tpu.memory_space<vmem>> -> memref<120x128xf32, #tpu.memory_space<vmem>>
      %dma_start3A_124 = arith.constant 0 : i32
      %dma_start3A_125 = tpu.memref_slice %arg6[%sub3A_17, %dma_start3A_124] : memref<10112x128xf32, #tpu.memory_space<vmem_shared>> -> memref<120x128xf32, #tpu.memory_space<vmem_shared>>
      %dma_start3A_126 = arith.constant 0 : i32
      %dma_start3A_127 = tpu.memref_slice %arg6[%sub3A_17, %dma_start3A_126] : memref<10112x128xf32, #tpu.memory_space<vmem_shared>> -> memref<120x128xf32, #tpu.memory_space<vmem_shared>>
      %dma_start3A_128 = arith.constant 0 : i32
      %dma_start3A_129 = arith.constant 0 : i32
      %dma_start3A_130 = tpu.memref_slice %arg9[%run_scoped3A_18, %dma_start3A_128, %dma_start3A_129] : memref<2x128x128xf32, #tpu.memory_space<vmem>> -> memref<1x120x128xf32, #tpu.memory_space<vmem>>
      %dma_start3A_131 = tpu.memref_squeeze %dma_start3A_130 : memref<1x120x128xf32, #tpu.memory_space<vmem>> -> memref<120x128xf32, #tpu.memory_space<vmem>>
      tpu.enqueue_dma source(%dma_start3A_131 : memref<120x128xf32, #tpu.memory_space<vmem>>) target(%dma_start3A_127 : memref<120x128xf32, #tpu.memory_space<vmem_shared>>) target_semaphore(%run_scoped3A_119 : memref<!tpu.dma_semaphore, #tpu.memory_space<semaphore_mem>>)
      %dma_wait3A = arith.constant 0 : i32
      %dma_wait3A_132 = arith.constant 0 : i32
      %dma_wait3A_133 = tpu.memref_slice %arg9[%run_scoped3A_18, %dma_wait3A, %dma_wait3A_132] : memref<2x128x128xf32, #tpu.memory_space<vmem>> -> memref<1x120x128xf32, #tpu.memory_space<vmem>>
      %dma_wait3A_134 = tpu.memref_squeeze %dma_wait3A_133 : memref<1x120x128xf32, #tpu.memory_space<vmem>> -> memref<120x128xf32, #tpu.memory_space<vmem>>
      %dma_wait3A_135 = arith.constant 0 : i32
      %dma_wait3A_136 = tpu.memref_slice %arg6[%sub3A_17, %dma_wait3A_135] : memref<10112x128xf32, #tpu.memory_space<vmem_shared>> -> memref<120x128xf32, #tpu.memory_space<vmem_shared>>
      %dma_wait3A_137 = arith.constant 0 : i32
      %dma_wait3A_138 = tpu.memref_slice %arg6[%sub3A_17, %dma_wait3A_137] : memref<10112x128xf32, #tpu.memory_space<vmem_shared>> -> memref<120x128xf32, #tpu.memory_space<vmem_shared>>
      %dma_wait3A_139 = arith.constant 0 : i32
      %dma_wait3A_140 = arith.constant 0 : i32
      %dma_wait3A_141 = tpu.memref_slice %arg9[%run_scoped3A_18, %dma_wait3A_139, %dma_wait3A_140] : memref<2x128x128xf32, #tpu.memory_space<vmem>> -> memref<1x120x128xf32, #tpu.memory_space<vmem>>
      %dma_wait3A_142 = tpu.memref_squeeze %dma_wait3A_141 : memref<1x120x128xf32, #tpu.memory_space<vmem>> -> memref<120x128xf32, #tpu.memory_space<vmem>>
      tpu.wait_dma2 semaphore(%run_scoped3A_119 : memref<!tpu.dma_semaphore, #tpu.memory_space<semaphore_mem>>) src(%dma_wait3A_142 : memref<120x128xf32, #tpu.memory_space<vmem>>) dst(%dma_wait3A_138 : memref<120x128xf32, #tpu.memory_space<vmem_shared>>)
      tpu.yield
    }) : () -> ()
    %barrier3A = arith.constant 0 : index
    tpu.barrier barrier_id(%barrier3A)
    %mul3A_19 = arith.constant 2 : i32
    %mul3A_20 = arith.muli %mul3A_19, %arg0 : i32
    %add3A_21 = arith.constant 0 : i32
    %add3A_22 = arith.addi %mul3A_20, %add3A_21 : i32
    "tpu.region"() ({
      %run_scoped3A_119 = tpu.sem_alloc : memref<!tpu.dma_semaphore, #tpu.memory_space<semaphore_mem>>
      %dma_start3A_120 = arith.constant 0 : i32
      %dma_start3A_121 = arith.constant 0 : i32
      %dma_start3A_122 = tpu.memref_slice %arg7[%dma_start3A_120, %dma_start3A_121] : memref<40x128xi32, #tpu.memory_space<vmem>> -> memref<40x128xi32, #tpu.memory_space<vmem>>
      %dma_start3A_123 = arith.constant 0 : i32
      %dma_start3A_124 = arith.constant 0 : i32
      %dma_start3A_125 = tpu.memref_slice %arg3[%add3A_22, %arg1, %dma_start3A_123, %dma_start3A_124] : memref<4x16x79x128xi32, #tpu.memory_space<hbm>> -> memref<1x1x40x128xi32, #tpu.memory_space<hbm>>
      %dma_start3A_126 = tpu.memref_squeeze %dma_start3A_125 : memref<1x1x40x128xi32, #tpu.memory_space<hbm>> -> memref<40x128xi32, #tpu.memory_space<hbm>>
      %dma_start3A_127 = arith.constant 0 : i32
      %dma_start3A_128 = arith.constant 0 : i32
      %dma_start3A_129 = tpu.memref_slice %arg7[%dma_start3A_127, %dma_start3A_128] : memref<40x128xi32, #tpu.memory_space<vmem>> -> memref<40x128xi32, #tpu.memory_space<vmem>>
      %dma_start3A_130 = arith.constant 0 : i32
      %dma_start3A_131 = arith.constant 0 : i32
      %dma_start3A_132 = tpu.memref_slice %arg3[%add3A_22, %arg1, %dma_start3A_130, %dma_start3A_131] : memref<4x16x79x128xi32, #tpu.memory_space<hbm>> -> memref<1x1x40x128xi32, #tpu.memory_space<hbm>>
      %dma_start3A_133 = tpu.memref_squeeze %dma_start3A_132 : memref<1x1x40x128xi32, #tpu.memory_space<hbm>> -> memref<40x128xi32, #tpu.memory_space<hbm>>
      tpu.enqueue_dma source(%dma_start3A_133 : memref<40x128xi32, #tpu.memory_space<hbm>>) target(%dma_start3A_129 : memref<40x128xi32, #tpu.memory_space<vmem>>) target_semaphore(%run_scoped3A_119 : memref<!tpu.dma_semaphore, #tpu.memory_space<semaphore_mem>>)
      %dma_wait3A = arith.constant 0 : i32
      %dma_wait3A_134 = arith.constant 0 : i32
      %dma_wait3A_135 = tpu.memref_slice %arg7[%dma_wait3A, %dma_wait3A_134] : memref<40x128xi32, #tpu.memory_space<vmem>> -> memref<40x128xi32, #tpu.memory_space<vmem>>
      %dma_wait3A_136 = arith.constant 0 : i32
      %dma_wait3A_137 = arith.constant 0 : i32
      %dma_wait3A_138 = tpu.memref_slice %arg3[%add3A_22, %arg1, %dma_wait3A_136, %dma_wait3A_137] : memref<4x16x79x128xi32, #tpu.memory_space<hbm>> -> memref<1x1x40x128xi32, #tpu.memory_space<hbm>>
      %dma_wait3A_139 = tpu.memref_squeeze %dma_wait3A_138 : memref<1x1x40x128xi32, #tpu.memory_space<hbm>> -> memref<40x128xi32, #tpu.memory_space<hbm>>
      %dma_wait3A_140 = arith.constant 0 : i32
      %dma_wait3A_141 = arith.constant 0 : i32
      %dma_wait3A_142 = tpu.memref_slice %arg7[%dma_wait3A_140, %dma_wait3A_141] : memref<40x128xi32, #tpu.memory_space<vmem>> -> memref<40x128xi32, #tpu.memory_space<vmem>>
      %dma_wait3A_143 = arith.constant 0 : i32
      %dma_wait3A_144 = arith.constant 0 : i32
      %dma_wait3A_145 = tpu.memref_slice %arg3[%add3A_22, %arg1, %dma_wait3A_143, %dma_wait3A_144] : memref<4x16x79x128xi32, #tpu.memory_space<hbm>> -> memref<1x1x40x128xi32, #tpu.memory_space<hbm>>
      %dma_wait3A_146 = tpu.memref_squeeze %dma_wait3A_145 : memref<1x1x40x128xi32, #tpu.memory_space<hbm>> -> memref<40x128xi32, #tpu.memory_space<hbm>>
      tpu.wait_dma2 semaphore(%run_scoped3A_119 : memref<!tpu.dma_semaphore, #tpu.memory_space<semaphore_mem>>) src(%dma_wait3A_146 : memref<40x128xi32, #tpu.memory_space<hbm>>) dst(%dma_wait3A_142 : memref<40x128xi32, #tpu.memory_space<vmem>>)
      tpu.yield
    }) : () -> ()
    "tpu.region"() ({
      %run_scoped3A_119 = tpu.sem_alloc : memref<!tpu.dma_semaphore, #tpu.memory_space<semaphore_mem>>
      %dma_start3A_120 = arith.constant 0 : i32
      %dma_start3A_121 = arith.constant 0 : i32
      %dma_start3A_122 = tpu.memref_slice %arg8[%dma_start3A_120, %dma_start3A_121] : memref<40x128xi32, #tpu.memory_space<vmem>> -> memref<40x128xi32, #tpu.memory_space<vmem>>
      %dma_start3A_123 = arith.constant 0 : i32
      %dma_start3A_124 = arith.constant 0 : i32
      %dma_start3A_125 = tpu.memref_slice %arg4[%arg1, %dma_start3A_123, %dma_start3A_124] : memref<16x79x128xi32, #tpu.memory_space<hbm>> -> memref<1x40x128xi32, #tpu.memory_space<hbm>>
      %dma_start3A_126 = tpu.memref_squeeze %dma_start3A_125 : memref<1x40x128xi32, #tpu.memory_space<hbm>> -> memref<40x128xi32, #tpu.memory_space<hbm>>
      %dma_start3A_127 = arith.constant 0 : i32
      %dma_start3A_128 = arith.constant 0 : i32
      %dma_start3A_129 = tpu.memref_slice %arg8[%dma_start3A_127, %dma_start3A_128] : memref<40x128xi32, #tpu.memory_space<vmem>> -> memref<40x128xi32, #tpu.memory_space<vmem>>
      %dma_start3A_130 = arith.constant 0 : i32
      %dma_start3A_131 = arith.constant 0 : i32
      %dma_start3A_132 = tpu.memref_slice %arg4[%arg1, %dma_start3A_130, %dma_start3A_131] : memref<16x79x128xi32, #tpu.memory_space<hbm>> -> memref<1x40x128xi32, #tpu.memory_space<hbm>>
      %dma_start3A_133 = tpu.memref_squeeze %dma_start3A_132 : memref<1x40x128xi32, #tpu.memory_space<hbm>> -> memref<40x128xi32, #tpu.memory_space<hbm>>
      tpu.enqueue_dma source(%dma_start3A_133 : memref<40x128xi32, #tpu.memory_space<hbm>>) target(%dma_start3A_129 : memref<40x128xi32, #tpu.memory_space<vmem>>) target_semaphore(%run_scoped3A_119 : memref<!tpu.dma_semaphore, #tpu.memory_space<semaphore_mem>>)
      %dma_wait3A = arith.constant 0 : i32
      %dma_wait3A_134 = arith.constant 0 : i32
      %dma_wait3A_135 = tpu.memref_slice %arg8[%dma_wait3A, %dma_wait3A_134] : memref<40x128xi32, #tpu.memory_space<vmem>> -> memref<40x128xi32, #tpu.memory_space<vmem>>
      %dma_wait3A_136 = arith.constant 0 : i32
      %dma_wait3A_137 = arith.constant 0 : i32
      %dma_wait3A_138 = tpu.memref_slice %arg4[%arg1, %dma_wait3A_136, %dma_wait3A_137] : memref<16x79x128xi32, #tpu.memory_space<hbm>> -> memref<1x40x128xi32, #tpu.memory_space<hbm>>
      %dma_wait3A_139 = tpu.memref_squeeze %dma_wait3A_138 : memref<1x40x128xi32, #tpu.memory_space<hbm>> -> memref<40x128xi32, #tpu.memory_space<hbm>>
      %dma_wait3A_140 = arith.constant 0 : i32
      %dma_wait3A_141 = arith.constant 0 : i32
      %dma_wait3A_142 = tpu.memref_slice %arg8[%dma_wait3A_140, %dma_wait3A_141] : memref<40x128xi32, #tpu.memory_space<vmem>> -> memref<40x128xi32, #tpu.memory_space<vmem>>
      %dma_wait3A_143 = arith.constant 0 : i32
      %dma_wait3A_144 = arith.constant 0 : i32
      %dma_wait3A_145 = tpu.memref_slice %arg4[%arg1, %dma_wait3A_143, %dma_wait3A_144] : memref<16x79x128xi32, #tpu.memory_space<hbm>> -> memref<1x40x128xi32, #tpu.memory_space<hbm>>
      %dma_wait3A_146 = tpu.memref_squeeze %dma_wait3A_145 : memref<1x40x128xi32, #tpu.memory_space<hbm>> -> memref<40x128xi32, #tpu.memory_space<hbm>>
      tpu.wait_dma2 semaphore(%run_scoped3A_119 : memref<!tpu.dma_semaphore, #tpu.memory_space<semaphore_mem>>) src(%dma_wait3A_146 : memref<40x128xi32, #tpu.memory_space<hbm>>) dst(%dma_wait3A_142 : memref<40x128xi32, #tpu.memory_space<vmem>>)
      tpu.yield
    }) : () -> ()
    %dma_start3A = arith.constant 0 : i32
    %dma_start3A_23 = arith.constant 0 : i32
    %dma_start3A_24 = arith.constant 0 : i32
    %dma_start3A_25 = arith.constant 0 : i32
    %dma_start3A_26 = tpu.memref_slice %arg9[%dma_start3A_23, %dma_start3A_24, %dma_start3A_25] : memref<2x128x128xf32, #tpu.memory_space<vmem>> -> memref<1x128x128xf32, #tpu.memory_space<vmem>>
    %dma_start3A_27 = tpu.memref_squeeze %dma_start3A_26 : memref<1x128x128xf32, #tpu.memory_space<vmem>> -> memref<128x128xf32, #tpu.memory_space<vmem>>
    %dma_start3A_28 = arith.constant 0 : i32
    %dma_start3A_29 = tpu.memref_slice %arg7[%dma_start3A, %dma_start3A_28] : memref<40x128xi32, #tpu.memory_space<vmem>> -> memref<1x128xi32, #tpu.memory_space<vmem>>
    %dma_start3A_30 = tpu.memref_squeeze %dma_start3A_29 : memref<1x128xi32, #tpu.memory_space<vmem>> -> memref<128xi32, #tpu.memory_space<vmem>>
    %dma_start3A_31 = arith.constant 0 : i32
    %dma_start3A_32 = arith.constant 0 : i32
    %dma_start3A_33 = tpu.memref_slice %arg2[%dma_start3A_31, %dma_start3A_32] : memref<40000x128xf32, #tpu.memory_space<hbm>> -> memref<40000x128xf32, #tpu.memory_space<hbm>>
    tpu.enqueue_indirect_dma source(%dma_start3A_33 : memref<40000x128xf32, #tpu.memory_space<hbm>>) target(%dma_start3A_27 : memref<128x128xf32, #tpu.memory_space<vmem>>) offsets(%dma_start3A_30 : memref<128xi32, #tpu.memory_space<vmem>>) semaphore(%arg10 : memref<!tpu.dma_semaphore, #tpu.memory_space<semaphore_mem>>)
    %scan3A_34 = arith.constant 0 : i32
    %scan3A_35 = arith.constant 40 : i32
    %scan3A_36 = arith.addi %scan3A_34, %scan3A_35 : i32
    %scan3A_37 = arith.constant 1 : i32
    scf.for %scan3A_119 = %scan3A_34 to %scan3A_36 step %scan3A_37  : i32 {
      %rem3A = arith.constant 2 : i32
      %rem3A_120 = arith.remsi %scan3A_119, %rem3A : i32
      %lt3A = arith.constant 39 : i32
      %lt3A_121 = arith.cmpi slt, %scan3A_119, %lt3A : i32
      %convert_element_type3A = arith.extui %lt3A_121 : i1 to i32
      %cond3A = arith.constant 0 : i32
      %cond3A_122 = arith.cmpi ne, %convert_element_type3A, %cond3A : i32
      scf.if %cond3A_122 {
        %add3A_136 = arith.constant 2 : i32
        %add3A_137 = arith.addi %scan3A_119, %add3A_136 : i32
        %sub3A_138 = arith.constant 1 : i32
        %sub3A_139 = arith.subi %add3A_137, %sub3A_138 : i32
        %add3A_140 = arith.constant 2 : i32
        %add3A_141 = arith.addi %scan3A_119, %add3A_140 : i32
        %sub3A_142 = arith.constant 1 : i32
        %sub3A_143 = arith.subi %add3A_141, %sub3A_142 : i32
        %rem3A_144 = arith.constant 2 : i32
        %rem3A_145 = arith.remsi %sub3A_143, %rem3A_144 : i32
        %dma_start3A_146 = arith.constant 0 : i32
        %dma_start3A_147 = arith.constant 0 : i32
        %dma_start3A_148 = tpu.memref_slice %arg9[%rem3A_145, %dma_start3A_146, %dma_start3A_147] : memref<2x128x128xf32, #tpu.memory_space<vmem>> -> memref<1x128x128xf32, #tpu.memory_space<vmem>>
        %dma_start3A_149 = tpu.memref_squeeze %dma_start3A_148 : memref<1x128x128xf32, #tpu.memory_space<vmem>> -> memref<128x128xf32, #tpu.memory_space<vmem>>
        %dma_start3A_150 = arith.constant 0 : i32
        %dma_start3A_151 = tpu.memref_slice %arg7[%sub3A_139, %dma_start3A_150] : memref<40x128xi32, #tpu.memory_space<vmem>> -> memref<1x128xi32, #tpu.memory_space<vmem>>
        %dma_start3A_152 = tpu.memref_squeeze %dma_start3A_151 : memref<1x128xi32, #tpu.memory_space<vmem>> -> memref<128xi32, #tpu.memory_space<vmem>>
        %dma_start3A_153 = arith.constant 0 : i32
        %dma_start3A_154 = arith.constant 0 : i32
        %dma_start3A_155 = tpu.memref_slice %arg2[%dma_start3A_153, %dma_start3A_154] : memref<40000x128xf32, #tpu.memory_space<hbm>> -> memref<40000x128xf32, #tpu.memory_space<hbm>>
        tpu.enqueue_indirect_dma source(%dma_start3A_155 : memref<40000x128xf32, #tpu.memory_space<hbm>>) target(%dma_start3A_149 : memref<128x128xf32, #tpu.memory_space<vmem>>) offsets(%dma_start3A_152 : memref<128xi32, #tpu.memory_space<vmem>>) semaphore(%arg10 : memref<!tpu.dma_semaphore, #tpu.memory_space<semaphore_mem>>)
      } else {
      }
      %dma_wait3A = arith.constant 0 : i32
      %dma_wait3A_123 = arith.constant 0 : i32
      %dma_wait3A_124 = tpu.memref_slice %arg9[%rem3A_120, %dma_wait3A, %dma_wait3A_123] : memref<2x128x128xf32, #tpu.memory_space<vmem>> -> memref<1x128x128xf32, #tpu.memory_space<vmem>>
      %dma_wait3A_125 = tpu.memref_squeeze %dma_wait3A_124 : memref<1x128x128xf32, #tpu.memory_space<vmem>> -> memref<128x128xf32, #tpu.memory_space<vmem>>
      %dma_wait3A_126 = arith.constant 0 : i32
      %dma_wait3A_127 = arith.constant 0 : i32
      %dma_wait3A_128 = tpu.memref_slice %arg2[%dma_wait3A_126, %dma_wait3A_127] : memref<40000x128xf32, #tpu.memory_space<hbm>> -> memref<128x128xf32, #tpu.memory_space<hbm>>
      %dma_wait3A_129 = arith.constant 0 : i32
      %dma_wait3A_130 = arith.constant 0 : i32
      %dma_wait3A_131 = tpu.memref_slice %arg9[%rem3A_120, %dma_wait3A_129, %dma_wait3A_130] : memref<2x128x128xf32, #tpu.memory_space<vmem>> -> memref<1x128x128xf32, #tpu.memory_space<vmem>>
      %dma_wait3A_132 = tpu.memref_squeeze %dma_wait3A_131 : memref<1x128x128xf32, #tpu.memory_space<vmem>> -> memref<128x128xf32, #tpu.memory_space<vmem>>
      %dma_wait3A_133 = arith.constant 0 : i32
      %dma_wait3A_134 = arith.constant 0 : i32
      %dma_wait3A_135 = tpu.memref_slice %arg2[%dma_wait3A_133, %dma_wait3A_134] : memref<40000x128xf32, #tpu.memory_space<hbm>> -> memref<128x128xf32, #tpu.memory_space<hbm>>
      tpu.wait_dma2 semaphore(%arg10 : memref<!tpu.dma_semaphore, #tpu.memory_space<semaphore_mem>>) src(%dma_wait3A_135 : memref<128x128xf32, #tpu.memory_space<hbm>>) dst(%dma_wait3A_132 : memref<128x128xf32, #tpu.memory_space<vmem>>)
      "tpu.region"() ({
        %run_scoped3A_136 = tpu.sem_alloc : memref<!tpu.dma_semaphore, #tpu.memory_space<semaphore_mem>>
        %dma_start3A_137 = arith.constant 0 : i32
        %dma_start3A_138 = arith.constant 0 : i32
        %dma_start3A_139 = tpu.memref_slice %arg9[%rem3A_120, %dma_start3A_137, %dma_start3A_138] : memref<2x128x128xf32, #tpu.memory_space<vmem>> -> memref<1x128x128xf32, #tpu.memory_space<vmem>>
        %dma_start3A_140 = tpu.memref_squeeze %dma_start3A_139 : memref<1x128x128xf32, #tpu.memory_space<vmem>> -> memref<128x128xf32, #tpu.memory_space<vmem>>
        %dma_start3A_141 = arith.constant 0 : i32
        %dma_start3A_142 = tpu.memref_slice %arg8[%scan3A_119, %dma_start3A_141] : memref<40x128xi32, #tpu.memory_space<vmem>> -> memref<1x128xi32, #tpu.memory_space<vmem>>
        %dma_start3A_143 = tpu.memref_squeeze %dma_start3A_142 : memref<1x128xi32, #tpu.memory_space<vmem>> -> memref<128xi32, #tpu.memory_space<vmem>>
        %dma_start3A_144 = arith.constant 0 : i32
        %dma_start3A_145 = arith.constant 0 : i32
        %dma_start3A_146 = tpu.memref_slice %arg6[%dma_start3A_144, %dma_start3A_145] : memref<10112x128xf32, #tpu.memory_space<vmem_shared>> -> memref<10112x128xf32, #tpu.memory_space<vmem_shared>>
        tpu.enqueue_indirect_dma source(%dma_start3A_140 : memref<128x128xf32, #tpu.memory_space<vmem>>) target(%dma_start3A_146 : memref<10112x128xf32, #tpu.memory_space<vmem_shared>>) offsets(%dma_start3A_143 : memref<128xi32, #tpu.memory_space<vmem>>) semaphore(%run_scoped3A_136 : memref<!tpu.dma_semaphore, #tpu.memory_space<semaphore_mem>>) {add = true}
        %dma_wait3A_147 = arith.constant 0 : i32
        %dma_wait3A_148 = arith.constant 0 : i32
        %dma_wait3A_149 = tpu.memref_slice %arg9[%rem3A_120, %dma_wait3A_147, %dma_wait3A_148] : memref<2x128x128xf32, #tpu.memory_space<vmem>> -> memref<1x128x128xf32, #tpu.memory_space<vmem>>
        %dma_wait3A_150 = tpu.memref_squeeze %dma_wait3A_149 : memref<1x128x128xf32, #tpu.memory_space<vmem>> -> memref<128x128xf32, #tpu.memory_space<vmem>>
        %dma_wait3A_151 = arith.constant 0 : i32
        %dma_wait3A_152 = tpu.memref_slice %arg8[%scan3A_119, %dma_wait3A_151] : memref<40x128xi32, #tpu.memory_space<vmem>> -> memref<1x128xi32, #tpu.memory_space<vmem>>
        %dma_wait3A_153 = tpu.memref_squeeze %dma_wait3A_152 : memref<1x128xi32, #tpu.memory_space<vmem>> -> memref<128xi32, #tpu.memory_space<vmem>>
        %dma_wait3A_154 = arith.constant 0 : i32
        %dma_wait3A_155 = arith.constant 0 : i32
        %dma_wait3A_156 = tpu.memref_slice %arg6[%dma_wait3A_154, %dma_wait3A_155] : memref<10112x128xf32, #tpu.memory_space<vmem_shared>> -> memref<10112x128xf32, #tpu.memory_space<vmem_shared>>
        tpu.wait_indirect_dma semaphore(%run_scoped3A_136 : memref<!tpu.dma_semaphore, #tpu.memory_space<semaphore_mem>>) src(%dma_wait3A_150 : memref<128x128xf32, #tpu.memory_space<vmem>>) dst(%dma_wait3A_156 : memref<10112x128xf32, #tpu.memory_space<vmem_shared>>)
        tpu.yield
      }) : () -> ()
    }
    %scan3A_38 = arith.constant 40 : i32
    "tpu.region"() ({
      %run_scoped3A_119 = tpu.sem_alloc : memref<!tpu.dma_semaphore, #tpu.memory_space<semaphore_mem>>
      %dma_start3A_120 = arith.constant 0 : i32
      %dma_start3A_121 = arith.constant 0 : i32
      %dma_start3A_122 = tpu.memref_slice %arg7[%dma_start3A_120, %dma_start3A_121] : memref<40x128xi32, #tpu.memory_space<vmem>> -> memref<39x128xi32, #tpu.memory_space<vmem>>
      %dma_start3A_123 = arith.constant 40 : i32
      %dma_start3A_124 = arith.constant 0 : i32
      %dma_start3A_125 = tpu.memref_slice %arg3[%add3A_22, %arg1, %dma_start3A_123, %dma_start3A_124] : memref<4x16x79x128xi32, #tpu.memory_space<hbm>> -> memref<1x1x39x128xi32, #tpu.memory_space<hbm>>
      %dma_start3A_126 = tpu.memref_squeeze %dma_start3A_125 : memref<1x1x39x128xi32, #tpu.memory_space<hbm>> -> memref<39x128xi32, #tpu.memory_space<hbm>>
      %dma_start3A_127 = arith.constant 0 : i32
      %dma_start3A_128 = arith.constant 0 : i32
      %dma_start3A_129 = tpu.memref_slice %arg7[%dma_start3A_127, %dma_start3A_128] : memref<40x128xi32, #tpu.memory_space<vmem>> -> memref<39x128xi32, #tpu.memory_space<vmem>>
      %dma_start3A_130 = arith.constant 40 : i32
      %dma_start3A_131 = arith.constant 0 : i32
      %dma_start3A_132 = tpu.memref_slice %arg3[%add3A_22, %arg1, %dma_start3A_130, %dma_start3A_131] : memref<4x16x79x128xi32, #tpu.memory_space<hbm>> -> memref<1x1x39x128xi32, #tpu.memory_space<hbm>>
      %dma_start3A_133 = tpu.memref_squeeze %dma_start3A_132 : memref<1x1x39x128xi32, #tpu.memory_space<hbm>> -> memref<39x128xi32, #tpu.memory_space<hbm>>
      tpu.enqueue_dma source(%dma_start3A_133 : memref<39x128xi32, #tpu.memory_space<hbm>>) target(%dma_start3A_129 : memref<39x128xi32, #tpu.memory_space<vmem>>) target_semaphore(%run_scoped3A_119 : memref<!tpu.dma_semaphore, #tpu.memory_space<semaphore_mem>>)
      %dma_wait3A = arith.constant 0 : i32
      %dma_wait3A_134 = arith.constant 0 : i32
      %dma_wait3A_135 = tpu.memref_slice %arg7[%dma_wait3A, %dma_wait3A_134] : memref<40x128xi32, #tpu.memory_space<vmem>> -> memref<39x128xi32, #tpu.memory_space<vmem>>
      %dma_wait3A_136 = arith.constant 40 : i32
      %dma_wait3A_137 = arith.constant 0 : i32
      %dma_wait3A_138 = tpu.memref_slice %arg3[%add3A_22, %arg1, %dma_wait3A_136, %dma_wait3A_137] : memref<4x16x79x128xi32, #tpu.memory_space<hbm>> -> memref<1x1x39x128xi32, #tpu.memory_space<hbm>>
      %dma_wait3A_139 = tpu.memref_squeeze %dma_wait3A_138 : memref<1x1x39x128xi32, #tpu.memory_space<hbm>> -> memref<39x128xi32, #tpu.memory_space<hbm>>
      %dma_wait3A_140 = arith.constant 0 : i32
      %dma_wait3A_141 = arith.constant 0 : i32
      %dma_wait3A_142 = tpu.memref_slice %arg7[%dma_wait3A_140, %dma_wait3A_141] : memref<40x128xi32, #tpu.memory_space<vmem>> -> memref<39x128xi32, #tpu.memory_space<vmem>>
      %dma_wait3A_143 = arith.constant 40 : i32
      %dma_wait3A_144 = arith.constant 0 : i32
      %dma_wait3A_145 = tpu.memref_slice %arg3[%add3A_22, %arg1, %dma_wait3A_143, %dma_wait3A_144] : memref<4x16x79x128xi32, #tpu.memory_space<hbm>> -> memref<1x1x39x128xi32, #tpu.memory_space<hbm>>
      %dma_wait3A_146 = tpu.memref_squeeze %dma_wait3A_145 : memref<1x1x39x128xi32, #tpu.memory_space<hbm>> -> memref<39x128xi32, #tpu.memory_space<hbm>>
      tpu.wait_dma2 semaphore(%run_scoped3A_119 : memref<!tpu.dma_semaphore, #tpu.memory_space<semaphore_mem>>) src(%dma_wait3A_146 : memref<39x128xi32, #tpu.memory_space<hbm>>) dst(%dma_wait3A_142 : memref<39x128xi32, #tpu.memory_space<vmem>>)
      tpu.yield
    }) : () -> ()
    "tpu.region"() ({
      %run_scoped3A_119 = tpu.sem_alloc : memref<!tpu.dma_semaphore, #tpu.memory_space<semaphore_mem>>
      %dma_start3A_120 = arith.constant 0 : i32
      %dma_start3A_121 = arith.constant 0 : i32
      %dma_start3A_122 = tpu.memref_slice %arg8[%dma_start3A_120, %dma_start3A_121] : memref<40x128xi32, #tpu.memory_space<vmem>> -> memref<39x128xi32, #tpu.memory_space<vmem>>
      %dma_start3A_123 = arith.constant 40 : i32
      %dma_start3A_124 = arith.constant 0 : i32
      %dma_start3A_125 = tpu.memref_slice %arg4[%arg1, %dma_start3A_123, %dma_start3A_124] : memref<16x79x128xi32, #tpu.memory_space<hbm>> -> memref<1x39x128xi32, #tpu.memory_space<hbm>>
      %dma_start3A_126 = tpu.memref_squeeze %dma_start3A_125 : memref<1x39x128xi32, #tpu.memory_space<hbm>> -> memref<39x128xi32, #tpu.memory_space<hbm>>
      %dma_start3A_127 = arith.constant 0 : i32
      %dma_start3A_128 = arith.constant 0 : i32
      %dma_start3A_129 = tpu.memref_slice %arg8[%dma_start3A_127, %dma_start3A_128] : memref<40x128xi32, #tpu.memory_space<vmem>> -> memref<39x128xi32, #tpu.memory_space<vmem>>
      %dma_start3A_130 = arith.constant 40 : i32
      %dma_start3A_131 = arith.constant 0 : i32
      %dma_start3A_132 = tpu.memref_slice %arg4[%arg1, %dma_start3A_130, %dma_start3A_131] : memref<16x79x128xi32, #tpu.memory_space<hbm>> -> memref<1x39x128xi32, #tpu.memory_space<hbm>>
      %dma_start3A_133 = tpu.memref_squeeze %dma_start3A_132 : memref<1x39x128xi32, #tpu.memory_space<hbm>> -> memref<39x128xi32, #tpu.memory_space<hbm>>
      tpu.enqueue_dma source(%dma_start3A_133 : memref<39x128xi32, #tpu.memory_space<hbm>>) target(%dma_start3A_129 : memref<39x128xi32, #tpu.memory_space<vmem>>) target_semaphore(%run_scoped3A_119 : memref<!tpu.dma_semaphore, #tpu.memory_space<semaphore_mem>>)
      %dma_wait3A = arith.constant 0 : i32
      %dma_wait3A_134 = arith.constant 0 : i32
      %dma_wait3A_135 = tpu.memref_slice %arg8[%dma_wait3A, %dma_wait3A_134] : memref<40x128xi32, #tpu.memory_space<vmem>> -> memref<39x128xi32, #tpu.memory_space<vmem>>
      %dma_wait3A_136 = arith.constant 40 : i32
      %dma_wait3A_137 = arith.constant 0 : i32
      %dma_wait3A_138 = tpu.memref_slice %arg4[%arg1, %dma_wait3A_136, %dma_wait3A_137] : memref<16x79x128xi32, #tpu.memory_space<hbm>> -> memref<1x39x128xi32, #tpu.memory_space<hbm>>
      %dma_wait3A_139 = tpu.memref_squeeze %dma_wait3A_138 : memref<1x39x128xi32, #tpu.memory_space<hbm>> -> memref<39x128xi32, #tpu.memory_space<hbm>>
      %dma_wait3A_140 = arith.constant 0 : i32
      %dma_wait3A_141 = arith.constant 0 : i32
      %dma_wait3A_142 = tpu.memref_slice %arg8[%dma_wait3A_140, %dma_wait3A_141] : memref<40x128xi32, #tpu.memory_space<vmem>> -> memref<39x128xi32, #tpu.memory_space<vmem>>
      %dma_wait3A_143 = arith.constant 40 : i32
      %dma_wait3A_144 = arith.constant 0 : i32
      %dma_wait3A_145 = tpu.memref_slice %arg4[%arg1, %dma_wait3A_143, %dma_wait3A_144] : memref<16x79x128xi32, #tpu.memory_space<hbm>> -> memref<1x39x128xi32, #tpu.memory_space<hbm>>
      %dma_wait3A_146 = tpu.memref_squeeze %dma_wait3A_145 : memref<1x39x128xi32, #tpu.memory_space<hbm>> -> memref<39x128xi32, #tpu.memory_space<hbm>>
      tpu.wait_dma2 semaphore(%run_scoped3A_119 : memref<!tpu.dma_semaphore, #tpu.memory_space<semaphore_mem>>) src(%dma_wait3A_146 : memref<39x128xi32, #tpu.memory_space<hbm>>) dst(%dma_wait3A_142 : memref<39x128xi32, #tpu.memory_space<vmem>>)
      tpu.yield
    }) : () -> ()
    %dma_start3A_39 = arith.constant 0 : i32
    %dma_start3A_40 = arith.constant 0 : i32
    %dma_start3A_41 = arith.constant 0 : i32
    %dma_start3A_42 = arith.constant 0 : i32
    %dma_start3A_43 = tpu.memref_slice %arg9[%dma_start3A_40, %dma_start3A_41, %dma_start3A_42] : memref<2x128x128xf32, #tpu.memory_space<vmem>> -> memref<1x128x128xf32, #tpu.memory_space<vmem>>
    %dma_start3A_44 = tpu.memref_squeeze %dma_start3A_43 : memref<1x128x128xf32, #tpu.memory_space<vmem>> -> memref<128x128xf32, #tpu.memory_space<vmem>>
    %dma_start3A_45 = arith.constant 0 : i32
    %dma_start3A_46 = tpu.memref_slice %arg7[%dma_start3A_39, %dma_start3A_45] : memref<40x128xi32, #tpu.memory_space<vmem>> -> memref<1x128xi32, #tpu.memory_space<vmem>>
    %dma_start3A_47 = tpu.memref_squeeze %dma_start3A_46 : memref<1x128xi32, #tpu.memory_space<vmem>> -> memref<128xi32, #tpu.memory_space<vmem>>
    %dma_start3A_48 = arith.constant 0 : i32
    %dma_start3A_49 = arith.constant 0 : i32
    %dma_start3A_50 = tpu.memref_slice %arg2[%dma_start3A_48, %dma_start3A_49] : memref<40000x128xf32, #tpu.memory_space<hbm>> -> memref<40000x128xf32, #tpu.memory_space<hbm>>
    tpu.enqueue_indirect_dma source(%dma_start3A_50 : memref<40000x128xf32, #tpu.memory_space<hbm>>) target(%dma_start3A_44 : memref<128x128xf32, #tpu.memory_space<vmem>>) offsets(%dma_start3A_47 : memref<128xi32, #tpu.memory_space<vmem>>) semaphore(%arg10 : memref<!tpu.dma_semaphore, #tpu.memory_space<semaphore_mem>>)
    %scan3A_51 = arith.constant 0 : i32
    %scan3A_52 = arith.constant 39 : i32
    %scan3A_53 = arith.addi %scan3A_51, %scan3A_52 : i32
    %scan3A_54 = arith.constant 1 : i32
    scf.for %scan3A_119 = %scan3A_51 to %scan3A_53 step %scan3A_54  : i32 {
      %rem3A = arith.constant 2 : i32
      %rem3A_120 = arith.remsi %scan3A_119, %rem3A : i32
      %lt3A = arith.constant 38 : i32
      %lt3A_121 = arith.cmpi slt, %scan3A_119, %lt3A : i32
      %convert_element_type3A = arith.extui %lt3A_121 : i1 to i32
      %cond3A = arith.constant 0 : i32
      %cond3A_122 = arith.cmpi ne, %convert_element_type3A, %cond3A : i32
      scf.if %cond3A_122 {
        %add3A_136 = arith.constant 2 : i32
        %add3A_137 = arith.addi %scan3A_119, %add3A_136 : i32
        %sub3A_138 = arith.constant 1 : i32
        %sub3A_139 = arith.subi %add3A_137, %sub3A_138 : i32
        %add3A_140 = arith.constant 2 : i32
        %add3A_141 = arith.addi %scan3A_119, %add3A_140 : i32
        %sub3A_142 = arith.constant 1 : i32
        %sub3A_143 = arith.subi %add3A_141, %sub3A_142 : i32
        %rem3A_144 = arith.constant 2 : i32
        %rem3A_145 = arith.remsi %sub3A_143, %rem3A_144 : i32
        %dma_start3A_146 = arith.constant 0 : i32
        %dma_start3A_147 = arith.constant 0 : i32
        %dma_start3A_148 = tpu.memref_slice %arg9[%rem3A_145, %dma_start3A_146, %dma_start3A_147] : memref<2x128x128xf32, #tpu.memory_space<vmem>> -> memref<1x128x128xf32, #tpu.memory_space<vmem>>
        %dma_start3A_149 = tpu.memref_squeeze %dma_start3A_148 : memref<1x128x128xf32, #tpu.memory_space<vmem>> -> memref<128x128xf32, #tpu.memory_space<vmem>>
        %dma_start3A_150 = arith.constant 0 : i32
        %dma_start3A_151 = tpu.memref_slice %arg7[%sub3A_139, %dma_start3A_150] : memref<40x128xi32, #tpu.memory_space<vmem>> -> memref<1x128xi32, #tpu.memory_space<vmem>>
        %dma_start3A_152 = tpu.memref_squeeze %dma_start3A_151 : memref<1x128xi32, #tpu.memory_space<vmem>> -> memref<128xi32, #tpu.memory_space<vmem>>
        %dma_start3A_153 = arith.constant 0 : i32
        %dma_start3A_154 = arith.constant 0 : i32
        %dma_start3A_155 = tpu.memref_slice %arg2[%dma_start3A_153, %dma_start3A_154] : memref<40000x128xf32, #tpu.memory_space<hbm>> -> memref<40000x128xf32, #tpu.memory_space<hbm>>
        tpu.enqueue_indirect_dma source(%dma_start3A_155 : memref<40000x128xf32, #tpu.memory_space<hbm>>) target(%dma_start3A_149 : memref<128x128xf32, #tpu.memory_space<vmem>>) offsets(%dma_start3A_152 : memref<128xi32, #tpu.memory_space<vmem>>) semaphore(%arg10 : memref<!tpu.dma_semaphore, #tpu.memory_space<semaphore_mem>>)
      } else {
      }
      %dma_wait3A = arith.constant 0 : i32
      %dma_wait3A_123 = arith.constant 0 : i32
      %dma_wait3A_124 = tpu.memref_slice %arg9[%rem3A_120, %dma_wait3A, %dma_wait3A_123] : memref<2x128x128xf32, #tpu.memory_space<vmem>> -> memref<1x128x128xf32, #tpu.memory_space<vmem>>
      %dma_wait3A_125 = tpu.memref_squeeze %dma_wait3A_124 : memref<1x128x128xf32, #tpu.memory_space<vmem>> -> memref<128x128xf32, #tpu.memory_space<vmem>>
      %dma_wait3A_126 = arith.constant 0 : i32
      %dma_wait3A_127 = arith.constant 0 : i32
      %dma_wait3A_128 = tpu.memref_slice %arg2[%dma_wait3A_126, %dma_wait3A_127] : memref<40000x128xf32, #tpu.memory_space<hbm>> -> memref<128x128xf32, #tpu.memory_space<hbm>>
      %dma_wait3A_129 = arith.constant 0 : i32
      %dma_wait3A_130 = arith.constant 0 : i32
      %dma_wait3A_131 = tpu.memref_slice %arg9[%rem3A_120, %dma_wait3A_129, %dma_wait3A_130] : memref<2x128x128xf32, #tpu.memory_space<vmem>> -> memref<1x128x128xf32, #tpu.memory_space<vmem>>
      %dma_wait3A_132 = tpu.memref_squeeze %dma_wait3A_131 : memref<1x128x128xf32, #tpu.memory_space<vmem>> -> memref<128x128xf32, #tpu.memory_space<vmem>>
      %dma_wait3A_133 = arith.constant 0 : i32
      %dma_wait3A_134 = arith.constant 0 : i32
      %dma_wait3A_135 = tpu.memref_slice %arg2[%dma_wait3A_133, %dma_wait3A_134] : memref<40000x128xf32, #tpu.memory_space<hbm>> -> memref<128x128xf32, #tpu.memory_space<hbm>>
      tpu.wait_dma2 semaphore(%arg10 : memref<!tpu.dma_semaphore, #tpu.memory_space<semaphore_mem>>) src(%dma_wait3A_135 : memref<128x128xf32, #tpu.memory_space<hbm>>) dst(%dma_wait3A_132 : memref<128x128xf32, #tpu.memory_space<vmem>>)
      "tpu.region"() ({
        %run_scoped3A_136 = tpu.sem_alloc : memref<!tpu.dma_semaphore, #tpu.memory_space<semaphore_mem>>
        %dma_start3A_137 = arith.constant 0 : i32
        %dma_start3A_138 = arith.constant 0 : i32
        %dma_start3A_139 = tpu.memref_slice %arg9[%rem3A_120, %dma_start3A_137, %dma_start3A_138] : memref<2x128x128xf32, #tpu.memory_space<vmem>> -> memref<1x128x128xf32, #tpu.memory_space<vmem>>
        %dma_start3A_140 = tpu.memref_squeeze %dma_start3A_139 : memref<1x128x128xf32, #tpu.memory_space<vmem>> -> memref<128x128xf32, #tpu.memory_space<vmem>>
        %dma_start3A_141 = arith.constant 0 : i32
        %dma_start3A_142 = tpu.memref_slice %arg8[%scan3A_119, %dma_start3A_141] : memref<40x128xi32, #tpu.memory_space<vmem>> -> memref<1x128xi32, #tpu.memory_space<vmem>>
        %dma_start3A_143 = tpu.memref_squeeze %dma_start3A_142 : memref<1x128xi32, #tpu.memory_space<vmem>> -> memref<128xi32, #tpu.memory_space<vmem>>
        %dma_start3A_144 = arith.constant 0 : i32
        %dma_start3A_145 = arith.constant 0 : i32
        %dma_start3A_146 = tpu.memref_slice %arg6[%dma_start3A_144, %dma_start3A_145] : memref<10112x128xf32, #tpu.memory_space<vmem_shared>> -> memref<10112x128xf32, #tpu.memory_space<vmem_shared>>
        tpu.enqueue_indirect_dma source(%dma_start3A_140 : memref<128x128xf32, #tpu.memory_space<vmem>>) target(%dma_start3A_146 : memref<10112x128xf32, #tpu.memory_space<vmem_shared>>) offsets(%dma_start3A_143 : memref<128xi32, #tpu.memory_space<vmem>>) semaphore(%run_scoped3A_136 : memref<!tpu.dma_semaphore, #tpu.memory_space<semaphore_mem>>) {add = true}
        %dma_wait3A_147 = arith.constant 0 : i32
        %dma_wait3A_148 = arith.constant 0 : i32
        %dma_wait3A_149 = tpu.memref_slice %arg9[%rem3A_120, %dma_wait3A_147, %dma_wait3A_148] : memref<2x128x128xf32, #tpu.memory_space<vmem>> -> memref<1x128x128xf32, #tpu.memory_space<vmem>>
        %dma_wait3A_150 = tpu.memref_squeeze %dma_wait3A_149 : memref<1x128x128xf32, #tpu.memory_space<vmem>> -> memref<128x128xf32, #tpu.memory_space<vmem>>
        %dma_wait3A_151 = arith.constant 0 : i32
        %dma_wait3A_152 = tpu.memref_slice %arg8[%scan3A_119, %dma_wait3A_151] : memref<40x128xi32, #tpu.memory_space<vmem>> -> memref<1x128xi32, #tpu.memory_space<vmem>>
        %dma_wait3A_153 = tpu.memref_squeeze %dma_wait3A_152 : memref<1x128xi32, #tpu.memory_space<vmem>> -> memref<128xi32, #tpu.memory_space<vmem>>
        %dma_wait3A_154 = arith.constant 0 : i32
        %dma_wait3A_155 = arith.constant 0 : i32
        %dma_wait3A_156 = tpu.memref_slice %arg6[%dma_wait3A_154, %dma_wait3A_155] : memref<10112x128xf32, #tpu.memory_space<vmem_shared>> -> memref<10112x128xf32, #tpu.memory_space<vmem_shared>>
        tpu.wait_indirect_dma semaphore(%run_scoped3A_136 : memref<!tpu.dma_semaphore, #tpu.memory_space<semaphore_mem>>) src(%dma_wait3A_150 : memref<128x128xf32, #tpu.memory_space<vmem>>) dst(%dma_wait3A_156 : memref<10112x128xf32, #tpu.memory_space<vmem_shared>>)
        tpu.yield
      }) : () -> ()
    }
    %scan3A_55 = arith.constant 39 : i32
    %barrier3A_56 = arith.constant 0 : index
    tpu.barrier barrier_id(%barrier3A_56)
    "tpu.region"() ({
      %run_scoped3A_119 = tpu.sem_alloc : memref<!tpu.dma_semaphore, #tpu.memory_space<semaphore_mem>>
      %dma_start3A_120 = arith.constant 0 : i32
      %dma_start3A_121 = tpu.memref_slice %arg5[%add3A_22, %mul3A_0, %dma_start3A_120] : memref<4x10112x128xf32, #tpu.memory_space<hbm>> -> memref<1x632x128xf32, #tpu.memory_space<hbm>>
      %dma_start3A_122 = tpu.memref_squeeze %dma_start3A_121 : memref<1x632x128xf32, #tpu.memory_space<hbm>> -> memref<632x128xf32, #tpu.memory_space<hbm>>
      %dma_start3A_123 = arith.constant 0 : i32
      %dma_start3A_124 = tpu.memref_slice %arg6[%mul3A_0, %dma_start3A_123] : memref<10112x128xf32, #tpu.memory_space<vmem_shared>> -> memref<632x128xf32, #tpu.memory_space<vmem_shared>>
      tpu.enqueue_dma source(%dma_start3A_124 : memref<632x128xf32, #tpu.memory_space<vmem_shared>>) target(%dma_start3A_122 : memref<632x128xf32, #tpu.memory_space<hbm>>) target_semaphore(%run_scoped3A_119 : memref<!tpu.dma_semaphore, #tpu.memory_space<semaphore_mem>>)
      %dma_wait3A = arith.constant 0 : i32
      %dma_wait3A_125 = tpu.memref_slice %arg5[%add3A_22, %mul3A_0, %dma_wait3A] : memref<4x10112x128xf32, #tpu.memory_space<hbm>> -> memref<1x632x128xf32, #tpu.memory_space<hbm>>
      %dma_wait3A_126 = tpu.memref_squeeze %dma_wait3A_125 : memref<1x632x128xf32, #tpu.memory_space<hbm>> -> memref<632x128xf32, #tpu.memory_space<hbm>>
      %dma_wait3A_127 = arith.constant 0 : i32
      %dma_wait3A_128 = tpu.memref_slice %arg6[%mul3A_0, %dma_wait3A_127] : memref<10112x128xf32, #tpu.memory_space<vmem_shared>> -> memref<632x128xf32, #tpu.memory_space<vmem_shared>>
      tpu.wait_dma2 semaphore(%run_scoped3A_119 : memref<!tpu.dma_semaphore, #tpu.memory_space<semaphore_mem>>) src(%dma_wait3A_128 : memref<632x128xf32, #tpu.memory_space<vmem_shared>>) dst(%dma_wait3A_126 : memref<632x128xf32, #tpu.memory_space<hbm>>)
      tpu.yield
    }) : () -> ()
    %scan3A_57 = arith.constant 0 : i32
    %scan3A_58 = arith.constant 1024 : i32
    %scan3A_59 = arith.addi %scan3A_57, %scan3A_58 : i32
    %scan3A_60 = arith.constant 1 : i32
    scf.for %scan3A_119 = %scan3A_57 to %scan3A_59 step %scan3A_60  : i32 {
      %broadcast_in_dim3A = arith.constant 0.000000e+00 : f32
      %broadcast_in_dim3A_120 = vector.broadcast %broadcast_in_dim3A : f32 to vector<16xf32>
      %jit3A = arith.constant 8 : i32
      %div3A = arith.divsi %scan3A_119, %jit3A : i32
      %sign3A = arith.constant 0 : i32
      %sign3A_121 = arith.cmpi sgt, %scan3A_119, %sign3A : i32
      %sign3A_122 = arith.extui %sign3A_121 : i1 to i32
      %sign3A_123 = arith.constant 0 : i32
      %sign3A_124 = arith.cmpi slt, %scan3A_119, %sign3A_123 : i32
      %sign3A_125 = arith.extui %sign3A_124 : i1 to i32
      %sign3A_126 = arith.subi %sign3A_122, %sign3A_125 : i32
      %sign3A_127 = arith.constant 0 : i32
      %sign3A_128 = arith.cmpi sgt, %jit3A, %sign3A_127 : i32
      %sign3A_129 = arith.extui %sign3A_128 : i1 to i32
      %sign3A_130 = arith.constant 0 : i32
      %sign3A_131 = arith.cmpi slt, %jit3A, %sign3A_130 : i32
      %sign3A_132 = arith.extui %sign3A_131 : i1 to i32
      %sign3A_133 = arith.subi %sign3A_129, %sign3A_132 : i32
      %ne3A = arith.cmpi ne, %sign3A_126, %sign3A_133 : i32
      %rem3A = arith.remsi %scan3A_119, %jit3A : i32
      %ne3A_134 = arith.constant 0 : i32
      %ne3A_135 = arith.cmpi ne, %rem3A, %ne3A_134 : i32
      %and3A = arith.andi %ne3A, %ne3A_135 : i1
      %sub3A_136 = arith.constant 1 : i32
      %sub3A_137 = arith.subi %div3A, %sub3A_136 : i32
      %select_n3A = arith.select %and3A, %sub3A_137, %div3A : i32
      %jit3A_138 = arith.constant 8 : i32
      %eq3A = arith.constant 0 : i32
      %eq3A_139 = arith.cmpi eq, %jit3A_138, %eq3A : i32
      %jit3A_140 = arith.constant 1 : i32
      %select_n3A_141 = arith.select %eq3A_139, %jit3A_140, %jit3A_138 : i32
      %rem3A_142 = arith.remsi %scan3A_119, %select_n3A_141 : i32
      %ne3A_143 = arith.constant 0 : i32
      %ne3A_144 = arith.cmpi ne, %rem3A_142, %ne3A_143 : i32
      %lt3A = arith.constant 0 : i32
      %lt3A_145 = arith.cmpi slt, %rem3A_142, %lt3A : i32
      %lt3A_146 = arith.constant 0 : i32
      %lt3A_147 = arith.cmpi slt, %select_n3A_141, %lt3A_146 : i32
      %ne3A_148 = arith.xori %lt3A_145, %lt3A_147 : i1
      %and3A_149 = arith.andi %ne3A_148, %ne3A_144 : i1
      %add3A_150 = arith.addi %rem3A_142, %select_n3A_141 : i32
      %select_n3A_151 = arith.select %and3A_149, %add3A_150, %rem3A_142 : i32
      %mul3A_152 = arith.constant 16 : i32
      %mul3A_153 = arith.muli %select_n3A_151, %mul3A_152 : i32
      %swap3A = arith.constant 0 : i32
      %swap3A_154 = arith.index_cast %swap3A : i32 to index
      %swap3A_155 = arith.index_cast %select_n3A : i32 to index
      %swap3A_156 = arith.index_cast %mul3A_153 : i32 to index
      %swap3A_157 = tpu.vector_load %arg9[%swap3A_154, %swap3A_155, %swap3A_156] {strides = array<i32>} : memref<2x128x128xf32, #tpu.memory_space<vmem>>, vector<1x1x16xf32>,
      %swap3A_158 = vector.shape_cast %swap3A_157 : vector<1x1x16xf32> to vector<16xf32>
      %swap3A_159 = vector.shape_cast %broadcast_in_dim3A_120 : vector<16xf32> to vector<1x1x16xf32>
      tpu.vector_store %arg9[%swap3A_154, %swap3A_155, %swap3A_156], %swap3A_159 {strides = array<i32>} : memref<2x128x128xf32, #tpu.memory_space<vmem>>, vector<1x1x16xf32>,
    }
    %scan3A_61 = arith.constant 1024 : i32
    %add3A_62 = arith.constant 0 : i32
    %add3A_63 = arith.addi %mul3A_0, %add3A_62 : i32
    %run_scoped3A_64 = arith.constant 0 : i32
    "tpu.region"() ({
      %run_scoped3A_119 = tpu.sem_alloc : memref<!tpu.dma_semaphore, #tpu.memory_space<semaphore_mem>>
      %dma_start3A_120 = arith.constant 0 : i32
      %dma_start3A_121 = arith.constant 0 : i32
      %dma_start3A_122 = tpu.memref_slice %arg9[%run_scoped3A_64, %dma_start3A_120, %dma_start3A_121] : memref<2x128x128xf32, #tpu.memory_space<vmem>> -> memref<1x128x128xf32, #tpu.memory_space<vmem>>
      %dma_start3A_123 = tpu.memref_squeeze %dma_start3A_122 : memref<1x128x128xf32, #tpu.memory_space<vmem>> -> memref<128x128xf32, #tpu.memory_space<vmem>>
      %dma_start3A_124 = arith.constant 0 : i32
      %dma_start3A_125 = tpu.memref_slice %arg6[%add3A_63, %dma_start3A_124] : memref<10112x128xf32, #tpu.memory_space<vmem_shared>> -> memref<128x128xf32, #tpu.memory_space<vmem_shared>>
      %dma_start3A_126 = arith.constant 0 : i32
      %dma_start3A_127 = tpu.memref_slice %arg6[%add3A_63, %dma_start3A_126] : memref<10112x128xf32, #tpu.memory_space<vmem_shared>> -> memref<128x128xf32, #tpu.memory_space<vmem_shared>>
      %dma_start3A_128 = arith.constant 0 : i32
      %dma_start3A_129 = arith.constant 0 : i32
      %dma_start3A_130 = tpu.memref_slice %arg9[%run_scoped3A_64, %dma_start3A_128, %dma_start3A_129] : memref<2x128x128xf32, #tpu.memory_space<vmem>> -> memref<1x128x128xf32, #tpu.memory_space<vmem>>
      %dma_start3A_131 = tpu.memref_squeeze %dma_start3A_130 : memref<1x128x128xf32, #tpu.memory_space<vmem>> -> memref<128x128xf32, #tpu.memory_space<vmem>>
      tpu.enqueue_dma source(%dma_start3A_131 : memref<128x128xf32, #tpu.memory_space<vmem>>) target(%dma_start3A_127 : memref<128x128xf32, #tpu.memory_space<vmem_shared>>) target_semaphore(%run_scoped3A_119 : memref<!tpu.dma_semaphore, #tpu.memory_space<semaphore_mem>>)
      %dma_wait3A = arith.constant 0 : i32
      %dma_wait3A_132 = arith.constant 0 : i32
      %dma_wait3A_133 = tpu.memref_slice %arg9[%run_scoped3A_64, %dma_wait3A, %dma_wait3A_132] : memref<2x128x128xf32, #tpu.memory_space<vmem>> -> memref<1x128x128xf32, #tpu.memory_space<vmem>>
      %dma_wait3A_134 = tpu.memref_squeeze %dma_wait3A_133 : memref<1x128x128xf32, #tpu.memory_space<vmem>> -> memref<128x128xf32, #tpu.memory_space<vmem>>
      %dma_wait3A_135 = arith.constant 0 : i32
      %dma_wait3A_136 = tpu.memref_slice %arg6[%add3A_63, %dma_wait3A_135] : memref<10112x128xf32, #tpu.memory_space<vmem_shared>> -> memref<128x128xf32, #tpu.memory_space<vmem_shared>>
      %dma_wait3A_137 = arith.constant 0 : i32
      %dma_wait3A_138 = tpu.memref_slice %arg6[%add3A_63, %dma_wait3A_137] : memref<10112x128xf32, #tpu.memory_space<vmem_shared>> -> memref<128x128xf32, #tpu.memory_space<vmem_shared>>
      %dma_wait3A_139 = arith.constant 0 : i32
      %dma_wait3A_140 = arith.constant 0 : i32
      %dma_wait3A_141 = tpu.memref_slice %arg9[%run_scoped3A_64, %dma_wait3A_139, %dma_wait3A_140] : memref<2x128x128xf32, #tpu.memory_space<vmem>> -> memref<1x128x128xf32, #tpu.memory_space<vmem>>
      %dma_wait3A_142 = tpu.memref_squeeze %dma_wait3A_141 : memref<1x128x128xf32, #tpu.memory_space<vmem>> -> memref<128x128xf32, #tpu.memory_space<vmem>>
      tpu.wait_dma2 semaphore(%run_scoped3A_119 : memref<!tpu.dma_semaphore, #tpu.memory_space<semaphore_mem>>) src(%dma_wait3A_142 : memref<128x128xf32, #tpu.memory_space<vmem>>) dst(%dma_wait3A_138 : memref<128x128xf32, #tpu.memory_space<vmem_shared>>)
      tpu.yield
    }) : () -> ()
    %add3A_65 = arith.constant 128 : i32
    %add3A_66 = arith.addi %mul3A_0, %add3A_65 : i32
    %run_scoped3A_67 = arith.constant 0 : i32
    "tpu.region"() ({
      %run_scoped3A_119 = tpu.sem_alloc : memref<!tpu.dma_semaphore, #tpu.memory_space<semaphore_mem>>
      %dma_start3A_120 = arith.constant 0 : i32
      %dma_start3A_121 = arith.constant 0 : i32
      %dma_start3A_122 = tpu.memref_slice %arg9[%run_scoped3A_67, %dma_start3A_120, %dma_start3A_121] : memref<2x128x128xf32, #tpu.memory_space<vmem>> -> memref<1x128x128xf32, #tpu.memory_space<vmem>>
      %dma_start3A_123 = tpu.memref_squeeze %dma_start3A_122 : memref<1x128x128xf32, #tpu.memory_space<vmem>> -> memref<128x128xf32, #tpu.memory_space<vmem>>
      %dma_start3A_124 = arith.constant 0 : i32
      %dma_start3A_125 = tpu.memref_slice %arg6[%add3A_66, %dma_start3A_124] : memref<10112x128xf32, #tpu.memory_space<vmem_shared>> -> memref<128x128xf32, #tpu.memory_space<vmem_shared>>
      %dma_start3A_126 = arith.constant 0 : i32
      %dma_start3A_127 = tpu.memref_slice %arg6[%add3A_66, %dma_start3A_126] : memref<10112x128xf32, #tpu.memory_space<vmem_shared>> -> memref<128x128xf32, #tpu.memory_space<vmem_shared>>
      %dma_start3A_128 = arith.constant 0 : i32
      %dma_start3A_129 = arith.constant 0 : i32
      %dma_start3A_130 = tpu.memref_slice %arg9[%run_scoped3A_67, %dma_start3A_128, %dma_start3A_129] : memref<2x128x128xf32, #tpu.memory_space<vmem>> -> memref<1x128x128xf32, #tpu.memory_space<vmem>>
      %dma_start3A_131 = tpu.memref_squeeze %dma_start3A_130 : memref<1x128x128xf32, #tpu.memory_space<vmem>> -> memref<128x128xf32, #tpu.memory_space<vmem>>
      tpu.enqueue_dma source(%dma_start3A_131 : memref<128x128xf32, #tpu.memory_space<vmem>>) target(%dma_start3A_127 : memref<128x128xf32, #tpu.memory_space<vmem_shared>>) target_semaphore(%run_scoped3A_119 : memref<!tpu.dma_semaphore, #tpu.memory_space<semaphore_mem>>)
      %dma_wait3A = arith.constant 0 : i32
      %dma_wait3A_132 = arith.constant 0 : i32
      %dma_wait3A_133 = tpu.memref_slice %arg9[%run_scoped3A_67, %dma_wait3A, %dma_wait3A_132] : memref<2x128x128xf32, #tpu.memory_space<vmem>> -> memref<1x128x128xf32, #tpu.memory_space<vmem>>
      %dma_wait3A_134 = tpu.memref_squeeze %dma_wait3A_133 : memref<1x128x128xf32, #tpu.memory_space<vmem>> -> memref<128x128xf32, #tpu.memory_space<vmem>>
      %dma_wait3A_135 = arith.constant 0 : i32
      %dma_wait3A_136 = tpu.memref_slice %arg6[%add3A_66, %dma_wait3A_135] : memref<10112x128xf32, #tpu.memory_space<vmem_shared>> -> memref<128x128xf32, #tpu.memory_space<vmem_shared>>
      %dma_wait3A_137 = arith.constant 0 : i32
      %dma_wait3A_138 = tpu.memref_slice %arg6[%add3A_66, %dma_wait3A_137] : memref<10112x128xf32, #tpu.memory_space<vmem_shared>> -> memref<128x128xf32, #tpu.memory_space<vmem_shared>>
      %dma_wait3A_139 = arith.constant 0 : i32
      %dma_wait3A_140 = arith.constant 0 : i32
      %dma_wait3A_141 = tpu.memref_slice %arg9[%run_scoped3A_67, %dma_wait3A_139, %dma_wait3A_140] : memref<2x128x128xf32, #tpu.memory_space<vmem>> -> memref<1x128x128xf32, #tpu.memory_space<vmem>>
      %dma_wait3A_142 = tpu.memref_squeeze %dma_wait3A_141 : memref<1x128x128xf32, #tpu.memory_space<vmem>> -> memref<128x128xf32, #tpu.memory_space<vmem>>
      tpu.wait_dma2 semaphore(%run_scoped3A_119 : memref<!tpu.dma_semaphore, #tpu.memory_space<semaphore_mem>>) src(%dma_wait3A_142 : memref<128x128xf32, #tpu.memory_space<vmem>>) dst(%dma_wait3A_138 : memref<128x128xf32, #tpu.memory_space<vmem_shared>>)
      tpu.yield
    }) : () -> ()
    %add3A_68 = arith.constant 256 : i32
    %add3A_69 = arith.addi %mul3A_0, %add3A_68 : i32
    %run_scoped3A_70 = arith.constant 0 : i32
    "tpu.region"() ({
      %run_scoped3A_119 = tpu.sem_alloc : memref<!tpu.dma_semaphore, #tpu.memory_space<semaphore_mem>>
      %dma_start3A_120 = arith.constant 0 : i32
      %dma_start3A_121 = arith.constant 0 : i32
      %dma_start3A_122 = tpu.memref_slice %arg9[%run_scoped3A_70, %dma_start3A_120, %dma_start3A_121] : memref<2x128x128xf32, #tpu.memory_space<vmem>> -> memref<1x128x128xf32, #tpu.memory_space<vmem>>
      %dma_start3A_123 = tpu.memref_squeeze %dma_start3A_122 : memref<1x128x128xf32, #tpu.memory_space<vmem>> -> memref<128x128xf32, #tpu.memory_space<vmem>>
      %dma_start3A_124 = arith.constant 0 : i32
      %dma_start3A_125 = tpu.memref_slice %arg6[%add3A_69, %dma_start3A_124] : memref<10112x128xf32, #tpu.memory_space<vmem_shared>> -> memref<128x128xf32, #tpu.memory_space<vmem_shared>>
      %dma_start3A_126 = arith.constant 0 : i32
      %dma_start3A_127 = tpu.memref_slice %arg6[%add3A_69, %dma_start3A_126] : memref<10112x128xf32, #tpu.memory_space<vmem_shared>> -> memref<128x128xf32, #tpu.memory_space<vmem_shared>>
      %dma_start3A_128 = arith.constant 0 : i32
      %dma_start3A_129 = arith.constant 0 : i32
      %dma_start3A_130 = tpu.memref_slice %arg9[%run_scoped3A_70, %dma_start3A_128, %dma_start3A_129] : memref<2x128x128xf32, #tpu.memory_space<vmem>> -> memref<1x128x128xf32, #tpu.memory_space<vmem>>
      %dma_start3A_131 = tpu.memref_squeeze %dma_start3A_130 : memref<1x128x128xf32, #tpu.memory_space<vmem>> -> memref<128x128xf32, #tpu.memory_space<vmem>>
      tpu.enqueue_dma source(%dma_start3A_131 : memref<128x128xf32, #tpu.memory_space<vmem>>) target(%dma_start3A_127 : memref<128x128xf32, #tpu.memory_space<vmem_shared>>) target_semaphore(%run_scoped3A_119 : memref<!tpu.dma_semaphore, #tpu.memory_space<semaphore_mem>>)
      %dma_wait3A = arith.constant 0 : i32
      %dma_wait3A_132 = arith.constant 0 : i32
      %dma_wait3A_133 = tpu.memref_slice %arg9[%run_scoped3A_70, %dma_wait3A, %dma_wait3A_132] : memref<2x128x128xf32, #tpu.memory_space<vmem>> -> memref<1x128x128xf32, #tpu.memory_space<vmem>>
      %dma_wait3A_134 = tpu.memref_squeeze %dma_wait3A_133 : memref<1x128x128xf32, #tpu.memory_space<vmem>> -> memref<128x128xf32, #tpu.memory_space<vmem>>
      %dma_wait3A_135 = arith.constant 0 : i32
      %dma_wait3A_136 = tpu.memref_slice %arg6[%add3A_69, %dma_wait3A_135] : memref<10112x128xf32, #tpu.memory_space<vmem_shared>> -> memref<128x128xf32, #tpu.memory_space<vmem_shared>>
      %dma_wait3A_137 = arith.constant 0 : i32
      %dma_wait3A_138 = tpu.memref_slice %arg6[%add3A_69, %dma_wait3A_137] : memref<10112x128xf32, #tpu.memory_space<vmem_shared>> -> memref<128x128xf32, #tpu.memory_space<vmem_shared>>
      %dma_wait3A_139 = arith.constant 0 : i32
      %dma_wait3A_140 = arith.constant 0 : i32
      %dma_wait3A_141 = tpu.memref_slice %arg9[%run_scoped3A_70, %dma_wait3A_139, %dma_wait3A_140] : memref<2x128x128xf32, #tpu.memory_space<vmem>> -> memref<1x128x128xf32, #tpu.memory_space<vmem>>
      %dma_wait3A_142 = tpu.memref_squeeze %dma_wait3A_141 : memref<1x128x128xf32, #tpu.memory_space<vmem>> -> memref<128x128xf32, #tpu.memory_space<vmem>>
      tpu.wait_dma2 semaphore(%run_scoped3A_119 : memref<!tpu.dma_semaphore, #tpu.memory_space<semaphore_mem>>) src(%dma_wait3A_142 : memref<128x128xf32, #tpu.memory_space<vmem>>) dst(%dma_wait3A_138 : memref<128x128xf32, #tpu.memory_space<vmem_shared>>)
      tpu.yield
    }) : () -> ()
    %add3A_71 = arith.constant 384 : i32
    %add3A_72 = arith.addi %mul3A_0, %add3A_71 : i32
    %run_scoped3A_73 = arith.constant 0 : i32
    "tpu.region"() ({
      %run_scoped3A_119 = tpu.sem_alloc : memref<!tpu.dma_semaphore, #tpu.memory_space<semaphore_mem>>
      %dma_start3A_120 = arith.constant 0 : i32
      %dma_start3A_121 = arith.constant 0 : i32
      %dma_start3A_122 = tpu.memref_slice %arg9[%run_scoped3A_73, %dma_start3A_120, %dma_start3A_121] : memref<2x128x128xf32, #tpu.memory_space<vmem>> -> memref<1x128x128xf32, #tpu.memory_space<vmem>>
      %dma_start3A_123 = tpu.memref_squeeze %dma_start3A_122 : memref<1x128x128xf32, #tpu.memory_space<vmem>> -> memref<128x128xf32, #tpu.memory_space<vmem>>
      %dma_start3A_124 = arith.constant 0 : i32
      %dma_start3A_125 = tpu.memref_slice %arg6[%add3A_72, %dma_start3A_124] : memref<10112x128xf32, #tpu.memory_space<vmem_shared>> -> memref<128x128xf32, #tpu.memory_space<vmem_shared>>
      %dma_start3A_126 = arith.constant 0 : i32
      %dma_start3A_127 = tpu.memref_slice %arg6[%add3A_72, %dma_start3A_126] : memref<10112x128xf32, #tpu.memory_space<vmem_shared>> -> memref<128x128xf32, #tpu.memory_space<vmem_shared>>
      %dma_start3A_128 = arith.constant 0 : i32
      %dma_start3A_129 = arith.constant 0 : i32
      %dma_start3A_130 = tpu.memref_slice %arg9[%run_scoped3A_73, %dma_start3A_128, %dma_start3A_129] : memref<2x128x128xf32, #tpu.memory_space<vmem>> -> memref<1x128x128xf32, #tpu.memory_space<vmem>>
      %dma_start3A_131 = tpu.memref_squeeze %dma_start3A_130 : memref<1x128x128xf32, #tpu.memory_space<vmem>> -> memref<128x128xf32, #tpu.memory_space<vmem>>
      tpu.enqueue_dma source(%dma_start3A_131 : memref<128x128xf32, #tpu.memory_space<vmem>>) target(%dma_start3A_127 : memref<128x128xf32, #tpu.memory_space<vmem_shared>>) target_semaphore(%run_scoped3A_119 : memref<!tpu.dma_semaphore, #tpu.memory_space<semaphore_mem>>)
      %dma_wait3A = arith.constant 0 : i32
      %dma_wait3A_132 = arith.constant 0 : i32
      %dma_wait3A_133 = tpu.memref_slice %arg9[%run_scoped3A_73, %dma_wait3A, %dma_wait3A_132] : memref<2x128x128xf32, #tpu.memory_space<vmem>> -> memref<1x128x128xf32, #tpu.memory_space<vmem>>
      %dma_wait3A_134 = tpu.memref_squeeze %dma_wait3A_133 : memref<1x128x128xf32, #tpu.memory_space<vmem>> -> memref<128x128xf32, #tpu.memory_space<vmem>>
      %dma_wait3A_135 = arith.constant 0 : i32
      %dma_wait3A_136 = tpu.memref_slice %arg6[%add3A_72, %dma_wait3A_135] : memref<10112x128xf32, #tpu.memory_space<vmem_shared>> -> memref<128x128xf32, #tpu.memory_space<vmem_shared>>
      %dma_wait3A_137 = arith.constant 0 : i32
      %dma_wait3A_138 = tpu.memref_slice %arg6[%add3A_72, %dma_wait3A_137] : memref<10112x128xf32, #tpu.memory_space<vmem_shared>> -> memref<128x128xf32, #tpu.memory_space<vmem_shared>>
      %dma_wait3A_139 = arith.constant 0 : i32
      %dma_wait3A_140 = arith.constant 0 : i32
      %dma_wait3A_141 = tpu.memref_slice %arg9[%run_scoped3A_73, %dma_wait3A_139, %dma_wait3A_140] : memref<2x128x128xf32, #tpu.memory_space<vmem>> -> memref<1x128x128xf32, #tpu.memory_space<vmem>>
      %dma_wait3A_142 = tpu.memref_squeeze %dma_wait3A_141 : memref<1x128x128xf32, #tpu.memory_space<vmem>> -> memref<128x128xf32, #tpu.memory_space<vmem>>
      tpu.wait_dma2 semaphore(%run_scoped3A_119 : memref<!tpu.dma_semaphore, #tpu.memory_space<semaphore_mem>>) src(%dma_wait3A_142 : memref<128x128xf32, #tpu.memory_space<vmem>>) dst(%dma_wait3A_138 : memref<128x128xf32, #tpu.memory_space<vmem_shared>>)
      tpu.yield
    }) : () -> ()
    %add3A_74 = arith.constant 632 : i32
    %add3A_75 = arith.addi %mul3A_0, %add3A_74 : i32
    %sub3A_76 = arith.constant 120 : i32
    %sub3A_77 = arith.subi %add3A_75, %sub3A_76 : i32
    %run_scoped3A_78 = arith.constant 0 : i32
    "tpu.region"() ({
      %run_scoped3A_119 = tpu.sem_alloc : memref<!tpu.dma_semaphore, #tpu.memory_space<semaphore_mem>>
      %dma_start3A_120 = arith.constant 0 : i32
      %dma_start3A_121 = arith.constant 0 : i32
      %dma_start3A_122 = tpu.memref_slice %arg9[%run_scoped3A_78, %dma_start3A_120, %dma_start3A_121] : memref<2x128x128xf32, #tpu.memory_space<vmem>> -> memref<1x120x128xf32, #tpu.memory_space<vmem>>
      %dma_start3A_123 = tpu.memref_squeeze %dma_start3A_122 : memref<1x120x128xf32, #tpu.memory_space<vmem>> -> memref<120x128xf32, #tpu.memory_space<vmem>>
      %dma_start3A_124 = arith.constant 0 : i32
      %dma_start3A_125 = tpu.memref_slice %arg6[%sub3A_77, %dma_start3A_124] : memref<10112x128xf32, #tpu.memory_space<vmem_shared>> -> memref<120x128xf32, #tpu.memory_space<vmem_shared>>
      %dma_start3A_126 = arith.constant 0 : i32
      %dma_start3A_127 = tpu.memref_slice %arg6[%sub3A_77, %dma_start3A_126] : memref<10112x128xf32, #tpu.memory_space<vmem_shared>> -> memref<120x128xf32, #tpu.memory_space<vmem_shared>>
      %dma_start3A_128 = arith.constant 0 : i32
      %dma_start3A_129 = arith.constant 0 : i32
      %dma_start3A_130 = tpu.memref_slice %arg9[%run_scoped3A_78, %dma_start3A_128, %dma_start3A_129] : memref<2x128x128xf32, #tpu.memory_space<vmem>> -> memref<1x120x128xf32, #tpu.memory_space<vmem>>
      %dma_start3A_131 = tpu.memref_squeeze %dma_start3A_130 : memref<1x120x128xf32, #tpu.memory_space<vmem>> -> memref<120x128xf32, #tpu.memory_space<vmem>>
      tpu.enqueue_dma source(%dma_start3A_131 : memref<120x128xf32, #tpu.memory_space<vmem>>) target(%dma_start3A_127 : memref<120x128xf32, #tpu.memory_space<vmem_shared>>) target_semaphore(%run_scoped3A_119 : memref<!tpu.dma_semaphore, #tpu.memory_space<semaphore_mem>>)
      %dma_wait3A = arith.constant 0 : i32
      %dma_wait3A_132 = arith.constant 0 : i32
      %dma_wait3A_133 = tpu.memref_slice %arg9[%run_scoped3A_78, %dma_wait3A, %dma_wait3A_132] : memref<2x128x128xf32, #tpu.memory_space<vmem>> -> memref<1x120x128xf32, #tpu.memory_space<vmem>>
      %dma_wait3A_134 = tpu.memref_squeeze %dma_wait3A_133 : memref<1x120x128xf32, #tpu.memory_space<vmem>> -> memref<120x128xf32, #tpu.memory_space<vmem>>
      %dma_wait3A_135 = arith.constant 0 : i32
      %dma_wait3A_136 = tpu.memref_slice %arg6[%sub3A_77, %dma_wait3A_135] : memref<10112x128xf32, #tpu.memory_space<vmem_shared>> -> memref<120x128xf32, #tpu.memory_space<vmem_shared>>
      %dma_wait3A_137 = arith.constant 0 : i32
      %dma_wait3A_138 = tpu.memref_slice %arg6[%sub3A_77, %dma_wait3A_137] : memref<10112x128xf32, #tpu.memory_space<vmem_shared>> -> memref<120x128xf32, #tpu.memory_space<vmem_shared>>
      %dma_wait3A_139 = arith.constant 0 : i32
      %dma_wait3A_140 = arith.constant 0 : i32
      %dma_wait3A_141 = tpu.memref_slice %arg9[%run_scoped3A_78, %dma_wait3A_139, %dma_wait3A_140] : memref<2x128x128xf32, #tpu.memory_space<vmem>> -> memref<1x120x128xf32, #tpu.memory_space<vmem>>
      %dma_wait3A_142 = tpu.memref_squeeze %dma_wait3A_141 : memref<1x120x128xf32, #tpu.memory_space<vmem>> -> memref<120x128xf32, #tpu.memory_space<vmem>>
      tpu.wait_dma2 semaphore(%run_scoped3A_119 : memref<!tpu.dma_semaphore, #tpu.memory_space<semaphore_mem>>) src(%dma_wait3A_142 : memref<120x128xf32, #tpu.memory_space<vmem>>) dst(%dma_wait3A_138 : memref<120x128xf32, #tpu.memory_space<vmem_shared>>)
      tpu.yield
    }) : () -> ()
    %barrier3A_79 = arith.constant 0 : index
    tpu.barrier barrier_id(%barrier3A_79)
    %mul3A_80 = arith.constant 2 : i32
    %mul3A_81 = arith.muli %mul3A_80, %arg0 : i32
    %add3A_82 = arith.constant 1 : i32
    %add3A_83 = arith.addi %mul3A_81, %add3A_82 : i32
    "tpu.region"() ({
      %run_scoped3A_119 = tpu.sem_alloc : memref<!tpu.dma_semaphore, #tpu.memory_space<semaphore_mem>>
      %dma_start3A_120 = arith.constant 0 : i32
      %dma_start3A_121 = arith.constant 0 : i32
      %dma_start3A_122 = tpu.memref_slice %arg7[%dma_start3A_120, %dma_start3A_121] : memref<40x128xi32, #tpu.memory_space<vmem>> -> memref<40x128xi32, #tpu.memory_space<vmem>>
      %dma_start3A_123 = arith.constant 0 : i32
      %dma_start3A_124 = arith.constant 0 : i32
      %dma_start3A_125 = tpu.memref_slice %arg3[%add3A_83, %arg1, %dma_start3A_123, %dma_start3A_124] : memref<4x16x79x128xi32, #tpu.memory_space<hbm>> -> memref<1x1x40x128xi32, #tpu.memory_space<hbm>>
      %dma_start3A_126 = tpu.memref_squeeze %dma_start3A_125 : memref<1x1x40x128xi32, #tpu.memory_space<hbm>> -> memref<40x128xi32, #tpu.memory_space<hbm>>
      %dma_start3A_127 = arith.constant 0 : i32
      %dma_start3A_128 = arith.constant 0 : i32
      %dma_start3A_129 = tpu.memref_slice %arg7[%dma_start3A_127, %dma_start3A_128] : memref<40x128xi32, #tpu.memory_space<vmem>> -> memref<40x128xi32, #tpu.memory_space<vmem>>
      %dma_start3A_130 = arith.constant 0 : i32
      %dma_start3A_131 = arith.constant 0 : i32
      %dma_start3A_132 = tpu.memref_slice %arg3[%add3A_83, %arg1, %dma_start3A_130, %dma_start3A_131] : memref<4x16x79x128xi32, #tpu.memory_space<hbm>> -> memref<1x1x40x128xi32, #tpu.memory_space<hbm>>
      %dma_start3A_133 = tpu.memref_squeeze %dma_start3A_132 : memref<1x1x40x128xi32, #tpu.memory_space<hbm>> -> memref<40x128xi32, #tpu.memory_space<hbm>>
      tpu.enqueue_dma source(%dma_start3A_133 : memref<40x128xi32, #tpu.memory_space<hbm>>) target(%dma_start3A_129 : memref<40x128xi32, #tpu.memory_space<vmem>>) target_semaphore(%run_scoped3A_119 : memref<!tpu.dma_semaphore, #tpu.memory_space<semaphore_mem>>)
      %dma_wait3A = arith.constant 0 : i32
      %dma_wait3A_134 = arith.constant 0 : i32
      %dma_wait3A_135 = tpu.memref_slice %arg7[%dma_wait3A, %dma_wait3A_134] : memref<40x128xi32, #tpu.memory_space<vmem>> -> memref<40x128xi32, #tpu.memory_space<vmem>>
      %dma_wait3A_136 = arith.constant 0 : i32
      %dma_wait3A_137 = arith.constant 0 : i32
      %dma_wait3A_138 = tpu.memref_slice %arg3[%add3A_83, %arg1, %dma_wait3A_136, %dma_wait3A_137] : memref<4x16x79x128xi32, #tpu.memory_space<hbm>> -> memref<1x1x40x128xi32, #tpu.memory_space<hbm>>
      %dma_wait3A_139 = tpu.memref_squeeze %dma_wait3A_138 : memref<1x1x40x128xi32, #tpu.memory_space<hbm>> -> memref<40x128xi32, #tpu.memory_space<hbm>>
      %dma_wait3A_140 = arith.constant 0 : i32
      %dma_wait3A_141 = arith.constant 0 : i32
      %dma_wait3A_142 = tpu.memref_slice %arg7[%dma_wait3A_140, %dma_wait3A_141] : memref<40x128xi32, #tpu.memory_space<vmem>> -> memref<40x128xi32, #tpu.memory_space<vmem>>
      %dma_wait3A_143 = arith.constant 0 : i32
      %dma_wait3A_144 = arith.constant 0 : i32
      %dma_wait3A_145 = tpu.memref_slice %arg3[%add3A_83, %arg1, %dma_wait3A_143, %dma_wait3A_144] : memref<4x16x79x128xi32, #tpu.memory_space<hbm>> -> memref<1x1x40x128xi32, #tpu.memory_space<hbm>>
      %dma_wait3A_146 = tpu.memref_squeeze %dma_wait3A_145 : memref<1x1x40x128xi32, #tpu.memory_space<hbm>> -> memref<40x128xi32, #tpu.memory_space<hbm>>
      tpu.wait_dma2 semaphore(%run_scoped3A_119 : memref<!tpu.dma_semaphore, #tpu.memory_space<semaphore_mem>>) src(%dma_wait3A_146 : memref<40x128xi32, #tpu.memory_space<hbm>>) dst(%dma_wait3A_142 : memref<40x128xi32, #tpu.memory_space<vmem>>)
      tpu.yield
    }) : () -> ()
    "tpu.region"() ({
      %run_scoped3A_119 = tpu.sem_alloc : memref<!tpu.dma_semaphore, #tpu.memory_space<semaphore_mem>>
      %dma_start3A_120 = arith.constant 0 : i32
      %dma_start3A_121 = arith.constant 0 : i32
      %dma_start3A_122 = tpu.memref_slice %arg8[%dma_start3A_120, %dma_start3A_121] : memref<40x128xi32, #tpu.memory_space<vmem>> -> memref<40x128xi32, #tpu.memory_space<vmem>>
      %dma_start3A_123 = arith.constant 0 : i32
      %dma_start3A_124 = arith.constant 0 : i32
      %dma_start3A_125 = tpu.memref_slice %arg4[%arg1, %dma_start3A_123, %dma_start3A_124] : memref<16x79x128xi32, #tpu.memory_space<hbm>> -> memref<1x40x128xi32, #tpu.memory_space<hbm>>
      %dma_start3A_126 = tpu.memref_squeeze %dma_start3A_125 : memref<1x40x128xi32, #tpu.memory_space<hbm>> -> memref<40x128xi32, #tpu.memory_space<hbm>>
      %dma_start3A_127 = arith.constant 0 : i32
      %dma_start3A_128 = arith.constant 0 : i32
      %dma_start3A_129 = tpu.memref_slice %arg8[%dma_start3A_127, %dma_start3A_128] : memref<40x128xi32, #tpu.memory_space<vmem>> -> memref<40x128xi32, #tpu.memory_space<vmem>>
      %dma_start3A_130 = arith.constant 0 : i32
      %dma_start3A_131 = arith.constant 0 : i32
      %dma_start3A_132 = tpu.memref_slice %arg4[%arg1, %dma_start3A_130, %dma_start3A_131] : memref<16x79x128xi32, #tpu.memory_space<hbm>> -> memref<1x40x128xi32, #tpu.memory_space<hbm>>
      %dma_start3A_133 = tpu.memref_squeeze %dma_start3A_132 : memref<1x40x128xi32, #tpu.memory_space<hbm>> -> memref<40x128xi32, #tpu.memory_space<hbm>>
      tpu.enqueue_dma source(%dma_start3A_133 : memref<40x128xi32, #tpu.memory_space<hbm>>) target(%dma_start3A_129 : memref<40x128xi32, #tpu.memory_space<vmem>>) target_semaphore(%run_scoped3A_119 : memref<!tpu.dma_semaphore, #tpu.memory_space<semaphore_mem>>)
      %dma_wait3A = arith.constant 0 : i32
      %dma_wait3A_134 = arith.constant 0 : i32
      %dma_wait3A_135 = tpu.memref_slice %arg8[%dma_wait3A, %dma_wait3A_134] : memref<40x128xi32, #tpu.memory_space<vmem>> -> memref<40x128xi32, #tpu.memory_space<vmem>>
      %dma_wait3A_136 = arith.constant 0 : i32
      %dma_wait3A_137 = arith.constant 0 : i32
      %dma_wait3A_138 = tpu.memref_slice %arg4[%arg1, %dma_wait3A_136, %dma_wait3A_137] : memref<16x79x128xi32, #tpu.memory_space<hbm>> -> memref<1x40x128xi32, #tpu.memory_space<hbm>>
      %dma_wait3A_139 = tpu.memref_squeeze %dma_wait3A_138 : memref<1x40x128xi32, #tpu.memory_space<hbm>> -> memref<40x128xi32, #tpu.memory_space<hbm>>
      %dma_wait3A_140 = arith.constant 0 : i32
      %dma_wait3A_141 = arith.constant 0 : i32
      %dma_wait3A_142 = tpu.memref_slice %arg8[%dma_wait3A_140, %dma_wait3A_141] : memref<40x128xi32, #tpu.memory_space<vmem>> -> memref<40x128xi32, #tpu.memory_space<vmem>>
      %dma_wait3A_143 = arith.constant 0 : i32
      %dma_wait3A_144 = arith.constant 0 : i32
      %dma_wait3A_145 = tpu.memref_slice %arg4[%arg1, %dma_wait3A_143, %dma_wait3A_144] : memref<16x79x128xi32, #tpu.memory_space<hbm>> -> memref<1x40x128xi32, #tpu.memory_space<hbm>>
      %dma_wait3A_146 = tpu.memref_squeeze %dma_wait3A_145 : memref<1x40x128xi32, #tpu.memory_space<hbm>> -> memref<40x128xi32, #tpu.memory_space<hbm>>
      tpu.wait_dma2 semaphore(%run_scoped3A_119 : memref<!tpu.dma_semaphore, #tpu.memory_space<semaphore_mem>>) src(%dma_wait3A_146 : memref<40x128xi32, #tpu.memory_space<hbm>>) dst(%dma_wait3A_142 : memref<40x128xi32, #tpu.memory_space<vmem>>)
      tpu.yield
    }) : () -> ()
    %dma_start3A_84 = arith.constant 0 : i32
    %dma_start3A_85 = arith.constant 0 : i32
    %dma_start3A_86 = arith.constant 0 : i32
    %dma_start3A_87 = arith.constant 0 : i32
    %dma_start3A_88 = tpu.memref_slice %arg9[%dma_start3A_85, %dma_start3A_86, %dma_start3A_87] : memref<2x128x128xf32, #tpu.memory_space<vmem>> -> memref<1x128x128xf32, #tpu.memory_space<vmem>>
    %dma_start3A_89 = tpu.memref_squeeze %dma_start3A_88 : memref<1x128x128xf32, #tpu.memory_space<vmem>> -> memref<128x128xf32, #tpu.memory_space<vmem>>
    %dma_start3A_90 = arith.constant 0 : i32
    %dma_start3A_91 = tpu.memref_slice %arg7[%dma_start3A_84, %dma_start3A_90] : memref<40x128xi32, #tpu.memory_space<vmem>> -> memref<1x128xi32, #tpu.memory_space<vmem>>
    %dma_start3A_92 = tpu.memref_squeeze %dma_start3A_91 : memref<1x128xi32, #tpu.memory_space<vmem>> -> memref<128xi32, #tpu.memory_space<vmem>>
    %dma_start3A_93 = arith.constant 0 : i32
    %dma_start3A_94 = arith.constant 0 : i32
    %dma_start3A_95 = tpu.memref_slice %arg2[%dma_start3A_93, %dma_start3A_94] : memref<40000x128xf32, #tpu.memory_space<hbm>> -> memref<40000x128xf32, #tpu.memory_space<hbm>>
    tpu.enqueue_indirect_dma source(%dma_start3A_95 : memref<40000x128xf32, #tpu.memory_space<hbm>>) target(%dma_start3A_89 : memref<128x128xf32, #tpu.memory_space<vmem>>) offsets(%dma_start3A_92 : memref<128xi32, #tpu.memory_space<vmem>>) semaphore(%arg10 : memref<!tpu.dma_semaphore, #tpu.memory_space<semaphore_mem>>)
    %scan3A_96 = arith.constant 0 : i32
    %scan3A_97 = arith.constant 40 : i32
    %scan3A_98 = arith.addi %scan3A_96, %scan3A_97 : i32
    %scan3A_99 = arith.constant 1 : i32
    scf.for %scan3A_119 = %scan3A_96 to %scan3A_98 step %scan3A_99  : i32 {
      %rem3A = arith.constant 2 : i32
      %rem3A_120 = arith.remsi %scan3A_119, %rem3A : i32
      %lt3A = arith.constant 39 : i32
      %lt3A_121 = arith.cmpi slt, %scan3A_119, %lt3A : i32
      %convert_element_type3A = arith.extui %lt3A_121 : i1 to i32
      %cond3A = arith.constant 0 : i32
      %cond3A_122 = arith.cmpi ne, %convert_element_type3A, %cond3A : i32
      scf.if %cond3A_122 {
        %add3A_136 = arith.constant 2 : i32
        %add3A_137 = arith.addi %scan3A_119, %add3A_136 : i32
        %sub3A_138 = arith.constant 1 : i32
        %sub3A_139 = arith.subi %add3A_137, %sub3A_138 : i32
        %add3A_140 = arith.constant 2 : i32
        %add3A_141 = arith.addi %scan3A_119, %add3A_140 : i32
        %sub3A_142 = arith.constant 1 : i32
        %sub3A_143 = arith.subi %add3A_141, %sub3A_142 : i32
        %rem3A_144 = arith.constant 2 : i32
        %rem3A_145 = arith.remsi %sub3A_143, %rem3A_144 : i32
        %dma_start3A_146 = arith.constant 0 : i32
        %dma_start3A_147 = arith.constant 0 : i32
        %dma_start3A_148 = tpu.memref_slice %arg9[%rem3A_145, %dma_start3A_146, %dma_start3A_147] : memref<2x128x128xf32, #tpu.memory_space<vmem>> -> memref<1x128x128xf32, #tpu.memory_space<vmem>>
        %dma_start3A_149 = tpu.memref_squeeze %dma_start3A_148 : memref<1x128x128xf32, #tpu.memory_space<vmem>> -> memref<128x128xf32, #tpu.memory_space<vmem>>
        %dma_start3A_150 = arith.constant 0 : i32
        %dma_start3A_151 = tpu.memref_slice %arg7[%sub3A_139, %dma_start3A_150] : memref<40x128xi32, #tpu.memory_space<vmem>> -> memref<1x128xi32, #tpu.memory_space<vmem>>
        %dma_start3A_152 = tpu.memref_squeeze %dma_start3A_151 : memref<1x128xi32, #tpu.memory_space<vmem>> -> memref<128xi32, #tpu.memory_space<vmem>>
        %dma_start3A_153 = arith.constant 0 : i32
        %dma_start3A_154 = arith.constant 0 : i32
        %dma_start3A_155 = tpu.memref_slice %arg2[%dma_start3A_153, %dma_start3A_154] : memref<40000x128xf32, #tpu.memory_space<hbm>> -> memref<40000x128xf32, #tpu.memory_space<hbm>>
        tpu.enqueue_indirect_dma source(%dma_start3A_155 : memref<40000x128xf32, #tpu.memory_space<hbm>>) target(%dma_start3A_149 : memref<128x128xf32, #tpu.memory_space<vmem>>) offsets(%dma_start3A_152 : memref<128xi32, #tpu.memory_space<vmem>>) semaphore(%arg10 : memref<!tpu.dma_semaphore, #tpu.memory_space<semaphore_mem>>)
      } else {
      }
      %dma_wait3A = arith.constant 0 : i32
      %dma_wait3A_123 = arith.constant 0 : i32
      %dma_wait3A_124 = tpu.memref_slice %arg9[%rem3A_120, %dma_wait3A, %dma_wait3A_123] : memref<2x128x128xf32, #tpu.memory_space<vmem>> -> memref<1x128x128xf32, #tpu.memory_space<vmem>>
      %dma_wait3A_125 = tpu.memref_squeeze %dma_wait3A_124 : memref<1x128x128xf32, #tpu.memory_space<vmem>> -> memref<128x128xf32, #tpu.memory_space<vmem>>
      %dma_wait3A_126 = arith.constant 0 : i32
      %dma_wait3A_127 = arith.constant 0 : i32
      %dma_wait3A_128 = tpu.memref_slice %arg2[%dma_wait3A_126, %dma_wait3A_127] : memref<40000x128xf32, #tpu.memory_space<hbm>> -> memref<128x128xf32, #tpu.memory_space<hbm>>
      %dma_wait3A_129 = arith.constant 0 : i32
      %dma_wait3A_130 = arith.constant 0 : i32
      %dma_wait3A_131 = tpu.memref_slice %arg9[%rem3A_120, %dma_wait3A_129, %dma_wait3A_130] : memref<2x128x128xf32, #tpu.memory_space<vmem>> -> memref<1x128x128xf32, #tpu.memory_space<vmem>>
      %dma_wait3A_132 = tpu.memref_squeeze %dma_wait3A_131 : memref<1x128x128xf32, #tpu.memory_space<vmem>> -> memref<128x128xf32, #tpu.memory_space<vmem>>
      %dma_wait3A_133 = arith.constant 0 : i32
      %dma_wait3A_134 = arith.constant 0 : i32
      %dma_wait3A_135 = tpu.memref_slice %arg2[%dma_wait3A_133, %dma_wait3A_134] : memref<40000x128xf32, #tpu.memory_space<hbm>> -> memref<128x128xf32, #tpu.memory_space<hbm>>
      tpu.wait_dma2 semaphore(%arg10 : memref<!tpu.dma_semaphore, #tpu.memory_space<semaphore_mem>>) src(%dma_wait3A_135 : memref<128x128xf32, #tpu.memory_space<hbm>>) dst(%dma_wait3A_132 : memref<128x128xf32, #tpu.memory_space<vmem>>)
      "tpu.region"() ({
        %run_scoped3A_136 = tpu.sem_alloc : memref<!tpu.dma_semaphore, #tpu.memory_space<semaphore_mem>>
        %dma_start3A_137 = arith.constant 0 : i32
        %dma_start3A_138 = arith.constant 0 : i32
        %dma_start3A_139 = tpu.memref_slice %arg9[%rem3A_120, %dma_start3A_137, %dma_start3A_138] : memref<2x128x128xf32, #tpu.memory_space<vmem>> -> memref<1x128x128xf32, #tpu.memory_space<vmem>>
        %dma_start3A_140 = tpu.memref_squeeze %dma_start3A_139 : memref<1x128x128xf32, #tpu.memory_space<vmem>> -> memref<128x128xf32, #tpu.memory_space<vmem>>
        %dma_start3A_141 = arith.constant 0 : i32
        %dma_start3A_142 = tpu.memref_slice %arg8[%scan3A_119, %dma_start3A_141] : memref<40x128xi32, #tpu.memory_space<vmem>> -> memref<1x128xi32, #tpu.memory_space<vmem>>
        %dma_start3A_143 = tpu.memref_squeeze %dma_start3A_142 : memref<1x128xi32, #tpu.memory_space<vmem>> -> memref<128xi32, #tpu.memory_space<vmem>>
        %dma_start3A_144 = arith.constant 0 : i32
        %dma_start3A_145 = arith.constant 0 : i32
        %dma_start3A_146 = tpu.memref_slice %arg6[%dma_start3A_144, %dma_start3A_145] : memref<10112x128xf32, #tpu.memory_space<vmem_shared>> -> memref<10112x128xf32, #tpu.memory_space<vmem_shared>>
        tpu.enqueue_indirect_dma source(%dma_start3A_140 : memref<128x128xf32, #tpu.memory_space<vmem>>) target(%dma_start3A_146 : memref<10112x128xf32, #tpu.memory_space<vmem_shared>>) offsets(%dma_start3A_143 : memref<128xi32, #tpu.memory_space<vmem>>) semaphore(%run_scoped3A_136 : memref<!tpu.dma_semaphore, #tpu.memory_space<semaphore_mem>>) {add = true}
        %dma_wait3A_147 = arith.constant 0 : i32
        %dma_wait3A_148 = arith.constant 0 : i32
        %dma_wait3A_149 = tpu.memref_slice %arg9[%rem3A_120, %dma_wait3A_147, %dma_wait3A_148] : memref<2x128x128xf32, #tpu.memory_space<vmem>> -> memref<1x128x128xf32, #tpu.memory_space<vmem>>
        %dma_wait3A_150 = tpu.memref_squeeze %dma_wait3A_149 : memref<1x128x128xf32, #tpu.memory_space<vmem>> -> memref<128x128xf32, #tpu.memory_space<vmem>>
        %dma_wait3A_151 = arith.constant 0 : i32
        %dma_wait3A_152 = tpu.memref_slice %arg8[%scan3A_119, %dma_wait3A_151] : memref<40x128xi32, #tpu.memory_space<vmem>> -> memref<1x128xi32, #tpu.memory_space<vmem>>
        %dma_wait3A_153 = tpu.memref_squeeze %dma_wait3A_152 : memref<1x128xi32, #tpu.memory_space<vmem>> -> memref<128xi32, #tpu.memory_space<vmem>>
        %dma_wait3A_154 = arith.constant 0 : i32
        %dma_wait3A_155 = arith.constant 0 : i32
        %dma_wait3A_156 = tpu.memref_slice %arg6[%dma_wait3A_154, %dma_wait3A_155] : memref<10112x128xf32, #tpu.memory_space<vmem_shared>> -> memref<10112x128xf32, #tpu.memory_space<vmem_shared>>
        tpu.wait_indirect_dma semaphore(%run_scoped3A_136 : memref<!tpu.dma_semaphore, #tpu.memory_space<semaphore_mem>>) src(%dma_wait3A_150 : memref<128x128xf32, #tpu.memory_space<vmem>>) dst(%dma_wait3A_156 : memref<10112x128xf32, #tpu.memory_space<vmem_shared>>)
        tpu.yield
      }) : () -> ()
    }
    %scan3A_100 = arith.constant 40 : i32
    "tpu.region"() ({
      %run_scoped3A_119 = tpu.sem_alloc : memref<!tpu.dma_semaphore, #tpu.memory_space<semaphore_mem>>
      %dma_start3A_120 = arith.constant 0 : i32
      %dma_start3A_121 = arith.constant 0 : i32
      %dma_start3A_122 = tpu.memref_slice %arg7[%dma_start3A_120, %dma_start3A_121] : memref<40x128xi32, #tpu.memory_space<vmem>> -> memref<39x128xi32, #tpu.memory_space<vmem>>
      %dma_start3A_123 = arith.constant 40 : i32
      %dma_start3A_124 = arith.constant 0 : i32
      %dma_start3A_125 = tpu.memref_slice %arg3[%add3A_83, %arg1, %dma_start3A_123, %dma_start3A_124] : memref<4x16x79x128xi32, #tpu.memory_space<hbm>> -> memref<1x1x39x128xi32, #tpu.memory_space<hbm>>
      %dma_start3A_126 = tpu.memref_squeeze %dma_start3A_125 : memref<1x1x39x128xi32, #tpu.memory_space<hbm>> -> memref<39x128xi32, #tpu.memory_space<hbm>>
      %dma_start3A_127 = arith.constant 0 : i32
      %dma_start3A_128 = arith.constant 0 : i32
      %dma_start3A_129 = tpu.memref_slice %arg7[%dma_start3A_127, %dma_start3A_128] : memref<40x128xi32, #tpu.memory_space<vmem>> -> memref<39x128xi32, #tpu.memory_space<vmem>>
      %dma_start3A_130 = arith.constant 40 : i32
      %dma_start3A_131 = arith.constant 0 : i32
      %dma_start3A_132 = tpu.memref_slice %arg3[%add3A_83, %arg1, %dma_start3A_130, %dma_start3A_131] : memref<4x16x79x128xi32, #tpu.memory_space<hbm>> -> memref<1x1x39x128xi32, #tpu.memory_space<hbm>>
      %dma_start3A_133 = tpu.memref_squeeze %dma_start3A_132 : memref<1x1x39x128xi32, #tpu.memory_space<hbm>> -> memref<39x128xi32, #tpu.memory_space<hbm>>
      tpu.enqueue_dma source(%dma_start3A_133 : memref<39x128xi32, #tpu.memory_space<hbm>>) target(%dma_start3A_129 : memref<39x128xi32, #tpu.memory_space<vmem>>) target_semaphore(%run_scoped3A_119 : memref<!tpu.dma_semaphore, #tpu.memory_space<semaphore_mem>>)
      %dma_wait3A = arith.constant 0 : i32
      %dma_wait3A_134 = arith.constant 0 : i32
      %dma_wait3A_135 = tpu.memref_slice %arg7[%dma_wait3A, %dma_wait3A_134] : memref<40x128xi32, #tpu.memory_space<vmem>> -> memref<39x128xi32, #tpu.memory_space<vmem>>
      %dma_wait3A_136 = arith.constant 40 : i32
      %dma_wait3A_137 = arith.constant 0 : i32
      %dma_wait3A_138 = tpu.memref_slice %arg3[%add3A_83, %arg1, %dma_wait3A_136, %dma_wait3A_137] : memref<4x16x79x128xi32, #tpu.memory_space<hbm>> -> memref<1x1x39x128xi32, #tpu.memory_space<hbm>>
      %dma_wait3A_139 = tpu.memref_squeeze %dma_wait3A_138 : memref<1x1x39x128xi32, #tpu.memory_space<hbm>> -> memref<39x128xi32, #tpu.memory_space<hbm>>
      %dma_wait3A_140 = arith.constant 0 : i32
      %dma_wait3A_141 = arith.constant 0 : i32
      %dma_wait3A_142 = tpu.memref_slice %arg7[%dma_wait3A_140, %dma_wait3A_141] : memref<40x128xi32, #tpu.memory_space<vmem>> -> memref<39x128xi32, #tpu.memory_space<vmem>>
      %dma_wait3A_143 = arith.constant 40 : i32
      %dma_wait3A_144 = arith.constant 0 : i32
      %dma_wait3A_145 = tpu.memref_slice %arg3[%add3A_83, %arg1, %dma_wait3A_143, %dma_wait3A_144] : memref<4x16x79x128xi32, #tpu.memory_space<hbm>> -> memref<1x1x39x128xi32, #tpu.memory_space<hbm>>
      %dma_wait3A_146 = tpu.memref_squeeze %dma_wait3A_145 : memref<1x1x39x128xi32, #tpu.memory_space<hbm>> -> memref<39x128xi32, #tpu.memory_space<hbm>>
      tpu.wait_dma2 semaphore(%run_scoped3A_119 : memref<!tpu.dma_semaphore, #tpu.memory_space<semaphore_mem>>) src(%dma_wait3A_146 : memref<39x128xi32, #tpu.memory_space<hbm>>) dst(%dma_wait3A_142 : memref<39x128xi32, #tpu.memory_space<vmem>>)
      tpu.yield
    }) : () -> ()
    "tpu.region"() ({
      %run_scoped3A_119 = tpu.sem_alloc : memref<!tpu.dma_semaphore, #tpu.memory_space<semaphore_mem>>
      %dma_start3A_120 = arith.constant 0 : i32
      %dma_start3A_121 = arith.constant 0 : i32
      %dma_start3A_122 = tpu.memref_slice %arg8[%dma_start3A_120, %dma_start3A_121] : memref<40x128xi32, #tpu.memory_space<vmem>> -> memref<39x128xi32, #tpu.memory_space<vmem>>
      %dma_start3A_123 = arith.constant 40 : i32
      %dma_start3A_124 = arith.constant 0 : i32
      %dma_start3A_125 = tpu.memref_slice %arg4[%arg1, %dma_start3A_123, %dma_start3A_124] : memref<16x79x128xi32, #tpu.memory_space<hbm>> -> memref<1x39x128xi32, #tpu.memory_space<hbm>>
      %dma_start3A_126 = tpu.memref_squeeze %dma_start3A_125 : memref<1x39x128xi32, #tpu.memory_space<hbm>> -> memref<39x128xi32, #tpu.memory_space<hbm>>
      %dma_start3A_127 = arith.constant 0 : i32
      %dma_start3A_128 = arith.constant 0 : i32
      %dma_start3A_129 = tpu.memref_slice %arg8[%dma_start3A_127, %dma_start3A_128] : memref<40x128xi32, #tpu.memory_space<vmem>> -> memref<39x128xi32, #tpu.memory_space<vmem>>
      %dma_start3A_130 = arith.constant 40 : i32
      %dma_start3A_131 = arith.constant 0 : i32
      %dma_start3A_132 = tpu.memref_slice %arg4[%arg1, %dma_start3A_130, %dma_start3A_131] : memref<16x79x128xi32, #tpu.memory_space<hbm>> -> memref<1x39x128xi32, #tpu.memory_space<hbm>>
      %dma_start3A_133 = tpu.memref_squeeze %dma_start3A_132 : memref<1x39x128xi32, #tpu.memory_space<hbm>> -> memref<39x128xi32, #tpu.memory_space<hbm>>
      tpu.enqueue_dma source(%dma_start3A_133 : memref<39x128xi32, #tpu.memory_space<hbm>>) target(%dma_start3A_129 : memref<39x128xi32, #tpu.memory_space<vmem>>) target_semaphore(%run_scoped3A_119 : memref<!tpu.dma_semaphore, #tpu.memory_space<semaphore_mem>>)
      %dma_wait3A = arith.constant 0 : i32
      %dma_wait3A_134 = arith.constant 0 : i32
      %dma_wait3A_135 = tpu.memref_slice %arg8[%dma_wait3A, %dma_wait3A_134] : memref<40x128xi32, #tpu.memory_space<vmem>> -> memref<39x128xi32, #tpu.memory_space<vmem>>
      %dma_wait3A_136 = arith.constant 40 : i32
      %dma_wait3A_137 = arith.constant 0 : i32
      %dma_wait3A_138 = tpu.memref_slice %arg4[%arg1, %dma_wait3A_136, %dma_wait3A_137] : memref<16x79x128xi32, #tpu.memory_space<hbm>> -> memref<1x39x128xi32, #tpu.memory_space<hbm>>
      %dma_wait3A_139 = tpu.memref_squeeze %dma_wait3A_138 : memref<1x39x128xi32, #tpu.memory_space<hbm>> -> memref<39x128xi32, #tpu.memory_space<hbm>>
      %dma_wait3A_140 = arith.constant 0 : i32
      %dma_wait3A_141 = arith.constant 0 : i32
      %dma_wait3A_142 = tpu.memref_slice %arg8[%dma_wait3A_140, %dma_wait3A_141] : memref<40x128xi32, #tpu.memory_space<vmem>> -> memref<39x128xi32, #tpu.memory_space<vmem>>
      %dma_wait3A_143 = arith.constant 40 : i32
      %dma_wait3A_144 = arith.constant 0 : i32
      %dma_wait3A_145 = tpu.memref_slice %arg4[%arg1, %dma_wait3A_143, %dma_wait3A_144] : memref<16x79x128xi32, #tpu.memory_space<hbm>> -> memref<1x39x128xi32, #tpu.memory_space<hbm>>
      %dma_wait3A_146 = tpu.memref_squeeze %dma_wait3A_145 : memref<1x39x128xi32, #tpu.memory_space<hbm>> -> memref<39x128xi32, #tpu.memory_space<hbm>>
      tpu.wait_dma2 semaphore(%run_scoped3A_119 : memref<!tpu.dma_semaphore, #tpu.memory_space<semaphore_mem>>) src(%dma_wait3A_146 : memref<39x128xi32, #tpu.memory_space<hbm>>) dst(%dma_wait3A_142 : memref<39x128xi32, #tpu.memory_space<vmem>>)
      tpu.yield
    }) : () -> ()
    %dma_start3A_101 = arith.constant 0 : i32
    %dma_start3A_102 = arith.constant 0 : i32
    %dma_start3A_103 = arith.constant 0 : i32
    %dma_start3A_104 = arith.constant 0 : i32
    %dma_start3A_105 = tpu.memref_slice %arg9[%dma_start3A_102, %dma_start3A_103, %dma_start3A_104] : memref<2x128x128xf32, #tpu.memory_space<vmem>> -> memref<1x128x128xf32, #tpu.memory_space<vmem>>
    %dma_start3A_106 = tpu.memref_squeeze %dma_start3A_105 : memref<1x128x128xf32, #tpu.memory_space<vmem>> -> memref<128x128xf32, #tpu.memory_space<vmem>>
    %dma_start3A_107 = arith.constant 0 : i32
    %dma_start3A_108 = tpu.memref_slice %arg7[%dma_start3A_101, %dma_start3A_107] : memref<40x128xi32, #tpu.memory_space<vmem>> -> memref<1x128xi32, #tpu.memory_space<vmem>>
    %dma_start3A_109 = tpu.memref_squeeze %dma_start3A_108 : memref<1x128xi32, #tpu.memory_space<vmem>> -> memref<128xi32, #tpu.memory_space<vmem>>
    %dma_start3A_110 = arith.constant 0 : i32
    %dma_start3A_111 = arith.constant 0 : i32
    %dma_start3A_112 = tpu.memref_slice %arg2[%dma_start3A_110, %dma_start3A_111] : memref<40000x128xf32, #tpu.memory_space<hbm>> -> memref<40000x128xf32, #tpu.memory_space<hbm>>
    tpu.enqueue_indirect_dma source(%dma_start3A_112 : memref<40000x128xf32, #tpu.memory_space<hbm>>) target(%dma_start3A_106 : memref<128x128xf32, #tpu.memory_space<vmem>>) offsets(%dma_start3A_109 : memref<128xi32, #tpu.memory_space<vmem>>) semaphore(%arg10 : memref<!tpu.dma_semaphore, #tpu.memory_space<semaphore_mem>>)
    %scan3A_113 = arith.constant 0 : i32
    %scan3A_114 = arith.constant 39 : i32
    %scan3A_115 = arith.addi %scan3A_113, %scan3A_114 : i32
    %scan3A_116 = arith.constant 1 : i32
    scf.for %scan3A_119 = %scan3A_113 to %scan3A_115 step %scan3A_116  : i32 {
      %rem3A = arith.constant 2 : i32
      %rem3A_120 = arith.remsi %scan3A_119, %rem3A : i32
      %lt3A = arith.constant 38 : i32
      %lt3A_121 = arith.cmpi slt, %scan3A_119, %lt3A : i32
      %convert_element_type3A = arith.extui %lt3A_121 : i1 to i32
      %cond3A = arith.constant 0 : i32
      %cond3A_122 = arith.cmpi ne, %convert_element_type3A, %cond3A : i32
      scf.if %cond3A_122 {
        %add3A_136 = arith.constant 2 : i32
        %add3A_137 = arith.addi %scan3A_119, %add3A_136 : i32
        %sub3A_138 = arith.constant 1 : i32
        %sub3A_139 = arith.subi %add3A_137, %sub3A_138 : i32
        %add3A_140 = arith.constant 2 : i32
        %add3A_141 = arith.addi %scan3A_119, %add3A_140 : i32
        %sub3A_142 = arith.constant 1 : i32
        %sub3A_143 = arith.subi %add3A_141, %sub3A_142 : i32
        %rem3A_144 = arith.constant 2 : i32
        %rem3A_145 = arith.remsi %sub3A_143, %rem3A_144 : i32
        %dma_start3A_146 = arith.constant 0 : i32
        %dma_start3A_147 = arith.constant 0 : i32
        %dma_start3A_148 = tpu.memref_slice %arg9[%rem3A_145, %dma_start3A_146, %dma_start3A_147] : memref<2x128x128xf32, #tpu.memory_space<vmem>> -> memref<1x128x128xf32, #tpu.memory_space<vmem>>
        %dma_start3A_149 = tpu.memref_squeeze %dma_start3A_148 : memref<1x128x128xf32, #tpu.memory_space<vmem>> -> memref<128x128xf32, #tpu.memory_space<vmem>>
        %dma_start3A_150 = arith.constant 0 : i32
        %dma_start3A_151 = tpu.memref_slice %arg7[%sub3A_139, %dma_start3A_150] : memref<40x128xi32, #tpu.memory_space<vmem>> -> memref<1x128xi32, #tpu.memory_space<vmem>>
        %dma_start3A_152 = tpu.memref_squeeze %dma_start3A_151 : memref<1x128xi32, #tpu.memory_space<vmem>> -> memref<128xi32, #tpu.memory_space<vmem>>
        %dma_start3A_153 = arith.constant 0 : i32
        %dma_start3A_154 = arith.constant 0 : i32
        %dma_start3A_155 = tpu.memref_slice %arg2[%dma_start3A_153, %dma_start3A_154] : memref<40000x128xf32, #tpu.memory_space<hbm>> -> memref<40000x128xf32, #tpu.memory_space<hbm>>
        tpu.enqueue_indirect_dma source(%dma_start3A_155 : memref<40000x128xf32, #tpu.memory_space<hbm>>) target(%dma_start3A_149 : memref<128x128xf32, #tpu.memory_space<vmem>>) offsets(%dma_start3A_152 : memref<128xi32, #tpu.memory_space<vmem>>) semaphore(%arg10 : memref<!tpu.dma_semaphore, #tpu.memory_space<semaphore_mem>>)
      } else {
      }
      %dma_wait3A = arith.constant 0 : i32
      %dma_wait3A_123 = arith.constant 0 : i32
      %dma_wait3A_124 = tpu.memref_slice %arg9[%rem3A_120, %dma_wait3A, %dma_wait3A_123] : memref<2x128x128xf32, #tpu.memory_space<vmem>> -> memref<1x128x128xf32, #tpu.memory_space<vmem>>
      %dma_wait3A_125 = tpu.memref_squeeze %dma_wait3A_124 : memref<1x128x128xf32, #tpu.memory_space<vmem>> -> memref<128x128xf32, #tpu.memory_space<vmem>>
      %dma_wait3A_126 = arith.constant 0 : i32
      %dma_wait3A_127 = arith.constant 0 : i32
      %dma_wait3A_128 = tpu.memref_slice %arg2[%dma_wait3A_126, %dma_wait3A_127] : memref<40000x128xf32, #tpu.memory_space<hbm>> -> memref<128x128xf32, #tpu.memory_space<hbm>>
      %dma_wait3A_129 = arith.constant 0 : i32
      %dma_wait3A_130 = arith.constant 0 : i32
      %dma_wait3A_131 = tpu.memref_slice %arg9[%rem3A_120, %dma_wait3A_129, %dma_wait3A_130] : memref<2x128x128xf32, #tpu.memory_space<vmem>> -> memref<1x128x128xf32, #tpu.memory_space<vmem>>
      %dma_wait3A_132 = tpu.memref_squeeze %dma_wait3A_131 : memref<1x128x128xf32, #tpu.memory_space<vmem>> -> memref<128x128xf32, #tpu.memory_space<vmem>>
      %dma_wait3A_133 = arith.constant 0 : i32
      %dma_wait3A_134 = arith.constant 0 : i32
      %dma_wait3A_135 = tpu.memref_slice %arg2[%dma_wait3A_133, %dma_wait3A_134] : memref<40000x128xf32, #tpu.memory_space<hbm>> -> memref<128x128xf32, #tpu.memory_space<hbm>>
      tpu.wait_dma2 semaphore(%arg10 : memref<!tpu.dma_semaphore, #tpu.memory_space<semaphore_mem>>) src(%dma_wait3A_135 : memref<128x128xf32, #tpu.memory_space<hbm>>) dst(%dma_wait3A_132 : memref<128x128xf32, #tpu.memory_space<vmem>>)
      "tpu.region"() ({
        %run_scoped3A_136 = tpu.sem_alloc : memref<!tpu.dma_semaphore, #tpu.memory_space<semaphore_mem>>
        %dma_start3A_137 = arith.constant 0 : i32
        %dma_start3A_138 = arith.constant 0 : i32
        %dma_start3A_139 = tpu.memref_slice %arg9[%rem3A_120, %dma_start3A_137, %dma_start3A_138] : memref<2x128x128xf32, #tpu.memory_space<vmem>> -> memref<1x128x128xf32, #tpu.memory_space<vmem>>
        %dma_start3A_140 = tpu.memref_squeeze %dma_start3A_139 : memref<1x128x128xf32, #tpu.memory_space<vmem>> -> memref<128x128xf32, #tpu.memory_space<vmem>>
        %dma_start3A_141 = arith.constant 0 : i32
        %dma_start3A_142 = tpu.memref_slice %arg8[%scan3A_119, %dma_start3A_141] : memref<40x128xi32, #tpu.memory_space<vmem>> -> memref<1x128xi32, #tpu.memory_space<vmem>>
        %dma_start3A_143 = tpu.memref_squeeze %dma_start3A_142 : memref<1x128xi32, #tpu.memory_space<vmem>> -> memref<128xi32, #tpu.memory_space<vmem>>
        %dma_start3A_144 = arith.constant 0 : i32
        %dma_start3A_145 = arith.constant 0 : i32
        %dma_start3A_146 = tpu.memref_slice %arg6[%dma_start3A_144, %dma_start3A_145] : memref<10112x128xf32, #tpu.memory_space<vmem_shared>> -> memref<10112x128xf32, #tpu.memory_space<vmem_shared>>
        tpu.enqueue_indirect_dma source(%dma_start3A_140 : memref<128x128xf32, #tpu.memory_space<vmem>>) target(%dma_start3A_146 : memref<10112x128xf32, #tpu.memory_space<vmem_shared>>) offsets(%dma_start3A_143 : memref<128xi32, #tpu.memory_space<vmem>>) semaphore(%run_scoped3A_136 : memref<!tpu.dma_semaphore, #tpu.memory_space<semaphore_mem>>) {add = true}
        %dma_wait3A_147 = arith.constant 0 : i32
        %dma_wait3A_148 = arith.constant 0 : i32
        %dma_wait3A_149 = tpu.memref_slice %arg9[%rem3A_120, %dma_wait3A_147, %dma_wait3A_148] : memref<2x128x128xf32, #tpu.memory_space<vmem>> -> memref<1x128x128xf32, #tpu.memory_space<vmem>>
        %dma_wait3A_150 = tpu.memref_squeeze %dma_wait3A_149 : memref<1x128x128xf32, #tpu.memory_space<vmem>> -> memref<128x128xf32, #tpu.memory_space<vmem>>
        %dma_wait3A_151 = arith.constant 0 : i32
        %dma_wait3A_152 = tpu.memref_slice %arg8[%scan3A_119, %dma_wait3A_151] : memref<40x128xi32, #tpu.memory_space<vmem>> -> memref<1x128xi32, #tpu.memory_space<vmem>>
        %dma_wait3A_153 = tpu.memref_squeeze %dma_wait3A_152 : memref<1x128xi32, #tpu.memory_space<vmem>> -> memref<128xi32, #tpu.memory_space<vmem>>
        %dma_wait3A_154 = arith.constant 0 : i32
        %dma_wait3A_155 = arith.constant 0 : i32
        %dma_wait3A_156 = tpu.memref_slice %arg6[%dma_wait3A_154, %dma_wait3A_155] : memref<10112x128xf32, #tpu.memory_space<vmem_shared>> -> memref<10112x128xf32, #tpu.memory_space<vmem_shared>>
        tpu.wait_indirect_dma semaphore(%run_scoped3A_136 : memref<!tpu.dma_semaphore, #tpu.memory_space<semaphore_mem>>) src(%dma_wait3A_150 : memref<128x128xf32, #tpu.memory_space<vmem>>) dst(%dma_wait3A_156 : memref<10112x128xf32, #tpu.memory_space<vmem_shared>>)
        tpu.yield
      }) : () -> ()
    }
    %scan3A_117 = arith.constant 39 : i32
    %barrier3A_118 = arith.constant 0 : index
    tpu.barrier barrier_id(%barrier3A_118)
    "tpu.region"() ({
      %run_scoped3A_119 = tpu.sem_alloc : memref<!tpu.dma_semaphore, #tpu.memory_space<semaphore_mem>>
      %dma_start3A_120 = arith.constant 0 : i32
      %dma_start3A_121 = tpu.memref_slice %arg5[%add3A_83, %mul3A_0, %dma_start3A_120] : memref<4x10112x128xf32, #tpu.memory_space<hbm>> -> memref<1x632x128xf32, #tpu.memory_space<hbm>>
      %dma_start3A_122 = tpu.memref_squeeze %dma_start3A_121 : memref<1x632x128xf32, #tpu.memory_space<hbm>> -> memref<632x128xf32, #tpu.memory_space<hbm>>
      %dma_start3A_123 = arith.constant 0 : i32
      %dma_start3A_124 = tpu.memref_slice %arg6[%mul3A_0, %dma_start3A_123] : memref<10112x128xf32, #tpu.memory_space<vmem_shared>> -> memref<632x128xf32, #tpu.memory_space<vmem_shared>>
      tpu.enqueue_dma source(%dma_start3A_124 : memref<632x128xf32, #tpu.memory_space<vmem_shared>>) target(%dma_start3A_122 : memref<632x128xf32, #tpu.memory_space<hbm>>) target_semaphore(%run_scoped3A_119 : memref<!tpu.dma_semaphore, #tpu.memory_space<semaphore_mem>>)
      %dma_wait3A = arith.constant 0 : i32
      %dma_wait3A_125 = tpu.memref_slice %arg5[%add3A_83, %mul3A_0, %dma_wait3A] : memref<4x10112x128xf32, #tpu.memory_space<hbm>> -> memref<1x632x128xf32, #tpu.memory_space<hbm>>
      %dma_wait3A_126 = tpu.memref_squeeze %dma_wait3A_125 : memref<1x632x128xf32, #tpu.memory_space<hbm>> -> memref<632x128xf32, #tpu.memory_space<hbm>>
      %dma_wait3A_127 = arith.constant 0 : i32
      %dma_wait3A_128 = tpu.memref_slice %arg6[%mul3A_0, %dma_wait3A_127] : memref<10112x128xf32, #tpu.memory_space<vmem_shared>> -> memref<632x128xf32, #tpu.memory_space<vmem_shared>>
      tpu.wait_dma2 semaphore(%run_scoped3A_119 : memref<!tpu.dma_semaphore, #tpu.memory_space<semaphore_mem>>) src(%dma_wait3A_128 : memref<632x128xf32, #tpu.memory_space<vmem_shared>>) dst(%dma_wait3A_126 : memref<632x128xf32, #tpu.memory_space<hbm>>)
      tpu.yield
    }) : () -> ()
    return
  }
}

#map = affine_map<(d0, d1) -> (0, 0)>
#map1 = affine_map<(d0, d1) -> (0, 0, 0, 0)>
#map2 = affine_map<(d0, d1) -> (0, 0, 0)>
module attributes {stable_mosaic.version = 14 : i64} {
  func.func @_agg_body(%arg0: i32, %arg1: i32, %arg2: memref<40000x128xf32, #tpu.memory_space<hbm>>, %arg3: memref<4x16x79x128xi32, #tpu.memory_space<hbm>>, %arg4: memref<16x79x128xi32, #tpu.memory_space<hbm>>, %arg5: memref<4x10112x128xf32, #tpu.memory_space<hbm>>, %arg6: memref<10112x128xf32, #tpu.memory_space<vmem_shared>>, %arg7: memref<40x128xi32, #tpu.memory_space<vmem>>, %arg8: memref<40x128xi32, #tpu.memory_space<vmem>>, %arg9: memref<2x128x128xf32, #tpu.memory_space<vmem>>, %arg10: memref<!tpu.dma_semaphore, #tpu.memory_space<semaphore_mem>>) attributes {dimension_semantics = [#tpu.dimension_semantics<core_parallel>, #tpu.dimension_semantics<subcore_parallel>], iteration_bounds = array<i64: 2, 16>, scalar_prefetch = 0 : i64, scratch_operands = 5 : i64, tpu.core_type = #tpu.core_type<sc_vector_subcore>, window_params = [{transform_indices = #map}, {transform_indices = #map1}, {transform_indices = #map2}, {transform_indices = #map2}]} {
    %mul3A = arith.constant 632 : i32
    %mul3A_0 = arith.muli %arg1, %mul3A : i32
    %scan3A = arith.constant 0 : i32
    %scan3A_1 = arith.constant 1024 : i32
    %scan3A_2 = arith.addi %scan3A, %scan3A_1 : i32
    %scan3A_3 = arith.constant 1 : i32
    scf.for %scan3A_119 = %scan3A to %scan3A_2 step %scan3A_3  : i32 {
      %broadcast_in_dim3A = arith.constant 0.000000e+00 : f32
      %broadcast_in_dim3A_120 = vector.broadcast %broadcast_in_dim3A : f32 to vector<16xf32>
      %jit3A = arith.constant 8 : i32
      %div3A = arith.divsi %scan3A_119, %jit3A : i32
      %sign3A = arith.constant 0 : i32
      %sign3A_121 = arith.cmpi sgt, %scan3A_119, %sign3A : i32
      %sign3A_122 = arith.extui %sign3A_121 : i1 to i32
      %sign3A_123 = arith.constant 0 : i32
      %sign3A_124 = arith.cmpi slt, %scan3A_119, %sign3A_123 : i32
      %sign3A_125 = arith.extui %sign3A_124 : i1 to i32
      %sign3A_126 = arith.subi %sign3A_122, %sign3A_125 : i32
      %sign3A_127 = arith.constant 0 : i32
      %sign3A_128 = arith.cmpi sgt, %jit3A, %sign3A_127 : i32
      %sign3A_129 = arith.extui %sign3A_128 : i1 to i32
      %sign3A_130 = arith.constant 0 : i32
      %sign3A_131 = arith.cmpi slt, %jit3A, %sign3A_130 : i32
      %sign3A_132 = arith.extui %sign3A_131 : i1 to i32
      %sign3A_133 = arith.subi %sign3A_129, %sign3A_132 : i32
      %ne3A = arith.cmpi ne, %sign3A_126, %sign3A_133 : i32
      %rem3A = arith.remsi %scan3A_119, %jit3A : i32
      %ne3A_134 = arith.constant 0 : i32
      %ne3A_135 = arith.cmpi ne, %rem3A, %ne3A_134 : i32
      %and3A = arith.andi %ne3A, %ne3A_135 : i1
      %sub3A_136 = arith.constant 1 : i32
      %sub3A_137 = arith.subi %div3A, %sub3A_136 : i32
      %select_n3A = arith.select %and3A, %sub3A_137, %div3A : i32
      %jit3A_138 = arith.constant 8 : i32
      %eq3A = arith.constant 0 : i32
      %eq3A_139 = arith.cmpi eq, %jit3A_138, %eq3A : i32
      %jit3A_140 = arith.constant 1 : i32
      %select_n3A_141 = arith.select %eq3A_139, %jit3A_140, %jit3A_138 : i32
      %rem3A_142 = arith.remsi %scan3A_119, %select_n3A_141 : i32
      %ne3A_143 = arith.constant 0 : i32
      %ne3A_144 = arith.cmpi ne, %rem3A_142, %ne3A_143 : i32
      %lt3A = arith.constant 0 : i32
      %lt3A_145 = arith.cmpi slt, %rem3A_142, %lt3A : i32
      %lt3A_146 = arith.constant 0 : i32
      %lt3A_147 = arith.cmpi slt, %select_n3A_141, %lt3A_146 : i32
      %ne3A_148 = arith.xori %lt3A_145, %lt3A_147 : i1
      %and3A_149 = arith.andi %ne3A_148, %ne3A_144 : i1
      %add3A_150 = arith.addi %rem3A_142, %select_n3A_141 : i32
      %select_n3A_151 = arith.select %and3A_149, %add3A_150, %rem3A_142 : i32
      %mul3A_152 = arith.constant 16 : i32
      %mul3A_153 = arith.muli %select_n3A_151, %mul3A_152 : i32
      %swap3A = arith.constant 0 : i32
      %swap3A_154 = arith.index_cast %swap3A : i32 to index
      %swap3A_155 = arith.index_cast %select_n3A : i32 to index
      %swap3A_156 = arith.index_cast %mul3A_153 : i32 to index
      %swap3A_157 = tpu.vector_load %arg9[%swap3A_154, %swap3A_155, %swap3A_156] {strides = array<i32>} : memref<2x128x128xf32, #tpu.memory_space<vmem>>, vector<1x1x16xf32>,
      %swap3A_158 = vector.shape_cast %swap3A_157 : vector<1x1x16xf32> to vector<16xf32>
      %swap3A_159 = vector.shape_cast %broadcast_in_dim3A_120 : vector<16xf32> to vector<1x1x16xf32>
      tpu.vector_store %arg9[%swap3A_154, %swap3A_155, %swap3A_156], %swap3A_159 {strides = array<i32>} : memref<2x128x128xf32, #tpu.memory_space<vmem>>, vector<1x1x16xf32>,
    }
    %scan3A_4 = arith.constant 1024 : i32
    %add3A = arith.constant 0 : i32
    %add3A_5 = arith.addi %mul3A_0, %add3A : i32
    %run_scoped3A = arith.constant 0 : i32
    "tpu.region"() ({
      %run_scoped3A_119 = tpu.sem_alloc : memref<!tpu.dma_semaphore, #tpu.memory_space<semaphore_mem>>
      %dma_start3A_120 = arith.constant 0 : i32
      %dma_start3A_121 = arith.constant 0 : i32
      %dma_start3A_122 = tpu.memref_slice %arg9[%run_scoped3A, %dma_start3A_120, %dma_start3A_121] : memref<2x128x128xf32, #tpu.memory_space<vmem>> -> memref<1x128x128xf32, #tpu.memory_space<vmem>>
      %dma_start3A_123 = tpu.memref_squeeze %dma_start3A_122 : memref<1x128x128xf32, #tpu.memory_space<vmem>> -> memref<128x128xf32, #tpu.memory_space<vmem>>
      %dma_start3A_124 = arith.constant 0 : i32
      %dma_start3A_125 = tpu.memref_slice %arg6[%add3A_5, %dma_start3A_124] : memref<10112x128xf32, #tpu.memory_space<vmem_shared>> -> memref<128x128xf32, #tpu.memory_space<vmem_shared>>
      %dma_start3A_126 = arith.constant 0 : i32
      %dma_start3A_127 = tpu.memref_slice %arg6[%add3A_5, %dma_start3A_126] : memref<10112x128xf32, #tpu.memory_space<vmem_shared>> -> memref<128x128xf32, #tpu.memory_space<vmem_shared>>
      %dma_start3A_128 = arith.constant 0 : i32
      %dma_start3A_129 = arith.constant 0 : i32
      %dma_start3A_130 = tpu.memref_slice %arg9[%run_scoped3A, %dma_start3A_128, %dma_start3A_129] : memref<2x128x128xf32, #tpu.memory_space<vmem>> -> memref<1x128x128xf32, #tpu.memory_space<vmem>>
      %dma_start3A_131 = tpu.memref_squeeze %dma_start3A_130 : memref<1x128x128xf32, #tpu.memory_space<vmem>> -> memref<128x128xf32, #tpu.memory_space<vmem>>
      tpu.enqueue_dma source(%dma_start3A_131 : memref<128x128xf32, #tpu.memory_space<vmem>>) target(%dma_start3A_127 : memref<128x128xf32, #tpu.memory_space<vmem_shared>>) target_semaphore(%run_scoped3A_119 : memref<!tpu.dma_semaphore, #tpu.memory_space<semaphore_mem>>)
      %dma_wait3A = arith.constant 0 : i32
      %dma_wait3A_132 = arith.constant 0 : i32
      %dma_wait3A_133 = tpu.memref_slice %arg9[%run_scoped3A, %dma_wait3A, %dma_wait3A_132] : memref<2x128x128xf32, #tpu.memory_space<vmem>> -> memref<1x128x128xf32, #tpu.memory_space<vmem>>
      %dma_wait3A_134 = tpu.memref_squeeze %dma_wait3A_133 : memref<1x128x128xf32, #tpu.memory_space<vmem>> -> memref<128x128xf32, #tpu.memory_space<vmem>>
      %dma_wait3A_135 = arith.constant 0 : i32
      %dma_wait3A_136 = tpu.memref_slice %arg6[%add3A_5, %dma_wait3A_135] : memref<10112x128xf32, #tpu.memory_space<vmem_shared>> -> memref<128x128xf32, #tpu.memory_space<vmem_shared>>
      %dma_wait3A_137 = arith.constant 0 : i32
      %dma_wait3A_138 = tpu.memref_slice %arg6[%add3A_5, %dma_wait3A_137] : memref<10112x128xf32, #tpu.memory_space<vmem_shared>> -> memref<128x128xf32, #tpu.memory_space<vmem_shared>>
      %dma_wait3A_139 = arith.constant 0 : i32
      %dma_wait3A_140 = arith.constant 0 : i32
      %dma_wait3A_141 = tpu.memref_slice %arg9[%run_scoped3A, %dma_wait3A_139, %dma_wait3A_140] : memref<2x128x128xf32, #tpu.memory_space<vmem>> -> memref<1x128x128xf32, #tpu.memory_space<vmem>>
      %dma_wait3A_142 = tpu.memref_squeeze %dma_wait3A_141 : memref<1x128x128xf32, #tpu.memory_space<vmem>> -> memref<128x128xf32, #tpu.memory_space<vmem>>
      tpu.wait_dma2 semaphore(%run_scoped3A_119 : memref<!tpu.dma_semaphore, #tpu.memory_space<semaphore_mem>>) src(%dma_wait3A_142 : memref<128x128xf32, #tpu.memory_space<vmem>>) dst(%dma_wait3A_138 : memref<128x128xf32, #tpu.memory_space<vmem_shared>>)
      tpu.yield
    }) : () -> ()
    %add3A_6 = arith.constant 128 : i32
    %add3A_7 = arith.addi %mul3A_0, %add3A_6 : i32
    %run_scoped3A_8 = arith.constant 0 : i32
    "tpu.region"() ({
      %run_scoped3A_119 = tpu.sem_alloc : memref<!tpu.dma_semaphore, #tpu.memory_space<semaphore_mem>>
      %dma_start3A_120 = arith.constant 0 : i32
      %dma_start3A_121 = arith.constant 0 : i32
      %dma_start3A_122 = tpu.memref_slice %arg9[%run_scoped3A_8, %dma_start3A_120, %dma_start3A_121] : memref<2x128x128xf32, #tpu.memory_space<vmem>> -> memref<1x128x128xf32, #tpu.memory_space<vmem>>
      %dma_start3A_123 = tpu.memref_squeeze %dma_start3A_122 : memref<1x128x128xf32, #tpu.memory_space<vmem>> -> memref<128x128xf32, #tpu.memory_space<vmem>>
      %dma_start3A_124 = arith.constant 0 : i32
      %dma_start3A_125 = tpu.memref_slice %arg6[%add3A_7, %dma_start3A_124] : memref<10112x128xf32, #tpu.memory_space<vmem_shared>> -> memref<128x128xf32, #tpu.memory_space<vmem_shared>>
      %dma_start3A_126 = arith.constant 0 : i32
      %dma_start3A_127 = tpu.memref_slice %arg6[%add3A_7, %dma_start3A_126] : memref<10112x128xf32, #tpu.memory_space<vmem_shared>> -> memref<128x128xf32, #tpu.memory_space<vmem_shared>>
      %dma_start3A_128 = arith.constant 0 : i32
      %dma_start3A_129 = arith.constant 0 : i32
      %dma_start3A_130 = tpu.memref_slice %arg9[%run_scoped3A_8, %dma_start3A_128, %dma_start3A_129] : memref<2x128x128xf32, #tpu.memory_space<vmem>> -> memref<1x128x128xf32, #tpu.memory_space<vmem>>
      %dma_start3A_131 = tpu.memref_squeeze %dma_start3A_130 : memref<1x128x128xf32, #tpu.memory_space<vmem>> -> memref<128x128xf32, #tpu.memory_space<vmem>>
      tpu.enqueue_dma source(%dma_start3A_131 : memref<128x128xf32, #tpu.memory_space<vmem>>) target(%dma_start3A_127 : memref<128x128xf32, #tpu.memory_space<vmem_shared>>) target_semaphore(%run_scoped3A_119 : memref<!tpu.dma_semaphore, #tpu.memory_space<semaphore_mem>>)
      %dma_wait3A = arith.constant 0 : i32
      %dma_wait3A_132 = arith.constant 0 : i32
      %dma_wait3A_133 = tpu.memref_slice %arg9[%run_scoped3A_8, %dma_wait3A, %dma_wait3A_132] : memref<2x128x128xf32, #tpu.memory_space<vmem>> -> memref<1x128x128xf32, #tpu.memory_space<vmem>>
      %dma_wait3A_134 = tpu.memref_squeeze %dma_wait3A_133 : memref<1x128x128xf32, #tpu.memory_space<vmem>> -> memref<128x128xf32, #tpu.memory_space<vmem>>
      %dma_wait3A_135 = arith.constant 0 : i32
      %dma_wait3A_136 = tpu.memref_slice %arg6[%add3A_7, %dma_wait3A_135] : memref<10112x128xf32, #tpu.memory_space<vmem_shared>> -> memref<128x128xf32, #tpu.memory_space<vmem_shared>>
      %dma_wait3A_137 = arith.constant 0 : i32
      %dma_wait3A_138 = tpu.memref_slice %arg6[%add3A_7, %dma_wait3A_137] : memref<10112x128xf32, #tpu.memory_space<vmem_shared>> -> memref<128x128xf32, #tpu.memory_space<vmem_shared>>
      %dma_wait3A_139 = arith.constant 0 : i32
      %dma_wait3A_140 = arith.constant 0 : i32
      %dma_wait3A_141 = tpu.memref_slice %arg9[%run_scoped3A_8, %dma_wait3A_139, %dma_wait3A_140] : memref<2x128x128xf32, #tpu.memory_space<vmem>> -> memref<1x128x128xf32, #tpu.memory_space<vmem>>
      %dma_wait3A_142 = tpu.memref_squeeze %dma_wait3A_141 : memref<1x128x128xf32, #tpu.memory_space<vmem>> -> memref<128x128xf32, #tpu.memory_space<vmem>>
      tpu.wait_dma2 semaphore(%run_scoped3A_119 : memref<!tpu.dma_semaphore, #tpu.memory_space<semaphore_mem>>) src(%dma_wait3A_142 : memref<128x128xf32, #tpu.memory_space<vmem>>) dst(%dma_wait3A_138 : memref<128x128xf32, #tpu.memory_space<vmem_shared>>)
      tpu.yield
    }) : () -> ()
    %add3A_9 = arith.constant 256 : i32
    %add3A_10 = arith.addi %mul3A_0, %add3A_9 : i32
    %run_scoped3A_11 = arith.constant 0 : i32
    "tpu.region"() ({
      %run_scoped3A_119 = tpu.sem_alloc : memref<!tpu.dma_semaphore, #tpu.memory_space<semaphore_mem>>
      %dma_start3A_120 = arith.constant 0 : i32
      %dma_start3A_121 = arith.constant 0 : i32
      %dma_start3A_122 = tpu.memref_slice %arg9[%run_scoped3A_11, %dma_start3A_120, %dma_start3A_121] : memref<2x128x128xf32, #tpu.memory_space<vmem>> -> memref<1x128x128xf32, #tpu.memory_space<vmem>>
      %dma_start3A_123 = tpu.memref_squeeze %dma_start3A_122 : memref<1x128x128xf32, #tpu.memory_space<vmem>> -> memref<128x128xf32, #tpu.memory_space<vmem>>
      %dma_start3A_124 = arith.constant 0 : i32
      %dma_start3A_125 = tpu.memref_slice %arg6[%add3A_10, %dma_start3A_124] : memref<10112x128xf32, #tpu.memory_space<vmem_shared>> -> memref<128x128xf32, #tpu.memory_space<vmem_shared>>
      %dma_start3A_126 = arith.constant 0 : i32
      %dma_start3A_127 = tpu.memref_slice %arg6[%add3A_10, %dma_start3A_126] : memref<10112x128xf32, #tpu.memory_space<vmem_shared>> -> memref<128x128xf32, #tpu.memory_space<vmem_shared>>
      %dma_start3A_128 = arith.constant 0 : i32
      %dma_start3A_129 = arith.constant 0 : i32
      %dma_start3A_130 = tpu.memref_slice %arg9[%run_scoped3A_11, %dma_start3A_128, %dma_start3A_129] : memref<2x128x128xf32, #tpu.memory_space<vmem>> -> memref<1x128x128xf32, #tpu.memory_space<vmem>>
      %dma_start3A_131 = tpu.memref_squeeze %dma_start3A_130 : memref<1x128x128xf32, #tpu.memory_space<vmem>> -> memref<128x128xf32, #tpu.memory_space<vmem>>
      tpu.enqueue_dma source(%dma_start3A_131 : memref<128x128xf32, #tpu.memory_space<vmem>>) target(%dma_start3A_127 : memref<128x128xf32, #tpu.memory_space<vmem_shared>>) target_semaphore(%run_scoped3A_119 : memref<!tpu.dma_semaphore, #tpu.memory_space<semaphore_mem>>)
      %dma_wait3A = arith.constant 0 : i32
      %dma_wait3A_132 = arith.constant 0 : i32
      %dma_wait3A_133 = tpu.memref_slice %arg9[%run_scoped3A_11, %dma_wait3A, %dma_wait3A_132] : memref<2x128x128xf32, #tpu.memory_space<vmem>> -> memref<1x128x128xf32, #tpu.memory_space<vmem>>
      %dma_wait3A_134 = tpu.memref_squeeze %dma_wait3A_133 : memref<1x128x128xf32, #tpu.memory_space<vmem>> -> memref<128x128xf32, #tpu.memory_space<vmem>>
      %dma_wait3A_135 = arith.constant 0 : i32
      %dma_wait3A_136 = tpu.memref_slice %arg6[%add3A_10, %dma_wait3A_135] : memref<10112x128xf32, #tpu.memory_space<vmem_shared>> -> memref<128x128xf32, #tpu.memory_space<vmem_shared>>
      %dma_wait3A_137 = arith.constant 0 : i32
      %dma_wait3A_138 = tpu.memref_slice %arg6[%add3A_10, %dma_wait3A_137] : memref<10112x128xf32, #tpu.memory_space<vmem_shared>> -> memref<128x128xf32, #tpu.memory_space<vmem_shared>>
      %dma_wait3A_139 = arith.constant 0 : i32
      %dma_wait3A_140 = arith.constant 0 : i32
      %dma_wait3A_141 = tpu.memref_slice %arg9[%run_scoped3A_11, %dma_wait3A_139, %dma_wait3A_140] : memref<2x128x128xf32, #tpu.memory_space<vmem>> -> memref<1x128x128xf32, #tpu.memory_space<vmem>>
      %dma_wait3A_142 = tpu.memref_squeeze %dma_wait3A_141 : memref<1x128x128xf32, #tpu.memory_space<vmem>> -> memref<128x128xf32, #tpu.memory_space<vmem>>
      tpu.wait_dma2 semaphore(%run_scoped3A_119 : memref<!tpu.dma_semaphore, #tpu.memory_space<semaphore_mem>>) src(%dma_wait3A_142 : memref<128x128xf32, #tpu.memory_space<vmem>>) dst(%dma_wait3A_138 : memref<128x128xf32, #tpu.memory_space<vmem_shared>>)
      tpu.yield
    }) : () -> ()
    %add3A_12 = arith.constant 384 : i32
    %add3A_13 = arith.addi %mul3A_0, %add3A_12 : i32
    %run_scoped3A_14 = arith.constant 0 : i32
    "tpu.region"() ({
      %run_scoped3A_119 = tpu.sem_alloc : memref<!tpu.dma_semaphore, #tpu.memory_space<semaphore_mem>>
      %dma_start3A_120 = arith.constant 0 : i32
      %dma_start3A_121 = arith.constant 0 : i32
      %dma_start3A_122 = tpu.memref_slice %arg9[%run_scoped3A_14, %dma_start3A_120, %dma_start3A_121] : memref<2x128x128xf32, #tpu.memory_space<vmem>> -> memref<1x128x128xf32, #tpu.memory_space<vmem>>
      %dma_start3A_123 = tpu.memref_squeeze %dma_start3A_122 : memref<1x128x128xf32, #tpu.memory_space<vmem>> -> memref<128x128xf32, #tpu.memory_space<vmem>>
      %dma_start3A_124 = arith.constant 0 : i32
      %dma_start3A_125 = tpu.memref_slice %arg6[%add3A_13, %dma_start3A_124] : memref<10112x128xf32, #tpu.memory_space<vmem_shared>> -> memref<128x128xf32, #tpu.memory_space<vmem_shared>>
      %dma_start3A_126 = arith.constant 0 : i32
      %dma_start3A_127 = tpu.memref_slice %arg6[%add3A_13, %dma_start3A_126] : memref<10112x128xf32, #tpu.memory_space<vmem_shared>> -> memref<128x128xf32, #tpu.memory_space<vmem_shared>>
      %dma_start3A_128 = arith.constant 0 : i32
      %dma_start3A_129 = arith.constant 0 : i32
      %dma_start3A_130 = tpu.memref_slice %arg9[%run_scoped3A_14, %dma_start3A_128, %dma_start3A_129] : memref<2x128x128xf32, #tpu.memory_space<vmem>> -> memref<1x128x128xf32, #tpu.memory_space<vmem>>
      %dma_start3A_131 = tpu.memref_squeeze %dma_start3A_130 : memref<1x128x128xf32, #tpu.memory_space<vmem>> -> memref<128x128xf32, #tpu.memory_space<vmem>>
      tpu.enqueue_dma source(%dma_start3A_131 : memref<128x128xf32, #tpu.memory_space<vmem>>) target(%dma_start3A_127 : memref<128x128xf32, #tpu.memory_space<vmem_shared>>) target_semaphore(%run_scoped3A_119 : memref<!tpu.dma_semaphore, #tpu.memory_space<semaphore_mem>>)
      %dma_wait3A = arith.constant 0 : i32
      %dma_wait3A_132 = arith.constant 0 : i32
      %dma_wait3A_133 = tpu.memref_slice %arg9[%run_scoped3A_14, %dma_wait3A, %dma_wait3A_132] : memref<2x128x128xf32, #tpu.memory_space<vmem>> -> memref<1x128x128xf32, #tpu.memory_space<vmem>>
      %dma_wait3A_134 = tpu.memref_squeeze %dma_wait3A_133 : memref<1x128x128xf32, #tpu.memory_space<vmem>> -> memref<128x128xf32, #tpu.memory_space<vmem>>
      %dma_wait3A_135 = arith.constant 0 : i32
      %dma_wait3A_136 = tpu.memref_slice %arg6[%add3A_13, %dma_wait3A_135] : memref<10112x128xf32, #tpu.memory_space<vmem_shared>> -> memref<128x128xf32, #tpu.memory_space<vmem_shared>>
      %dma_wait3A_137 = arith.constant 0 : i32
      %dma_wait3A_138 = tpu.memref_slice %arg6[%add3A_13, %dma_wait3A_137] : memref<10112x128xf32, #tpu.memory_space<vmem_shared>> -> memref<128x128xf32, #tpu.memory_space<vmem_shared>>
      %dma_wait3A_139 = arith.constant 0 : i32
      %dma_wait3A_140 = arith.constant 0 : i32
      %dma_wait3A_141 = tpu.memref_slice %arg9[%run_scoped3A_14, %dma_wait3A_139, %dma_wait3A_140] : memref<2x128x128xf32, #tpu.memory_space<vmem>> -> memref<1x128x128xf32, #tpu.memory_space<vmem>>
      %dma_wait3A_142 = tpu.memref_squeeze %dma_wait3A_141 : memref<1x128x128xf32, #tpu.memory_space<vmem>> -> memref<128x128xf32, #tpu.memory_space<vmem>>
      tpu.wait_dma2 semaphore(%run_scoped3A_119 : memref<!tpu.dma_semaphore, #tpu.memory_space<semaphore_mem>>) src(%dma_wait3A_142 : memref<128x128xf32, #tpu.memory_space<vmem>>) dst(%dma_wait3A_138 : memref<128x128xf32, #tpu.memory_space<vmem_shared>>)
      tpu.yield
    }) : () -> ()
    %add3A_15 = arith.constant 632 : i32
    %add3A_16 = arith.addi %mul3A_0, %add3A_15 : i32
    %sub3A = arith.constant 120 : i32
    %sub3A_17 = arith.subi %add3A_16, %sub3A : i32
    %run_scoped3A_18 = arith.constant 0 : i32
    "tpu.region"() ({
      %run_scoped3A_119 = tpu.sem_alloc : memref<!tpu.dma_semaphore, #tpu.memory_space<semaphore_mem>>
      %dma_start3A_120 = arith.constant 0 : i32
      %dma_start3A_121 = arith.constant 0 : i32
      %dma_start3A_122 = tpu.memref_slice %arg9[%run_scoped3A_18, %dma_start3A_120, %dma_start3A_121] : memref<2x128x128xf32, #tpu.memory_space<vmem>> -> memref<1x120x128xf32, #tpu.memory_space<vmem>>
      %dma_start3A_123 = tpu.memref_squeeze %dma_start3A_122 : memref<1x120x128xf32, #tpu.memory_space<vmem>> -> memref<120x128xf32, #tpu.memory_space<vmem>>
      %dma_start3A_124 = arith.constant 0 : i32
      %dma_start3A_125 = tpu.memref_slice %arg6[%sub3A_17, %dma_start3A_124] : memref<10112x128xf32, #tpu.memory_space<vmem_shared>> -> memref<120x128xf32, #tpu.memory_space<vmem_shared>>
      %dma_start3A_126 = arith.constant 0 : i32
      %dma_start3A_127 = tpu.memref_slice %arg6[%sub3A_17, %dma_start3A_126] : memref<10112x128xf32, #tpu.memory_space<vmem_shared>> -> memref<120x128xf32, #tpu.memory_space<vmem_shared>>
      %dma_start3A_128 = arith.constant 0 : i32
      %dma_start3A_129 = arith.constant 0 : i32
      %dma_start3A_130 = tpu.memref_slice %arg9[%run_scoped3A_18, %dma_start3A_128, %dma_start3A_129] : memref<2x128x128xf32, #tpu.memory_space<vmem>> -> memref<1x120x128xf32, #tpu.memory_space<vmem>>
      %dma_start3A_131 = tpu.memref_squeeze %dma_start3A_130 : memref<1x120x128xf32, #tpu.memory_space<vmem>> -> memref<120x128xf32, #tpu.memory_space<vmem>>
      tpu.enqueue_dma source(%dma_start3A_131 : memref<120x128xf32, #tpu.memory_space<vmem>>) target(%dma_start3A_127 : memref<120x128xf32, #tpu.memory_space<vmem_shared>>) target_semaphore(%run_scoped3A_119 : memref<!tpu.dma_semaphore, #tpu.memory_space<semaphore_mem>>)
      %dma_wait3A = arith.constant 0 : i32
      %dma_wait3A_132 = arith.constant 0 : i32
      %dma_wait3A_133 = tpu.memref_slice %arg9[%run_scoped3A_18, %dma_wait3A, %dma_wait3A_132] : memref<2x128x128xf32, #tpu.memory_space<vmem>> -> memref<1x120x128xf32, #tpu.memory_space<vmem>>
      %dma_wait3A_134 = tpu.memref_squeeze %dma_wait3A_133 : memref<1x120x128xf32, #tpu.memory_space<vmem>> -> memref<120x128xf32, #tpu.memory_space<vmem>>
      %dma_wait3A_135 = arith.constant 0 : i32
      %dma_wait3A_136 = tpu.memref_slice %arg6[%sub3A_17, %dma_wait3A_135] : memref<10112x128xf32, #tpu.memory_space<vmem_shared>> -> memref<120x128xf32, #tpu.memory_space<vmem_shared>>
      %dma_wait3A_137 = arith.constant 0 : i32
      %dma_wait3A_138 = tpu.memref_slice %arg6[%sub3A_17, %dma_wait3A_137] : memref<10112x128xf32, #tpu.memory_space<vmem_shared>> -> memref<120x128xf32, #tpu.memory_space<vmem_shared>>
      %dma_wait3A_139 = arith.constant 0 : i32
      %dma_wait3A_140 = arith.constant 0 : i32
      %dma_wait3A_141 = tpu.memref_slice %arg9[%run_scoped3A_18, %dma_wait3A_139, %dma_wait3A_140] : memref<2x128x128xf32, #tpu.memory_space<vmem>> -> memref<1x120x128xf32, #tpu.memory_space<vmem>>
      %dma_wait3A_142 = tpu.memref_squeeze %dma_wait3A_141 : memref<1x120x128xf32, #tpu.memory_space<vmem>> -> memref<120x128xf32, #tpu.memory_space<vmem>>
      tpu.wait_dma2 semaphore(%run_scoped3A_119 : memref<!tpu.dma_semaphore, #tpu.memory_space<semaphore_mem>>) src(%dma_wait3A_142 : memref<120x128xf32, #tpu.memory_space<vmem>>) dst(%dma_wait3A_138 : memref<120x128xf32, #tpu.memory_space<vmem_shared>>)
      tpu.yield
    }) : () -> ()
    %barrier3A = arith.constant 0 : index
    tpu.barrier barrier_id(%barrier3A)
    %mul3A_19 = arith.constant 2 : i32
    %mul3A_20 = arith.muli %mul3A_19, %arg0 : i32
    %add3A_21 = arith.constant 0 : i32
    %add3A_22 = arith.addi %mul3A_20, %add3A_21 : i32
    "tpu.region"() ({
      %run_scoped3A_119 = tpu.sem_alloc : memref<!tpu.dma_semaphore, #tpu.memory_space<semaphore_mem>>
      %dma_start3A_120 = arith.constant 0 : i32
      %dma_start3A_121 = arith.constant 0 : i32
      %dma_start3A_122 = tpu.memref_slice %arg7[%dma_start3A_120, %dma_start3A_121] : memref<40x128xi32, #tpu.memory_space<vmem>> -> memref<40x128xi32, #tpu.memory_space<vmem>>
      %dma_start3A_123 = arith.constant 0 : i32
      %dma_start3A_124 = arith.constant 0 : i32
      %dma_start3A_125 = tpu.memref_slice %arg3[%add3A_22, %arg1, %dma_start3A_123, %dma_start3A_124] : memref<4x16x79x128xi32, #tpu.memory_space<hbm>> -> memref<1x1x40x128xi32, #tpu.memory_space<hbm>>
      %dma_start3A_126 = tpu.memref_squeeze %dma_start3A_125 : memref<1x1x40x128xi32, #tpu.memory_space<hbm>> -> memref<40x128xi32, #tpu.memory_space<hbm>>
      %dma_start3A_127 = arith.constant 0 : i32
      %dma_start3A_128 = arith.constant 0 : i32
      %dma_start3A_129 = tpu.memref_slice %arg7[%dma_start3A_127, %dma_start3A_128] : memref<40x128xi32, #tpu.memory_space<vmem>> -> memref<40x128xi32, #tpu.memory_space<vmem>>
      %dma_start3A_130 = arith.constant 0 : i32
      %dma_start3A_131 = arith.constant 0 : i32
      %dma_start3A_132 = tpu.memref_slice %arg3[%add3A_22, %arg1, %dma_start3A_130, %dma_start3A_131] : memref<4x16x79x128xi32, #tpu.memory_space<hbm>> -> memref<1x1x40x128xi32, #tpu.memory_space<hbm>>
      %dma_start3A_133 = tpu.memref_squeeze %dma_start3A_132 : memref<1x1x40x128xi32, #tpu.memory_space<hbm>> -> memref<40x128xi32, #tpu.memory_space<hbm>>
      tpu.enqueue_dma source(%dma_start3A_133 : memref<40x128xi32, #tpu.memory_space<hbm>>) target(%dma_start3A_129 : memref<40x128xi32, #tpu.memory_space<vmem>>) target_semaphore(%run_scoped3A_119 : memref<!tpu.dma_semaphore, #tpu.memory_space<semaphore_mem>>)
      %dma_wait3A = arith.constant 0 : i32
      %dma_wait3A_134 = arith.constant 0 : i32
      %dma_wait3A_135 = tpu.memref_slice %arg7[%dma_wait3A, %dma_wait3A_134] : memref<40x128xi32, #tpu.memory_space<vmem>> -> memref<40x128xi32, #tpu.memory_space<vmem>>
      %dma_wait3A_136 = arith.constant 0 : i32
      %dma_wait3A_137 = arith.constant 0 : i32
      %dma_wait3A_138 = tpu.memref_slice %arg3[%add3A_22, %arg1, %dma_wait3A_136, %dma_wait3A_137] : memref<4x16x79x128xi32, #tpu.memory_space<hbm>> -> memref<1x1x40x128xi32, #tpu.memory_space<hbm>>
      %dma_wait3A_139 = tpu.memref_squeeze %dma_wait3A_138 : memref<1x1x40x128xi32, #tpu.memory_space<hbm>> -> memref<40x128xi32, #tpu.memory_space<hbm>>
      %dma_wait3A_140 = arith.constant 0 : i32
      %dma_wait3A_141 = arith.constant 0 : i32
      %dma_wait3A_142 = tpu.memref_slice %arg7[%dma_wait3A_140, %dma_wait3A_141] : memref<40x128xi32, #tpu.memory_space<vmem>> -> memref<40x128xi32, #tpu.memory_space<vmem>>
      %dma_wait3A_143 = arith.constant 0 : i32
      %dma_wait3A_144 = arith.constant 0 : i32
      %dma_wait3A_145 = tpu.memref_slice %arg3[%add3A_22, %arg1, %dma_wait3A_143, %dma_wait3A_144] : memref<4x16x79x128xi32, #tpu.memory_space<hbm>> -> memref<1x1x40x128xi32, #tpu.memory_space<hbm>>
      %dma_wait3A_146 = tpu.memref_squeeze %dma_wait3A_145 : memref<1x1x40x128xi32, #tpu.memory_space<hbm>> -> memref<40x128xi32, #tpu.memory_space<hbm>>
      tpu.wait_dma2 semaphore(%run_scoped3A_119 : memref<!tpu.dma_semaphore, #tpu.memory_space<semaphore_mem>>) src(%dma_wait3A_146 : memref<40x128xi32, #tpu.memory_space<hbm>>) dst(%dma_wait3A_142 : memref<40x128xi32, #tpu.memory_space<vmem>>)
      tpu.yield
    }) : () -> ()
    "tpu.region"() ({
      %run_scoped3A_119 = tpu.sem_alloc : memref<!tpu.dma_semaphore, #tpu.memory_space<semaphore_mem>>
      %dma_start3A_120 = arith.constant 0 : i32
      %dma_start3A_121 = arith.constant 0 : i32
      %dma_start3A_122 = tpu.memref_slice %arg8[%dma_start3A_120, %dma_start3A_121] : memref<40x128xi32, #tpu.memory_space<vmem>> -> memref<40x128xi32, #tpu.memory_space<vmem>>
      %dma_start3A_123 = arith.constant 0 : i32
      %dma_start3A_124 = arith.constant 0 : i32
      %dma_start3A_125 = tpu.memref_slice %arg4[%arg1, %dma_start3A_123, %dma_start3A_124] : memref<16x79x128xi32, #tpu.memory_space<hbm>> -> memref<1x40x128xi32, #tpu.memory_space<hbm>>
      %dma_start3A_126 = tpu.memref_squeeze %dma_start3A_125 : memref<1x40x128xi32, #tpu.memory_space<hbm>> -> memref<40x128xi32, #tpu.memory_space<hbm>>
      %dma_start3A_127 = arith.constant 0 : i32
      %dma_start3A_128 = arith.constant 0 : i32
      %dma_start3A_129 = tpu.memref_slice %arg8[%dma_start3A_127, %dma_start3A_128] : memref<40x128xi32, #tpu.memory_space<vmem>> -> memref<40x128xi32, #tpu.memory_space<vmem>>
      %dma_start3A_130 = arith.constant 0 : i32
      %dma_start3A_131 = arith.constant 0 : i32
      %dma_start3A_132 = tpu.memref_slice %arg4[%arg1, %dma_start3A_130, %dma_start3A_131] : memref<16x79x128xi32, #tpu.memory_space<hbm>> -> memref<1x40x128xi32, #tpu.memory_space<hbm>>
      %dma_start3A_133 = tpu.memref_squeeze %dma_start3A_132 : memref<1x40x128xi32, #tpu.memory_space<hbm>> -> memref<40x128xi32, #tpu.memory_space<hbm>>
      tpu.enqueue_dma source(%dma_start3A_133 : memref<40x128xi32, #tpu.memory_space<hbm>>) target(%dma_start3A_129 : memref<40x128xi32, #tpu.memory_space<vmem>>) target_semaphore(%run_scoped3A_119 : memref<!tpu.dma_semaphore, #tpu.memory_space<semaphore_mem>>)
      %dma_wait3A = arith.constant 0 : i32
      %dma_wait3A_134 = arith.constant 0 : i32
      %dma_wait3A_135 = tpu.memref_slice %arg8[%dma_wait3A, %dma_wait3A_134] : memref<40x128xi32, #tpu.memory_space<vmem>> -> memref<40x128xi32, #tpu.memory_space<vmem>>
      %dma_wait3A_136 = arith.constant 0 : i32
      %dma_wait3A_137 = arith.constant 0 : i32
      %dma_wait3A_138 = tpu.memref_slice %arg4[%arg1, %dma_wait3A_136, %dma_wait3A_137] : memref<16x79x128xi32, #tpu.memory_space<hbm>> -> memref<1x40x128xi32, #tpu.memory_space<hbm>>
      %dma_wait3A_139 = tpu.memref_squeeze %dma_wait3A_138 : memref<1x40x128xi32, #tpu.memory_space<hbm>> -> memref<40x128xi32, #tpu.memory_space<hbm>>
      %dma_wait3A_140 = arith.constant 0 : i32
      %dma_wait3A_141 = arith.constant 0 : i32
      %dma_wait3A_142 = tpu.memref_slice %arg8[%dma_wait3A_140, %dma_wait3A_141] : memref<40x128xi32, #tpu.memory_space<vmem>> -> memref<40x128xi32, #tpu.memory_space<vmem>>
      %dma_wait3A_143 = arith.constant 0 : i32
      %dma_wait3A_144 = arith.constant 0 : i32
      %dma_wait3A_145 = tpu.memref_slice %arg4[%arg1, %dma_wait3A_143, %dma_wait3A_144] : memref<16x79x128xi32, #tpu.memory_space<hbm>> -> memref<1x40x128xi32, #tpu.memory_space<hbm>>
      %dma_wait3A_146 = tpu.memref_squeeze %dma_wait3A_145 : memref<1x40x128xi32, #tpu.memory_space<hbm>> -> memref<40x128xi32, #tpu.memory_space<hbm>>
      tpu.wait_dma2 semaphore(%run_scoped3A_119 : memref<!tpu.dma_semaphore, #tpu.memory_space<semaphore_mem>>) src(%dma_wait3A_146 : memref<40x128xi32, #tpu.memory_space<hbm>>) dst(%dma_wait3A_142 : memref<40x128xi32, #tpu.memory_space<vmem>>)
      tpu.yield
    }) : () -> ()
    %dma_start3A = arith.constant 0 : i32
    %dma_start3A_23 = arith.constant 0 : i32
    %dma_start3A_24 = arith.constant 0 : i32
    %dma_start3A_25 = arith.constant 0 : i32
    %dma_start3A_26 = tpu.memref_slice %arg9[%dma_start3A_23, %dma_start3A_24, %dma_start3A_25] : memref<2x128x128xf32, #tpu.memory_space<vmem>> -> memref<1x128x128xf32, #tpu.memory_space<vmem>>
    %dma_start3A_27 = tpu.memref_squeeze %dma_start3A_26 : memref<1x128x128xf32, #tpu.memory_space<vmem>> -> memref<128x128xf32, #tpu.memory_space<vmem>>
    %dma_start3A_28 = arith.constant 0 : i32
    %dma_start3A_29 = tpu.memref_slice %arg7[%dma_start3A, %dma_start3A_28] : memref<40x128xi32, #tpu.memory_space<vmem>> -> memref<1x128xi32, #tpu.memory_space<vmem>>
    %dma_start3A_30 = tpu.memref_squeeze %dma_start3A_29 : memref<1x128xi32, #tpu.memory_space<vmem>> -> memref<128xi32, #tpu.memory_space<vmem>>
    %dma_start3A_31 = arith.constant 0 : i32
    %dma_start3A_32 = arith.constant 0 : i32
    %dma_start3A_33 = tpu.memref_slice %arg2[%dma_start3A_31, %dma_start3A_32] : memref<40000x128xf32, #tpu.memory_space<hbm>> -> memref<40000x128xf32, #tpu.memory_space<hbm>>
    tpu.enqueue_indirect_dma source(%dma_start3A_33 : memref<40000x128xf32, #tpu.memory_space<hbm>>) target(%dma_start3A_27 : memref<128x128xf32, #tpu.memory_space<vmem>>) offsets(%dma_start3A_30 : memref<128xi32, #tpu.memory_space<vmem>>) semaphore(%arg10 : memref<!tpu.dma_semaphore, #tpu.memory_space<semaphore_mem>>)
    %scan3A_34 = arith.constant 0 : i32
    %scan3A_35 = arith.constant 40 : i32
    %scan3A_36 = arith.addi %scan3A_34, %scan3A_35 : i32
    %scan3A_37 = arith.constant 1 : i32
    scf.for %scan3A_119 = %scan3A_34 to %scan3A_36 step %scan3A_37  : i32 {
      %rem3A = arith.constant 2 : i32
      %rem3A_120 = arith.remsi %scan3A_119, %rem3A : i32
      %lt3A = arith.constant 39 : i32
      %lt3A_121 = arith.cmpi slt, %scan3A_119, %lt3A : i32
      %convert_element_type3A = arith.extui %lt3A_121 : i1 to i32
      %cond3A = arith.constant 0 : i32
      %cond3A_122 = arith.cmpi ne, %convert_element_type3A, %cond3A : i32
      scf.if %cond3A_122 {
        %add3A_136 = arith.constant 2 : i32
        %add3A_137 = arith.addi %scan3A_119, %add3A_136 : i32
        %sub3A_138 = arith.constant 1 : i32
        %sub3A_139 = arith.subi %add3A_137, %sub3A_138 : i32
        %add3A_140 = arith.constant 2 : i32
        %add3A_141 = arith.addi %scan3A_119, %add3A_140 : i32
        %sub3A_142 = arith.constant 1 : i32
        %sub3A_143 = arith.subi %add3A_141, %sub3A_142 : i32
        %rem3A_144 = arith.constant 2 : i32
        %rem3A_145 = arith.remsi %sub3A_143, %rem3A_144 : i32
        %dma_start3A_146 = arith.constant 0 : i32
        %dma_start3A_147 = arith.constant 0 : i32
        %dma_start3A_148 = tpu.memref_slice %arg9[%rem3A_145, %dma_start3A_146, %dma_start3A_147] : memref<2x128x128xf32, #tpu.memory_space<vmem>> -> memref<1x128x128xf32, #tpu.memory_space<vmem>>
        %dma_start3A_149 = tpu.memref_squeeze %dma_start3A_148 : memref<1x128x128xf32, #tpu.memory_space<vmem>> -> memref<128x128xf32, #tpu.memory_space<vmem>>
        %dma_start3A_150 = arith.constant 0 : i32
        %dma_start3A_151 = tpu.memref_slice %arg7[%sub3A_139, %dma_start3A_150] : memref<40x128xi32, #tpu.memory_space<vmem>> -> memref<1x128xi32, #tpu.memory_space<vmem>>
        %dma_start3A_152 = tpu.memref_squeeze %dma_start3A_151 : memref<1x128xi32, #tpu.memory_space<vmem>> -> memref<128xi32, #tpu.memory_space<vmem>>
        %dma_start3A_153 = arith.constant 0 : i32
        %dma_start3A_154 = arith.constant 0 : i32
        %dma_start3A_155 = tpu.memref_slice %arg2[%dma_start3A_153, %dma_start3A_154] : memref<40000x128xf32, #tpu.memory_space<hbm>> -> memref<40000x128xf32, #tpu.memory_space<hbm>>
        tpu.enqueue_indirect_dma source(%dma_start3A_155 : memref<40000x128xf32, #tpu.memory_space<hbm>>) target(%dma_start3A_149 : memref<128x128xf32, #tpu.memory_space<vmem>>) offsets(%dma_start3A_152 : memref<128xi32, #tpu.memory_space<vmem>>) semaphore(%arg10 : memref<!tpu.dma_semaphore, #tpu.memory_space<semaphore_mem>>)
      } else {
      }
      %dma_wait3A = arith.constant 0 : i32
      %dma_wait3A_123 = arith.constant 0 : i32
      %dma_wait3A_124 = tpu.memref_slice %arg9[%rem3A_120, %dma_wait3A, %dma_wait3A_123] : memref<2x128x128xf32, #tpu.memory_space<vmem>> -> memref<1x128x128xf32, #tpu.memory_space<vmem>>
      %dma_wait3A_125 = tpu.memref_squeeze %dma_wait3A_124 : memref<1x128x128xf32, #tpu.memory_space<vmem>> -> memref<128x128xf32, #tpu.memory_space<vmem>>
      %dma_wait3A_126 = arith.constant 0 : i32
      %dma_wait3A_127 = arith.constant 0 : i32
      %dma_wait3A_128 = tpu.memref_slice %arg2[%dma_wait3A_126, %dma_wait3A_127] : memref<40000x128xf32, #tpu.memory_space<hbm>> -> memref<128x128xf32, #tpu.memory_space<hbm>>
      %dma_wait3A_129 = arith.constant 0 : i32
      %dma_wait3A_130 = arith.constant 0 : i32
      %dma_wait3A_131 = tpu.memref_slice %arg9[%rem3A_120, %dma_wait3A_129, %dma_wait3A_130] : memref<2x128x128xf32, #tpu.memory_space<vmem>> -> memref<1x128x128xf32, #tpu.memory_space<vmem>>
      %dma_wait3A_132 = tpu.memref_squeeze %dma_wait3A_131 : memref<1x128x128xf32, #tpu.memory_space<vmem>> -> memref<128x128xf32, #tpu.memory_space<vmem>>
      %dma_wait3A_133 = arith.constant 0 : i32
      %dma_wait3A_134 = arith.constant 0 : i32
      %dma_wait3A_135 = tpu.memref_slice %arg2[%dma_wait3A_133, %dma_wait3A_134] : memref<40000x128xf32, #tpu.memory_space<hbm>> -> memref<128x128xf32, #tpu.memory_space<hbm>>
      tpu.wait_dma2 semaphore(%arg10 : memref<!tpu.dma_semaphore, #tpu.memory_space<semaphore_mem>>) src(%dma_wait3A_135 : memref<128x128xf32, #tpu.memory_space<hbm>>) dst(%dma_wait3A_132 : memref<128x128xf32, #tpu.memory_space<vmem>>)
      "tpu.region"() ({
        %run_scoped3A_136 = tpu.sem_alloc : memref<!tpu.dma_semaphore, #tpu.memory_space<semaphore_mem>>
        %dma_start3A_137 = arith.constant 0 : i32
        %dma_start3A_138 = arith.constant 0 : i32
        %dma_start3A_139 = tpu.memref_slice %arg9[%rem3A_120, %dma_start3A_137, %dma_start3A_138] : memref<2x128x128xf32, #tpu.memory_space<vmem>> -> memref<1x128x128xf32, #tpu.memory_space<vmem>>
        %dma_start3A_140 = tpu.memref_squeeze %dma_start3A_139 : memref<1x128x128xf32, #tpu.memory_space<vmem>> -> memref<128x128xf32, #tpu.memory_space<vmem>>
        %dma_start3A_141 = arith.constant 0 : i32
        %dma_start3A_142 = tpu.memref_slice %arg8[%scan3A_119, %dma_start3A_141] : memref<40x128xi32, #tpu.memory_space<vmem>> -> memref<1x128xi32, #tpu.memory_space<vmem>>
        %dma_start3A_143 = tpu.memref_squeeze %dma_start3A_142 : memref<1x128xi32, #tpu.memory_space<vmem>> -> memref<128xi32, #tpu.memory_space<vmem>>
        %dma_start3A_144 = arith.constant 0 : i32
        %dma_start3A_145 = arith.constant 0 : i32
        %dma_start3A_146 = tpu.memref_slice %arg6[%dma_start3A_144, %dma_start3A_145] : memref<10112x128xf32, #tpu.memory_space<vmem_shared>> -> memref<10112x128xf32, #tpu.memory_space<vmem_shared>>
        tpu.enqueue_indirect_dma source(%dma_start3A_140 : memref<128x128xf32, #tpu.memory_space<vmem>>) target(%dma_start3A_146 : memref<10112x128xf32, #tpu.memory_space<vmem_shared>>) offsets(%dma_start3A_143 : memref<128xi32, #tpu.memory_space<vmem>>) semaphore(%run_scoped3A_136 : memref<!tpu.dma_semaphore, #tpu.memory_space<semaphore_mem>>) {add = true}
        %dma_wait3A_147 = arith.constant 0 : i32
        %dma_wait3A_148 = arith.constant 0 : i32
        %dma_wait3A_149 = tpu.memref_slice %arg9[%rem3A_120, %dma_wait3A_147, %dma_wait3A_148] : memref<2x128x128xf32, #tpu.memory_space<vmem>> -> memref<1x128x128xf32, #tpu.memory_space<vmem>>
        %dma_wait3A_150 = tpu.memref_squeeze %dma_wait3A_149 : memref<1x128x128xf32, #tpu.memory_space<vmem>> -> memref<128x128xf32, #tpu.memory_space<vmem>>
        %dma_wait3A_151 = arith.constant 0 : i32
        %dma_wait3A_152 = tpu.memref_slice %arg8[%scan3A_119, %dma_wait3A_151] : memref<40x128xi32, #tpu.memory_space<vmem>> -> memref<1x128xi32, #tpu.memory_space<vmem>>
        %dma_wait3A_153 = tpu.memref_squeeze %dma_wait3A_152 : memref<1x128xi32, #tpu.memory_space<vmem>> -> memref<128xi32, #tpu.memory_space<vmem>>
        %dma_wait3A_154 = arith.constant 0 : i32
        %dma_wait3A_155 = arith.constant 0 : i32
        %dma_wait3A_156 = tpu.memref_slice %arg6[%dma_wait3A_154, %dma_wait3A_155] : memref<10112x128xf32, #tpu.memory_space<vmem_shared>> -> memref<10112x128xf32, #tpu.memory_space<vmem_shared>>
        tpu.wait_indirect_dma semaphore(%run_scoped3A_136 : memref<!tpu.dma_semaphore, #tpu.memory_space<semaphore_mem>>) src(%dma_wait3A_150 : memref<128x128xf32, #tpu.memory_space<vmem>>) dst(%dma_wait3A_156 : memref<10112x128xf32, #tpu.memory_space<vmem_shared>>)
        tpu.yield
      }) : () -> ()
    }
    %scan3A_38 = arith.constant 40 : i32
    "tpu.region"() ({
      %run_scoped3A_119 = tpu.sem_alloc : memref<!tpu.dma_semaphore, #tpu.memory_space<semaphore_mem>>
      %dma_start3A_120 = arith.constant 0 : i32
      %dma_start3A_121 = arith.constant 0 : i32
      %dma_start3A_122 = tpu.memref_slice %arg7[%dma_start3A_120, %dma_start3A_121] : memref<40x128xi32, #tpu.memory_space<vmem>> -> memref<39x128xi32, #tpu.memory_space<vmem>>
      %dma_start3A_123 = arith.constant 40 : i32
      %dma_start3A_124 = arith.constant 0 : i32
      %dma_start3A_125 = tpu.memref_slice %arg3[%add3A_22, %arg1, %dma_start3A_123, %dma_start3A_124] : memref<4x16x79x128xi32, #tpu.memory_space<hbm>> -> memref<1x1x39x128xi32, #tpu.memory_space<hbm>>
      %dma_start3A_126 = tpu.memref_squeeze %dma_start3A_125 : memref<1x1x39x128xi32, #tpu.memory_space<hbm>> -> memref<39x128xi32, #tpu.memory_space<hbm>>
      %dma_start3A_127 = arith.constant 0 : i32
      %dma_start3A_128 = arith.constant 0 : i32
      %dma_start3A_129 = tpu.memref_slice %arg7[%dma_start3A_127, %dma_start3A_128] : memref<40x128xi32, #tpu.memory_space<vmem>> -> memref<39x128xi32, #tpu.memory_space<vmem>>
      %dma_start3A_130 = arith.constant 40 : i32
      %dma_start3A_131 = arith.constant 0 : i32
      %dma_start3A_132 = tpu.memref_slice %arg3[%add3A_22, %arg1, %dma_start3A_130, %dma_start3A_131] : memref<4x16x79x128xi32, #tpu.memory_space<hbm>> -> memref<1x1x39x128xi32, #tpu.memory_space<hbm>>
      %dma_start3A_133 = tpu.memref_squeeze %dma_start3A_132 : memref<1x1x39x128xi32, #tpu.memory_space<hbm>> -> memref<39x128xi32, #tpu.memory_space<hbm>>
      tpu.enqueue_dma source(%dma_start3A_133 : memref<39x128xi32, #tpu.memory_space<hbm>>) target(%dma_start3A_129 : memref<39x128xi32, #tpu.memory_space<vmem>>) target_semaphore(%run_scoped3A_119 : memref<!tpu.dma_semaphore, #tpu.memory_space<semaphore_mem>>)
      %dma_wait3A = arith.constant 0 : i32
      %dma_wait3A_134 = arith.constant 0 : i32
      %dma_wait3A_135 = tpu.memref_slice %arg7[%dma_wait3A, %dma_wait3A_134] : memref<40x128xi32, #tpu.memory_space<vmem>> -> memref<39x128xi32, #tpu.memory_space<vmem>>
      %dma_wait3A_136 = arith.constant 40 : i32
      %dma_wait3A_137 = arith.constant 0 : i32
      %dma_wait3A_138 = tpu.memref_slice %arg3[%add3A_22, %arg1, %dma_wait3A_136, %dma_wait3A_137] : memref<4x16x79x128xi32, #tpu.memory_space<hbm>> -> memref<1x1x39x128xi32, #tpu.memory_space<hbm>>
      %dma_wait3A_139 = tpu.memref_squeeze %dma_wait3A_138 : memref<1x1x39x128xi32, #tpu.memory_space<hbm>> -> memref<39x128xi32, #tpu.memory_space<hbm>>
      %dma_wait3A_140 = arith.constant 0 : i32
      %dma_wait3A_141 = arith.constant 0 : i32
      %dma_wait3A_142 = tpu.memref_slice %arg7[%dma_wait3A_140, %dma_wait3A_141] : memref<40x128xi32, #tpu.memory_space<vmem>> -> memref<39x128xi32, #tpu.memory_space<vmem>>
      %dma_wait3A_143 = arith.constant 40 : i32
      %dma_wait3A_144 = arith.constant 0 : i32
      %dma_wait3A_145 = tpu.memref_slice %arg3[%add3A_22, %arg1, %dma_wait3A_143, %dma_wait3A_144] : memref<4x16x79x128xi32, #tpu.memory_space<hbm>> -> memref<1x1x39x128xi32, #tpu.memory_space<hbm>>
      %dma_wait3A_146 = tpu.memref_squeeze %dma_wait3A_145 : memref<1x1x39x128xi32, #tpu.memory_space<hbm>> -> memref<39x128xi32, #tpu.memory_space<hbm>>
      tpu.wait_dma2 semaphore(%run_scoped3A_119 : memref<!tpu.dma_semaphore, #tpu.memory_space<semaphore_mem>>) src(%dma_wait3A_146 : memref<39x128xi32, #tpu.memory_space<hbm>>) dst(%dma_wait3A_142 : memref<39x128xi32, #tpu.memory_space<vmem>>)
      tpu.yield
    }) : () -> ()
    "tpu.region"() ({
      %run_scoped3A_119 = tpu.sem_alloc : memref<!tpu.dma_semaphore, #tpu.memory_space<semaphore_mem>>
      %dma_start3A_120 = arith.constant 0 : i32
      %dma_start3A_121 = arith.constant 0 : i32
      %dma_start3A_122 = tpu.memref_slice %arg8[%dma_start3A_120, %dma_start3A_121] : memref<40x128xi32, #tpu.memory_space<vmem>> -> memref<39x128xi32, #tpu.memory_space<vmem>>
      %dma_start3A_123 = arith.constant 40 : i32
      %dma_start3A_124 = arith.constant 0 : i32
      %dma_start3A_125 = tpu.memref_slice %arg4[%arg1, %dma_start3A_123, %dma_start3A_124] : memref<16x79x128xi32, #tpu.memory_space<hbm>> -> memref<1x39x128xi32, #tpu.memory_space<hbm>>
      %dma_start3A_126 = tpu.memref_squeeze %dma_start3A_125 : memref<1x39x128xi32, #tpu.memory_space<hbm>> -> memref<39x128xi32, #tpu.memory_space<hbm>>
      %dma_start3A_127 = arith.constant 0 : i32
      %dma_start3A_128 = arith.constant 0 : i32
      %dma_start3A_129 = tpu.memref_slice %arg8[%dma_start3A_127, %dma_start3A_128] : memref<40x128xi32, #tpu.memory_space<vmem>> -> memref<39x128xi32, #tpu.memory_space<vmem>>
      %dma_start3A_130 = arith.constant 40 : i32
      %dma_start3A_131 = arith.constant 0 : i32
      %dma_start3A_132 = tpu.memref_slice %arg4[%arg1, %dma_start3A_130, %dma_start3A_131] : memref<16x79x128xi32, #tpu.memory_space<hbm>> -> memref<1x39x128xi32, #tpu.memory_space<hbm>>
      %dma_start3A_133 = tpu.memref_squeeze %dma_start3A_132 : memref<1x39x128xi32, #tpu.memory_space<hbm>> -> memref<39x128xi32, #tpu.memory_space<hbm>>
      tpu.enqueue_dma source(%dma_start3A_133 : memref<39x128xi32, #tpu.memory_space<hbm>>) target(%dma_start3A_129 : memref<39x128xi32, #tpu.memory_space<vmem>>) target_semaphore(%run_scoped3A_119 : memref<!tpu.dma_semaphore, #tpu.memory_space<semaphore_mem>>)
      %dma_wait3A = arith.constant 0 : i32
      %dma_wait3A_134 = arith.constant 0 : i32
      %dma_wait3A_135 = tpu.memref_slice %arg8[%dma_wait3A, %dma_wait3A_134] : memref<40x128xi32, #tpu.memory_space<vmem>> -> memref<39x128xi32, #tpu.memory_space<vmem>>
      %dma_wait3A_136 = arith.constant 40 : i32
      %dma_wait3A_137 = arith.constant 0 : i32
      %dma_wait3A_138 = tpu.memref_slice %arg4[%arg1, %dma_wait3A_136, %dma_wait3A_137] : memref<16x79x128xi32, #tpu.memory_space<hbm>> -> memref<1x39x128xi32, #tpu.memory_space<hbm>>
      %dma_wait3A_139 = tpu.memref_squeeze %dma_wait3A_138 : memref<1x39x128xi32, #tpu.memory_space<hbm>> -> memref<39x128xi32, #tpu.memory_space<hbm>>
      %dma_wait3A_140 = arith.constant 0 : i32
      %dma_wait3A_141 = arith.constant 0 : i32
      %dma_wait3A_142 = tpu.memref_slice %arg8[%dma_wait3A_140, %dma_wait3A_141] : memref<40x128xi32, #tpu.memory_space<vmem>> -> memref<39x128xi32, #tpu.memory_space<vmem>>
      %dma_wait3A_143 = arith.constant 40 : i32
      %dma_wait3A_144 = arith.constant 0 : i32
      %dma_wait3A_145 = tpu.memref_slice %arg4[%arg1, %dma_wait3A_143, %dma_wait3A_144] : memref<16x79x128xi32, #tpu.memory_space<hbm>> -> memref<1x39x128xi32, #tpu.memory_space<hbm>>
      %dma_wait3A_146 = tpu.memref_squeeze %dma_wait3A_145 : memref<1x39x128xi32, #tpu.memory_space<hbm>> -> memref<39x128xi32, #tpu.memory_space<hbm>>
      tpu.wait_dma2 semaphore(%run_scoped3A_119 : memref<!tpu.dma_semaphore, #tpu.memory_space<semaphore_mem>>) src(%dma_wait3A_146 : memref<39x128xi32, #tpu.memory_space<hbm>>) dst(%dma_wait3A_142 : memref<39x128xi32, #tpu.memory_space<vmem>>)
      tpu.yield
    }) : () -> ()
    %dma_start3A_39 = arith.constant 0 : i32
    %dma_start3A_40 = arith.constant 0 : i32
    %dma_start3A_41 = arith.constant 0 : i32
    %dma_start3A_42 = arith.constant 0 : i32
    %dma_start3A_43 = tpu.memref_slice %arg9[%dma_start3A_40, %dma_start3A_41, %dma_start3A_42] : memref<2x128x128xf32, #tpu.memory_space<vmem>> -> memref<1x128x128xf32, #tpu.memory_space<vmem>>
    %dma_start3A_44 = tpu.memref_squeeze %dma_start3A_43 : memref<1x128x128xf32, #tpu.memory_space<vmem>> -> memref<128x128xf32, #tpu.memory_space<vmem>>
    %dma_start3A_45 = arith.constant 0 : i32
    %dma_start3A_46 = tpu.memref_slice %arg7[%dma_start3A_39, %dma_start3A_45] : memref<40x128xi32, #tpu.memory_space<vmem>> -> memref<1x128xi32, #tpu.memory_space<vmem>>
    %dma_start3A_47 = tpu.memref_squeeze %dma_start3A_46 : memref<1x128xi32, #tpu.memory_space<vmem>> -> memref<128xi32, #tpu.memory_space<vmem>>
    %dma_start3A_48 = arith.constant 0 : i32
    %dma_start3A_49 = arith.constant 0 : i32
    %dma_start3A_50 = tpu.memref_slice %arg2[%dma_start3A_48, %dma_start3A_49] : memref<40000x128xf32, #tpu.memory_space<hbm>> -> memref<40000x128xf32, #tpu.memory_space<hbm>>
    tpu.enqueue_indirect_dma source(%dma_start3A_50 : memref<40000x128xf32, #tpu.memory_space<hbm>>) target(%dma_start3A_44 : memref<128x128xf32, #tpu.memory_space<vmem>>) offsets(%dma_start3A_47 : memref<128xi32, #tpu.memory_space<vmem>>) semaphore(%arg10 : memref<!tpu.dma_semaphore, #tpu.memory_space<semaphore_mem>>)
    %scan3A_51 = arith.constant 0 : i32
    %scan3A_52 = arith.constant 39 : i32
    %scan3A_53 = arith.addi %scan3A_51, %scan3A_52 : i32
    %scan3A_54 = arith.constant 1 : i32
    scf.for %scan3A_119 = %scan3A_51 to %scan3A_53 step %scan3A_54  : i32 {
      %rem3A = arith.constant 2 : i32
      %rem3A_120 = arith.remsi %scan3A_119, %rem3A : i32
      %lt3A = arith.constant 38 : i32
      %lt3A_121 = arith.cmpi slt, %scan3A_119, %lt3A : i32
      %convert_element_type3A = arith.extui %lt3A_121 : i1 to i32
      %cond3A = arith.constant 0 : i32
      %cond3A_122 = arith.cmpi ne, %convert_element_type3A, %cond3A : i32
      scf.if %cond3A_122 {
        %add3A_136 = arith.constant 2 : i32
        %add3A_137 = arith.addi %scan3A_119, %add3A_136 : i32
        %sub3A_138 = arith.constant 1 : i32
        %sub3A_139 = arith.subi %add3A_137, %sub3A_138 : i32
        %add3A_140 = arith.constant 2 : i32
        %add3A_141 = arith.addi %scan3A_119, %add3A_140 : i32
        %sub3A_142 = arith.constant 1 : i32
        %sub3A_143 = arith.subi %add3A_141, %sub3A_142 : i32
        %rem3A_144 = arith.constant 2 : i32
        %rem3A_145 = arith.remsi %sub3A_143, %rem3A_144 : i32
        %dma_start3A_146 = arith.constant 0 : i32
        %dma_start3A_147 = arith.constant 0 : i32
        %dma_start3A_148 = tpu.memref_slice %arg9[%rem3A_145, %dma_start3A_146, %dma_start3A_147] : memref<2x128x128xf32, #tpu.memory_space<vmem>> -> memref<1x128x128xf32, #tpu.memory_space<vmem>>
        %dma_start3A_149 = tpu.memref_squeeze %dma_start3A_148 : memref<1x128x128xf32, #tpu.memory_space<vmem>> -> memref<128x128xf32, #tpu.memory_space<vmem>>
        %dma_start3A_150 = arith.constant 0 : i32
        %dma_start3A_151 = tpu.memref_slice %arg7[%sub3A_139, %dma_start3A_150] : memref<40x128xi32, #tpu.memory_space<vmem>> -> memref<1x128xi32, #tpu.memory_space<vmem>>
        %dma_start3A_152 = tpu.memref_squeeze %dma_start3A_151 : memref<1x128xi32, #tpu.memory_space<vmem>> -> memref<128xi32, #tpu.memory_space<vmem>>
        %dma_start3A_153 = arith.constant 0 : i32
        %dma_start3A_154 = arith.constant 0 : i32
        %dma_start3A_155 = tpu.memref_slice %arg2[%dma_start3A_153, %dma_start3A_154] : memref<40000x128xf32, #tpu.memory_space<hbm>> -> memref<40000x128xf32, #tpu.memory_space<hbm>>
        tpu.enqueue_indirect_dma source(%dma_start3A_155 : memref<40000x128xf32, #tpu.memory_space<hbm>>) target(%dma_start3A_149 : memref<128x128xf32, #tpu.memory_space<vmem>>) offsets(%dma_start3A_152 : memref<128xi32, #tpu.memory_space<vmem>>) semaphore(%arg10 : memref<!tpu.dma_semaphore, #tpu.memory_space<semaphore_mem>>)
      } else {
      }
      %dma_wait3A = arith.constant 0 : i32
      %dma_wait3A_123 = arith.constant 0 : i32
      %dma_wait3A_124 = tpu.memref_slice %arg9[%rem3A_120, %dma_wait3A, %dma_wait3A_123] : memref<2x128x128xf32, #tpu.memory_space<vmem>> -> memref<1x128x128xf32, #tpu.memory_space<vmem>>
      %dma_wait3A_125 = tpu.memref_squeeze %dma_wait3A_124 : memref<1x128x128xf32, #tpu.memory_space<vmem>> -> memref<128x128xf32, #tpu.memory_space<vmem>>
      %dma_wait3A_126 = arith.constant 0 : i32
      %dma_wait3A_127 = arith.constant 0 : i32
      %dma_wait3A_128 = tpu.memref_slice %arg2[%dma_wait3A_126, %dma_wait3A_127] : memref<40000x128xf32, #tpu.memory_space<hbm>> -> memref<128x128xf32, #tpu.memory_space<hbm>>
      %dma_wait3A_129 = arith.constant 0 : i32
      %dma_wait3A_130 = arith.constant 0 : i32
      %dma_wait3A_131 = tpu.memref_slice %arg9[%rem3A_120, %dma_wait3A_129, %dma_wait3A_130] : memref<2x128x128xf32, #tpu.memory_space<vmem>> -> memref<1x128x128xf32, #tpu.memory_space<vmem>>
      %dma_wait3A_132 = tpu.memref_squeeze %dma_wait3A_131 : memref<1x128x128xf32, #tpu.memory_space<vmem>> -> memref<128x128xf32, #tpu.memory_space<vmem>>
      %dma_wait3A_133 = arith.constant 0 : i32
      %dma_wait3A_134 = arith.constant 0 : i32
      %dma_wait3A_135 = tpu.memref_slice %arg2[%dma_wait3A_133, %dma_wait3A_134] : memref<40000x128xf32, #tpu.memory_space<hbm>> -> memref<128x128xf32, #tpu.memory_space<hbm>>
      tpu.wait_dma2 semaphore(%arg10 : memref<!tpu.dma_semaphore, #tpu.memory_space<semaphore_mem>>) src(%dma_wait3A_135 : memref<128x128xf32, #tpu.memory_space<hbm>>) dst(%dma_wait3A_132 : memref<128x128xf32, #tpu.memory_space<vmem>>)
      "tpu.region"() ({
        %run_scoped3A_136 = tpu.sem_alloc : memref<!tpu.dma_semaphore, #tpu.memory_space<semaphore_mem>>
        %dma_start3A_137 = arith.constant 0 : i32
        %dma_start3A_138 = arith.constant 0 : i32
        %dma_start3A_139 = tpu.memref_slice %arg9[%rem3A_120, %dma_start3A_137, %dma_start3A_138] : memref<2x128x128xf32, #tpu.memory_space<vmem>> -> memref<1x128x128xf32, #tpu.memory_space<vmem>>
        %dma_start3A_140 = tpu.memref_squeeze %dma_start3A_139 : memref<1x128x128xf32, #tpu.memory_space<vmem>> -> memref<128x128xf32, #tpu.memory_space<vmem>>
        %dma_start3A_141 = arith.constant 0 : i32
        %dma_start3A_142 = tpu.memref_slice %arg8[%scan3A_119, %dma_start3A_141] : memref<40x128xi32, #tpu.memory_space<vmem>> -> memref<1x128xi32, #tpu.memory_space<vmem>>
        %dma_start3A_143 = tpu.memref_squeeze %dma_start3A_142 : memref<1x128xi32, #tpu.memory_space<vmem>> -> memref<128xi32, #tpu.memory_space<vmem>>
        %dma_start3A_144 = arith.constant 0 : i32
        %dma_start3A_145 = arith.constant 0 : i32
        %dma_start3A_146 = tpu.memref_slice %arg6[%dma_start3A_144, %dma_start3A_145] : memref<10112x128xf32, #tpu.memory_space<vmem_shared>> -> memref<10112x128xf32, #tpu.memory_space<vmem_shared>>
        tpu.enqueue_indirect_dma source(%dma_start3A_140 : memref<128x128xf32, #tpu.memory_space<vmem>>) target(%dma_start3A_146 : memref<10112x128xf32, #tpu.memory_space<vmem_shared>>) offsets(%dma_start3A_143 : memref<128xi32, #tpu.memory_space<vmem>>) semaphore(%run_scoped3A_136 : memref<!tpu.dma_semaphore, #tpu.memory_space<semaphore_mem>>) {add = true}
        %dma_wait3A_147 = arith.constant 0 : i32
        %dma_wait3A_148 = arith.constant 0 : i32
        %dma_wait3A_149 = tpu.memref_slice %arg9[%rem3A_120, %dma_wait3A_147, %dma_wait3A_148] : memref<2x128x128xf32, #tpu.memory_space<vmem>> -> memref<1x128x128xf32, #tpu.memory_space<vmem>>
        %dma_wait3A_150 = tpu.memref_squeeze %dma_wait3A_149 : memref<1x128x128xf32, #tpu.memory_space<vmem>> -> memref<128x128xf32, #tpu.memory_space<vmem>>
        %dma_wait3A_151 = arith.constant 0 : i32
        %dma_wait3A_152 = tpu.memref_slice %arg8[%scan3A_119, %dma_wait3A_151] : memref<40x128xi32, #tpu.memory_space<vmem>> -> memref<1x128xi32, #tpu.memory_space<vmem>>
        %dma_wait3A_153 = tpu.memref_squeeze %dma_wait3A_152 : memref<1x128xi32, #tpu.memory_space<vmem>> -> memref<128xi32, #tpu.memory_space<vmem>>
        %dma_wait3A_154 = arith.constant 0 : i32
        %dma_wait3A_155 = arith.constant 0 : i32
        %dma_wait3A_156 = tpu.memref_slice %arg6[%dma_wait3A_154, %dma_wait3A_155] : memref<10112x128xf32, #tpu.memory_space<vmem_shared>> -> memref<10112x128xf32, #tpu.memory_space<vmem_shared>>
        tpu.wait_indirect_dma semaphore(%run_scoped3A_136 : memref<!tpu.dma_semaphore, #tpu.memory_space<semaphore_mem>>) src(%dma_wait3A_150 : memref<128x128xf32, #tpu.memory_space<vmem>>) dst(%dma_wait3A_156 : memref<10112x128xf32, #tpu.memory_space<vmem_shared>>)
        tpu.yield
      }) : () -> ()
    }
    %scan3A_55 = arith.constant 39 : i32
    %barrier3A_56 = arith.constant 0 : index
    tpu.barrier barrier_id(%barrier3A_56)
    "tpu.region"() ({
      %run_scoped3A_119 = tpu.sem_alloc : memref<!tpu.dma_semaphore, #tpu.memory_space<semaphore_mem>>
      %dma_start3A_120 = arith.constant 0 : i32
      %dma_start3A_121 = tpu.memref_slice %arg5[%add3A_22, %mul3A_0, %dma_start3A_120] : memref<4x10112x128xf32, #tpu.memory_space<hbm>> -> memref<1x632x128xf32, #tpu.memory_space<hbm>>
      %dma_start3A_122 = tpu.memref_squeeze %dma_start3A_121 : memref<1x632x128xf32, #tpu.memory_space<hbm>> -> memref<632x128xf32, #tpu.memory_space<hbm>>
      %dma_start3A_123 = arith.constant 0 : i32
      %dma_start3A_124 = tpu.memref_slice %arg6[%mul3A_0, %dma_start3A_123] : memref<10112x128xf32, #tpu.memory_space<vmem_shared>> -> memref<632x128xf32, #tpu.memory_space<vmem_shared>>
      tpu.enqueue_dma source(%dma_start3A_124 : memref<632x128xf32, #tpu.memory_space<vmem_shared>>) target(%dma_start3A_122 : memref<632x128xf32, #tpu.memory_space<hbm>>) target_semaphore(%run_scoped3A_119 : memref<!tpu.dma_semaphore, #tpu.memory_space<semaphore_mem>>)
      %dma_wait3A = arith.constant 0 : i32
      %dma_wait3A_125 = tpu.memref_slice %arg5[%add3A_22, %mul3A_0, %dma_wait3A] : memref<4x10112x128xf32, #tpu.memory_space<hbm>> -> memref<1x632x128xf32, #tpu.memory_space<hbm>>
      %dma_wait3A_126 = tpu.memref_squeeze %dma_wait3A_125 : memref<1x632x128xf32, #tpu.memory_space<hbm>> -> memref<632x128xf32, #tpu.memory_space<hbm>>
      %dma_wait3A_127 = arith.constant 0 : i32
      %dma_wait3A_128 = tpu.memref_slice %arg6[%mul3A_0, %dma_wait3A_127] : memref<10112x128xf32, #tpu.memory_space<vmem_shared>> -> memref<632x128xf32, #tpu.memory_space<vmem_shared>>
      tpu.wait_dma2 semaphore(%run_scoped3A_119 : memref<!tpu.dma_semaphore, #tpu.memory_space<semaphore_mem>>) src(%dma_wait3A_128 : memref<632x128xf32, #tpu.memory_space<vmem_shared>>) dst(%dma_wait3A_126 : memref<632x128xf32, #tpu.memory_space<hbm>>)
      tpu.yield
    }) : () -> ()
    %scan3A_57 = arith.constant 0 : i32
    %scan3A_58 = arith.constant 1024 : i32
    %scan3A_59 = arith.addi %scan3A_57, %scan3A_58 : i32
    %scan3A_60 = arith.constant 1 : i32
    scf.for %scan3A_119 = %scan3A_57 to %scan3A_59 step %scan3A_60  : i32 {
      %broadcast_in_dim3A = arith.constant 0.000000e+00 : f32
      %broadcast_in_dim3A_120 = vector.broadcast %broadcast_in_dim3A : f32 to vector<16xf32>
      %jit3A = arith.constant 8 : i32
      %div3A = arith.divsi %scan3A_119, %jit3A : i32
      %sign3A = arith.constant 0 : i32
      %sign3A_121 = arith.cmpi sgt, %scan3A_119, %sign3A : i32
      %sign3A_122 = arith.extui %sign3A_121 : i1 to i32
      %sign3A_123 = arith.constant 0 : i32
      %sign3A_124 = arith.cmpi slt, %scan3A_119, %sign3A_123 : i32
      %sign3A_125 = arith.extui %sign3A_124 : i1 to i32
      %sign3A_126 = arith.subi %sign3A_122, %sign3A_125 : i32
      %sign3A_127 = arith.constant 0 : i32
      %sign3A_128 = arith.cmpi sgt, %jit3A, %sign3A_127 : i32
      %sign3A_129 = arith.extui %sign3A_128 : i1 to i32
      %sign3A_130 = arith.constant 0 : i32
      %sign3A_131 = arith.cmpi slt, %jit3A, %sign3A_130 : i32
      %sign3A_132 = arith.extui %sign3A_131 : i1 to i32
      %sign3A_133 = arith.subi %sign3A_129, %sign3A_132 : i32
      %ne3A = arith.cmpi ne, %sign3A_126, %sign3A_133 : i32
      %rem3A = arith.remsi %scan3A_119, %jit3A : i32
      %ne3A_134 = arith.constant 0 : i32
      %ne3A_135 = arith.cmpi ne, %rem3A, %ne3A_134 : i32
      %and3A = arith.andi %ne3A, %ne3A_135 : i1
      %sub3A_136 = arith.constant 1 : i32
      %sub3A_137 = arith.subi %div3A, %sub3A_136 : i32
      %select_n3A = arith.select %and3A, %sub3A_137, %div3A : i32
      %jit3A_138 = arith.constant 8 : i32
      %eq3A = arith.constant 0 : i32
      %eq3A_139 = arith.cmpi eq, %jit3A_138, %eq3A : i32
      %jit3A_140 = arith.constant 1 : i32
      %select_n3A_141 = arith.select %eq3A_139, %jit3A_140, %jit3A_138 : i32
      %rem3A_142 = arith.remsi %scan3A_119, %select_n3A_141 : i32
      %ne3A_143 = arith.constant 0 : i32
      %ne3A_144 = arith.cmpi ne, %rem3A_142, %ne3A_143 : i32
      %lt3A = arith.constant 0 : i32
      %lt3A_145 = arith.cmpi slt, %rem3A_142, %lt3A : i32
      %lt3A_146 = arith.constant 0 : i32
      %lt3A_147 = arith.cmpi slt, %select_n3A_141, %lt3A_146 : i32
      %ne3A_148 = arith.xori %lt3A_145, %lt3A_147 : i1
      %and3A_149 = arith.andi %ne3A_148, %ne3A_144 : i1
      %add3A_150 = arith.addi %rem3A_142, %select_n3A_141 : i32
      %select_n3A_151 = arith.select %and3A_149, %add3A_150, %rem3A_142 : i32
      %mul3A_152 = arith.constant 16 : i32
      %mul3A_153 = arith.muli %select_n3A_151, %mul3A_152 : i32
      %swap3A = arith.constant 0 : i32
      %swap3A_154 = arith.index_cast %swap3A : i32 to index
      %swap3A_155 = arith.index_cast %select_n3A : i32 to index
      %swap3A_156 = arith.index_cast %mul3A_153 : i32 to index
      %swap3A_157 = tpu.vector_load %arg9[%swap3A_154, %swap3A_155, %swap3A_156] {strides = array<i32>} : memref<2x128x128xf32, #tpu.memory_space<vmem>>, vector<1x1x16xf32>,
      %swap3A_158 = vector.shape_cast %swap3A_157 : vector<1x1x16xf32> to vector<16xf32>
      %swap3A_159 = vector.shape_cast %broadcast_in_dim3A_120 : vector<16xf32> to vector<1x1x16xf32>
      tpu.vector_store %arg9[%swap3A_154, %swap3A_155, %swap3A_156], %swap3A_159 {strides = array<i32>} : memref<2x128x128xf32, #tpu.memory_space<vmem>>, vector<1x1x16xf32>,
    }
    %scan3A_61 = arith.constant 1024 : i32
    %add3A_62 = arith.constant 0 : i32
    %add3A_63 = arith.addi %mul3A_0, %add3A_62 : i32
    %run_scoped3A_64 = arith.constant 0 : i32
    "tpu.region"() ({
      %run_scoped3A_119 = tpu.sem_alloc : memref<!tpu.dma_semaphore, #tpu.memory_space<semaphore_mem>>
      %dma_start3A_120 = arith.constant 0 : i32
      %dma_start3A_121 = arith.constant 0 : i32
      %dma_start3A_122 = tpu.memref_slice %arg9[%run_scoped3A_64, %dma_start3A_120, %dma_start3A_121] : memref<2x128x128xf32, #tpu.memory_space<vmem>> -> memref<1x128x128xf32, #tpu.memory_space<vmem>>
      %dma_start3A_123 = tpu.memref_squeeze %dma_start3A_122 : memref<1x128x128xf32, #tpu.memory_space<vmem>> -> memref<128x128xf32, #tpu.memory_space<vmem>>
      %dma_start3A_124 = arith.constant 0 : i32
      %dma_start3A_125 = tpu.memref_slice %arg6[%add3A_63, %dma_start3A_124] : memref<10112x128xf32, #tpu.memory_space<vmem_shared>> -> memref<128x128xf32, #tpu.memory_space<vmem_shared>>
      %dma_start3A_126 = arith.constant 0 : i32
      %dma_start3A_127 = tpu.memref_slice %arg6[%add3A_63, %dma_start3A_126] : memref<10112x128xf32, #tpu.memory_space<vmem_shared>> -> memref<128x128xf32, #tpu.memory_space<vmem_shared>>
      %dma_start3A_128 = arith.constant 0 : i32
      %dma_start3A_129 = arith.constant 0 : i32
      %dma_start3A_130 = tpu.memref_slice %arg9[%run_scoped3A_64, %dma_start3A_128, %dma_start3A_129] : memref<2x128x128xf32, #tpu.memory_space<vmem>> -> memref<1x128x128xf32, #tpu.memory_space<vmem>>
      %dma_start3A_131 = tpu.memref_squeeze %dma_start3A_130 : memref<1x128x128xf32, #tpu.memory_space<vmem>> -> memref<128x128xf32, #tpu.memory_space<vmem>>
      tpu.enqueue_dma source(%dma_start3A_131 : memref<128x128xf32, #tpu.memory_space<vmem>>) target(%dma_start3A_127 : memref<128x128xf32, #tpu.memory_space<vmem_shared>>) target_semaphore(%run_scoped3A_119 : memref<!tpu.dma_semaphore, #tpu.memory_space<semaphore_mem>>)
      %dma_wait3A = arith.constant 0 : i32
      %dma_wait3A_132 = arith.constant 0 : i32
      %dma_wait3A_133 = tpu.memref_slice %arg9[%run_scoped3A_64, %dma_wait3A, %dma_wait3A_132] : memref<2x128x128xf32, #tpu.memory_space<vmem>> -> memref<1x128x128xf32, #tpu.memory_space<vmem>>
      %dma_wait3A_134 = tpu.memref_squeeze %dma_wait3A_133 : memref<1x128x128xf32, #tpu.memory_space<vmem>> -> memref<128x128xf32, #tpu.memory_space<vmem>>
      %dma_wait3A_135 = arith.constant 0 : i32
      %dma_wait3A_136 = tpu.memref_slice %arg6[%add3A_63, %dma_wait3A_135] : memref<10112x128xf32, #tpu.memory_space<vmem_shared>> -> memref<128x128xf32, #tpu.memory_space<vmem_shared>>
      %dma_wait3A_137 = arith.constant 0 : i32
      %dma_wait3A_138 = tpu.memref_slice %arg6[%add3A_63, %dma_wait3A_137] : memref<10112x128xf32, #tpu.memory_space<vmem_shared>> -> memref<128x128xf32, #tpu.memory_space<vmem_shared>>
      %dma_wait3A_139 = arith.constant 0 : i32
      %dma_wait3A_140 = arith.constant 0 : i32
      %dma_wait3A_141 = tpu.memref_slice %arg9[%run_scoped3A_64, %dma_wait3A_139, %dma_wait3A_140] : memref<2x128x128xf32, #tpu.memory_space<vmem>> -> memref<1x128x128xf32, #tpu.memory_space<vmem>>
      %dma_wait3A_142 = tpu.memref_squeeze %dma_wait3A_141 : memref<1x128x128xf32, #tpu.memory_space<vmem>> -> memref<128x128xf32, #tpu.memory_space<vmem>>
      tpu.wait_dma2 semaphore(%run_scoped3A_119 : memref<!tpu.dma_semaphore, #tpu.memory_space<semaphore_mem>>) src(%dma_wait3A_142 : memref<128x128xf32, #tpu.memory_space<vmem>>) dst(%dma_wait3A_138 : memref<128x128xf32, #tpu.memory_space<vmem_shared>>)
      tpu.yield
    }) : () -> ()
    %add3A_65 = arith.constant 128 : i32
    %add3A_66 = arith.addi %mul3A_0, %add3A_65 : i32
    %run_scoped3A_67 = arith.constant 0 : i32
    "tpu.region"() ({
      %run_scoped3A_119 = tpu.sem_alloc : memref<!tpu.dma_semaphore, #tpu.memory_space<semaphore_mem>>
      %dma_start3A_120 = arith.constant 0 : i32
      %dma_start3A_121 = arith.constant 0 : i32
      %dma_start3A_122 = tpu.memref_slice %arg9[%run_scoped3A_67, %dma_start3A_120, %dma_start3A_121] : memref<2x128x128xf32, #tpu.memory_space<vmem>> -> memref<1x128x128xf32, #tpu.memory_space<vmem>>
      %dma_start3A_123 = tpu.memref_squeeze %dma_start3A_122 : memref<1x128x128xf32, #tpu.memory_space<vmem>> -> memref<128x128xf32, #tpu.memory_space<vmem>>
      %dma_start3A_124 = arith.constant 0 : i32
      %dma_start3A_125 = tpu.memref_slice %arg6[%add3A_66, %dma_start3A_124] : memref<10112x128xf32, #tpu.memory_space<vmem_shared>> -> memref<128x128xf32, #tpu.memory_space<vmem_shared>>
      %dma_start3A_126 = arith.constant 0 : i32
      %dma_start3A_127 = tpu.memref_slice %arg6[%add3A_66, %dma_start3A_126] : memref<10112x128xf32, #tpu.memory_space<vmem_shared>> -> memref<128x128xf32, #tpu.memory_space<vmem_shared>>
      %dma_start3A_128 = arith.constant 0 : i32
      %dma_start3A_129 = arith.constant 0 : i32
      %dma_start3A_130 = tpu.memref_slice %arg9[%run_scoped3A_67, %dma_start3A_128, %dma_start3A_129] : memref<2x128x128xf32, #tpu.memory_space<vmem>> -> memref<1x128x128xf32, #tpu.memory_space<vmem>>
      %dma_start3A_131 = tpu.memref_squeeze %dma_start3A_130 : memref<1x128x128xf32, #tpu.memory_space<vmem>> -> memref<128x128xf32, #tpu.memory_space<vmem>>
      tpu.enqueue_dma source(%dma_start3A_131 : memref<128x128xf32, #tpu.memory_space<vmem>>) target(%dma_start3A_127 : memref<128x128xf32, #tpu.memory_space<vmem_shared>>) target_semaphore(%run_scoped3A_119 : memref<!tpu.dma_semaphore, #tpu.memory_space<semaphore_mem>>)
      %dma_wait3A = arith.constant 0 : i32
      %dma_wait3A_132 = arith.constant 0 : i32
      %dma_wait3A_133 = tpu.memref_slice %arg9[%run_scoped3A_67, %dma_wait3A, %dma_wait3A_132] : memref<2x128x128xf32, #tpu.memory_space<vmem>> -> memref<1x128x128xf32, #tpu.memory_space<vmem>>
      %dma_wait3A_134 = tpu.memref_squeeze %dma_wait3A_133 : memref<1x128x128xf32, #tpu.memory_space<vmem>> -> memref<128x128xf32, #tpu.memory_space<vmem>>
      %dma_wait3A_135 = arith.constant 0 : i32
      %dma_wait3A_136 = tpu.memref_slice %arg6[%add3A_66, %dma_wait3A_135] : memref<10112x128xf32, #tpu.memory_space<vmem_shared>> -> memref<128x128xf32, #tpu.memory_space<vmem_shared>>
      %dma_wait3A_137 = arith.constant 0 : i32
      %dma_wait3A_138 = tpu.memref_slice %arg6[%add3A_66, %dma_wait3A_137] : memref<10112x128xf32, #tpu.memory_space<vmem_shared>> -> memref<128x128xf32, #tpu.memory_space<vmem_shared>>
      %dma_wait3A_139 = arith.constant 0 : i32
      %dma_wait3A_140 = arith.constant 0 : i32
      %dma_wait3A_141 = tpu.memref_slice %arg9[%run_scoped3A_67, %dma_wait3A_139, %dma_wait3A_140] : memref<2x128x128xf32, #tpu.memory_space<vmem>> -> memref<1x128x128xf32, #tpu.memory_space<vmem>>
      %dma_wait3A_142 = tpu.memref_squeeze %dma_wait3A_141 : memref<1x128x128xf32, #tpu.memory_space<vmem>> -> memref<128x128xf32, #tpu.memory_space<vmem>>
      tpu.wait_dma2 semaphore(%run_scoped3A_119 : memref<!tpu.dma_semaphore, #tpu.memory_space<semaphore_mem>>) src(%dma_wait3A_142 : memref<128x128xf32, #tpu.memory_space<vmem>>) dst(%dma_wait3A_138 : memref<128x128xf32, #tpu.memory_space<vmem_shared>>)
      tpu.yield
    }) : () -> ()
    %add3A_68 = arith.constant 256 : i32
    %add3A_69 = arith.addi %mul3A_0, %add3A_68 : i32
    %run_scoped3A_70 = arith.constant 0 : i32
    "tpu.region"() ({
      %run_scoped3A_119 = tpu.sem_alloc : memref<!tpu.dma_semaphore, #tpu.memory_space<semaphore_mem>>
      %dma_start3A_120 = arith.constant 0 : i32
      %dma_start3A_121 = arith.constant 0 : i32
      %dma_start3A_122 = tpu.memref_slice %arg9[%run_scoped3A_70, %dma_start3A_120, %dma_start3A_121] : memref<2x128x128xf32, #tpu.memory_space<vmem>> -> memref<1x128x128xf32, #tpu.memory_space<vmem>>
      %dma_start3A_123 = tpu.memref_squeeze %dma_start3A_122 : memref<1x128x128xf32, #tpu.memory_space<vmem>> -> memref<128x128xf32, #tpu.memory_space<vmem>>
      %dma_start3A_124 = arith.constant 0 : i32
      %dma_start3A_125 = tpu.memref_slice %arg6[%add3A_69, %dma_start3A_124] : memref<10112x128xf32, #tpu.memory_space<vmem_shared>> -> memref<128x128xf32, #tpu.memory_space<vmem_shared>>
      %dma_start3A_126 = arith.constant 0 : i32
      %dma_start3A_127 = tpu.memref_slice %arg6[%add3A_69, %dma_start3A_126] : memref<10112x128xf32, #tpu.memory_space<vmem_shared>> -> memref<128x128xf32, #tpu.memory_space<vmem_shared>>
      %dma_start3A_128 = arith.constant 0 : i32
      %dma_start3A_129 = arith.constant 0 : i32
      %dma_start3A_130 = tpu.memref_slice %arg9[%run_scoped3A_70, %dma_start3A_128, %dma_start3A_129] : memref<2x128x128xf32, #tpu.memory_space<vmem>> -> memref<1x128x128xf32, #tpu.memory_space<vmem>>
      %dma_start3A_131 = tpu.memref_squeeze %dma_start3A_130 : memref<1x128x128xf32, #tpu.memory_space<vmem>> -> memref<128x128xf32, #tpu.memory_space<vmem>>
      tpu.enqueue_dma source(%dma_start3A_131 : memref<128x128xf32, #tpu.memory_space<vmem>>) target(%dma_start3A_127 : memref<128x128xf32, #tpu.memory_space<vmem_shared>>) target_semaphore(%run_scoped3A_119 : memref<!tpu.dma_semaphore, #tpu.memory_space<semaphore_mem>>)
      %dma_wait3A = arith.constant 0 : i32
      %dma_wait3A_132 = arith.constant 0 : i32
      %dma_wait3A_133 = tpu.memref_slice %arg9[%run_scoped3A_70, %dma_wait3A, %dma_wait3A_132] : memref<2x128x128xf32, #tpu.memory_space<vmem>> -> memref<1x128x128xf32, #tpu.memory_space<vmem>>
      %dma_wait3A_134 = tpu.memref_squeeze %dma_wait3A_133 : memref<1x128x128xf32, #tpu.memory_space<vmem>> -> memref<128x128xf32, #tpu.memory_space<vmem>>
      %dma_wait3A_135 = arith.constant 0 : i32
      %dma_wait3A_136 = tpu.memref_slice %arg6[%add3A_69, %dma_wait3A_135] : memref<10112x128xf32, #tpu.memory_space<vmem_shared>> -> memref<128x128xf32, #tpu.memory_space<vmem_shared>>
      %dma_wait3A_137 = arith.constant 0 : i32
      %dma_wait3A_138 = tpu.memref_slice %arg6[%add3A_69, %dma_wait3A_137] : memref<10112x128xf32, #tpu.memory_space<vmem_shared>> -> memref<128x128xf32, #tpu.memory_space<vmem_shared>>
      %dma_wait3A_139 = arith.constant 0 : i32
      %dma_wait3A_140 = arith.constant 0 : i32
      %dma_wait3A_141 = tpu.memref_slice %arg9[%run_scoped3A_70, %dma_wait3A_139, %dma_wait3A_140] : memref<2x128x128xf32, #tpu.memory_space<vmem>> -> memref<1x128x128xf32, #tpu.memory_space<vmem>>
      %dma_wait3A_142 = tpu.memref_squeeze %dma_wait3A_141 : memref<1x128x128xf32, #tpu.memory_space<vmem>> -> memref<128x128xf32, #tpu.memory_space<vmem>>
      tpu.wait_dma2 semaphore(%run_scoped3A_119 : memref<!tpu.dma_semaphore, #tpu.memory_space<semaphore_mem>>) src(%dma_wait3A_142 : memref<128x128xf32, #tpu.memory_space<vmem>>) dst(%dma_wait3A_138 : memref<128x128xf32, #tpu.memory_space<vmem_shared>>)
      tpu.yield
    }) : () -> ()
    %add3A_71 = arith.constant 384 : i32
    %add3A_72 = arith.addi %mul3A_0, %add3A_71 : i32
    %run_scoped3A_73 = arith.constant 0 : i32
    "tpu.region"() ({
      %run_scoped3A_119 = tpu.sem_alloc : memref<!tpu.dma_semaphore, #tpu.memory_space<semaphore_mem>>
      %dma_start3A_120 = arith.constant 0 : i32
      %dma_start3A_121 = arith.constant 0 : i32
      %dma_start3A_122 = tpu.memref_slice %arg9[%run_scoped3A_73, %dma_start3A_120, %dma_start3A_121] : memref<2x128x128xf32, #tpu.memory_space<vmem>> -> memref<1x128x128xf32, #tpu.memory_space<vmem>>
      %dma_start3A_123 = tpu.memref_squeeze %dma_start3A_122 : memref<1x128x128xf32, #tpu.memory_space<vmem>> -> memref<128x128xf32, #tpu.memory_space<vmem>>
      %dma_start3A_124 = arith.constant 0 : i32
      %dma_start3A_125 = tpu.memref_slice %arg6[%add3A_72, %dma_start3A_124] : memref<10112x128xf32, #tpu.memory_space<vmem_shared>> -> memref<128x128xf32, #tpu.memory_space<vmem_shared>>
      %dma_start3A_126 = arith.constant 0 : i32
      %dma_start3A_127 = tpu.memref_slice %arg6[%add3A_72, %dma_start3A_126] : memref<10112x128xf32, #tpu.memory_space<vmem_shared>> -> memref<128x128xf32, #tpu.memory_space<vmem_shared>>
      %dma_start3A_128 = arith.constant 0 : i32
      %dma_start3A_129 = arith.constant 0 : i32
      %dma_start3A_130 = tpu.memref_slice %arg9[%run_scoped3A_73, %dma_start3A_128, %dma_start3A_129] : memref<2x128x128xf32, #tpu.memory_space<vmem>> -> memref<1x128x128xf32, #tpu.memory_space<vmem>>
      %dma_start3A_131 = tpu.memref_squeeze %dma_start3A_130 : memref<1x128x128xf32, #tpu.memory_space<vmem>> -> memref<128x128xf32, #tpu.memory_space<vmem>>
      tpu.enqueue_dma source(%dma_start3A_131 : memref<128x128xf32, #tpu.memory_space<vmem>>) target(%dma_start3A_127 : memref<128x128xf32, #tpu.memory_space<vmem_shared>>) target_semaphore(%run_scoped3A_119 : memref<!tpu.dma_semaphore, #tpu.memory_space<semaphore_mem>>)
      %dma_wait3A = arith.constant 0 : i32
      %dma_wait3A_132 = arith.constant 0 : i32
      %dma_wait3A_133 = tpu.memref_slice %arg9[%run_scoped3A_73, %dma_wait3A, %dma_wait3A_132] : memref<2x128x128xf32, #tpu.memory_space<vmem>> -> memref<1x128x128xf32, #tpu.memory_space<vmem>>
      %dma_wait3A_134 = tpu.memref_squeeze %dma_wait3A_133 : memref<1x128x128xf32, #tpu.memory_space<vmem>> -> memref<128x128xf32, #tpu.memory_space<vmem>>
      %dma_wait3A_135 = arith.constant 0 : i32
      %dma_wait3A_136 = tpu.memref_slice %arg6[%add3A_72, %dma_wait3A_135] : memref<10112x128xf32, #tpu.memory_space<vmem_shared>> -> memref<128x128xf32, #tpu.memory_space<vmem_shared>>
      %dma_wait3A_137 = arith.constant 0 : i32
      %dma_wait3A_138 = tpu.memref_slice %arg6[%add3A_72, %dma_wait3A_137] : memref<10112x128xf32, #tpu.memory_space<vmem_shared>> -> memref<128x128xf32, #tpu.memory_space<vmem_shared>>
      %dma_wait3A_139 = arith.constant 0 : i32
      %dma_wait3A_140 = arith.constant 0 : i32
      %dma_wait3A_141 = tpu.memref_slice %arg9[%run_scoped3A_73, %dma_wait3A_139, %dma_wait3A_140] : memref<2x128x128xf32, #tpu.memory_space<vmem>> -> memref<1x128x128xf32, #tpu.memory_space<vmem>>
      %dma_wait3A_142 = tpu.memref_squeeze %dma_wait3A_141 : memref<1x128x128xf32, #tpu.memory_space<vmem>> -> memref<128x128xf32, #tpu.memory_space<vmem>>
      tpu.wait_dma2 semaphore(%run_scoped3A_119 : memref<!tpu.dma_semaphore, #tpu.memory_space<semaphore_mem>>) src(%dma_wait3A_142 : memref<128x128xf32, #tpu.memory_space<vmem>>) dst(%dma_wait3A_138 : memref<128x128xf32, #tpu.memory_space<vmem_shared>>)
      tpu.yield
    }) : () -> ()
    %add3A_74 = arith.constant 632 : i32
    %add3A_75 = arith.addi %mul3A_0, %add3A_74 : i32
    %sub3A_76 = arith.constant 120 : i32
    %sub3A_77 = arith.subi %add3A_75, %sub3A_76 : i32
    %run_scoped3A_78 = arith.constant 0 : i32
    "tpu.region"() ({
      %run_scoped3A_119 = tpu.sem_alloc : memref<!tpu.dma_semaphore, #tpu.memory_space<semaphore_mem>>
      %dma_start3A_120 = arith.constant 0 : i32
      %dma_start3A_121 = arith.constant 0 : i32
      %dma_start3A_122 = tpu.memref_slice %arg9[%run_scoped3A_78, %dma_start3A_120, %dma_start3A_121] : memref<2x128x128xf32, #tpu.memory_space<vmem>> -> memref<1x120x128xf32, #tpu.memory_space<vmem>>
      %dma_start3A_123 = tpu.memref_squeeze %dma_start3A_122 : memref<1x120x128xf32, #tpu.memory_space<vmem>> -> memref<120x128xf32, #tpu.memory_space<vmem>>
      %dma_start3A_124 = arith.constant 0 : i32
      %dma_start3A_125 = tpu.memref_slice %arg6[%sub3A_77, %dma_start3A_124] : memref<10112x128xf32, #tpu.memory_space<vmem_shared>> -> memref<120x128xf32, #tpu.memory_space<vmem_shared>>
      %dma_start3A_126 = arith.constant 0 : i32
      %dma_start3A_127 = tpu.memref_slice %arg6[%sub3A_77, %dma_start3A_126] : memref<10112x128xf32, #tpu.memory_space<vmem_shared>> -> memref<120x128xf32, #tpu.memory_space<vmem_shared>>
      %dma_start3A_128 = arith.constant 0 : i32
      %dma_start3A_129 = arith.constant 0 : i32
      %dma_start3A_130 = tpu.memref_slice %arg9[%run_scoped3A_78, %dma_start3A_128, %dma_start3A_129] : memref<2x128x128xf32, #tpu.memory_space<vmem>> -> memref<1x120x128xf32, #tpu.memory_space<vmem>>
      %dma_start3A_131 = tpu.memref_squeeze %dma_start3A_130 : memref<1x120x128xf32, #tpu.memory_space<vmem>> -> memref<120x128xf32, #tpu.memory_space<vmem>>
      tpu.enqueue_dma source(%dma_start3A_131 : memref<120x128xf32, #tpu.memory_space<vmem>>) target(%dma_start3A_127 : memref<120x128xf32, #tpu.memory_space<vmem_shared>>) target_semaphore(%run_scoped3A_119 : memref<!tpu.dma_semaphore, #tpu.memory_space<semaphore_mem>>)
      %dma_wait3A = arith.constant 0 : i32
      %dma_wait3A_132 = arith.constant 0 : i32
      %dma_wait3A_133 = tpu.memref_slice %arg9[%run_scoped3A_78, %dma_wait3A, %dma_wait3A_132] : memref<2x128x128xf32, #tpu.memory_space<vmem>> -> memref<1x120x128xf32, #tpu.memory_space<vmem>>
      %dma_wait3A_134 = tpu.memref_squeeze %dma_wait3A_133 : memref<1x120x128xf32, #tpu.memory_space<vmem>> -> memref<120x128xf32, #tpu.memory_space<vmem>>
      %dma_wait3A_135 = arith.constant 0 : i32
      %dma_wait3A_136 = tpu.memref_slice %arg6[%sub3A_77, %dma_wait3A_135] : memref<10112x128xf32, #tpu.memory_space<vmem_shared>> -> memref<120x128xf32, #tpu.memory_space<vmem_shared>>
      %dma_wait3A_137 = arith.constant 0 : i32
      %dma_wait3A_138 = tpu.memref_slice %arg6[%sub3A_77, %dma_wait3A_137] : memref<10112x128xf32, #tpu.memory_space<vmem_shared>> -> memref<120x128xf32, #tpu.memory_space<vmem_shared>>
      %dma_wait3A_139 = arith.constant 0 : i32
      %dma_wait3A_140 = arith.constant 0 : i32
      %dma_wait3A_141 = tpu.memref_slice %arg9[%run_scoped3A_78, %dma_wait3A_139, %dma_wait3A_140] : memref<2x128x128xf32, #tpu.memory_space<vmem>> -> memref<1x120x128xf32, #tpu.memory_space<vmem>>
      %dma_wait3A_142 = tpu.memref_squeeze %dma_wait3A_141 : memref<1x120x128xf32, #tpu.memory_space<vmem>> -> memref<120x128xf32, #tpu.memory_space<vmem>>
      tpu.wait_dma2 semaphore(%run_scoped3A_119 : memref<!tpu.dma_semaphore, #tpu.memory_space<semaphore_mem>>) src(%dma_wait3A_142 : memref<120x128xf32, #tpu.memory_space<vmem>>) dst(%dma_wait3A_138 : memref<120x128xf32, #tpu.memory_space<vmem_shared>>)
      tpu.yield
    }) : () -> ()
    %barrier3A_79 = arith.constant 0 : index
    tpu.barrier barrier_id(%barrier3A_79)
    %mul3A_80 = arith.constant 2 : i32
    %mul3A_81 = arith.muli %mul3A_80, %arg0 : i32
    %add3A_82 = arith.constant 1 : i32
    %add3A_83 = arith.addi %mul3A_81, %add3A_82 : i32
    "tpu.region"() ({
      %run_scoped3A_119 = tpu.sem_alloc : memref<!tpu.dma_semaphore, #tpu.memory_space<semaphore_mem>>
      %dma_start3A_120 = arith.constant 0 : i32
      %dma_start3A_121 = arith.constant 0 : i32
      %dma_start3A_122 = tpu.memref_slice %arg7[%dma_start3A_120, %dma_start3A_121] : memref<40x128xi32, #tpu.memory_space<vmem>> -> memref<40x128xi32, #tpu.memory_space<vmem>>
      %dma_start3A_123 = arith.constant 0 : i32
      %dma_start3A_124 = arith.constant 0 : i32
      %dma_start3A_125 = tpu.memref_slice %arg3[%add3A_83, %arg1, %dma_start3A_123, %dma_start3A_124] : memref<4x16x79x128xi32, #tpu.memory_space<hbm>> -> memref<1x1x40x128xi32, #tpu.memory_space<hbm>>
      %dma_start3A_126 = tpu.memref_squeeze %dma_start3A_125 : memref<1x1x40x128xi32, #tpu.memory_space<hbm>> -> memref<40x128xi32, #tpu.memory_space<hbm>>
      %dma_start3A_127 = arith.constant 0 : i32
      %dma_start3A_128 = arith.constant 0 : i32
      %dma_start3A_129 = tpu.memref_slice %arg7[%dma_start3A_127, %dma_start3A_128] : memref<40x128xi32, #tpu.memory_space<vmem>> -> memref<40x128xi32, #tpu.memory_space<vmem>>
      %dma_start3A_130 = arith.constant 0 : i32
      %dma_start3A_131 = arith.constant 0 : i32
      %dma_start3A_132 = tpu.memref_slice %arg3[%add3A_83, %arg1, %dma_start3A_130, %dma_start3A_131] : memref<4x16x79x128xi32, #tpu.memory_space<hbm>> -> memref<1x1x40x128xi32, #tpu.memory_space<hbm>>
      %dma_start3A_133 = tpu.memref_squeeze %dma_start3A_132 : memref<1x1x40x128xi32, #tpu.memory_space<hbm>> -> memref<40x128xi32, #tpu.memory_space<hbm>>
      tpu.enqueue_dma source(%dma_start3A_133 : memref<40x128xi32, #tpu.memory_space<hbm>>) target(%dma_start3A_129 : memref<40x128xi32, #tpu.memory_space<vmem>>) target_semaphore(%run_scoped3A_119 : memref<!tpu.dma_semaphore, #tpu.memory_space<semaphore_mem>>)
      %dma_wait3A = arith.constant 0 : i32
      %dma_wait3A_134 = arith.constant 0 : i32
      %dma_wait3A_135 = tpu.memref_slice %arg7[%dma_wait3A, %dma_wait3A_134] : memref<40x128xi32, #tpu.memory_space<vmem>> -> memref<40x128xi32, #tpu.memory_space<vmem>>
      %dma_wait3A_136 = arith.constant 0 : i32
      %dma_wait3A_137 = arith.constant 0 : i32
      %dma_wait3A_138 = tpu.memref_slice %arg3[%add3A_83, %arg1, %dma_wait3A_136, %dma_wait3A_137] : memref<4x16x79x128xi32, #tpu.memory_space<hbm>> -> memref<1x1x40x128xi32, #tpu.memory_space<hbm>>
      %dma_wait3A_139 = tpu.memref_squeeze %dma_wait3A_138 : memref<1x1x40x128xi32, #tpu.memory_space<hbm>> -> memref<40x128xi32, #tpu.memory_space<hbm>>
      %dma_wait3A_140 = arith.constant 0 : i32
      %dma_wait3A_141 = arith.constant 0 : i32
      %dma_wait3A_142 = tpu.memref_slice %arg7[%dma_wait3A_140, %dma_wait3A_141] : memref<40x128xi32, #tpu.memory_space<vmem>> -> memref<40x128xi32, #tpu.memory_space<vmem>>
      %dma_wait3A_143 = arith.constant 0 : i32
      %dma_wait3A_144 = arith.constant 0 : i32
      %dma_wait3A_145 = tpu.memref_slice %arg3[%add3A_83, %arg1, %dma_wait3A_143, %dma_wait3A_144] : memref<4x16x79x128xi32, #tpu.memory_space<hbm>> -> memref<1x1x40x128xi32, #tpu.memory_space<hbm>>
      %dma_wait3A_146 = tpu.memref_squeeze %dma_wait3A_145 : memref<1x1x40x128xi32, #tpu.memory_space<hbm>> -> memref<40x128xi32, #tpu.memory_space<hbm>>
      tpu.wait_dma2 semaphore(%run_scoped3A_119 : memref<!tpu.dma_semaphore, #tpu.memory_space<semaphore_mem>>) src(%dma_wait3A_146 : memref<40x128xi32, #tpu.memory_space<hbm>>) dst(%dma_wait3A_142 : memref<40x128xi32, #tpu.memory_space<vmem>>)
      tpu.yield
    }) : () -> ()
    "tpu.region"() ({
      %run_scoped3A_119 = tpu.sem_alloc : memref<!tpu.dma_semaphore, #tpu.memory_space<semaphore_mem>>
      %dma_start3A_120 = arith.constant 0 : i32
      %dma_start3A_121 = arith.constant 0 : i32
      %dma_start3A_122 = tpu.memref_slice %arg8[%dma_start3A_120, %dma_start3A_121] : memref<40x128xi32, #tpu.memory_space<vmem>> -> memref<40x128xi32, #tpu.memory_space<vmem>>
      %dma_start3A_123 = arith.constant 0 : i32
      %dma_start3A_124 = arith.constant 0 : i32
      %dma_start3A_125 = tpu.memref_slice %arg4[%arg1, %dma_start3A_123, %dma_start3A_124] : memref<16x79x128xi32, #tpu.memory_space<hbm>> -> memref<1x40x128xi32, #tpu.memory_space<hbm>>
      %dma_start3A_126 = tpu.memref_squeeze %dma_start3A_125 : memref<1x40x128xi32, #tpu.memory_space<hbm>> -> memref<40x128xi32, #tpu.memory_space<hbm>>
      %dma_start3A_127 = arith.constant 0 : i32
      %dma_start3A_128 = arith.constant 0 : i32
      %dma_start3A_129 = tpu.memref_slice %arg8[%dma_start3A_127, %dma_start3A_128] : memref<40x128xi32, #tpu.memory_space<vmem>> -> memref<40x128xi32, #tpu.memory_space<vmem>>
      %dma_start3A_130 = arith.constant 0 : i32
      %dma_start3A_131 = arith.constant 0 : i32
      %dma_start3A_132 = tpu.memref_slice %arg4[%arg1, %dma_start3A_130, %dma_start3A_131] : memref<16x79x128xi32, #tpu.memory_space<hbm>> -> memref<1x40x128xi32, #tpu.memory_space<hbm>>
      %dma_start3A_133 = tpu.memref_squeeze %dma_start3A_132 : memref<1x40x128xi32, #tpu.memory_space<hbm>> -> memref<40x128xi32, #tpu.memory_space<hbm>>
      tpu.enqueue_dma source(%dma_start3A_133 : memref<40x128xi32, #tpu.memory_space<hbm>>) target(%dma_start3A_129 : memref<40x128xi32, #tpu.memory_space<vmem>>) target_semaphore(%run_scoped3A_119 : memref<!tpu.dma_semaphore, #tpu.memory_space<semaphore_mem>>)
      %dma_wait3A = arith.constant 0 : i32
      %dma_wait3A_134 = arith.constant 0 : i32
      %dma_wait3A_135 = tpu.memref_slice %arg8[%dma_wait3A, %dma_wait3A_134] : memref<40x128xi32, #tpu.memory_space<vmem>> -> memref<40x128xi32, #tpu.memory_space<vmem>>
      %dma_wait3A_136 = arith.constant 0 : i32
      %dma_wait3A_137 = arith.constant 0 : i32
      %dma_wait3A_138 = tpu.memref_slice %arg4[%arg1, %dma_wait3A_136, %dma_wait3A_137] : memref<16x79x128xi32, #tpu.memory_space<hbm>> -> memref<1x40x128xi32, #tpu.memory_space<hbm>>
      %dma_wait3A_139 = tpu.memref_squeeze %dma_wait3A_138 : memref<1x40x128xi32, #tpu.memory_space<hbm>> -> memref<40x128xi32, #tpu.memory_space<hbm>>
      %dma_wait3A_140 = arith.constant 0 : i32
      %dma_wait3A_141 = arith.constant 0 : i32
      %dma_wait3A_142 = tpu.memref_slice %arg8[%dma_wait3A_140, %dma_wait3A_141] : memref<40x128xi32, #tpu.memory_space<vmem>> -> memref<40x128xi32, #tpu.memory_space<vmem>>
      %dma_wait3A_143 = arith.constant 0 : i32
      %dma_wait3A_144 = arith.constant 0 : i32
      %dma_wait3A_145 = tpu.memref_slice %arg4[%arg1, %dma_wait3A_143, %dma_wait3A_144] : memref<16x79x128xi32, #tpu.memory_space<hbm>> -> memref<1x40x128xi32, #tpu.memory_space<hbm>>
      %dma_wait3A_146 = tpu.memref_squeeze %dma_wait3A_145 : memref<1x40x128xi32, #tpu.memory_space<hbm>> -> memref<40x128xi32, #tpu.memory_space<hbm>>
      tpu.wait_dma2 semaphore(%run_scoped3A_119 : memref<!tpu.dma_semaphore, #tpu.memory_space<semaphore_mem>>) src(%dma_wait3A_146 : memref<40x128xi32, #tpu.memory_space<hbm>>) dst(%dma_wait3A_142 : memref<40x128xi32, #tpu.memory_space<vmem>>)
      tpu.yield
    }) : () -> ()
    %dma_start3A_84 = arith.constant 0 : i32
    %dma_start3A_85 = arith.constant 0 : i32
    %dma_start3A_86 = arith.constant 0 : i32
    %dma_start3A_87 = arith.constant 0 : i32
    %dma_start3A_88 = tpu.memref_slice %arg9[%dma_start3A_85, %dma_start3A_86, %dma_start3A_87] : memref<2x128x128xf32, #tpu.memory_space<vmem>> -> memref<1x128x128xf32, #tpu.memory_space<vmem>>
    %dma_start3A_89 = tpu.memref_squeeze %dma_start3A_88 : memref<1x128x128xf32, #tpu.memory_space<vmem>> -> memref<128x128xf32, #tpu.memory_space<vmem>>
    %dma_start3A_90 = arith.constant 0 : i32
    %dma_start3A_91 = tpu.memref_slice %arg7[%dma_start3A_84, %dma_start3A_90] : memref<40x128xi32, #tpu.memory_space<vmem>> -> memref<1x128xi32, #tpu.memory_space<vmem>>
    %dma_start3A_92 = tpu.memref_squeeze %dma_start3A_91 : memref<1x128xi32, #tpu.memory_space<vmem>> -> memref<128xi32, #tpu.memory_space<vmem>>
    %dma_start3A_93 = arith.constant 0 : i32
    %dma_start3A_94 = arith.constant 0 : i32
    %dma_start3A_95 = tpu.memref_slice %arg2[%dma_start3A_93, %dma_start3A_94] : memref<40000x128xf32, #tpu.memory_space<hbm>> -> memref<40000x128xf32, #tpu.memory_space<hbm>>
    tpu.enqueue_indirect_dma source(%dma_start3A_95 : memref<40000x128xf32, #tpu.memory_space<hbm>>) target(%dma_start3A_89 : memref<128x128xf32, #tpu.memory_space<vmem>>) offsets(%dma_start3A_92 : memref<128xi32, #tpu.memory_space<vmem>>) semaphore(%arg10 : memref<!tpu.dma_semaphore, #tpu.memory_space<semaphore_mem>>)
    %scan3A_96 = arith.constant 0 : i32
    %scan3A_97 = arith.constant 40 : i32
    %scan3A_98 = arith.addi %scan3A_96, %scan3A_97 : i32
    %scan3A_99 = arith.constant 1 : i32
    scf.for %scan3A_119 = %scan3A_96 to %scan3A_98 step %scan3A_99  : i32 {
      %rem3A = arith.constant 2 : i32
      %rem3A_120 = arith.remsi %scan3A_119, %rem3A : i32
      %lt3A = arith.constant 39 : i32
      %lt3A_121 = arith.cmpi slt, %scan3A_119, %lt3A : i32
      %convert_element_type3A = arith.extui %lt3A_121 : i1 to i32
      %cond3A = arith.constant 0 : i32
      %cond3A_122 = arith.cmpi ne, %convert_element_type3A, %cond3A : i32
      scf.if %cond3A_122 {
        %add3A_136 = arith.constant 2 : i32
        %add3A_137 = arith.addi %scan3A_119, %add3A_136 : i32
        %sub3A_138 = arith.constant 1 : i32
        %sub3A_139 = arith.subi %add3A_137, %sub3A_138 : i32
        %add3A_140 = arith.constant 2 : i32
        %add3A_141 = arith.addi %scan3A_119, %add3A_140 : i32
        %sub3A_142 = arith.constant 1 : i32
        %sub3A_143 = arith.subi %add3A_141, %sub3A_142 : i32
        %rem3A_144 = arith.constant 2 : i32
        %rem3A_145 = arith.remsi %sub3A_143, %rem3A_144 : i32
        %dma_start3A_146 = arith.constant 0 : i32
        %dma_start3A_147 = arith.constant 0 : i32
        %dma_start3A_148 = tpu.memref_slice %arg9[%rem3A_145, %dma_start3A_146, %dma_start3A_147] : memref<2x128x128xf32, #tpu.memory_space<vmem>> -> memref<1x128x128xf32, #tpu.memory_space<vmem>>
        %dma_start3A_149 = tpu.memref_squeeze %dma_start3A_148 : memref<1x128x128xf32, #tpu.memory_space<vmem>> -> memref<128x128xf32, #tpu.memory_space<vmem>>
        %dma_start3A_150 = arith.constant 0 : i32
        %dma_start3A_151 = tpu.memref_slice %arg7[%sub3A_139, %dma_start3A_150] : memref<40x128xi32, #tpu.memory_space<vmem>> -> memref<1x128xi32, #tpu.memory_space<vmem>>
        %dma_start3A_152 = tpu.memref_squeeze %dma_start3A_151 : memref<1x128xi32, #tpu.memory_space<vmem>> -> memref<128xi32, #tpu.memory_space<vmem>>
        %dma_start3A_153 = arith.constant 0 : i32
        %dma_start3A_154 = arith.constant 0 : i32
        %dma_start3A_155 = tpu.memref_slice %arg2[%dma_start3A_153, %dma_start3A_154] : memref<40000x128xf32, #tpu.memory_space<hbm>> -> memref<40000x128xf32, #tpu.memory_space<hbm>>
        tpu.enqueue_indirect_dma source(%dma_start3A_155 : memref<40000x128xf32, #tpu.memory_space<hbm>>) target(%dma_start3A_149 : memref<128x128xf32, #tpu.memory_space<vmem>>) offsets(%dma_start3A_152 : memref<128xi32, #tpu.memory_space<vmem>>) semaphore(%arg10 : memref<!tpu.dma_semaphore, #tpu.memory_space<semaphore_mem>>)
      } else {
      }
      %dma_wait3A = arith.constant 0 : i32
      %dma_wait3A_123 = arith.constant 0 : i32
      %dma_wait3A_124 = tpu.memref_slice %arg9[%rem3A_120, %dma_wait3A, %dma_wait3A_123] : memref<2x128x128xf32, #tpu.memory_space<vmem>> -> memref<1x128x128xf32, #tpu.memory_space<vmem>>
      %dma_wait3A_125 = tpu.memref_squeeze %dma_wait3A_124 : memref<1x128x128xf32, #tpu.memory_space<vmem>> -> memref<128x128xf32, #tpu.memory_space<vmem>>
      %dma_wait3A_126 = arith.constant 0 : i32
      %dma_wait3A_127 = arith.constant 0 : i32
      %dma_wait3A_128 = tpu.memref_slice %arg2[%dma_wait3A_126, %dma_wait3A_127] : memref<40000x128xf32, #tpu.memory_space<hbm>> -> memref<128x128xf32, #tpu.memory_space<hbm>>
      %dma_wait3A_129 = arith.constant 0 : i32
      %dma_wait3A_130 = arith.constant 0 : i32
      %dma_wait3A_131 = tpu.memref_slice %arg9[%rem3A_120, %dma_wait3A_129, %dma_wait3A_130] : memref<2x128x128xf32, #tpu.memory_space<vmem>> -> memref<1x128x128xf32, #tpu.memory_space<vmem>>
      %dma_wait3A_132 = tpu.memref_squeeze %dma_wait3A_131 : memref<1x128x128xf32, #tpu.memory_space<vmem>> -> memref<128x128xf32, #tpu.memory_space<vmem>>
      %dma_wait3A_133 = arith.constant 0 : i32
      %dma_wait3A_134 = arith.constant 0 : i32
      %dma_wait3A_135 = tpu.memref_slice %arg2[%dma_wait3A_133, %dma_wait3A_134] : memref<40000x128xf32, #tpu.memory_space<hbm>> -> memref<128x128xf32, #tpu.memory_space<hbm>>
      tpu.wait_dma2 semaphore(%arg10 : memref<!tpu.dma_semaphore, #tpu.memory_space<semaphore_mem>>) src(%dma_wait3A_135 : memref<128x128xf32, #tpu.memory_space<hbm>>) dst(%dma_wait3A_132 : memref<128x128xf32, #tpu.memory_space<vmem>>)
      "tpu.region"() ({
        %run_scoped3A_136 = tpu.sem_alloc : memref<!tpu.dma_semaphore, #tpu.memory_space<semaphore_mem>>
        %dma_start3A_137 = arith.constant 0 : i32
        %dma_start3A_138 = arith.constant 0 : i32
        %dma_start3A_139 = tpu.memref_slice %arg9[%rem3A_120, %dma_start3A_137, %dma_start3A_138] : memref<2x128x128xf32, #tpu.memory_space<vmem>> -> memref<1x128x128xf32, #tpu.memory_space<vmem>>
        %dma_start3A_140 = tpu.memref_squeeze %dma_start3A_139 : memref<1x128x128xf32, #tpu.memory_space<vmem>> -> memref<128x128xf32, #tpu.memory_space<vmem>>
        %dma_start3A_141 = arith.constant 0 : i32
        %dma_start3A_142 = tpu.memref_slice %arg8[%scan3A_119, %dma_start3A_141] : memref<40x128xi32, #tpu.memory_space<vmem>> -> memref<1x128xi32, #tpu.memory_space<vmem>>
        %dma_start3A_143 = tpu.memref_squeeze %dma_start3A_142 : memref<1x128xi32, #tpu.memory_space<vmem>> -> memref<128xi32, #tpu.memory_space<vmem>>
        %dma_start3A_144 = arith.constant 0 : i32
        %dma_start3A_145 = arith.constant 0 : i32
        %dma_start3A_146 = tpu.memref_slice %arg6[%dma_start3A_144, %dma_start3A_145] : memref<10112x128xf32, #tpu.memory_space<vmem_shared>> -> memref<10112x128xf32, #tpu.memory_space<vmem_shared>>
        tpu.enqueue_indirect_dma source(%dma_start3A_140 : memref<128x128xf32, #tpu.memory_space<vmem>>) target(%dma_start3A_146 : memref<10112x128xf32, #tpu.memory_space<vmem_shared>>) offsets(%dma_start3A_143 : memref<128xi32, #tpu.memory_space<vmem>>) semaphore(%run_scoped3A_136 : memref<!tpu.dma_semaphore, #tpu.memory_space<semaphore_mem>>) {add = true}
        %dma_wait3A_147 = arith.constant 0 : i32
        %dma_wait3A_148 = arith.constant 0 : i32
        %dma_wait3A_149 = tpu.memref_slice %arg9[%rem3A_120, %dma_wait3A_147, %dma_wait3A_148] : memref<2x128x128xf32, #tpu.memory_space<vmem>> -> memref<1x128x128xf32, #tpu.memory_space<vmem>>
        %dma_wait3A_150 = tpu.memref_squeeze %dma_wait3A_149 : memref<1x128x128xf32, #tpu.memory_space<vmem>> -> memref<128x128xf32, #tpu.memory_space<vmem>>
        %dma_wait3A_151 = arith.constant 0 : i32
        %dma_wait3A_152 = tpu.memref_slice %arg8[%scan3A_119, %dma_wait3A_151] : memref<40x128xi32, #tpu.memory_space<vmem>> -> memref<1x128xi32, #tpu.memory_space<vmem>>
        %dma_wait3A_153 = tpu.memref_squeeze %dma_wait3A_152 : memref<1x128xi32, #tpu.memory_space<vmem>> -> memref<128xi32, #tpu.memory_space<vmem>>
        %dma_wait3A_154 = arith.constant 0 : i32
        %dma_wait3A_155 = arith.constant 0 : i32
        %dma_wait3A_156 = tpu.memref_slice %arg6[%dma_wait3A_154, %dma_wait3A_155] : memref<10112x128xf32, #tpu.memory_space<vmem_shared>> -> memref<10112x128xf32, #tpu.memory_space<vmem_shared>>
        tpu.wait_indirect_dma semaphore(%run_scoped3A_136 : memref<!tpu.dma_semaphore, #tpu.memory_space<semaphore_mem>>) src(%dma_wait3A_150 : memref<128x128xf32, #tpu.memory_space<vmem>>) dst(%dma_wait3A_156 : memref<10112x128xf32, #tpu.memory_space<vmem_shared>>)
        tpu.yield
      }) : () -> ()
    }
    %scan3A_100 = arith.constant 40 : i32
    "tpu.region"() ({
      %run_scoped3A_119 = tpu.sem_alloc : memref<!tpu.dma_semaphore, #tpu.memory_space<semaphore_mem>>
      %dma_start3A_120 = arith.constant 0 : i32
      %dma_start3A_121 = arith.constant 0 : i32
      %dma_start3A_122 = tpu.memref_slice %arg7[%dma_start3A_120, %dma_start3A_121] : memref<40x128xi32, #tpu.memory_space<vmem>> -> memref<39x128xi32, #tpu.memory_space<vmem>>
      %dma_start3A_123 = arith.constant 40 : i32
      %dma_start3A_124 = arith.constant 0 : i32
      %dma_start3A_125 = tpu.memref_slice %arg3[%add3A_83, %arg1, %dma_start3A_123, %dma_start3A_124] : memref<4x16x79x128xi32, #tpu.memory_space<hbm>> -> memref<1x1x39x128xi32, #tpu.memory_space<hbm>>
      %dma_start3A_126 = tpu.memref_squeeze %dma_start3A_125 : memref<1x1x39x128xi32, #tpu.memory_space<hbm>> -> memref<39x128xi32, #tpu.memory_space<hbm>>
      %dma_start3A_127 = arith.constant 0 : i32
      %dma_start3A_128 = arith.constant 0 : i32
      %dma_start3A_129 = tpu.memref_slice %arg7[%dma_start3A_127, %dma_start3A_128] : memref<40x128xi32, #tpu.memory_space<vmem>> -> memref<39x128xi32, #tpu.memory_space<vmem>>
      %dma_start3A_130 = arith.constant 40 : i32
      %dma_start3A_131 = arith.constant 0 : i32
      %dma_start3A_132 = tpu.memref_slice %arg3[%add3A_83, %arg1, %dma_start3A_130, %dma_start3A_131] : memref<4x16x79x128xi32, #tpu.memory_space<hbm>> -> memref<1x1x39x128xi32, #tpu.memory_space<hbm>>
      %dma_start3A_133 = tpu.memref_squeeze %dma_start3A_132 : memref<1x1x39x128xi32, #tpu.memory_space<hbm>> -> memref<39x128xi32, #tpu.memory_space<hbm>>
      tpu.enqueue_dma source(%dma_start3A_133 : memref<39x128xi32, #tpu.memory_space<hbm>>) target(%dma_start3A_129 : memref<39x128xi32, #tpu.memory_space<vmem>>) target_semaphore(%run_scoped3A_119 : memref<!tpu.dma_semaphore, #tpu.memory_space<semaphore_mem>>)
      %dma_wait3A = arith.constant 0 : i32
      %dma_wait3A_134 = arith.constant 0 : i32
      %dma_wait3A_135 = tpu.memref_slice %arg7[%dma_wait3A, %dma_wait3A_134] : memref<40x128xi32, #tpu.memory_space<vmem>> -> memref<39x128xi32, #tpu.memory_space<vmem>>
      %dma_wait3A_136 = arith.constant 40 : i32
      %dma_wait3A_137 = arith.constant 0 : i32
      %dma_wait3A_138 = tpu.memref_slice %arg3[%add3A_83, %arg1, %dma_wait3A_136, %dma_wait3A_137] : memref<4x16x79x128xi32, #tpu.memory_space<hbm>> -> memref<1x1x39x128xi32, #tpu.memory_space<hbm>>
      %dma_wait3A_139 = tpu.memref_squeeze %dma_wait3A_138 : memref<1x1x39x128xi32, #tpu.memory_space<hbm>> -> memref<39x128xi32, #tpu.memory_space<hbm>>
      %dma_wait3A_140 = arith.constant 0 : i32
      %dma_wait3A_141 = arith.constant 0 : i32
      %dma_wait3A_142 = tpu.memref_slice %arg7[%dma_wait3A_140, %dma_wait3A_141] : memref<40x128xi32, #tpu.memory_space<vmem>> -> memref<39x128xi32, #tpu.memory_space<vmem>>
      %dma_wait3A_143 = arith.constant 40 : i32
      %dma_wait3A_144 = arith.constant 0 : i32
      %dma_wait3A_145 = tpu.memref_slice %arg3[%add3A_83, %arg1, %dma_wait3A_143, %dma_wait3A_144] : memref<4x16x79x128xi32, #tpu.memory_space<hbm>> -> memref<1x1x39x128xi32, #tpu.memory_space<hbm>>
      %dma_wait3A_146 = tpu.memref_squeeze %dma_wait3A_145 : memref<1x1x39x128xi32, #tpu.memory_space<hbm>> -> memref<39x128xi32, #tpu.memory_space<hbm>>
      tpu.wait_dma2 semaphore(%run_scoped3A_119 : memref<!tpu.dma_semaphore, #tpu.memory_space<semaphore_mem>>) src(%dma_wait3A_146 : memref<39x128xi32, #tpu.memory_space<hbm>>) dst(%dma_wait3A_142 : memref<39x128xi32, #tpu.memory_space<vmem>>)
      tpu.yield
    }) : () -> ()
    "tpu.region"() ({
      %run_scoped3A_119 = tpu.sem_alloc : memref<!tpu.dma_semaphore, #tpu.memory_space<semaphore_mem>>
      %dma_start3A_120 = arith.constant 0 : i32
      %dma_start3A_121 = arith.constant 0 : i32
      %dma_start3A_122 = tpu.memref_slice %arg8[%dma_start3A_120, %dma_start3A_121] : memref<40x128xi32, #tpu.memory_space<vmem>> -> memref<39x128xi32, #tpu.memory_space<vmem>>
      %dma_start3A_123 = arith.constant 40 : i32
      %dma_start3A_124 = arith.constant 0 : i32
      %dma_start3A_125 = tpu.memref_slice %arg4[%arg1, %dma_start3A_123, %dma_start3A_124] : memref<16x79x128xi32, #tpu.memory_space<hbm>> -> memref<1x39x128xi32, #tpu.memory_space<hbm>>
      %dma_start3A_126 = tpu.memref_squeeze %dma_start3A_125 : memref<1x39x128xi32, #tpu.memory_space<hbm>> -> memref<39x128xi32, #tpu.memory_space<hbm>>
      %dma_start3A_127 = arith.constant 0 : i32
      %dma_start3A_128 = arith.constant 0 : i32
      %dma_start3A_129 = tpu.memref_slice %arg8[%dma_start3A_127, %dma_start3A_128] : memref<40x128xi32, #tpu.memory_space<vmem>> -> memref<39x128xi32, #tpu.memory_space<vmem>>
      %dma_start3A_130 = arith.constant 40 : i32
      %dma_start3A_131 = arith.constant 0 : i32
      %dma_start3A_132 = tpu.memref_slice %arg4[%arg1, %dma_start3A_130, %dma_start3A_131] : memref<16x79x128xi32, #tpu.memory_space<hbm>> -> memref<1x39x128xi32, #tpu.memory_space<hbm>>
      %dma_start3A_133 = tpu.memref_squeeze %dma_start3A_132 : memref<1x39x128xi32, #tpu.memory_space<hbm>> -> memref<39x128xi32, #tpu.memory_space<hbm>>
      tpu.enqueue_dma source(%dma_start3A_133 : memref<39x128xi32, #tpu.memory_space<hbm>>) target(%dma_start3A_129 : memref<39x128xi32, #tpu.memory_space<vmem>>) target_semaphore(%run_scoped3A_119 : memref<!tpu.dma_semaphore, #tpu.memory_space<semaphore_mem>>)
      %dma_wait3A = arith.constant 0 : i32
      %dma_wait3A_134 = arith.constant 0 : i32
      %dma_wait3A_135 = tpu.memref_slice %arg8[%dma_wait3A, %dma_wait3A_134] : memref<40x128xi32, #tpu.memory_space<vmem>> -> memref<39x128xi32, #tpu.memory_space<vmem>>
      %dma_wait3A_136 = arith.constant 40 : i32
      %dma_wait3A_137 = arith.constant 0 : i32
      %dma_wait3A_138 = tpu.memref_slice %arg4[%arg1, %dma_wait3A_136, %dma_wait3A_137] : memref<16x79x128xi32, #tpu.memory_space<hbm>> -> memref<1x39x128xi32, #tpu.memory_space<hbm>>
      %dma_wait3A_139 = tpu.memref_squeeze %dma_wait3A_138 : memref<1x39x128xi32, #tpu.memory_space<hbm>> -> memref<39x128xi32, #tpu.memory_space<hbm>>
      %dma_wait3A_140 = arith.constant 0 : i32
      %dma_wait3A_141 = arith.constant 0 : i32
      %dma_wait3A_142 = tpu.memref_slice %arg8[%dma_wait3A_140, %dma_wait3A_141] : memref<40x128xi32, #tpu.memory_space<vmem>> -> memref<39x128xi32, #tpu.memory_space<vmem>>
      %dma_wait3A_143 = arith.constant 40 : i32
      %dma_wait3A_144 = arith.constant 0 : i32
      %dma_wait3A_145 = tpu.memref_slice %arg4[%arg1, %dma_wait3A_143, %dma_wait3A_144] : memref<16x79x128xi32, #tpu.memory_space<hbm>> -> memref<1x39x128xi32, #tpu.memory_space<hbm>>
      %dma_wait3A_146 = tpu.memref_squeeze %dma_wait3A_145 : memref<1x39x128xi32, #tpu.memory_space<hbm>> -> memref<39x128xi32, #tpu.memory_space<hbm>>
      tpu.wait_dma2 semaphore(%run_scoped3A_119 : memref<!tpu.dma_semaphore, #tpu.memory_space<semaphore_mem>>) src(%dma_wait3A_146 : memref<39x128xi32, #tpu.memory_space<hbm>>) dst(%dma_wait3A_142 : memref<39x128xi32, #tpu.memory_space<vmem>>)
      tpu.yield
    }) : () -> ()
    %dma_start3A_101 = arith.constant 0 : i32
    %dma_start3A_102 = arith.constant 0 : i32
    %dma_start3A_103 = arith.constant 0 : i32
    %dma_start3A_104 = arith.constant 0 : i32
    %dma_start3A_105 = tpu.memref_slice %arg9[%dma_start3A_102, %dma_start3A_103, %dma_start3A_104] : memref<2x128x128xf32, #tpu.memory_space<vmem>> -> memref<1x128x128xf32, #tpu.memory_space<vmem>>
    %dma_start3A_106 = tpu.memref_squeeze %dma_start3A_105 : memref<1x128x128xf32, #tpu.memory_space<vmem>> -> memref<128x128xf32, #tpu.memory_space<vmem>>
    %dma_start3A_107 = arith.constant 0 : i32
    %dma_start3A_108 = tpu.memref_slice %arg7[%dma_start3A_101, %dma_start3A_107] : memref<40x128xi32, #tpu.memory_space<vmem>> -> memref<1x128xi32, #tpu.memory_space<vmem>>
    %dma_start3A_109 = tpu.memref_squeeze %dma_start3A_108 : memref<1x128xi32, #tpu.memory_space<vmem>> -> memref<128xi32, #tpu.memory_space<vmem>>
    %dma_start3A_110 = arith.constant 0 : i32
    %dma_start3A_111 = arith.constant 0 : i32
    %dma_start3A_112 = tpu.memref_slice %arg2[%dma_start3A_110, %dma_start3A_111] : memref<40000x128xf32, #tpu.memory_space<hbm>> -> memref<40000x128xf32, #tpu.memory_space<hbm>>
    tpu.enqueue_indirect_dma source(%dma_start3A_112 : memref<40000x128xf32, #tpu.memory_space<hbm>>) target(%dma_start3A_106 : memref<128x128xf32, #tpu.memory_space<vmem>>) offsets(%dma_start3A_109 : memref<128xi32, #tpu.memory_space<vmem>>) semaphore(%arg10 : memref<!tpu.dma_semaphore, #tpu.memory_space<semaphore_mem>>)
    %scan3A_113 = arith.constant 0 : i32
    %scan3A_114 = arith.constant 39 : i32
    %scan3A_115 = arith.addi %scan3A_113, %scan3A_114 : i32
    %scan3A_116 = arith.constant 1 : i32
    scf.for %scan3A_119 = %scan3A_113 to %scan3A_115 step %scan3A_116  : i32 {
      %rem3A = arith.constant 2 : i32
      %rem3A_120 = arith.remsi %scan3A_119, %rem3A : i32
      %lt3A = arith.constant 38 : i32
      %lt3A_121 = arith.cmpi slt, %scan3A_119, %lt3A : i32
      %convert_element_type3A = arith.extui %lt3A_121 : i1 to i32
      %cond3A = arith.constant 0 : i32
      %cond3A_122 = arith.cmpi ne, %convert_element_type3A, %cond3A : i32
      scf.if %cond3A_122 {
        %add3A_136 = arith.constant 2 : i32
        %add3A_137 = arith.addi %scan3A_119, %add3A_136 : i32
        %sub3A_138 = arith.constant 1 : i32
        %sub3A_139 = arith.subi %add3A_137, %sub3A_138 : i32
        %add3A_140 = arith.constant 2 : i32
        %add3A_141 = arith.addi %scan3A_119, %add3A_140 : i32
        %sub3A_142 = arith.constant 1 : i32
        %sub3A_143 = arith.subi %add3A_141, %sub3A_142 : i32
        %rem3A_144 = arith.constant 2 : i32
        %rem3A_145 = arith.remsi %sub3A_143, %rem3A_144 : i32
        %dma_start3A_146 = arith.constant 0 : i32
        %dma_start3A_147 = arith.constant 0 : i32
        %dma_start3A_148 = tpu.memref_slice %arg9[%rem3A_145, %dma_start3A_146, %dma_start3A_147] : memref<2x128x128xf32, #tpu.memory_space<vmem>> -> memref<1x128x128xf32, #tpu.memory_space<vmem>>
        %dma_start3A_149 = tpu.memref_squeeze %dma_start3A_148 : memref<1x128x128xf32, #tpu.memory_space<vmem>> -> memref<128x128xf32, #tpu.memory_space<vmem>>
        %dma_start3A_150 = arith.constant 0 : i32
        %dma_start3A_151 = tpu.memref_slice %arg7[%sub3A_139, %dma_start3A_150] : memref<40x128xi32, #tpu.memory_space<vmem>> -> memref<1x128xi32, #tpu.memory_space<vmem>>
        %dma_start3A_152 = tpu.memref_squeeze %dma_start3A_151 : memref<1x128xi32, #tpu.memory_space<vmem>> -> memref<128xi32, #tpu.memory_space<vmem>>
        %dma_start3A_153 = arith.constant 0 : i32
        %dma_start3A_154 = arith.constant 0 : i32
        %dma_start3A_155 = tpu.memref_slice %arg2[%dma_start3A_153, %dma_start3A_154] : memref<40000x128xf32, #tpu.memory_space<hbm>> -> memref<40000x128xf32, #tpu.memory_space<hbm>>
        tpu.enqueue_indirect_dma source(%dma_start3A_155 : memref<40000x128xf32, #tpu.memory_space<hbm>>) target(%dma_start3A_149 : memref<128x128xf32, #tpu.memory_space<vmem>>) offsets(%dma_start3A_152 : memref<128xi32, #tpu.memory_space<vmem>>) semaphore(%arg10 : memref<!tpu.dma_semaphore, #tpu.memory_space<semaphore_mem>>)
      } else {
      }
      %dma_wait3A = arith.constant 0 : i32
      %dma_wait3A_123 = arith.constant 0 : i32
      %dma_wait3A_124 = tpu.memref_slice %arg9[%rem3A_120, %dma_wait3A, %dma_wait3A_123] : memref<2x128x128xf32, #tpu.memory_space<vmem>> -> memref<1x128x128xf32, #tpu.memory_space<vmem>>
      %dma_wait3A_125 = tpu.memref_squeeze %dma_wait3A_124 : memref<1x128x128xf32, #tpu.memory_space<vmem>> -> memref<128x128xf32, #tpu.memory_space<vmem>>
      %dma_wait3A_126 = arith.constant 0 : i32
      %dma_wait3A_127 = arith.constant 0 : i32
      %dma_wait3A_128 = tpu.memref_slice %arg2[%dma_wait3A_126, %dma_wait3A_127] : memref<40000x128xf32, #tpu.memory_space<hbm>> -> memref<128x128xf32, #tpu.memory_space<hbm>>
      %dma_wait3A_129 = arith.constant 0 : i32
      %dma_wait3A_130 = arith.constant 0 : i32
      %dma_wait3A_131 = tpu.memref_slice %arg9[%rem3A_120, %dma_wait3A_129, %dma_wait3A_130] : memref<2x128x128xf32, #tpu.memory_space<vmem>> -> memref<1x128x128xf32, #tpu.memory_space<vmem>>
      %dma_wait3A_132 = tpu.memref_squeeze %dma_wait3A_131 : memref<1x128x128xf32, #tpu.memory_space<vmem>> -> memref<128x128xf32, #tpu.memory_space<vmem>>
      %dma_wait3A_133 = arith.constant 0 : i32
      %dma_wait3A_134 = arith.constant 0 : i32
      %dma_wait3A_135 = tpu.memref_slice %arg2[%dma_wait3A_133, %dma_wait3A_134] : memref<40000x128xf32, #tpu.memory_space<hbm>> -> memref<128x128xf32, #tpu.memory_space<hbm>>
      tpu.wait_dma2 semaphore(%arg10 : memref<!tpu.dma_semaphore, #tpu.memory_space<semaphore_mem>>) src(%dma_wait3A_135 : memref<128x128xf32, #tpu.memory_space<hbm>>) dst(%dma_wait3A_132 : memref<128x128xf32, #tpu.memory_space<vmem>>)
      "tpu.region"() ({
        %run_scoped3A_136 = tpu.sem_alloc : memref<!tpu.dma_semaphore, #tpu.memory_space<semaphore_mem>>
        %dma_start3A_137 = arith.constant 0 : i32
        %dma_start3A_138 = arith.constant 0 : i32
        %dma_start3A_139 = tpu.memref_slice %arg9[%rem3A_120, %dma_start3A_137, %dma_start3A_138] : memref<2x128x128xf32, #tpu.memory_space<vmem>> -> memref<1x128x128xf32, #tpu.memory_space<vmem>>
        %dma_start3A_140 = tpu.memref_squeeze %dma_start3A_139 : memref<1x128x128xf32, #tpu.memory_space<vmem>> -> memref<128x128xf32, #tpu.memory_space<vmem>>
        %dma_start3A_141 = arith.constant 0 : i32
        %dma_start3A_142 = tpu.memref_slice %arg8[%scan3A_119, %dma_start3A_141] : memref<40x128xi32, #tpu.memory_space<vmem>> -> memref<1x128xi32, #tpu.memory_space<vmem>>
        %dma_start3A_143 = tpu.memref_squeeze %dma_start3A_142 : memref<1x128xi32, #tpu.memory_space<vmem>> -> memref<128xi32, #tpu.memory_space<vmem>>
        %dma_start3A_144 = arith.constant 0 : i32
        %dma_start3A_145 = arith.constant 0 : i32
        %dma_start3A_146 = tpu.memref_slice %arg6[%dma_start3A_144, %dma_start3A_145] : memref<10112x128xf32, #tpu.memory_space<vmem_shared>> -> memref<10112x128xf32, #tpu.memory_space<vmem_shared>>
        tpu.enqueue_indirect_dma source(%dma_start3A_140 : memref<128x128xf32, #tpu.memory_space<vmem>>) target(%dma_start3A_146 : memref<10112x128xf32, #tpu.memory_space<vmem_shared>>) offsets(%dma_start3A_143 : memref<128xi32, #tpu.memory_space<vmem>>) semaphore(%run_scoped3A_136 : memref<!tpu.dma_semaphore, #tpu.memory_space<semaphore_mem>>) {add = true}
        %dma_wait3A_147 = arith.constant 0 : i32
        %dma_wait3A_148 = arith.constant 0 : i32
        %dma_wait3A_149 = tpu.memref_slice %arg9[%rem3A_120, %dma_wait3A_147, %dma_wait3A_148] : memref<2x128x128xf32, #tpu.memory_space<vmem>> -> memref<1x128x128xf32, #tpu.memory_space<vmem>>
        %dma_wait3A_150 = tpu.memref_squeeze %dma_wait3A_149 : memref<1x128x128xf32, #tpu.memory_space<vmem>> -> memref<128x128xf32, #tpu.memory_space<vmem>>
        %dma_wait3A_151 = arith.constant 0 : i32
        %dma_wait3A_152 = tpu.memref_slice %arg8[%scan3A_119, %dma_wait3A_151] : memref<40x128xi32, #tpu.memory_space<vmem>> -> memref<1x128xi32, #tpu.memory_space<vmem>>
        %dma_wait3A_153 = tpu.memref_squeeze %dma_wait3A_152 : memref<1x128xi32, #tpu.memory_space<vmem>> -> memref<128xi32, #tpu.memory_space<vmem>>
        %dma_wait3A_154 = arith.constant 0 : i32
        %dma_wait3A_155 = arith.constant 0 : i32
        %dma_wait3A_156 = tpu.memref_slice %arg6[%dma_wait3A_154, %dma_wait3A_155] : memref<10112x128xf32, #tpu.memory_space<vmem_shared>> -> memref<10112x128xf32, #tpu.memory_space<vmem_shared>>
        tpu.wait_indirect_dma semaphore(%run_scoped3A_136 : memref<!tpu.dma_semaphore, #tpu.memory_space<semaphore_mem>>) src(%dma_wait3A_150 : memref<128x128xf32, #tpu.memory_space<vmem>>) dst(%dma_wait3A_156 : memref<10112x128xf32, #tpu.memory_space<vmem_shared>>)
        tpu.yield
      }) : () -> ()
    }
    %scan3A_117 = arith.constant 39 : i32
    %barrier3A_118 = arith.constant 0 : index
    tpu.barrier barrier_id(%barrier3A_118)
    "tpu.region"() ({
      %run_scoped3A_119 = tpu.sem_alloc : memref<!tpu.dma_semaphore, #tpu.memory_space<semaphore_mem>>
      %dma_start3A_120 = arith.constant 0 : i32
      %dma_start3A_121 = tpu.memref_slice %arg5[%add3A_83, %mul3A_0, %dma_start3A_120] : memref<4x10112x128xf32, #tpu.memory_space<hbm>> -> memref<1x632x128xf32, #tpu.memory_space<hbm>>
      %dma_start3A_122 = tpu.memref_squeeze %dma_start3A_121 : memref<1x632x128xf32, #tpu.memory_space<hbm>> -> memref<632x128xf32, #tpu.memory_space<hbm>>
      %dma_start3A_123 = arith.constant 0 : i32
      %dma_start3A_124 = tpu.memref_slice %arg6[%mul3A_0, %dma_start3A_123] : memref<10112x128xf32, #tpu.memory_space<vmem_shared>> -> memref<632x128xf32, #tpu.memory_space<vmem_shared>>
      tpu.enqueue_dma source(%dma_start3A_124 : memref<632x128xf32, #tpu.memory_space<vmem_shared>>) target(%dma_start3A_122 : memref<632x128xf32, #tpu.memory_space<hbm>>) target_semaphore(%run_scoped3A_119 : memref<!tpu.dma_semaphore, #tpu.memory_space<semaphore_mem>>)
      %dma_wait3A = arith.constant 0 : i32
      %dma_wait3A_125 = tpu.memref_slice %arg5[%add3A_83, %mul3A_0, %dma_wait3A] : memref<4x10112x128xf32, #tpu.memory_space<hbm>> -> memref<1x632x128xf32, #tpu.memory_space<hbm>>
      %dma_wait3A_126 = tpu.memref_squeeze %dma_wait3A_125 : memref<1x632x128xf32, #tpu.memory_space<hbm>> -> memref<632x128xf32, #tpu.memory_space<hbm>>
      %dma_wait3A_127 = arith.constant 0 : i32
      %dma_wait3A_128 = tpu.memref_slice %arg6[%mul3A_0, %dma_wait3A_127] : memref<10112x128xf32, #tpu.memory_space<vmem_shared>> -> memref<632x128xf32, #tpu.memory_space<vmem_shared>>
      tpu.wait_dma2 semaphore(%run_scoped3A_119 : memref<!tpu.dma_semaphore, #tpu.memory_space<semaphore_mem>>) src(%dma_wait3A_128 : memref<632x128xf32, #tpu.memory_space<vmem_shared>>) dst(%dma_wait3A_126 : memref<632x128xf32, #tpu.memory_space<hbm>>)
      tpu.yield
    }) : () -> ()
    return
  }
}

module attributes {stable_mosaic.version = 14 : i64} {
  func.func @_fc_body(%arg0: i32, %arg1: memref<1000x256xf32, #tpu.memory_space<vmem>>, %arg2: memref<256x256xf32, #tpu.memory_space<vmem>>, %arg3: memref<1x256xf32, #tpu.memory_space<vmem>>, %arg4: memref<1x1xf32, #tpu.memory_space<smem>>, %arg5: memref<1000x256xf32, #tpu.memory_space<vmem>>, %arg6: memref<4x1000x128xf32, #tpu.memory_space<vmem>>) attributes {dimension_semantics = [#tpu.dimension_semantics<arbitrary>], iteration_bounds = array<i64: 10>, scalar_prefetch = 0 : i64, scratch_operands = 0 : i64, tpu.core_type = #tpu.core_type<tc>, window_params = [{transform_indices = @transform_0, window_bounds = array<i64: 1000, 256>}, {pipeline_mode = #tpu.pipeline_mode<synchronous>, transform_indices = @transform_1, window_bounds = array<i64: 256, 256>}, {pipeline_mode = #tpu.pipeline_mode<synchronous>, transform_indices = @transform_2, window_bounds = array<i64: 1, 256>}, {transform_indices = @transform_3, window_bounds = array<i64: 1, 1>}, {transform_indices = @transform_4, window_bounds = array<i64: 1000, 256>}, {transform_indices = @transform_5, window_bounds = array<i64: 4, 1000, 128>}]} {
    %get3A = arith.constant 0 : index
    %get3A_0 = arith.constant 0 : index
    %get3A_1 = vector.load %arg1[%get3A, %get3A_0] : memref<1000x256xf32, #tpu.memory_space<vmem>>, vector<1000x256xf32>
    %get3A_2 = arith.constant 0 : index
    %get3A_3 = arith.constant 0 : index
    %get3A_4 = vector.load %arg2[%get3A_2, %get3A_3] : memref<256x256xf32, #tpu.memory_space<vmem>>, vector<256x256xf32>
    %dot_general3A = arith.constant dense<0.000000e+00> : vector<1000x256xf32>
    %dot_general3A_5 = tpu.matmul %get3A_1, %get3A_4, %dot_general3A {dimension_numbers = #tpu.dot_dimension_numbers<[1], [0], [0], [1], [0, 0, 1, 1], [], []>, transpose_lhs_hint = false} : vector<1000x256xf32>, vector<256x256xf32>, vector<1000x256xf32> -> vector<1000x256xf32>
    %get3A_6 = arith.constant 0 : index
    %get3A_7 = arith.constant 0 : index
    %get3A_8 = vector.load %arg3[%get3A_6, %get3A_7] : memref<1x256xf32, #tpu.memory_space<vmem>>, vector<1x256xf32>
    %add3A = vector.broadcast %get3A_8 : vector<1x256xf32> to vector<1000x256xf32>
    %add3A_9 = arith.addf %dot_general3A_5, %add3A : vector<1000x256xf32>
    %max3A = arith.constant 0.000000e+00 : f32
    %max3A_10 = vector.broadcast %max3A : f32 to vector<1000x256xf32>
    %max3A_11 = arith.maximumf %add3A_9, %max3A_10 : vector<1000x256xf32>
    %swap3A = arith.constant 0 : index
    %swap3A_12 = arith.constant 0 : index
    %swap3A_13 = vector.load %arg5[%swap3A, %swap3A_12] : memref<1000x256xf32, #tpu.memory_space<vmem>>, vector<1000x256xf32>
    tpu.vector_store %arg5[%swap3A, %swap3A_12], %max3A_11 {strides = array<i32>} : memref<1000x256xf32, #tpu.memory_space<vmem>>, vector<1000x256xf32>,
    %get3A_14 = arith.constant 0 : index
    %get3A_15 = arith.constant 0 : index
    %get3A_16 = memref.load %arg4[%get3A_14, %get3A_15] : memref<1x1xf32, #tpu.memory_space<smem>>
    %max3A_17 = arith.constant 0.000000e+00 : f32
    %max3A_18 = vector.broadcast %max3A_17 : f32 to vector<1000x256xf32>
    %max3A_19 = arith.maximumf %max3A_11, %max3A_18 : vector<1000x256xf32>
    %add3A_20 = arith.constant 1.000000e-07 : f32
    %add3A_21 = vector.broadcast %add3A_20 : f32 to vector<1000x256xf32>
    %add3A_22 = arith.addf %max3A_19, %add3A_21 : vector<1000x256xf32>
    %mul3A = vector.broadcast %get3A_16 : f32 to vector<1000x256xf32>
    %mul3A_23 = arith.mulf %add3A_22, %mul3A : vector<1000x256xf32>
    %exp3A = math.exp %mul3A_23 : vector<1000x256xf32>
    %mul3A_24 = arith.mulf %add3A_22, %exp3A : vector<1000x256xf32>
    %slice3A = vector.extract_strided_slice %exp3A {offsets = [0, 0], sizes = [1000, 64], strides = [1, 1]} : vector<1000x256xf32> to vector<1000x64xf32>
    %slice3A_25 = vector.extract_strided_slice %mul3A_24 {offsets = [0, 0], sizes = [1000, 64], strides = [1, 1]} : vector<1000x256xf32> to vector<1000x64xf32>
    %concatenate3A = tpu.concatenate %slice3A, %slice3A_25 in 1 : vector<1000x64xf32>, vector<1000x64xf32> -> vector<1000x128xf32>
    %broadcast_in_dim3A = vector.shape_cast %concatenate3A : vector<1000x128xf32> to vector<1x1000x128xf32>
    %slice3A_26 = vector.extract_strided_slice %exp3A {offsets = [0, 64], sizes = [1000, 64], strides = [1, 1]} : vector<1000x256xf32> to vector<1000x64xf32>
    %slice3A_27 = vector.extract_strided_slice %mul3A_24 {offsets = [0, 64], sizes = [1000, 64], strides = [1, 1]} : vector<1000x256xf32> to vector<1000x64xf32>
    %concatenate3A_28 = tpu.concatenate %slice3A_26, %slice3A_27 in 1 : vector<1000x64xf32>, vector<1000x64xf32> -> vector<1000x128xf32>
    %broadcast_in_dim3A_29 = vector.shape_cast %concatenate3A_28 : vector<1000x128xf32> to vector<1x1000x128xf32>
    %slice3A_30 = vector.extract_strided_slice %exp3A {offsets = [0, 128], sizes = [1000, 64], strides = [1, 1]} : vector<1000x256xf32> to vector<1000x64xf32>
    %slice3A_31 = vector.extract_strided_slice %mul3A_24 {offsets = [0, 128], sizes = [1000, 64], strides = [1, 1]} : vector<1000x256xf32> to vector<1000x64xf32>
    %concatenate3A_32 = tpu.concatenate %slice3A_30, %slice3A_31 in 1 : vector<1000x64xf32>, vector<1000x64xf32> -> vector<1000x128xf32>
    %broadcast_in_dim3A_33 = vector.shape_cast %concatenate3A_32 : vector<1000x128xf32> to vector<1x1000x128xf32>
    %slice3A_34 = vector.extract_strided_slice %exp3A {offsets = [0, 192], sizes = [1000, 64], strides = [1, 1]} : vector<1000x256xf32> to vector<1000x64xf32>
    %slice3A_35 = vector.extract_strided_slice %mul3A_24 {offsets = [0, 192], sizes = [1000, 64], strides = [1, 1]} : vector<1000x256xf32> to vector<1000x64xf32>
    %concatenate3A_36 = tpu.concatenate %slice3A_34, %slice3A_35 in 1 : vector<1000x64xf32>, vector<1000x64xf32> -> vector<1000x128xf32>
    %broadcast_in_dim3A_37 = vector.shape_cast %concatenate3A_36 : vector<1000x128xf32> to vector<1x1000x128xf32>
    %concatenate3A_38 = tpu.concatenate %broadcast_in_dim3A, %broadcast_in_dim3A_29, %broadcast_in_dim3A_33, %broadcast_in_dim3A_37 in 0 : vector<1x1000x128xf32>, vector<1x1000x128xf32>, vector<1x1000x128xf32>, vector<1x1000x128xf32> -> vector<4x1000x128xf32>
    %swap3A_39 = arith.constant 0 : index
    %swap3A_40 = arith.constant 0 : index
    %swap3A_41 = arith.constant 0 : index
    %swap3A_42 = vector.load %arg6[%swap3A_39, %swap3A_40, %swap3A_41] : memref<4x1000x128xf32, #tpu.memory_space<vmem>>, vector<4x1000x128xf32>
    tpu.vector_store %arg6[%swap3A_39, %swap3A_40, %swap3A_41], %concatenate3A_38 {strides = array<i32>} : memref<4x1000x128xf32, #tpu.memory_space<vmem>>, vector<4x1000x128xf32>,
    return
  }
  func.func @transform_0(%arg0: i32) -> (i32, i32) {
    %c0_i32 = arith.constant 0 : i32
    %c0_i32_0 = arith.constant 0 : i32
    return %arg0, %c0_i32 : i32, i32
  }
  func.func @transform_1(%arg0: i32) -> (i32, i32) {
    %c0_i32 = arith.constant 0 : i32
    %c0_i32_0 = arith.constant 0 : i32
    %c0_i32_1 = arith.constant 0 : i32
    return %c0_i32, %c0_i32_0 : i32, i32
  }
  func.func @transform_2(%arg0: i32) -> (i32, i32) {
    %c0_i32 = arith.constant 0 : i32
    %c0_i32_0 = arith.constant 0 : i32
    %c0_i32_1 = arith.constant 0 : i32
    return %c0_i32, %c0_i32_0 : i32, i32
  }
  func.func @transform_3(%arg0: i32) -> (i32, i32) {
    %c0_i32 = arith.constant 0 : i32
    %c0_i32_0 = arith.constant 0 : i32
    %c0_i32_1 = arith.constant 0 : i32
    return %c0_i32, %c0_i32_0 : i32, i32
  }
  func.func @transform_4(%arg0: i32) -> (i32, i32) {
    %c0_i32 = arith.constant 0 : i32
    %c0_i32_0 = arith.constant 0 : i32
    return %arg0, %c0_i32 : i32, i32
  }
  func.func @transform_5(%arg0: i32) -> (i32, i32, i32) {
    %c0_i32 = arith.constant 0 : i32
    %c0_i32_0 = arith.constant 0 : i32
    %c0_i32_1 = arith.constant 0 : i32
    return %c0_i32, %arg0, %c0_i32_0 : i32, i32, i32
  }
}

module attributes {stable_mosaic.version = 14 : i64} {
  func.func @_mlp_body(%arg0: i32, %arg1: memref<4x1000x128xf32, #tpu.memory_space<vmem>>, %arg2: memref<1000x256xf32, #tpu.memory_space<vmem>>, %arg3: memref<256x512xf32, #tpu.memory_space<vmem>>, %arg4: memref<1x512xf32, #tpu.memory_space<vmem>>, %arg5: memref<1x512xf32, #tpu.memory_space<vmem>>, %arg6: memref<1x512xf32, #tpu.memory_space<vmem>>, %arg7: memref<512x256xf32, #tpu.memory_space<vmem>>, %arg8: memref<1x256xf32, #tpu.memory_space<vmem>>, %arg9: memref<1x256xf32, #tpu.memory_space<vmem>>, %arg10: memref<1x256xf32, #tpu.memory_space<vmem>>, %arg11: memref<1x1xf32, #tpu.memory_space<smem>>, %arg12: memref<1000x256xf32, #tpu.memory_space<vmem>>, %arg13: memref<4x1000x128xf32, #tpu.memory_space<vmem>>) attributes {dimension_semantics = [#tpu.dimension_semantics<arbitrary>], iteration_bounds = array<i64: 10>, scalar_prefetch = 0 : i64, scratch_operands = 0 : i64, tpu.core_type = #tpu.core_type<tc>, window_params = [{transform_indices = @transform_0, window_bounds = array<i64: 4, 1000, 128>}, {transform_indices = @transform_1, window_bounds = array<i64: 1000, 256>}, {pipeline_mode = #tpu.pipeline_mode<synchronous>, transform_indices = @transform_2, window_bounds = array<i64: 256, 512>}, {pipeline_mode = #tpu.pipeline_mode<synchronous>, transform_indices = @transform_3, window_bounds = array<i64: 1, 512>}, {pipeline_mode = #tpu.pipeline_mode<synchronous>, transform_indices = @transform_4, window_bounds = array<i64: 1, 512>}, {pipeline_mode = #tpu.pipeline_mode<synchronous>, transform_indices = @transform_5, window_bounds = array<i64: 1, 512>}, {pipeline_mode = #tpu.pipeline_mode<synchronous>, transform_indices = @transform_6, window_bounds = array<i64: 512, 256>}, {pipeline_mode = #tpu.pipeline_mode<synchronous>, transform_indices = @transform_7, window_bounds = array<i64: 1, 256>}, {pipeline_mode = #tpu.pipeline_mode<synchronous>, transform_indices = @transform_8, window_bounds = array<i64: 1, 256>}, {pipeline_mode = #tpu.pipeline_mode<synchronous>, transform_indices = @transform_9, window_bounds = array<i64: 1, 256>}, {transform_indices = @transform_10, window_bounds = array<i64: 1, 1>}, {transform_indices = @transform_11, window_bounds = array<i64: 1000, 256>}, {transform_indices = @transform_12, window_bounds = array<i64: 4, 1000, 128>}]} {
    %get3A = arith.constant 0 : index
    %get3A_0 = arith.constant 0 : index
    %get3A_1 = vector.load %arg2[%get3A, %get3A_0] : memref<1000x256xf32, #tpu.memory_space<vmem>>, vector<1000x256xf32>
    %get3A_2 = arith.constant 0 : index
    %get3A_3 = arith.constant 0 : index
    %get3A_4 = arith.constant 0 : index
    %get3A_5 = vector.load %arg1[%get3A_2, %get3A_3, %get3A_4] : memref<4x1000x128xf32, #tpu.memory_space<vmem>>, vector<4x1000x128xf32>
    %slice3A = vector.extract_strided_slice %get3A_5 {offsets = [0, 0, 64], sizes = [1, 1000, 64], strides = [1, 1, 1]} : vector<4x1000x128xf32> to vector<1x1000x64xf32>
    %squeeze3A = vector.shape_cast %slice3A : vector<1x1000x64xf32> to vector<1000x64xf32>
    %slice3A_6 = vector.extract_strided_slice %get3A_5 {offsets = [0, 0, 0], sizes = [1, 1000, 64], strides = [1, 1, 1]} : vector<4x1000x128xf32> to vector<1x1000x64xf32>
    %squeeze3A_7 = vector.shape_cast %slice3A_6 : vector<1x1000x64xf32> to vector<1000x64xf32>
    %add3A = arith.constant 1.000000e-16 : f32
    %add3A_8 = vector.broadcast %add3A : f32 to vector<1000x64xf32>
    %add3A_9 = arith.addf %squeeze3A_7, %add3A_8 : vector<1000x64xf32>
    %div3A = arith.divf %squeeze3A, %add3A_9 : vector<1000x64xf32>
    %slice3A_10 = vector.extract_strided_slice %get3A_5 {offsets = [1, 0, 64], sizes = [1, 1000, 64], strides = [1, 1, 1]} : vector<4x1000x128xf32> to vector<1x1000x64xf32>
    %squeeze3A_11 = vector.shape_cast %slice3A_10 : vector<1x1000x64xf32> to vector<1000x64xf32>
    %slice3A_12 = vector.extract_strided_slice %get3A_5 {offsets = [1, 0, 0], sizes = [1, 1000, 64], strides = [1, 1, 1]} : vector<4x1000x128xf32> to vector<1x1000x64xf32>
    %squeeze3A_13 = vector.shape_cast %slice3A_12 : vector<1x1000x64xf32> to vector<1000x64xf32>
    %add3A_14 = arith.constant 1.000000e-16 : f32
    %add3A_15 = vector.broadcast %add3A_14 : f32 to vector<1000x64xf32>
    %add3A_16 = arith.addf %squeeze3A_13, %add3A_15 : vector<1000x64xf32>
    %div3A_17 = arith.divf %squeeze3A_11, %add3A_16 : vector<1000x64xf32>
    %slice3A_18 = vector.extract_strided_slice %get3A_5 {offsets = [2, 0, 64], sizes = [1, 1000, 64], strides = [1, 1, 1]} : vector<4x1000x128xf32> to vector<1x1000x64xf32>
    %squeeze3A_19 = vector.shape_cast %slice3A_18 : vector<1x1000x64xf32> to vector<1000x64xf32>
    %slice3A_20 = vector.extract_strided_slice %get3A_5 {offsets = [2, 0, 0], sizes = [1, 1000, 64], strides = [1, 1, 1]} : vector<4x1000x128xf32> to vector<1x1000x64xf32>
    %squeeze3A_21 = vector.shape_cast %slice3A_20 : vector<1x1000x64xf32> to vector<1000x64xf32>
    %add3A_22 = arith.constant 1.000000e-16 : f32
    %add3A_23 = vector.broadcast %add3A_22 : f32 to vector<1000x64xf32>
    %add3A_24 = arith.addf %squeeze3A_21, %add3A_23 : vector<1000x64xf32>
    %div3A_25 = arith.divf %squeeze3A_19, %add3A_24 : vector<1000x64xf32>
    %slice3A_26 = vector.extract_strided_slice %get3A_5 {offsets = [3, 0, 64], sizes = [1, 1000, 64], strides = [1, 1, 1]} : vector<4x1000x128xf32> to vector<1x1000x64xf32>
    %squeeze3A_27 = vector.shape_cast %slice3A_26 : vector<1x1000x64xf32> to vector<1000x64xf32>
    %slice3A_28 = vector.extract_strided_slice %get3A_5 {offsets = [3, 0, 0], sizes = [1, 1000, 64], strides = [1, 1, 1]} : vector<4x1000x128xf32> to vector<1x1000x64xf32>
    %squeeze3A_29 = vector.shape_cast %slice3A_28 : vector<1x1000x64xf32> to vector<1000x64xf32>
    %add3A_30 = arith.constant 1.000000e-16 : f32
    %add3A_31 = vector.broadcast %add3A_30 : f32 to vector<1000x64xf32>
    %add3A_32 = arith.addf %squeeze3A_29, %add3A_31 : vector<1000x64xf32>
    %div3A_33 = arith.divf %squeeze3A_27, %add3A_32 : vector<1000x64xf32>
    %concatenate3A = tpu.concatenate %div3A, %div3A_17, %div3A_25, %div3A_33 in 1 : vector<1000x64xf32>, vector<1000x64xf32>, vector<1000x64xf32>, vector<1000x64xf32> -> vector<1000x256xf32>
    %add3A_34 = arith.addf %concatenate3A, %get3A_1 : vector<1000x256xf32>
    %get3A_35 = arith.constant 0 : index
    %get3A_36 = arith.constant 0 : index
    %get3A_37 = vector.load %arg3[%get3A_35, %get3A_36] : memref<256x512xf32, #tpu.memory_space<vmem>>, vector<256x512xf32>
    %dot_general3A = arith.constant dense<0.000000e+00> : vector<1000x512xf32>
    %dot_general3A_38 = tpu.matmul %add3A_34, %get3A_37, %dot_general3A {dimension_numbers = #tpu.dot_dimension_numbers<[1], [0], [0], [1], [0, 0, 1, 1], [], []>, transpose_lhs_hint = false} : vector<1000x256xf32>, vector<256x512xf32>, vector<1000x512xf32> -> vector<1000x512xf32>
    %get3A_39 = arith.constant 0 : index
    %get3A_40 = arith.constant 0 : index
    %get3A_41 = vector.load %arg4[%get3A_39, %get3A_40] : memref<1x512xf32, #tpu.memory_space<vmem>>, vector<1x512xf32>
    %add3A_42 = vector.broadcast %get3A_41 : vector<1x512xf32> to vector<1000x512xf32>
    %add3A_43 = arith.addf %dot_general3A_38, %add3A_42 : vector<1000x512xf32>
    %get3A_44 = arith.constant 0 : index
    %get3A_45 = arith.constant 0 : index
    %get3A_46 = vector.load %arg5[%get3A_44, %get3A_45] : memref<1x512xf32, #tpu.memory_space<vmem>>, vector<1x512xf32>
    %get3A_47 = arith.constant 0 : index
    %get3A_48 = arith.constant 0 : index
    %get3A_49 = vector.load %arg6[%get3A_47, %get3A_48] : memref<1x512xf32, #tpu.memory_space<vmem>>, vector<1x512xf32>
    %reduce_sum3A = arith.constant dense<0.000000e+00> : vector<1000xf32>
    %reduce_sum3A_50 = vector.multi_reduction <add>, %add3A_43, %reduce_sum3A [1] : vector<1000x512xf32> to vector<1000xf32>
    %broadcast_in_dim3A = vector.shape_cast %reduce_sum3A_50 : vector<1000xf32> to vector<1000x1xf32>
    %div3A_51 = arith.constant 5.120000e+02 : f32
    %div3A_52 = vector.broadcast %div3A_51 : f32 to vector<1000x1xf32>
    %div3A_53 = arith.divf %broadcast_in_dim3A, %div3A_52 : vector<1000x1xf32>
    %sub3A = vector.broadcast %div3A_53 : vector<1000x1xf32> to vector<1000x512xf32>
    %sub3A_54 = arith.subf %add3A_43, %sub3A : vector<1000x512xf32>
    %integer_pow3A = arith.mulf %sub3A_54, %sub3A_54 : vector<1000x512xf32>
    %reduce_sum3A_55 = arith.constant dense<0.000000e+00> : vector<1000xf32>
    %reduce_sum3A_56 = vector.multi_reduction <add>, %integer_pow3A, %reduce_sum3A_55 [1] : vector<1000x512xf32> to vector<1000xf32>
    %broadcast_in_dim3A_57 = vector.shape_cast %reduce_sum3A_56 : vector<1000xf32> to vector<1000x1xf32>
    %div3A_58 = arith.constant 5.120000e+02 : f32
    %div3A_59 = vector.broadcast %div3A_58 : f32 to vector<1000x1xf32>
    %div3A_60 = arith.divf %broadcast_in_dim3A_57, %div3A_59 : vector<1000x1xf32>
    %sub3A_61 = vector.broadcast %div3A_53 : vector<1000x1xf32> to vector<1000x512xf32>
    %sub3A_62 = arith.subf %add3A_43, %sub3A_61 : vector<1000x512xf32>
    %add3A_63 = arith.constant 9.99999974E-6 : f32
    %add3A_64 = vector.broadcast %add3A_63 : f32 to vector<1000x1xf32>
    %add3A_65 = arith.addf %div3A_60, %add3A_64 : vector<1000x1xf32>
    %rsqrt3A = math.rsqrt %add3A_65 : vector<1000x1xf32>
    %mul3A = vector.broadcast %rsqrt3A : vector<1000x1xf32> to vector<1000x512xf32>
    %mul3A_66 = arith.mulf %sub3A_62, %mul3A : vector<1000x512xf32>
    %mul3A_67 = vector.broadcast %get3A_46 : vector<1x512xf32> to vector<1000x512xf32>
    %mul3A_68 = arith.mulf %mul3A_66, %mul3A_67 : vector<1000x512xf32>
    %add3A_69 = vector.broadcast %get3A_49 : vector<1x512xf32> to vector<1000x512xf32>
    %add3A_70 = arith.addf %mul3A_68, %add3A_69 : vector<1000x512xf32>
    %max3A = arith.constant 0.000000e+00 : f32
    %max3A_71 = vector.broadcast %max3A : f32 to vector<1000x512xf32>
    %max3A_72 = arith.maximumf %add3A_70, %max3A_71 : vector<1000x512xf32>
    %get3A_73 = arith.constant 0 : index
    %get3A_74 = arith.constant 0 : index
    %get3A_75 = vector.load %arg7[%get3A_73, %get3A_74] : memref<512x256xf32, #tpu.memory_space<vmem>>, vector<512x256xf32>
    %dot_general3A_76 = arith.constant dense<0.000000e+00> : vector<1000x256xf32>
    %dot_general3A_77 = tpu.matmul %max3A_72, %get3A_75, %dot_general3A_76 {dimension_numbers = #tpu.dot_dimension_numbers<[1], [0], [0], [1], [0, 0, 1, 1], [], []>, transpose_lhs_hint = false} : vector<1000x512xf32>, vector<512x256xf32>, vector<1000x256xf32> -> vector<1000x256xf32>
    %get3A_78 = arith.constant 0 : index
    %get3A_79 = arith.constant 0 : index
    %get3A_80 = vector.load %arg8[%get3A_78, %get3A_79] : memref<1x256xf32, #tpu.memory_space<vmem>>, vector<1x256xf32>
    %add3A_81 = vector.broadcast %get3A_80 : vector<1x256xf32> to vector<1000x256xf32>
    %add3A_82 = arith.addf %dot_general3A_77, %add3A_81 : vector<1000x256xf32>
    %swap3A = arith.constant 0 : index
    %swap3A_83 = arith.constant 0 : index
    %swap3A_84 = vector.load %arg12[%swap3A, %swap3A_83] : memref<1000x256xf32, #tpu.memory_space<vmem>>, vector<1000x256xf32>
    tpu.vector_store %arg12[%swap3A, %swap3A_83], %add3A_82 {strides = array<i32>} : memref<1000x256xf32, #tpu.memory_space<vmem>>, vector<1000x256xf32>,
    %get3A_85 = arith.constant 0 : index
    %get3A_86 = arith.constant 0 : index
    %get3A_87 = memref.load %arg11[%get3A_85, %get3A_86] : memref<1x1xf32, #tpu.memory_space<smem>>
    %max3A_88 = arith.constant 0.000000e+00 : f32
    %max3A_89 = vector.broadcast %max3A_88 : f32 to vector<1000x256xf32>
    %max3A_90 = arith.maximumf %add3A_82, %max3A_89 : vector<1000x256xf32>
    %add3A_91 = arith.constant 1.000000e-07 : f32
    %add3A_92 = vector.broadcast %add3A_91 : f32 to vector<1000x256xf32>
    %add3A_93 = arith.addf %max3A_90, %add3A_92 : vector<1000x256xf32>
    %mul3A_94 = vector.broadcast %get3A_87 : f32 to vector<1000x256xf32>
    %mul3A_95 = arith.mulf %add3A_93, %mul3A_94 : vector<1000x256xf32>
    %exp3A = math.exp %mul3A_95 : vector<1000x256xf32>
    %mul3A_96 = arith.mulf %add3A_93, %exp3A : vector<1000x256xf32>
    %slice3A_97 = vector.extract_strided_slice %exp3A {offsets = [0, 0], sizes = [1000, 64], strides = [1, 1]} : vector<1000x256xf32> to vector<1000x64xf32>
    %slice3A_98 = vector.extract_strided_slice %mul3A_96 {offsets = [0, 0], sizes = [1000, 64], strides = [1, 1]} : vector<1000x256xf32> to vector<1000x64xf32>
    %concatenate3A_99 = tpu.concatenate %slice3A_97, %slice3A_98 in 1 : vector<1000x64xf32>, vector<1000x64xf32> -> vector<1000x128xf32>
    %broadcast_in_dim3A_100 = vector.shape_cast %concatenate3A_99 : vector<1000x128xf32> to vector<1x1000x128xf32>
    %slice3A_101 = vector.extract_strided_slice %exp3A {offsets = [0, 64], sizes = [1000, 64], strides = [1, 1]} : vector<1000x256xf32> to vector<1000x64xf32>
    %slice3A_102 = vector.extract_strided_slice %mul3A_96 {offsets = [0, 64], sizes = [1000, 64], strides = [1, 1]} : vector<1000x256xf32> to vector<1000x64xf32>
    %concatenate3A_103 = tpu.concatenate %slice3A_101, %slice3A_102 in 1 : vector<1000x64xf32>, vector<1000x64xf32> -> vector<1000x128xf32>
    %broadcast_in_dim3A_104 = vector.shape_cast %concatenate3A_103 : vector<1000x128xf32> to vector<1x1000x128xf32>
    %slice3A_105 = vector.extract_strided_slice %exp3A {offsets = [0, 128], sizes = [1000, 64], strides = [1, 1]} : vector<1000x256xf32> to vector<1000x64xf32>
    %slice3A_106 = vector.extract_strided_slice %mul3A_96 {offsets = [0, 128], sizes = [1000, 64], strides = [1, 1]} : vector<1000x256xf32> to vector<1000x64xf32>
    %concatenate3A_107 = tpu.concatenate %slice3A_105, %slice3A_106 in 1 : vector<1000x64xf32>, vector<1000x64xf32> -> vector<1000x128xf32>
    %broadcast_in_dim3A_108 = vector.shape_cast %concatenate3A_107 : vector<1000x128xf32> to vector<1x1000x128xf32>
    %slice3A_109 = vector.extract_strided_slice %exp3A {offsets = [0, 192], sizes = [1000, 64], strides = [1, 1]} : vector<1000x256xf32> to vector<1000x64xf32>
    %slice3A_110 = vector.extract_strided_slice %mul3A_96 {offsets = [0, 192], sizes = [1000, 64], strides = [1, 1]} : vector<1000x256xf32> to vector<1000x64xf32>
    %concatenate3A_111 = tpu.concatenate %slice3A_109, %slice3A_110 in 1 : vector<1000x64xf32>, vector<1000x64xf32> -> vector<1000x128xf32>
    %broadcast_in_dim3A_112 = vector.shape_cast %concatenate3A_111 : vector<1000x128xf32> to vector<1x1000x128xf32>
    %concatenate3A_113 = tpu.concatenate %broadcast_in_dim3A_100, %broadcast_in_dim3A_104, %broadcast_in_dim3A_108, %broadcast_in_dim3A_112 in 0 : vector<1x1000x128xf32>, vector<1x1000x128xf32>, vector<1x1000x128xf32>, vector<1x1000x128xf32> -> vector<4x1000x128xf32>
    %swap3A_114 = arith.constant 0 : index
    %swap3A_115 = arith.constant 0 : index
    %swap3A_116 = arith.constant 0 : index
    %swap3A_117 = vector.load %arg13[%swap3A_114, %swap3A_115, %swap3A_116] : memref<4x1000x128xf32, #tpu.memory_space<vmem>>, vector<4x1000x128xf32>
    tpu.vector_store %arg13[%swap3A_114, %swap3A_115, %swap3A_116], %concatenate3A_113 {strides = array<i32>} : memref<4x1000x128xf32, #tpu.memory_space<vmem>>, vector<4x1000x128xf32>,
    return
  }
  func.func @transform_0(%arg0: i32) -> (i32, i32, i32) {
    %c0_i32 = arith.constant 0 : i32
    %c0_i32_0 = arith.constant 0 : i32
    %c0_i32_1 = arith.constant 0 : i32
    return %c0_i32, %arg0, %c0_i32_0 : i32, i32, i32
  }
  func.func @transform_1(%arg0: i32) -> (i32, i32) {
    %c0_i32 = arith.constant 0 : i32
    %c0_i32_0 = arith.constant 0 : i32
    return %arg0, %c0_i32 : i32, i32
  }
  func.func @transform_2(%arg0: i32) -> (i32, i32) {
    %c0_i32 = arith.constant 0 : i32
    %c0_i32_0 = arith.constant 0 : i32
    %c0_i32_1 = arith.constant 0 : i32
    return %c0_i32, %c0_i32_0 : i32, i32
  }
  func.func @transform_3(%arg0: i32) -> (i32, i32) {
    %c0_i32 = arith.constant 0 : i32
    %c0_i32_0 = arith.constant 0 : i32
    %c0_i32_1 = arith.constant 0 : i32
    return %c0_i32, %c0_i32_0 : i32, i32
  }
  func.func @transform_4(%arg0: i32) -> (i32, i32) {
    %c0_i32 = arith.constant 0 : i32
    %c0_i32_0 = arith.constant 0 : i32
    %c0_i32_1 = arith.constant 0 : i32
    return %c0_i32, %c0_i32_0 : i32, i32
  }
  func.func @transform_5(%arg0: i32) -> (i32, i32) {
    %c0_i32 = arith.constant 0 : i32
    %c0_i32_0 = arith.constant 0 : i32
    %c0_i32_1 = arith.constant 0 : i32
    return %c0_i32, %c0_i32_0 : i32, i32
  }
  func.func @transform_6(%arg0: i32) -> (i32, i32) {
    %c0_i32 = arith.constant 0 : i32
    %c0_i32_0 = arith.constant 0 : i32
    %c0_i32_1 = arith.constant 0 : i32
    return %c0_i32, %c0_i32_0 : i32, i32
  }
  func.func @transform_7(%arg0: i32) -> (i32, i32) {
    %c0_i32 = arith.constant 0 : i32
    %c0_i32_0 = arith.constant 0 : i32
    %c0_i32_1 = arith.constant 0 : i32
    return %c0_i32, %c0_i32_0 : i32, i32
  }
  func.func @transform_8(%arg0: i32) -> (i32, i32) {
    %c0_i32 = arith.constant 0 : i32
    %c0_i32_0 = arith.constant 0 : i32
    %c0_i32_1 = arith.constant 0 : i32
    return %c0_i32, %c0_i32_0 : i32, i32
  }
  func.func @transform_9(%arg0: i32) -> (i32, i32) {
    %c0_i32 = arith.constant 0 : i32
    %c0_i32_0 = arith.constant 0 : i32
    %c0_i32_1 = arith.constant 0 : i32
    return %c0_i32, %c0_i32_0 : i32, i32
  }
  func.func @transform_10(%arg0: i32) -> (i32, i32) {
    %c0_i32 = arith.constant 0 : i32
    %c0_i32_0 = arith.constant 0 : i32
    %c0_i32_1 = arith.constant 0 : i32
    return %c0_i32, %c0_i32_0 : i32, i32
  }
  func.func @transform_11(%arg0: i32) -> (i32, i32) {
    %c0_i32 = arith.constant 0 : i32
    %c0_i32_0 = arith.constant 0 : i32
    return %arg0, %c0_i32 : i32, i32
  }
  func.func @transform_12(%arg0: i32) -> (i32, i32, i32) {
    %c0_i32 = arith.constant 0 : i32
    %c0_i32_0 = arith.constant 0 : i32
    %c0_i32_1 = arith.constant 0 : i32
    return %c0_i32, %arg0, %c0_i32_0 : i32, i32, i32
  }
}

module attributes {stable_mosaic.version = 14 : i64} {
  func.func @_mlp_body(%arg0: i32, %arg1: memref<4x1000x128xf32, #tpu.memory_space<vmem>>, %arg2: memref<1000x256xf32, #tpu.memory_space<vmem>>, %arg3: memref<256x512xf32, #tpu.memory_space<vmem>>, %arg4: memref<1x512xf32, #tpu.memory_space<vmem>>, %arg5: memref<1x512xf32, #tpu.memory_space<vmem>>, %arg6: memref<1x512xf32, #tpu.memory_space<vmem>>, %arg7: memref<512x256xf32, #tpu.memory_space<vmem>>, %arg8: memref<1x256xf32, #tpu.memory_space<vmem>>, %arg9: memref<1x256xf32, #tpu.memory_space<vmem>>, %arg10: memref<1x256xf32, #tpu.memory_space<vmem>>, %arg11: memref<1x1xf32, #tpu.memory_space<smem>>, %arg12: memref<1000x256xf32, #tpu.memory_space<vmem>>, %arg13: memref<4x1000x128xf32, #tpu.memory_space<vmem>>) attributes {dimension_semantics = [#tpu.dimension_semantics<arbitrary>], iteration_bounds = array<i64: 10>, scalar_prefetch = 0 : i64, scratch_operands = 0 : i64, tpu.core_type = #tpu.core_type<tc>, window_params = [{transform_indices = @transform_0, window_bounds = array<i64: 4, 1000, 128>}, {transform_indices = @transform_1, window_bounds = array<i64: 1000, 256>}, {pipeline_mode = #tpu.pipeline_mode<synchronous>, transform_indices = @transform_2, window_bounds = array<i64: 256, 512>}, {pipeline_mode = #tpu.pipeline_mode<synchronous>, transform_indices = @transform_3, window_bounds = array<i64: 1, 512>}, {pipeline_mode = #tpu.pipeline_mode<synchronous>, transform_indices = @transform_4, window_bounds = array<i64: 1, 512>}, {pipeline_mode = #tpu.pipeline_mode<synchronous>, transform_indices = @transform_5, window_bounds = array<i64: 1, 512>}, {pipeline_mode = #tpu.pipeline_mode<synchronous>, transform_indices = @transform_6, window_bounds = array<i64: 512, 256>}, {pipeline_mode = #tpu.pipeline_mode<synchronous>, transform_indices = @transform_7, window_bounds = array<i64: 1, 256>}, {pipeline_mode = #tpu.pipeline_mode<synchronous>, transform_indices = @transform_8, window_bounds = array<i64: 1, 256>}, {pipeline_mode = #tpu.pipeline_mode<synchronous>, transform_indices = @transform_9, window_bounds = array<i64: 1, 256>}, {transform_indices = @transform_10, window_bounds = array<i64: 1, 1>}, {transform_indices = @transform_11, window_bounds = array<i64: 1000, 256>}, {transform_indices = @transform_12, window_bounds = array<i64: 4, 1000, 128>}]} {
    %get3A = arith.constant 0 : index
    %get3A_0 = arith.constant 0 : index
    %get3A_1 = vector.load %arg2[%get3A, %get3A_0] : memref<1000x256xf32, #tpu.memory_space<vmem>>, vector<1000x256xf32>
    %get3A_2 = arith.constant 0 : index
    %get3A_3 = arith.constant 0 : index
    %get3A_4 = arith.constant 0 : index
    %get3A_5 = vector.load %arg1[%get3A_2, %get3A_3, %get3A_4] : memref<4x1000x128xf32, #tpu.memory_space<vmem>>, vector<4x1000x128xf32>
    %slice3A = vector.extract_strided_slice %get3A_5 {offsets = [0, 0, 64], sizes = [1, 1000, 64], strides = [1, 1, 1]} : vector<4x1000x128xf32> to vector<1x1000x64xf32>
    %squeeze3A = vector.shape_cast %slice3A : vector<1x1000x64xf32> to vector<1000x64xf32>
    %slice3A_6 = vector.extract_strided_slice %get3A_5 {offsets = [0, 0, 0], sizes = [1, 1000, 64], strides = [1, 1, 1]} : vector<4x1000x128xf32> to vector<1x1000x64xf32>
    %squeeze3A_7 = vector.shape_cast %slice3A_6 : vector<1x1000x64xf32> to vector<1000x64xf32>
    %add3A = arith.constant 1.000000e-16 : f32
    %add3A_8 = vector.broadcast %add3A : f32 to vector<1000x64xf32>
    %add3A_9 = arith.addf %squeeze3A_7, %add3A_8 : vector<1000x64xf32>
    %div3A = arith.divf %squeeze3A, %add3A_9 : vector<1000x64xf32>
    %slice3A_10 = vector.extract_strided_slice %get3A_5 {offsets = [1, 0, 64], sizes = [1, 1000, 64], strides = [1, 1, 1]} : vector<4x1000x128xf32> to vector<1x1000x64xf32>
    %squeeze3A_11 = vector.shape_cast %slice3A_10 : vector<1x1000x64xf32> to vector<1000x64xf32>
    %slice3A_12 = vector.extract_strided_slice %get3A_5 {offsets = [1, 0, 0], sizes = [1, 1000, 64], strides = [1, 1, 1]} : vector<4x1000x128xf32> to vector<1x1000x64xf32>
    %squeeze3A_13 = vector.shape_cast %slice3A_12 : vector<1x1000x64xf32> to vector<1000x64xf32>
    %add3A_14 = arith.constant 1.000000e-16 : f32
    %add3A_15 = vector.broadcast %add3A_14 : f32 to vector<1000x64xf32>
    %add3A_16 = arith.addf %squeeze3A_13, %add3A_15 : vector<1000x64xf32>
    %div3A_17 = arith.divf %squeeze3A_11, %add3A_16 : vector<1000x64xf32>
    %slice3A_18 = vector.extract_strided_slice %get3A_5 {offsets = [2, 0, 64], sizes = [1, 1000, 64], strides = [1, 1, 1]} : vector<4x1000x128xf32> to vector<1x1000x64xf32>
    %squeeze3A_19 = vector.shape_cast %slice3A_18 : vector<1x1000x64xf32> to vector<1000x64xf32>
    %slice3A_20 = vector.extract_strided_slice %get3A_5 {offsets = [2, 0, 0], sizes = [1, 1000, 64], strides = [1, 1, 1]} : vector<4x1000x128xf32> to vector<1x1000x64xf32>
    %squeeze3A_21 = vector.shape_cast %slice3A_20 : vector<1x1000x64xf32> to vector<1000x64xf32>
    %add3A_22 = arith.constant 1.000000e-16 : f32
    %add3A_23 = vector.broadcast %add3A_22 : f32 to vector<1000x64xf32>
    %add3A_24 = arith.addf %squeeze3A_21, %add3A_23 : vector<1000x64xf32>
    %div3A_25 = arith.divf %squeeze3A_19, %add3A_24 : vector<1000x64xf32>
    %slice3A_26 = vector.extract_strided_slice %get3A_5 {offsets = [3, 0, 64], sizes = [1, 1000, 64], strides = [1, 1, 1]} : vector<4x1000x128xf32> to vector<1x1000x64xf32>
    %squeeze3A_27 = vector.shape_cast %slice3A_26 : vector<1x1000x64xf32> to vector<1000x64xf32>
    %slice3A_28 = vector.extract_strided_slice %get3A_5 {offsets = [3, 0, 0], sizes = [1, 1000, 64], strides = [1, 1, 1]} : vector<4x1000x128xf32> to vector<1x1000x64xf32>
    %squeeze3A_29 = vector.shape_cast %slice3A_28 : vector<1x1000x64xf32> to vector<1000x64xf32>
    %add3A_30 = arith.constant 1.000000e-16 : f32
    %add3A_31 = vector.broadcast %add3A_30 : f32 to vector<1000x64xf32>
    %add3A_32 = arith.addf %squeeze3A_29, %add3A_31 : vector<1000x64xf32>
    %div3A_33 = arith.divf %squeeze3A_27, %add3A_32 : vector<1000x64xf32>
    %concatenate3A = tpu.concatenate %div3A, %div3A_17, %div3A_25, %div3A_33 in 1 : vector<1000x64xf32>, vector<1000x64xf32>, vector<1000x64xf32>, vector<1000x64xf32> -> vector<1000x256xf32>
    %add3A_34 = arith.addf %concatenate3A, %get3A_1 : vector<1000x256xf32>
    %get3A_35 = arith.constant 0 : index
    %get3A_36 = arith.constant 0 : index
    %get3A_37 = vector.load %arg3[%get3A_35, %get3A_36] : memref<256x512xf32, #tpu.memory_space<vmem>>, vector<256x512xf32>
    %dot_general3A = arith.constant dense<0.000000e+00> : vector<1000x512xf32>
    %dot_general3A_38 = tpu.matmul %add3A_34, %get3A_37, %dot_general3A {dimension_numbers = #tpu.dot_dimension_numbers<[1], [0], [0], [1], [0, 0, 1, 1], [], []>, transpose_lhs_hint = false} : vector<1000x256xf32>, vector<256x512xf32>, vector<1000x512xf32> -> vector<1000x512xf32>
    %get3A_39 = arith.constant 0 : index
    %get3A_40 = arith.constant 0 : index
    %get3A_41 = vector.load %arg4[%get3A_39, %get3A_40] : memref<1x512xf32, #tpu.memory_space<vmem>>, vector<1x512xf32>
    %add3A_42 = vector.broadcast %get3A_41 : vector<1x512xf32> to vector<1000x512xf32>
    %add3A_43 = arith.addf %dot_general3A_38, %add3A_42 : vector<1000x512xf32>
    %get3A_44 = arith.constant 0 : index
    %get3A_45 = arith.constant 0 : index
    %get3A_46 = vector.load %arg5[%get3A_44, %get3A_45] : memref<1x512xf32, #tpu.memory_space<vmem>>, vector<1x512xf32>
    %get3A_47 = arith.constant 0 : index
    %get3A_48 = arith.constant 0 : index
    %get3A_49 = vector.load %arg6[%get3A_47, %get3A_48] : memref<1x512xf32, #tpu.memory_space<vmem>>, vector<1x512xf32>
    %reduce_sum3A = arith.constant dense<0.000000e+00> : vector<1000xf32>
    %reduce_sum3A_50 = vector.multi_reduction <add>, %add3A_43, %reduce_sum3A [1] : vector<1000x512xf32> to vector<1000xf32>
    %broadcast_in_dim3A = vector.shape_cast %reduce_sum3A_50 : vector<1000xf32> to vector<1000x1xf32>
    %div3A_51 = arith.constant 5.120000e+02 : f32
    %div3A_52 = vector.broadcast %div3A_51 : f32 to vector<1000x1xf32>
    %div3A_53 = arith.divf %broadcast_in_dim3A, %div3A_52 : vector<1000x1xf32>
    %sub3A = vector.broadcast %div3A_53 : vector<1000x1xf32> to vector<1000x512xf32>
    %sub3A_54 = arith.subf %add3A_43, %sub3A : vector<1000x512xf32>
    %integer_pow3A = arith.mulf %sub3A_54, %sub3A_54 : vector<1000x512xf32>
    %reduce_sum3A_55 = arith.constant dense<0.000000e+00> : vector<1000xf32>
    %reduce_sum3A_56 = vector.multi_reduction <add>, %integer_pow3A, %reduce_sum3A_55 [1] : vector<1000x512xf32> to vector<1000xf32>
    %broadcast_in_dim3A_57 = vector.shape_cast %reduce_sum3A_56 : vector<1000xf32> to vector<1000x1xf32>
    %div3A_58 = arith.constant 5.120000e+02 : f32
    %div3A_59 = vector.broadcast %div3A_58 : f32 to vector<1000x1xf32>
    %div3A_60 = arith.divf %broadcast_in_dim3A_57, %div3A_59 : vector<1000x1xf32>
    %sub3A_61 = vector.broadcast %div3A_53 : vector<1000x1xf32> to vector<1000x512xf32>
    %sub3A_62 = arith.subf %add3A_43, %sub3A_61 : vector<1000x512xf32>
    %add3A_63 = arith.constant 9.99999974E-6 : f32
    %add3A_64 = vector.broadcast %add3A_63 : f32 to vector<1000x1xf32>
    %add3A_65 = arith.addf %div3A_60, %add3A_64 : vector<1000x1xf32>
    %rsqrt3A = math.rsqrt %add3A_65 : vector<1000x1xf32>
    %mul3A = vector.broadcast %rsqrt3A : vector<1000x1xf32> to vector<1000x512xf32>
    %mul3A_66 = arith.mulf %sub3A_62, %mul3A : vector<1000x512xf32>
    %mul3A_67 = vector.broadcast %get3A_46 : vector<1x512xf32> to vector<1000x512xf32>
    %mul3A_68 = arith.mulf %mul3A_66, %mul3A_67 : vector<1000x512xf32>
    %add3A_69 = vector.broadcast %get3A_49 : vector<1x512xf32> to vector<1000x512xf32>
    %add3A_70 = arith.addf %mul3A_68, %add3A_69 : vector<1000x512xf32>
    %max3A = arith.constant 0.000000e+00 : f32
    %max3A_71 = vector.broadcast %max3A : f32 to vector<1000x512xf32>
    %max3A_72 = arith.maximumf %add3A_70, %max3A_71 : vector<1000x512xf32>
    %get3A_73 = arith.constant 0 : index
    %get3A_74 = arith.constant 0 : index
    %get3A_75 = vector.load %arg7[%get3A_73, %get3A_74] : memref<512x256xf32, #tpu.memory_space<vmem>>, vector<512x256xf32>
    %dot_general3A_76 = arith.constant dense<0.000000e+00> : vector<1000x256xf32>
    %dot_general3A_77 = tpu.matmul %max3A_72, %get3A_75, %dot_general3A_76 {dimension_numbers = #tpu.dot_dimension_numbers<[1], [0], [0], [1], [0, 0, 1, 1], [], []>, transpose_lhs_hint = false} : vector<1000x512xf32>, vector<512x256xf32>, vector<1000x256xf32> -> vector<1000x256xf32>
    %get3A_78 = arith.constant 0 : index
    %get3A_79 = arith.constant 0 : index
    %get3A_80 = vector.load %arg8[%get3A_78, %get3A_79] : memref<1x256xf32, #tpu.memory_space<vmem>>, vector<1x256xf32>
    %add3A_81 = vector.broadcast %get3A_80 : vector<1x256xf32> to vector<1000x256xf32>
    %add3A_82 = arith.addf %dot_general3A_77, %add3A_81 : vector<1000x256xf32>
    %get3A_83 = arith.constant 0 : index
    %get3A_84 = arith.constant 0 : index
    %get3A_85 = vector.load %arg9[%get3A_83, %get3A_84] : memref<1x256xf32, #tpu.memory_space<vmem>>, vector<1x256xf32>
    %get3A_86 = arith.constant 0 : index
    %get3A_87 = arith.constant 0 : index
    %get3A_88 = vector.load %arg10[%get3A_86, %get3A_87] : memref<1x256xf32, #tpu.memory_space<vmem>>, vector<1x256xf32>
    %reduce_sum3A_89 = arith.constant dense<0.000000e+00> : vector<1000xf32>
    %reduce_sum3A_90 = vector.multi_reduction <add>, %add3A_82, %reduce_sum3A_89 [1] : vector<1000x256xf32> to vector<1000xf32>
    %broadcast_in_dim3A_91 = vector.shape_cast %reduce_sum3A_90 : vector<1000xf32> to vector<1000x1xf32>
    %div3A_92 = arith.constant 2.560000e+02 : f32
    %div3A_93 = vector.broadcast %div3A_92 : f32 to vector<1000x1xf32>
    %div3A_94 = arith.divf %broadcast_in_dim3A_91, %div3A_93 : vector<1000x1xf32>
    %sub3A_95 = vector.broadcast %div3A_94 : vector<1000x1xf32> to vector<1000x256xf32>
    %sub3A_96 = arith.subf %add3A_82, %sub3A_95 : vector<1000x256xf32>
    %integer_pow3A_97 = arith.mulf %sub3A_96, %sub3A_96 : vector<1000x256xf32>
    %reduce_sum3A_98 = arith.constant dense<0.000000e+00> : vector<1000xf32>
    %reduce_sum3A_99 = vector.multi_reduction <add>, %integer_pow3A_97, %reduce_sum3A_98 [1] : vector<1000x256xf32> to vector<1000xf32>
    %broadcast_in_dim3A_100 = vector.shape_cast %reduce_sum3A_99 : vector<1000xf32> to vector<1000x1xf32>
    %div3A_101 = arith.constant 2.560000e+02 : f32
    %div3A_102 = vector.broadcast %div3A_101 : f32 to vector<1000x1xf32>
    %div3A_103 = arith.divf %broadcast_in_dim3A_100, %div3A_102 : vector<1000x1xf32>
    %sub3A_104 = vector.broadcast %div3A_94 : vector<1000x1xf32> to vector<1000x256xf32>
    %sub3A_105 = arith.subf %add3A_82, %sub3A_104 : vector<1000x256xf32>
    %add3A_106 = arith.constant 9.99999974E-6 : f32
    %add3A_107 = vector.broadcast %add3A_106 : f32 to vector<1000x1xf32>
    %add3A_108 = arith.addf %div3A_103, %add3A_107 : vector<1000x1xf32>
    %rsqrt3A_109 = math.rsqrt %add3A_108 : vector<1000x1xf32>
    %mul3A_110 = vector.broadcast %rsqrt3A_109 : vector<1000x1xf32> to vector<1000x256xf32>
    %mul3A_111 = arith.mulf %sub3A_105, %mul3A_110 : vector<1000x256xf32>
    %mul3A_112 = vector.broadcast %get3A_85 : vector<1x256xf32> to vector<1000x256xf32>
    %mul3A_113 = arith.mulf %mul3A_111, %mul3A_112 : vector<1000x256xf32>
    %add3A_114 = vector.broadcast %get3A_88 : vector<1x256xf32> to vector<1000x256xf32>
    %add3A_115 = arith.addf %mul3A_113, %add3A_114 : vector<1000x256xf32>
    %max3A_116 = arith.constant 0.000000e+00 : f32
    %max3A_117 = vector.broadcast %max3A_116 : f32 to vector<1000x256xf32>
    %max3A_118 = arith.maximumf %add3A_115, %max3A_117 : vector<1000x256xf32>
    %add3A_119 = arith.addf %get3A_1, %max3A_118 : vector<1000x256xf32>
    %swap3A = arith.constant 0 : index
    %swap3A_120 = arith.constant 0 : index
    %swap3A_121 = vector.load %arg12[%swap3A, %swap3A_120] : memref<1000x256xf32, #tpu.memory_space<vmem>>, vector<1000x256xf32>
    tpu.vector_store %arg12[%swap3A, %swap3A_120], %add3A_119 {strides = array<i32>} : memref<1000x256xf32, #tpu.memory_space<vmem>>, vector<1000x256xf32>,
    %get3A_122 = arith.constant 0 : index
    %get3A_123 = arith.constant 0 : index
    %get3A_124 = memref.load %arg11[%get3A_122, %get3A_123] : memref<1x1xf32, #tpu.memory_space<smem>>
    %max3A_125 = arith.constant 0.000000e+00 : f32
    %max3A_126 = vector.broadcast %max3A_125 : f32 to vector<1000x256xf32>
    %max3A_127 = arith.maximumf %add3A_119, %max3A_126 : vector<1000x256xf32>
    %add3A_128 = arith.constant 1.000000e-07 : f32
    %add3A_129 = vector.broadcast %add3A_128 : f32 to vector<1000x256xf32>
    %add3A_130 = arith.addf %max3A_127, %add3A_129 : vector<1000x256xf32>
    %mul3A_131 = vector.broadcast %get3A_124 : f32 to vector<1000x256xf32>
    %mul3A_132 = arith.mulf %add3A_130, %mul3A_131 : vector<1000x256xf32>
    %exp3A = math.exp %mul3A_132 : vector<1000x256xf32>
    %mul3A_133 = arith.mulf %add3A_130, %exp3A : vector<1000x256xf32>
    %slice3A_134 = vector.extract_strided_slice %exp3A {offsets = [0, 0], sizes = [1000, 64], strides = [1, 1]} : vector<1000x256xf32> to vector<1000x64xf32>
    %slice3A_135 = vector.extract_strided_slice %mul3A_133 {offsets = [0, 0], sizes = [1000, 64], strides = [1, 1]} : vector<1000x256xf32> to vector<1000x64xf32>
    %concatenate3A_136 = tpu.concatenate %slice3A_134, %slice3A_135 in 1 : vector<1000x64xf32>, vector<1000x64xf32> -> vector<1000x128xf32>
    %broadcast_in_dim3A_137 = vector.shape_cast %concatenate3A_136 : vector<1000x128xf32> to vector<1x1000x128xf32>
    %slice3A_138 = vector.extract_strided_slice %exp3A {offsets = [0, 64], sizes = [1000, 64], strides = [1, 1]} : vector<1000x256xf32> to vector<1000x64xf32>
    %slice3A_139 = vector.extract_strided_slice %mul3A_133 {offsets = [0, 64], sizes = [1000, 64], strides = [1, 1]} : vector<1000x256xf32> to vector<1000x64xf32>
    %concatenate3A_140 = tpu.concatenate %slice3A_138, %slice3A_139 in 1 : vector<1000x64xf32>, vector<1000x64xf32> -> vector<1000x128xf32>
    %broadcast_in_dim3A_141 = vector.shape_cast %concatenate3A_140 : vector<1000x128xf32> to vector<1x1000x128xf32>
    %slice3A_142 = vector.extract_strided_slice %exp3A {offsets = [0, 128], sizes = [1000, 64], strides = [1, 1]} : vector<1000x256xf32> to vector<1000x64xf32>
    %slice3A_143 = vector.extract_strided_slice %mul3A_133 {offsets = [0, 128], sizes = [1000, 64], strides = [1, 1]} : vector<1000x256xf32> to vector<1000x64xf32>
    %concatenate3A_144 = tpu.concatenate %slice3A_142, %slice3A_143 in 1 : vector<1000x64xf32>, vector<1000x64xf32> -> vector<1000x128xf32>
    %broadcast_in_dim3A_145 = vector.shape_cast %concatenate3A_144 : vector<1000x128xf32> to vector<1x1000x128xf32>
    %slice3A_146 = vector.extract_strided_slice %exp3A {offsets = [0, 192], sizes = [1000, 64], strides = [1, 1]} : vector<1000x256xf32> to vector<1000x64xf32>
    %slice3A_147 = vector.extract_strided_slice %mul3A_133 {offsets = [0, 192], sizes = [1000, 64], strides = [1, 1]} : vector<1000x256xf32> to vector<1000x64xf32>
    %concatenate3A_148 = tpu.concatenate %slice3A_146, %slice3A_147 in 1 : vector<1000x64xf32>, vector<1000x64xf32> -> vector<1000x128xf32>
    %broadcast_in_dim3A_149 = vector.shape_cast %concatenate3A_148 : vector<1000x128xf32> to vector<1x1000x128xf32>
    %concatenate3A_150 = tpu.concatenate %broadcast_in_dim3A_137, %broadcast_in_dim3A_141, %broadcast_in_dim3A_145, %broadcast_in_dim3A_149 in 0 : vector<1x1000x128xf32>, vector<1x1000x128xf32>, vector<1x1000x128xf32>, vector<1x1000x128xf32> -> vector<4x1000x128xf32>
    %swap3A_151 = arith.constant 0 : index
    %swap3A_152 = arith.constant 0 : index
    %swap3A_153 = arith.constant 0 : index
    %swap3A_154 = vector.load %arg13[%swap3A_151, %swap3A_152, %swap3A_153] : memref<4x1000x128xf32, #tpu.memory_space<vmem>>, vector<4x1000x128xf32>
    tpu.vector_store %arg13[%swap3A_151, %swap3A_152, %swap3A_153], %concatenate3A_150 {strides = array<i32>} : memref<4x1000x128xf32, #tpu.memory_space<vmem>>, vector<4x1000x128xf32>,
    return
  }
  func.func @transform_0(%arg0: i32) -> (i32, i32, i32) {
    %c0_i32 = arith.constant 0 : i32
    %c0_i32_0 = arith.constant 0 : i32
    %c0_i32_1 = arith.constant 0 : i32
    return %c0_i32, %arg0, %c0_i32_0 : i32, i32, i32
  }
  func.func @transform_1(%arg0: i32) -> (i32, i32) {
    %c0_i32 = arith.constant 0 : i32
    %c0_i32_0 = arith.constant 0 : i32
    return %arg0, %c0_i32 : i32, i32
  }
  func.func @transform_2(%arg0: i32) -> (i32, i32) {
    %c0_i32 = arith.constant 0 : i32
    %c0_i32_0 = arith.constant 0 : i32
    %c0_i32_1 = arith.constant 0 : i32
    return %c0_i32, %c0_i32_0 : i32, i32
  }
  func.func @transform_3(%arg0: i32) -> (i32, i32) {
    %c0_i32 = arith.constant 0 : i32
    %c0_i32_0 = arith.constant 0 : i32
    %c0_i32_1 = arith.constant 0 : i32
    return %c0_i32, %c0_i32_0 : i32, i32
  }
  func.func @transform_4(%arg0: i32) -> (i32, i32) {
    %c0_i32 = arith.constant 0 : i32
    %c0_i32_0 = arith.constant 0 : i32
    %c0_i32_1 = arith.constant 0 : i32
    return %c0_i32, %c0_i32_0 : i32, i32
  }
  func.func @transform_5(%arg0: i32) -> (i32, i32) {
    %c0_i32 = arith.constant 0 : i32
    %c0_i32_0 = arith.constant 0 : i32
    %c0_i32_1 = arith.constant 0 : i32
    return %c0_i32, %c0_i32_0 : i32, i32
  }
  func.func @transform_6(%arg0: i32) -> (i32, i32) {
    %c0_i32 = arith.constant 0 : i32
    %c0_i32_0 = arith.constant 0 : i32
    %c0_i32_1 = arith.constant 0 : i32
    return %c0_i32, %c0_i32_0 : i32, i32
  }
  func.func @transform_7(%arg0: i32) -> (i32, i32) {
    %c0_i32 = arith.constant 0 : i32
    %c0_i32_0 = arith.constant 0 : i32
    %c0_i32_1 = arith.constant 0 : i32
    return %c0_i32, %c0_i32_0 : i32, i32
  }
  func.func @transform_8(%arg0: i32) -> (i32, i32) {
    %c0_i32 = arith.constant 0 : i32
    %c0_i32_0 = arith.constant 0 : i32
    %c0_i32_1 = arith.constant 0 : i32
    return %c0_i32, %c0_i32_0 : i32, i32
  }
  func.func @transform_9(%arg0: i32) -> (i32, i32) {
    %c0_i32 = arith.constant 0 : i32
    %c0_i32_0 = arith.constant 0 : i32
    %c0_i32_1 = arith.constant 0 : i32
    return %c0_i32, %c0_i32_0 : i32, i32
  }
  func.func @transform_10(%arg0: i32) -> (i32, i32) {
    %c0_i32 = arith.constant 0 : i32
    %c0_i32_0 = arith.constant 0 : i32
    %c0_i32_1 = arith.constant 0 : i32
    return %c0_i32, %c0_i32_0 : i32, i32
  }
  func.func @transform_11(%arg0: i32) -> (i32, i32) {
    %c0_i32 = arith.constant 0 : i32
    %c0_i32_0 = arith.constant 0 : i32
    return %arg0, %c0_i32 : i32, i32
  }
  func.func @transform_12(%arg0: i32) -> (i32, i32, i32) {
    %c0_i32 = arith.constant 0 : i32
    %c0_i32_0 = arith.constant 0 : i32
    %c0_i32_1 = arith.constant 0 : i32
    return %c0_i32, %arg0, %c0_i32_0 : i32, i32, i32
  }
}

module attributes {stable_mosaic.version = 14 : i64} {
  func.func @_mlp_body(%arg0: i32, %arg1: memref<4x1000x128xf32, #tpu.memory_space<vmem>>, %arg2: memref<1000x256xf32, #tpu.memory_space<vmem>>, %arg3: memref<256x512xf32, #tpu.memory_space<vmem>>, %arg4: memref<1x512xf32, #tpu.memory_space<vmem>>, %arg5: memref<1x512xf32, #tpu.memory_space<vmem>>, %arg6: memref<1x512xf32, #tpu.memory_space<vmem>>, %arg7: memref<512x256xf32, #tpu.memory_space<vmem>>, %arg8: memref<1x256xf32, #tpu.memory_space<vmem>>, %arg9: memref<1x256xf32, #tpu.memory_space<vmem>>, %arg10: memref<1x256xf32, #tpu.memory_space<vmem>>, %arg11: memref<1x1xf32, #tpu.memory_space<smem>>, %arg12: memref<1000x256xf32, #tpu.memory_space<vmem>>) attributes {dimension_semantics = [#tpu.dimension_semantics<arbitrary>], iteration_bounds = array<i64: 10>, scalar_prefetch = 0 : i64, scratch_operands = 0 : i64, tpu.core_type = #tpu.core_type<tc>, window_params = [{transform_indices = @transform_0, window_bounds = array<i64: 4, 1000, 128>}, {transform_indices = @transform_1, window_bounds = array<i64: 1000, 256>}, {pipeline_mode = #tpu.pipeline_mode<synchronous>, transform_indices = @transform_2, window_bounds = array<i64: 256, 512>}, {pipeline_mode = #tpu.pipeline_mode<synchronous>, transform_indices = @transform_3, window_bounds = array<i64: 1, 512>}, {pipeline_mode = #tpu.pipeline_mode<synchronous>, transform_indices = @transform_4, window_bounds = array<i64: 1, 512>}, {pipeline_mode = #tpu.pipeline_mode<synchronous>, transform_indices = @transform_5, window_bounds = array<i64: 1, 512>}, {pipeline_mode = #tpu.pipeline_mode<synchronous>, transform_indices = @transform_6, window_bounds = array<i64: 512, 256>}, {pipeline_mode = #tpu.pipeline_mode<synchronous>, transform_indices = @transform_7, window_bounds = array<i64: 1, 256>}, {pipeline_mode = #tpu.pipeline_mode<synchronous>, transform_indices = @transform_8, window_bounds = array<i64: 1, 256>}, {pipeline_mode = #tpu.pipeline_mode<synchronous>, transform_indices = @transform_9, window_bounds = array<i64: 1, 256>}, {transform_indices = @transform_10, window_bounds = array<i64: 1, 1>}, {transform_indices = @transform_11, window_bounds = array<i64: 1000, 256>}]} {
    %get3A = arith.constant 0 : index
    %get3A_0 = arith.constant 0 : index
    %get3A_1 = vector.load %arg2[%get3A, %get3A_0] : memref<1000x256xf32, #tpu.memory_space<vmem>>, vector<1000x256xf32>
    %get3A_2 = arith.constant 0 : index
    %get3A_3 = arith.constant 0 : index
    %get3A_4 = arith.constant 0 : index
    %get3A_5 = vector.load %arg1[%get3A_2, %get3A_3, %get3A_4] : memref<4x1000x128xf32, #tpu.memory_space<vmem>>, vector<4x1000x128xf32>
    %slice3A = vector.extract_strided_slice %get3A_5 {offsets = [0, 0, 64], sizes = [1, 1000, 64], strides = [1, 1, 1]} : vector<4x1000x128xf32> to vector<1x1000x64xf32>
    %squeeze3A = vector.shape_cast %slice3A : vector<1x1000x64xf32> to vector<1000x64xf32>
    %slice3A_6 = vector.extract_strided_slice %get3A_5 {offsets = [0, 0, 0], sizes = [1, 1000, 64], strides = [1, 1, 1]} : vector<4x1000x128xf32> to vector<1x1000x64xf32>
    %squeeze3A_7 = vector.shape_cast %slice3A_6 : vector<1x1000x64xf32> to vector<1000x64xf32>
    %add3A = arith.constant 1.000000e-16 : f32
    %add3A_8 = vector.broadcast %add3A : f32 to vector<1000x64xf32>
    %add3A_9 = arith.addf %squeeze3A_7, %add3A_8 : vector<1000x64xf32>
    %div3A = arith.divf %squeeze3A, %add3A_9 : vector<1000x64xf32>
    %slice3A_10 = vector.extract_strided_slice %get3A_5 {offsets = [1, 0, 64], sizes = [1, 1000, 64], strides = [1, 1, 1]} : vector<4x1000x128xf32> to vector<1x1000x64xf32>
    %squeeze3A_11 = vector.shape_cast %slice3A_10 : vector<1x1000x64xf32> to vector<1000x64xf32>
    %slice3A_12 = vector.extract_strided_slice %get3A_5 {offsets = [1, 0, 0], sizes = [1, 1000, 64], strides = [1, 1, 1]} : vector<4x1000x128xf32> to vector<1x1000x64xf32>
    %squeeze3A_13 = vector.shape_cast %slice3A_12 : vector<1x1000x64xf32> to vector<1000x64xf32>
    %add3A_14 = arith.constant 1.000000e-16 : f32
    %add3A_15 = vector.broadcast %add3A_14 : f32 to vector<1000x64xf32>
    %add3A_16 = arith.addf %squeeze3A_13, %add3A_15 : vector<1000x64xf32>
    %div3A_17 = arith.divf %squeeze3A_11, %add3A_16 : vector<1000x64xf32>
    %slice3A_18 = vector.extract_strided_slice %get3A_5 {offsets = [2, 0, 64], sizes = [1, 1000, 64], strides = [1, 1, 1]} : vector<4x1000x128xf32> to vector<1x1000x64xf32>
    %squeeze3A_19 = vector.shape_cast %slice3A_18 : vector<1x1000x64xf32> to vector<1000x64xf32>
    %slice3A_20 = vector.extract_strided_slice %get3A_5 {offsets = [2, 0, 0], sizes = [1, 1000, 64], strides = [1, 1, 1]} : vector<4x1000x128xf32> to vector<1x1000x64xf32>
    %squeeze3A_21 = vector.shape_cast %slice3A_20 : vector<1x1000x64xf32> to vector<1000x64xf32>
    %add3A_22 = arith.constant 1.000000e-16 : f32
    %add3A_23 = vector.broadcast %add3A_22 : f32 to vector<1000x64xf32>
    %add3A_24 = arith.addf %squeeze3A_21, %add3A_23 : vector<1000x64xf32>
    %div3A_25 = arith.divf %squeeze3A_19, %add3A_24 : vector<1000x64xf32>
    %slice3A_26 = vector.extract_strided_slice %get3A_5 {offsets = [3, 0, 64], sizes = [1, 1000, 64], strides = [1, 1, 1]} : vector<4x1000x128xf32> to vector<1x1000x64xf32>
    %squeeze3A_27 = vector.shape_cast %slice3A_26 : vector<1x1000x64xf32> to vector<1000x64xf32>
    %slice3A_28 = vector.extract_strided_slice %get3A_5 {offsets = [3, 0, 0], sizes = [1, 1000, 64], strides = [1, 1, 1]} : vector<4x1000x128xf32> to vector<1x1000x64xf32>
    %squeeze3A_29 = vector.shape_cast %slice3A_28 : vector<1x1000x64xf32> to vector<1000x64xf32>
    %add3A_30 = arith.constant 1.000000e-16 : f32
    %add3A_31 = vector.broadcast %add3A_30 : f32 to vector<1000x64xf32>
    %add3A_32 = arith.addf %squeeze3A_29, %add3A_31 : vector<1000x64xf32>
    %div3A_33 = arith.divf %squeeze3A_27, %add3A_32 : vector<1000x64xf32>
    %concatenate3A = tpu.concatenate %div3A, %div3A_17, %div3A_25, %div3A_33 in 1 : vector<1000x64xf32>, vector<1000x64xf32>, vector<1000x64xf32>, vector<1000x64xf32> -> vector<1000x256xf32>
    %add3A_34 = arith.addf %concatenate3A, %get3A_1 : vector<1000x256xf32>
    %get3A_35 = arith.constant 0 : index
    %get3A_36 = arith.constant 0 : index
    %get3A_37 = vector.load %arg3[%get3A_35, %get3A_36] : memref<256x512xf32, #tpu.memory_space<vmem>>, vector<256x512xf32>
    %dot_general3A = arith.constant dense<0.000000e+00> : vector<1000x512xf32>
    %dot_general3A_38 = tpu.matmul %add3A_34, %get3A_37, %dot_general3A {dimension_numbers = #tpu.dot_dimension_numbers<[1], [0], [0], [1], [0, 0, 1, 1], [], []>, transpose_lhs_hint = false} : vector<1000x256xf32>, vector<256x512xf32>, vector<1000x512xf32> -> vector<1000x512xf32>
    %get3A_39 = arith.constant 0 : index
    %get3A_40 = arith.constant 0 : index
    %get3A_41 = vector.load %arg4[%get3A_39, %get3A_40] : memref<1x512xf32, #tpu.memory_space<vmem>>, vector<1x512xf32>
    %add3A_42 = vector.broadcast %get3A_41 : vector<1x512xf32> to vector<1000x512xf32>
    %add3A_43 = arith.addf %dot_general3A_38, %add3A_42 : vector<1000x512xf32>
    %get3A_44 = arith.constant 0 : index
    %get3A_45 = arith.constant 0 : index
    %get3A_46 = vector.load %arg5[%get3A_44, %get3A_45] : memref<1x512xf32, #tpu.memory_space<vmem>>, vector<1x512xf32>
    %get3A_47 = arith.constant 0 : index
    %get3A_48 = arith.constant 0 : index
    %get3A_49 = vector.load %arg6[%get3A_47, %get3A_48] : memref<1x512xf32, #tpu.memory_space<vmem>>, vector<1x512xf32>
    %reduce_sum3A = arith.constant dense<0.000000e+00> : vector<1000xf32>
    %reduce_sum3A_50 = vector.multi_reduction <add>, %add3A_43, %reduce_sum3A [1] : vector<1000x512xf32> to vector<1000xf32>
    %broadcast_in_dim3A = vector.shape_cast %reduce_sum3A_50 : vector<1000xf32> to vector<1000x1xf32>
    %div3A_51 = arith.constant 5.120000e+02 : f32
    %div3A_52 = vector.broadcast %div3A_51 : f32 to vector<1000x1xf32>
    %div3A_53 = arith.divf %broadcast_in_dim3A, %div3A_52 : vector<1000x1xf32>
    %sub3A = vector.broadcast %div3A_53 : vector<1000x1xf32> to vector<1000x512xf32>
    %sub3A_54 = arith.subf %add3A_43, %sub3A : vector<1000x512xf32>
    %integer_pow3A = arith.mulf %sub3A_54, %sub3A_54 : vector<1000x512xf32>
    %reduce_sum3A_55 = arith.constant dense<0.000000e+00> : vector<1000xf32>
    %reduce_sum3A_56 = vector.multi_reduction <add>, %integer_pow3A, %reduce_sum3A_55 [1] : vector<1000x512xf32> to vector<1000xf32>
    %broadcast_in_dim3A_57 = vector.shape_cast %reduce_sum3A_56 : vector<1000xf32> to vector<1000x1xf32>
    %div3A_58 = arith.constant 5.120000e+02 : f32
    %div3A_59 = vector.broadcast %div3A_58 : f32 to vector<1000x1xf32>
    %div3A_60 = arith.divf %broadcast_in_dim3A_57, %div3A_59 : vector<1000x1xf32>
    %sub3A_61 = vector.broadcast %div3A_53 : vector<1000x1xf32> to vector<1000x512xf32>
    %sub3A_62 = arith.subf %add3A_43, %sub3A_61 : vector<1000x512xf32>
    %add3A_63 = arith.constant 9.99999974E-6 : f32
    %add3A_64 = vector.broadcast %add3A_63 : f32 to vector<1000x1xf32>
    %add3A_65 = arith.addf %div3A_60, %add3A_64 : vector<1000x1xf32>
    %rsqrt3A = math.rsqrt %add3A_65 : vector<1000x1xf32>
    %mul3A = vector.broadcast %rsqrt3A : vector<1000x1xf32> to vector<1000x512xf32>
    %mul3A_66 = arith.mulf %sub3A_62, %mul3A : vector<1000x512xf32>
    %mul3A_67 = vector.broadcast %get3A_46 : vector<1x512xf32> to vector<1000x512xf32>
    %mul3A_68 = arith.mulf %mul3A_66, %mul3A_67 : vector<1000x512xf32>
    %add3A_69 = vector.broadcast %get3A_49 : vector<1x512xf32> to vector<1000x512xf32>
    %add3A_70 = arith.addf %mul3A_68, %add3A_69 : vector<1000x512xf32>
    %max3A = arith.constant 0.000000e+00 : f32
    %max3A_71 = vector.broadcast %max3A : f32 to vector<1000x512xf32>
    %max3A_72 = arith.maximumf %add3A_70, %max3A_71 : vector<1000x512xf32>
    %get3A_73 = arith.constant 0 : index
    %get3A_74 = arith.constant 0 : index
    %get3A_75 = vector.load %arg7[%get3A_73, %get3A_74] : memref<512x256xf32, #tpu.memory_space<vmem>>, vector<512x256xf32>
    %dot_general3A_76 = arith.constant dense<0.000000e+00> : vector<1000x256xf32>
    %dot_general3A_77 = tpu.matmul %max3A_72, %get3A_75, %dot_general3A_76 {dimension_numbers = #tpu.dot_dimension_numbers<[1], [0], [0], [1], [0, 0, 1, 1], [], []>, transpose_lhs_hint = false} : vector<1000x512xf32>, vector<512x256xf32>, vector<1000x256xf32> -> vector<1000x256xf32>
    %get3A_78 = arith.constant 0 : index
    %get3A_79 = arith.constant 0 : index
    %get3A_80 = vector.load %arg8[%get3A_78, %get3A_79] : memref<1x256xf32, #tpu.memory_space<vmem>>, vector<1x256xf32>
    %add3A_81 = vector.broadcast %get3A_80 : vector<1x256xf32> to vector<1000x256xf32>
    %add3A_82 = arith.addf %dot_general3A_77, %add3A_81 : vector<1000x256xf32>
    %get3A_83 = arith.constant 0 : index
    %get3A_84 = arith.constant 0 : index
    %get3A_85 = vector.load %arg9[%get3A_83, %get3A_84] : memref<1x256xf32, #tpu.memory_space<vmem>>, vector<1x256xf32>
    %get3A_86 = arith.constant 0 : index
    %get3A_87 = arith.constant 0 : index
    %get3A_88 = vector.load %arg10[%get3A_86, %get3A_87] : memref<1x256xf32, #tpu.memory_space<vmem>>, vector<1x256xf32>
    %reduce_sum3A_89 = arith.constant dense<0.000000e+00> : vector<1000xf32>
    %reduce_sum3A_90 = vector.multi_reduction <add>, %add3A_82, %reduce_sum3A_89 [1] : vector<1000x256xf32> to vector<1000xf32>
    %broadcast_in_dim3A_91 = vector.shape_cast %reduce_sum3A_90 : vector<1000xf32> to vector<1000x1xf32>
    %div3A_92 = arith.constant 2.560000e+02 : f32
    %div3A_93 = vector.broadcast %div3A_92 : f32 to vector<1000x1xf32>
    %div3A_94 = arith.divf %broadcast_in_dim3A_91, %div3A_93 : vector<1000x1xf32>
    %sub3A_95 = vector.broadcast %div3A_94 : vector<1000x1xf32> to vector<1000x256xf32>
    %sub3A_96 = arith.subf %add3A_82, %sub3A_95 : vector<1000x256xf32>
    %integer_pow3A_97 = arith.mulf %sub3A_96, %sub3A_96 : vector<1000x256xf32>
    %reduce_sum3A_98 = arith.constant dense<0.000000e+00> : vector<1000xf32>
    %reduce_sum3A_99 = vector.multi_reduction <add>, %integer_pow3A_97, %reduce_sum3A_98 [1] : vector<1000x256xf32> to vector<1000xf32>
    %broadcast_in_dim3A_100 = vector.shape_cast %reduce_sum3A_99 : vector<1000xf32> to vector<1000x1xf32>
    %div3A_101 = arith.constant 2.560000e+02 : f32
    %div3A_102 = vector.broadcast %div3A_101 : f32 to vector<1000x1xf32>
    %div3A_103 = arith.divf %broadcast_in_dim3A_100, %div3A_102 : vector<1000x1xf32>
    %sub3A_104 = vector.broadcast %div3A_94 : vector<1000x1xf32> to vector<1000x256xf32>
    %sub3A_105 = arith.subf %add3A_82, %sub3A_104 : vector<1000x256xf32>
    %add3A_106 = arith.constant 9.99999974E-6 : f32
    %add3A_107 = vector.broadcast %add3A_106 : f32 to vector<1000x1xf32>
    %add3A_108 = arith.addf %div3A_103, %add3A_107 : vector<1000x1xf32>
    %rsqrt3A_109 = math.rsqrt %add3A_108 : vector<1000x1xf32>
    %mul3A_110 = vector.broadcast %rsqrt3A_109 : vector<1000x1xf32> to vector<1000x256xf32>
    %mul3A_111 = arith.mulf %sub3A_105, %mul3A_110 : vector<1000x256xf32>
    %mul3A_112 = vector.broadcast %get3A_85 : vector<1x256xf32> to vector<1000x256xf32>
    %mul3A_113 = arith.mulf %mul3A_111, %mul3A_112 : vector<1000x256xf32>
    %add3A_114 = vector.broadcast %get3A_88 : vector<1x256xf32> to vector<1000x256xf32>
    %add3A_115 = arith.addf %mul3A_113, %add3A_114 : vector<1000x256xf32>
    %max3A_116 = arith.constant 0.000000e+00 : f32
    %max3A_117 = vector.broadcast %max3A_116 : f32 to vector<1000x256xf32>
    %max3A_118 = arith.maximumf %add3A_115, %max3A_117 : vector<1000x256xf32>
    %add3A_119 = arith.addf %get3A_1, %max3A_118 : vector<1000x256xf32>
    %swap3A = arith.constant 0 : index
    %swap3A_120 = arith.constant 0 : index
    %swap3A_121 = vector.load %arg12[%swap3A, %swap3A_120] : memref<1000x256xf32, #tpu.memory_space<vmem>>, vector<1000x256xf32>
    tpu.vector_store %arg12[%swap3A, %swap3A_120], %add3A_119 {strides = array<i32>} : memref<1000x256xf32, #tpu.memory_space<vmem>>, vector<1000x256xf32>,
    return
  }
  func.func @transform_0(%arg0: i32) -> (i32, i32, i32) {
    %c0_i32 = arith.constant 0 : i32
    %c0_i32_0 = arith.constant 0 : i32
    %c0_i32_1 = arith.constant 0 : i32
    return %c0_i32, %arg0, %c0_i32_0 : i32, i32, i32
  }
  func.func @transform_1(%arg0: i32) -> (i32, i32) {
    %c0_i32 = arith.constant 0 : i32
    %c0_i32_0 = arith.constant 0 : i32
    return %arg0, %c0_i32 : i32, i32
  }
  func.func @transform_2(%arg0: i32) -> (i32, i32) {
    %c0_i32 = arith.constant 0 : i32
    %c0_i32_0 = arith.constant 0 : i32
    %c0_i32_1 = arith.constant 0 : i32
    return %c0_i32, %c0_i32_0 : i32, i32
  }
  func.func @transform_3(%arg0: i32) -> (i32, i32) {
    %c0_i32 = arith.constant 0 : i32
    %c0_i32_0 = arith.constant 0 : i32
    %c0_i32_1 = arith.constant 0 : i32
    return %c0_i32, %c0_i32_0 : i32, i32
  }
  func.func @transform_4(%arg0: i32) -> (i32, i32) {
    %c0_i32 = arith.constant 0 : i32
    %c0_i32_0 = arith.constant 0 : i32
    %c0_i32_1 = arith.constant 0 : i32
    return %c0_i32, %c0_i32_0 : i32, i32
  }
  func.func @transform_5(%arg0: i32) -> (i32, i32) {
    %c0_i32 = arith.constant 0 : i32
    %c0_i32_0 = arith.constant 0 : i32
    %c0_i32_1 = arith.constant 0 : i32
    return %c0_i32, %c0_i32_0 : i32, i32
  }
  func.func @transform_6(%arg0: i32) -> (i32, i32) {
    %c0_i32 = arith.constant 0 : i32
    %c0_i32_0 = arith.constant 0 : i32
    %c0_i32_1 = arith.constant 0 : i32
    return %c0_i32, %c0_i32_0 : i32, i32
  }
  func.func @transform_7(%arg0: i32) -> (i32, i32) {
    %c0_i32 = arith.constant 0 : i32
    %c0_i32_0 = arith.constant 0 : i32
    %c0_i32_1 = arith.constant 0 : i32
    return %c0_i32, %c0_i32_0 : i32, i32
  }
  func.func @transform_8(%arg0: i32) -> (i32, i32) {
    %c0_i32 = arith.constant 0 : i32
    %c0_i32_0 = arith.constant 0 : i32
    %c0_i32_1 = arith.constant 0 : i32
    return %c0_i32, %c0_i32_0 : i32, i32
  }
  func.func @transform_9(%arg0: i32) -> (i32, i32) {
    %c0_i32 = arith.constant 0 : i32
    %c0_i32_0 = arith.constant 0 : i32
    %c0_i32_1 = arith.constant 0 : i32
    return %c0_i32, %c0_i32_0 : i32, i32
  }
  func.func @transform_10(%arg0: i32) -> (i32, i32) {
    %c0_i32 = arith.constant 0 : i32
    %c0_i32_0 = arith.constant 0 : i32
    %c0_i32_1 = arith.constant 0 : i32
    return %c0_i32, %c0_i32_0 : i32, i32
  }
  func.func @transform_11(%arg0: i32) -> (i32, i32) {
    %c0_i32 = arith.constant 0 : i32
    %c0_i32_0 = arith.constant 0 : i32
    return %arg0, %c0_i32 : i32, i32
  }
}

module attributes {stable_mosaic.version = 14 : i64} {
  func.func @_head_body(%arg0: i32, %arg1: memref<1000x256xf32, #tpu.memory_space<vmem>>, %arg2: memref<1000x256xf32, #tpu.memory_space<vmem>>, %arg3: memref<1000x256xf32, #tpu.memory_space<vmem>>, %arg4: memref<1000x256xf32, #tpu.memory_space<vmem>>, %arg5: memref<1024x1024xf32, #tpu.memory_space<vmem>>, %arg6: memref<1x1024xf32, #tpu.memory_space<vmem>>, %arg7: memref<1024x1024xf32, #tpu.memory_space<vmem>>, %arg8: memref<1x1024xf32, #tpu.memory_space<vmem>>, %arg9: memref<1024x1024xf32, #tpu.memory_space<vmem>>, %arg10: memref<1x1024xf32, #tpu.memory_space<vmem>>, %arg11: memref<1x1024xf32, #tpu.memory_space<vmem>>, %arg12: memref<1x1xf32, #tpu.memory_space<vmem>>, %arg13: memref<1024x1024xf32, #tpu.memory_space<vmem>>, %arg14: memref<1x1024xf32, #tpu.memory_space<vmem>>, %arg15: memref<1x1024xf32, #tpu.memory_space<vmem>>, %arg16: memref<1x1xf32, #tpu.memory_space<vmem>>, %arg17: memref<1x1xf32, #tpu.memory_space<vmem>>, %arg18: memref<1x1024xf32, #tpu.memory_space<vmem>>, %arg19: memref<1x1xf32, #tpu.memory_space<vmem>>) attributes {dimension_semantics = [#tpu.dimension_semantics<arbitrary>], iteration_bounds = array<i64: 10>, scalar_prefetch = 0 : i64, scratch_operands = 2 : i64, tpu.core_type = #tpu.core_type<tc>, window_params = [{transform_indices = @transform_0, window_bounds = array<i64: 1000, 256>}, {transform_indices = @transform_1, window_bounds = array<i64: 1000, 256>}, {transform_indices = @transform_2, window_bounds = array<i64: 1000, 256>}, {transform_indices = @transform_3, window_bounds = array<i64: 1000, 256>}, {pipeline_mode = #tpu.pipeline_mode<synchronous>, transform_indices = @transform_4, window_bounds = array<i64: 1024, 1024>}, {pipeline_mode = #tpu.pipeline_mode<synchronous>, transform_indices = @transform_5, window_bounds = array<i64: 1, 1024>}, {pipeline_mode = #tpu.pipeline_mode<synchronous>, transform_indices = @transform_6, window_bounds = array<i64: 1024, 1024>}, {pipeline_mode = #tpu.pipeline_mode<synchronous>, transform_indices = @transform_7, window_bounds = array<i64: 1, 1024>}, {pipeline_mode = #tpu.pipeline_mode<synchronous>, transform_indices = @transform_8, window_bounds = array<i64: 1024, 1024>}, {pipeline_mode = #tpu.pipeline_mode<synchronous>, transform_indices = @transform_9, window_bounds = array<i64: 1, 1024>}, {pipeline_mode = #tpu.pipeline_mode<synchronous>, transform_indices = @transform_10, window_bounds = array<i64: 1, 1024>}, {pipeline_mode = #tpu.pipeline_mode<synchronous>, transform_indices = @transform_11, window_bounds = array<i64: 1, 1>}, {pipeline_mode = #tpu.pipeline_mode<synchronous>, transform_indices = @transform_12, window_bounds = array<i64: 1024, 1024>}, {pipeline_mode = #tpu.pipeline_mode<synchronous>, transform_indices = @transform_13, window_bounds = array<i64: 1, 1024>}, {pipeline_mode = #tpu.pipeline_mode<synchronous>, transform_indices = @transform_14, window_bounds = array<i64: 1, 1024>}, {pipeline_mode = #tpu.pipeline_mode<synchronous>, transform_indices = @transform_15, window_bounds = array<i64: 1, 1>}, {pipeline_mode = #tpu.pipeline_mode<synchronous>, transform_indices = @transform_16, window_bounds = array<i64: 1, 1>}]} {
    %eq3A = arith.constant 0 : i32
    %eq3A_0 = arith.cmpi eq, %arg0, %eq3A : i32
    %convert_element_type3A = arith.extui %eq3A_0 : i1 to i32
    %cond3A = arith.constant 0 : i32
    %cond3A_1 = arith.cmpi ne, %convert_element_type3A, %cond3A : i32
    scf.if %cond3A_1 {
      %broadcast_in_dim3A_101 = arith.constant 0.000000e+00 : f32
      %broadcast_in_dim3A_102 = vector.broadcast %broadcast_in_dim3A_101 : f32 to vector<1x1024xf32>
      %swap3A_103 = arith.constant 0 : index
      %swap3A_104 = arith.constant 0 : index
      %swap3A_105 = vector.load %arg18[%swap3A_103, %swap3A_104] : memref<1x1024xf32, #tpu.memory_space<vmem>>, vector<1x1024xf32>
      tpu.vector_store %arg18[%swap3A_103, %swap3A_104], %broadcast_in_dim3A_102 {strides = array<i32>} : memref<1x1024xf32, #tpu.memory_space<vmem>>, vector<1x1024xf32>,
      %broadcast_in_dim3A_106 = arith.constant 0.000000e+00 : f32
      %broadcast_in_dim3A_107 = vector.broadcast %broadcast_in_dim3A_106 : f32 to vector<1x1xf32>
      %swap3A_108 = arith.constant 0 : index
      %swap3A_109 = arith.constant 0 : index
      %swap3A_110 = vector.load %arg19[%swap3A_108, %swap3A_109] : memref<1x1xf32, #tpu.memory_space<vmem>>, vector<1x1xf32>
      tpu.vector_store %arg19[%swap3A_108, %swap3A_109], %broadcast_in_dim3A_107 {strides = array<i32>} : memref<1x1xf32, #tpu.memory_space<vmem>>, vector<1x1xf32>,
    } else {
    }
    %get3A = arith.constant 0 : index
    %get3A_2 = arith.constant 0 : index
    %get3A_3 = vector.load %arg5[%get3A, %get3A_2] : memref<1024x1024xf32, #tpu.memory_space<vmem>>, vector<1024x1024xf32>
    %get3A_4 = arith.constant 0 : index
    %get3A_5 = arith.constant 0 : index
    %get3A_6 = vector.load %arg1[%get3A_4, %get3A_5] : memref<1000x256xf32, #tpu.memory_space<vmem>>, vector<1000x256xf32>
    %slice3A = vector.extract_strided_slice %get3A_3 {offsets = [0, 0], sizes = [256, 1024], strides = [1, 1]} : vector<1024x1024xf32> to vector<256x1024xf32>
    %dot_general3A = arith.constant dense<0.000000e+00> : vector<1000x1024xf32>
    %dot_general3A_7 = tpu.matmul %get3A_6, %slice3A, %dot_general3A {dimension_numbers = #tpu.dot_dimension_numbers<[1], [0], [0], [1], [0, 0, 1, 1], [], []>, transpose_lhs_hint = false} : vector<1000x256xf32>, vector<256x1024xf32>, vector<1000x1024xf32> -> vector<1000x1024xf32>
    %get3A_8 = arith.constant 0 : index
    %get3A_9 = arith.constant 0 : index
    %get3A_10 = vector.load %arg2[%get3A_8, %get3A_9] : memref<1000x256xf32, #tpu.memory_space<vmem>>, vector<1000x256xf32>
    %slice3A_11 = vector.extract_strided_slice %get3A_3 {offsets = [256, 0], sizes = [256, 1024], strides = [1, 1]} : vector<1024x1024xf32> to vector<256x1024xf32>
    %dot_general3A_12 = arith.constant dense<0.000000e+00> : vector<1000x1024xf32>
    %dot_general3A_13 = tpu.matmul %get3A_10, %slice3A_11, %dot_general3A_12 {dimension_numbers = #tpu.dot_dimension_numbers<[1], [0], [0], [1], [0, 0, 1, 1], [], []>, transpose_lhs_hint = false} : vector<1000x256xf32>, vector<256x1024xf32>, vector<1000x1024xf32> -> vector<1000x1024xf32>
    %add3A = arith.addf %dot_general3A_7, %dot_general3A_13 : vector<1000x1024xf32>
    %get3A_14 = arith.constant 0 : index
    %get3A_15 = arith.constant 0 : index
    %get3A_16 = vector.load %arg3[%get3A_14, %get3A_15] : memref<1000x256xf32, #tpu.memory_space<vmem>>, vector<1000x256xf32>
    %slice3A_17 = vector.extract_strided_slice %get3A_3 {offsets = [512, 0], sizes = [256, 1024], strides = [1, 1]} : vector<1024x1024xf32> to vector<256x1024xf32>
    %dot_general3A_18 = arith.constant dense<0.000000e+00> : vector<1000x1024xf32>
    %dot_general3A_19 = tpu.matmul %get3A_16, %slice3A_17, %dot_general3A_18 {dimension_numbers = #tpu.dot_dimension_numbers<[1], [0], [0], [1], [0, 0, 1, 1], [], []>, transpose_lhs_hint = false} : vector<1000x256xf32>, vector<256x1024xf32>, vector<1000x1024xf32> -> vector<1000x1024xf32>
    %add3A_20 = arith.addf %add3A, %dot_general3A_19 : vector<1000x1024xf32>
    %get3A_21 = arith.constant 0 : index
    %get3A_22 = arith.constant 0 : index
    %get3A_23 = vector.load %arg4[%get3A_21, %get3A_22] : memref<1000x256xf32, #tpu.memory_space<vmem>>, vector<1000x256xf32>
    %slice3A_24 = vector.extract_strided_slice %get3A_3 {offsets = [768, 0], sizes = [256, 1024], strides = [1, 1]} : vector<1024x1024xf32> to vector<256x1024xf32>
    %dot_general3A_25 = arith.constant dense<0.000000e+00> : vector<1000x1024xf32>
    %dot_general3A_26 = tpu.matmul %get3A_23, %slice3A_24, %dot_general3A_25 {dimension_numbers = #tpu.dot_dimension_numbers<[1], [0], [0], [1], [0, 0, 1, 1], [], []>, transpose_lhs_hint = false} : vector<1000x256xf32>, vector<256x1024xf32>, vector<1000x1024xf32> -> vector<1000x1024xf32>
    %add3A_27 = arith.addf %add3A_20, %dot_general3A_26 : vector<1000x1024xf32>
    %get3A_28 = arith.constant 0 : index
    %get3A_29 = arith.constant 0 : index
    %get3A_30 = vector.load %arg6[%get3A_28, %get3A_29] : memref<1x1024xf32, #tpu.memory_space<vmem>>, vector<1x1024xf32>
    %add3A_31 = vector.broadcast %get3A_30 : vector<1x1024xf32> to vector<1000x1024xf32>
    %add3A_32 = arith.addf %add3A_27, %add3A_31 : vector<1000x1024xf32>
    %max3A = arith.constant 0.000000e+00 : f32
    %max3A_33 = vector.broadcast %max3A : f32 to vector<1000x1024xf32>
    %max3A_34 = arith.maximumf %add3A_32, %max3A_33 : vector<1000x1024xf32>
    %get3A_35 = arith.constant 0 : index
    %get3A_36 = arith.constant 0 : index
    %get3A_37 = vector.load %arg7[%get3A_35, %get3A_36] : memref<1024x1024xf32, #tpu.memory_space<vmem>>, vector<1024x1024xf32>
    %dot_general3A_38 = arith.constant dense<0.000000e+00> : vector<1000x1024xf32>
    %dot_general3A_39 = tpu.matmul %max3A_34, %get3A_37, %dot_general3A_38 {dimension_numbers = #tpu.dot_dimension_numbers<[1], [0], [0], [1], [0, 0, 1, 1], [], []>, transpose_lhs_hint = false} : vector<1000x1024xf32>, vector<1024x1024xf32>, vector<1000x1024xf32> -> vector<1000x1024xf32>
    %get3A_40 = arith.constant 0 : index
    %get3A_41 = arith.constant 0 : index
    %get3A_42 = vector.load %arg8[%get3A_40, %get3A_41] : memref<1x1024xf32, #tpu.memory_space<vmem>>, vector<1x1024xf32>
    %add3A_43 = vector.broadcast %get3A_42 : vector<1x1024xf32> to vector<1000x1024xf32>
    %add3A_44 = arith.addf %dot_general3A_39, %add3A_43 : vector<1000x1024xf32>
    %tanh3A = math.tanh %add3A_44 : vector<1000x1024xf32>
    %get3A_45 = arith.constant 0 : index
    %get3A_46 = arith.constant 0 : index
    %get3A_47 = vector.load %arg9[%get3A_45, %get3A_46] : memref<1024x1024xf32, #tpu.memory_space<vmem>>, vector<1024x1024xf32>
    %dot_general3A_48 = arith.constant dense<0.000000e+00> : vector<1000x1024xf32>
    %dot_general3A_49 = tpu.matmul %max3A_34, %get3A_47, %dot_general3A_48 {dimension_numbers = #tpu.dot_dimension_numbers<[1], [0], [0], [1], [0, 0, 1, 1], [], []>, transpose_lhs_hint = false} : vector<1000x1024xf32>, vector<1024x1024xf32>, vector<1000x1024xf32> -> vector<1000x1024xf32>
    %get3A_50 = arith.constant 0 : index
    %get3A_51 = arith.constant 0 : index
    %get3A_52 = vector.load %arg10[%get3A_50, %get3A_51] : memref<1x1024xf32, #tpu.memory_space<vmem>>, vector<1x1024xf32>
    %add3A_53 = vector.broadcast %get3A_52 : vector<1x1024xf32> to vector<1000x1024xf32>
    %add3A_54 = arith.addf %dot_general3A_49, %add3A_53 : vector<1000x1024xf32>
    %logistic3A = arith.negf %add3A_54 : vector<1000x1024xf32>
    %logistic3A_55 = math.exp %logistic3A : vector<1000x1024xf32>
    %logistic3A_56 = arith.constant 1.000000e+00 : f32
    %logistic3A_57 = vector.broadcast %logistic3A_56 : f32 to vector<1000x1024xf32>
    %logistic3A_58 = arith.addf %logistic3A_57, %logistic3A_55 : vector<1000x1024xf32>
    %logistic3A_59 = arith.divf %logistic3A_57, %logistic3A_58 : vector<1000x1024xf32>
    %mul3A = arith.mulf %tanh3A, %logistic3A_59 : vector<1000x1024xf32>
    %get3A_60 = arith.constant 0 : index
    %get3A_61 = arith.constant 0 : index
    %get3A_62 = vector.load %arg11[%get3A_60, %get3A_61] : memref<1x1024xf32, #tpu.memory_space<vmem>>, vector<1x1024xf32>
    %mul3A_63 = vector.broadcast %get3A_62 : vector<1x1024xf32> to vector<1000x1024xf32>
    %mul3A_64 = arith.mulf %mul3A, %mul3A_63 : vector<1000x1024xf32>
    %reduce_sum3A = arith.constant dense<0.000000e+00> : vector<1000xf32>
    %reduce_sum3A_65 = vector.multi_reduction <add>, %mul3A_64, %reduce_sum3A [1] : vector<1000x1024xf32> to vector<1000xf32>
    %broadcast_in_dim3A = vector.shape_cast %reduce_sum3A_65 : vector<1000xf32> to vector<1000x1xf32>
    %get3A_66 = arith.constant 0 : index
    %get3A_67 = arith.constant 0 : index
    %get3A_68 = vector.load %arg12[%get3A_66, %get3A_67] : memref<1x1xf32, #tpu.memory_space<vmem>>, vector<1x1xf32>
    %get3A_69 = vector.extract %get3A_68[0, 0] : f32 from vector<1x1xf32>
    %add3A_70 = vector.broadcast %get3A_69 : f32 to vector<1000x1xf32>
    %add3A_71 = arith.addf %broadcast_in_dim3A, %add3A_70 : vector<1000x1xf32>
    %exp3A = math.exp %add3A_71 : vector<1000x1xf32>
    %get3A_72 = arith.constant 0 : index
    %get3A_73 = arith.constant 0 : index
    %get3A_74 = vector.load %arg18[%get3A_72, %get3A_73] : memref<1x1024xf32, #tpu.memory_space<vmem>>, vector<1x1024xf32>
    %mul3A_75 = vector.broadcast %exp3A : vector<1000x1xf32> to vector<1000x1024xf32>
    %mul3A_76 = arith.mulf %mul3A_75, %max3A_34 : vector<1000x1024xf32>
    %reduce_sum3A_77 = arith.constant dense<0.000000e+00> : vector<1024xf32>
    %reduce_sum3A_78 = vector.multi_reduction <add>, %mul3A_76, %reduce_sum3A_77 [0] : vector<1000x1024xf32> to vector<1024xf32>
    %broadcast_in_dim3A_79 = vector.shape_cast %reduce_sum3A_78 : vector<1024xf32> to vector<1x1024xf32>
    %add3A_80 = arith.addf %get3A_74, %broadcast_in_dim3A_79 : vector<1x1024xf32>
    %swap3A = arith.constant 0 : index
    %swap3A_81 = arith.constant 0 : index
    %swap3A_82 = vector.load %arg18[%swap3A, %swap3A_81] : memref<1x1024xf32, #tpu.memory_space<vmem>>, vector<1x1024xf32>
    tpu.vector_store %arg18[%swap3A, %swap3A_81], %add3A_80 {strides = array<i32>} : memref<1x1024xf32, #tpu.memory_space<vmem>>, vector<1x1024xf32>,
    %get3A_83 = arith.constant 0 : index
    %get3A_84 = arith.constant 0 : index
    %get3A_85 = vector.load %arg19[%get3A_83, %get3A_84] : memref<1x1xf32, #tpu.memory_space<vmem>>, vector<1x1xf32>
    %reduce_sum3A_86 = vector.shape_cast %exp3A : vector<1000x1xf32> to vector<1x1000x1xf32>
    %reduce_sum3A_87 = arith.constant dense<0.000000e+00> : vector<1xf32>
    %reduce_sum3A_88 = vector.multi_reduction <add>, %reduce_sum3A_86, %reduce_sum3A_87 [1, 2] : vector<1x1000x1xf32> to vector<1xf32>
    %reduce_sum3A_89 = vector.shape_cast %reduce_sum3A_88 : vector<1xf32> to vector<1x1x1xf32>
    %reduce_sum3A_90 = vector.extract %reduce_sum3A_89[0, 0, 0] : f32 from vector<1x1x1xf32>
    %add3A_91 = vector.broadcast %reduce_sum3A_90 : f32 to vector<1x1xf32>
    %add3A_92 = arith.addf %get3A_85, %add3A_91 : vector<1x1xf32>
    %swap3A_93 = arith.constant 0 : index
    %swap3A_94 = arith.constant 0 : index
    %swap3A_95 = vector.load %arg19[%swap3A_93, %swap3A_94] : memref<1x1xf32, #tpu.memory_space<vmem>>, vector<1x1xf32>
    tpu.vector_store %arg19[%swap3A_93, %swap3A_94], %add3A_92 {strides = array<i32>} : memref<1x1xf32, #tpu.memory_space<vmem>>, vector<1x1xf32>,
    %eq3A_96 = arith.constant 9 : i32
    %eq3A_97 = arith.cmpi eq, %arg0, %eq3A_96 : i32
    %convert_element_type3A_98 = arith.extui %eq3A_97 : i1 to i32
    %cond3A_99 = arith.constant 0 : i32
    %cond3A_100 = arith.cmpi ne, %convert_element_type3A_98, %cond3A_99 : i32
    scf.if %cond3A_100 {
      %get3A_101 = arith.constant 0 : index
      %get3A_102 = arith.constant 0 : index
      %get3A_103 = vector.load %arg18[%get3A_101, %get3A_102] : memref<1x1024xf32, #tpu.memory_space<vmem>>, vector<1x1024xf32>
      %get3A_104 = arith.constant 0 : index
      %get3A_105 = arith.constant 0 : index
      %get3A_106 = vector.load %arg19[%get3A_104, %get3A_105] : memref<1x1xf32, #tpu.memory_space<vmem>>, vector<1x1xf32>
      %get3A_107 = vector.extract %get3A_106[0, 0] : f32 from vector<1x1xf32>
      %div3A = vector.broadcast %get3A_107 : f32 to vector<1x1024xf32>
      %div3A_108 = arith.divf %get3A_103, %div3A : vector<1x1024xf32>
      %get3A_109 = arith.constant 0 : index
      %get3A_110 = arith.constant 0 : index
      %get3A_111 = vector.load %arg13[%get3A_109, %get3A_110] : memref<1024x1024xf32, #tpu.memory_space<vmem>>, vector<1024x1024xf32>
      %dot_general3A_112 = arith.constant dense<0.000000e+00> : vector<1x1024xf32>
      %dot_general3A_113 = tpu.matmul %div3A_108, %get3A_111, %dot_general3A_112 {dimension_numbers = #tpu.dot_dimension_numbers<[1], [0], [0], [1], [0, 0, 1, 1], [], []>, transpose_lhs_hint = false} : vector<1x1024xf32>, vector<1024x1024xf32>, vector<1x1024xf32> -> vector<1x1024xf32>
      %get3A_114 = arith.constant 0 : index
      %get3A_115 = arith.constant 0 : index
      %get3A_116 = vector.load %arg14[%get3A_114, %get3A_115] : memref<1x1024xf32, #tpu.memory_space<vmem>>, vector<1x1024xf32>
      %add3A_117 = arith.addf %dot_general3A_113, %get3A_116 : vector<1x1024xf32>
      %max3A_118 = arith.constant 0.000000e+00 : f32
      %max3A_119 = vector.broadcast %max3A_118 : f32 to vector<1x1024xf32>
      %max3A_120 = arith.maximumf %add3A_117, %max3A_119 : vector<1x1024xf32>
      %get3A_121 = arith.constant 0 : index
      %get3A_122 = arith.constant 0 : index
      %get3A_123 = vector.load %arg15[%get3A_121, %get3A_122] : memref<1x1024xf32, #tpu.memory_space<vmem>>, vector<1x1024xf32>
      %mul3A_124 = arith.mulf %max3A_120, %get3A_123 : vector<1x1024xf32>
      %reduce_sum3A_125 = vector.shape_cast %mul3A_124 : vector<1x1024xf32> to vector<1x1x1024xf32>
      %reduce_sum3A_126 = arith.constant dense<0.000000e+00> : vector<1xf32>
      %reduce_sum3A_127 = vector.multi_reduction <add>, %reduce_sum3A_125, %reduce_sum3A_126 [1, 2] : vector<1x1x1024xf32> to vector<1xf32>
      %reduce_sum3A_128 = vector.shape_cast %reduce_sum3A_127 : vector<1xf32> to vector<1x1x1xf32>
      %reduce_sum3A_129 = vector.extract %reduce_sum3A_128[0, 0, 0] : f32 from vector<1x1x1xf32>
      %get3A_130 = arith.constant 0 : index
      %get3A_131 = arith.constant 0 : index
      %get3A_132 = vector.load %arg16[%get3A_130, %get3A_131] : memref<1x1xf32, #tpu.memory_space<vmem>>, vector<1x1xf32>
      %get3A_133 = vector.extract %get3A_132[0, 0] : f32 from vector<1x1xf32>
      %add3A_134 = arith.addf %reduce_sum3A_129, %get3A_133 : f32
      %broadcast_in_dim3A_135 = vector.broadcast %add3A_134 : f32 to vector<1x1xf32>
      %swap3A_136 = arith.constant 0 : index
      %swap3A_137 = arith.constant 0 : index
      %swap3A_138 = vector.load %arg17[%swap3A_136, %swap3A_137] : memref<1x1xf32, #tpu.memory_space<vmem>>, vector<1x1xf32>
      tpu.vector_store %arg17[%swap3A_136, %swap3A_137], %broadcast_in_dim3A_135 {strides = array<i32>} : memref<1x1xf32, #tpu.memory_space<vmem>>, vector<1x1xf32>,
    } else {
    }
    return
  }
  func.func @transform_0(%arg0: i32) -> (i32, i32) {
    %c0_i32 = arith.constant 0 : i32
    %c0_i32_0 = arith.constant 0 : i32
    return %arg0, %c0_i32 : i32, i32
  }
  func.func @transform_1(%arg0: i32) -> (i32, i32) {
    %c0_i32 = arith.constant 0 : i32
    %c0_i32_0 = arith.constant 0 : i32
    return %arg0, %c0_i32 : i32, i32
  }
  func.func @transform_2(%arg0: i32) -> (i32, i32) {
    %c0_i32 = arith.constant 0 : i32
    %c0_i32_0 = arith.constant 0 : i32
    return %arg0, %c0_i32 : i32, i32
  }
  func.func @transform_3(%arg0: i32) -> (i32, i32) {
    %c0_i32 = arith.constant 0 : i32
    %c0_i32_0 = arith.constant 0 : i32
    return %arg0, %c0_i32 : i32, i32
  }
  func.func @transform_4(%arg0: i32) -> (i32, i32) {
    %c0_i32 = arith.constant 0 : i32
    %c0_i32_0 = arith.constant 0 : i32
    %c0_i32_1 = arith.constant 0 : i32
    return %c0_i32, %c0_i32_0 : i32, i32
  }
  func.func @transform_5(%arg0: i32) -> (i32, i32) {
    %c0_i32 = arith.constant 0 : i32
    %c0_i32_0 = arith.constant 0 : i32
    %c0_i32_1 = arith.constant 0 : i32
    return %c0_i32, %c0_i32_0 : i32, i32
  }
  func.func @transform_6(%arg0: i32) -> (i32, i32) {
    %c0_i32 = arith.constant 0 : i32
    %c0_i32_0 = arith.constant 0 : i32
    %c0_i32_1 = arith.constant 0 : i32
    return %c0_i32, %c0_i32_0 : i32, i32
  }
  func.func @transform_7(%arg0: i32) -> (i32, i32) {
    %c0_i32 = arith.constant 0 : i32
    %c0_i32_0 = arith.constant 0 : i32
    %c0_i32_1 = arith.constant 0 : i32
    return %c0_i32, %c0_i32_0 : i32, i32
  }
  func.func @transform_8(%arg0: i32) -> (i32, i32) {
    %c0_i32 = arith.constant 0 : i32
    %c0_i32_0 = arith.constant 0 : i32
    %c0_i32_1 = arith.constant 0 : i32
    return %c0_i32, %c0_i32_0 : i32, i32
  }
  func.func @transform_9(%arg0: i32) -> (i32, i32) {
    %c0_i32 = arith.constant 0 : i32
    %c0_i32_0 = arith.constant 0 : i32
    %c0_i32_1 = arith.constant 0 : i32
    return %c0_i32, %c0_i32_0 : i32, i32
  }
  func.func @transform_10(%arg0: i32) -> (i32, i32) {
    %c0_i32 = arith.constant 0 : i32
    %c0_i32_0 = arith.constant 0 : i32
    %c0_i32_1 = arith.constant 0 : i32
    return %c0_i32, %c0_i32_0 : i32, i32
  }
  func.func @transform_11(%arg0: i32) -> (i32, i32) {
    %c0_i32 = arith.constant 0 : i32
    %c0_i32_0 = arith.constant 0 : i32
    %c0_i32_1 = arith.constant 0 : i32
    return %c0_i32, %c0_i32_0 : i32, i32
  }
  func.func @transform_12(%arg0: i32) -> (i32, i32) {
    %c0_i32 = arith.constant 0 : i32
    %c0_i32_0 = arith.constant 0 : i32
    %c0_i32_1 = arith.constant 0 : i32
    return %c0_i32, %c0_i32_0 : i32, i32
  }
  func.func @transform_13(%arg0: i32) -> (i32, i32) {
    %c0_i32 = arith.constant 0 : i32
    %c0_i32_0 = arith.constant 0 : i32
    %c0_i32_1 = arith.constant 0 : i32
    return %c0_i32, %c0_i32_0 : i32, i32
  }
  func.func @transform_14(%arg0: i32) -> (i32, i32) {
    %c0_i32 = arith.constant 0 : i32
    %c0_i32_0 = arith.constant 0 : i32
    %c0_i32_1 = arith.constant 0 : i32
    return %c0_i32, %c0_i32_0 : i32, i32
  }
  func.func @transform_15(%arg0: i32) -> (i32, i32) {
    %c0_i32 = arith.constant 0 : i32
    %c0_i32_0 = arith.constant 0 : i32
    %c0_i32_1 = arith.constant 0 : i32
    return %c0_i32, %c0_i32_0 : i32, i32
  }
  func.func @transform_16(%arg0: i32) -> (i32, i32) {
    %c0_i32 = arith.constant 0 : i32
    %c0_i32_0 = arith.constant 0 : i32
    %c0_i32_1 = arith.constant 0 : i32
    return %c0_i32, %c0_i32_0 : i32, i32
  }
}

</mosaic_0001>

<sc_bundles>
// kernel: kernel.10.cloned.1.call-start
scs
__scs_entry_jumppad:
0x0: {  	(pc) =	sbr.rel $0x88, $3  }
0x1: {  	(tag) =	ssettag $0x0;
	lr =	simm.s32 $0x1  }
0x2: {  	[smem:$0x3F76] =	sst lr;
	_ =	strace $0xD0000000  }
0x3: {  	_ = 	snop  }
0x4: {  	_ = 	snop  }
0x5: {  	_ = 	snop  }
0x6: {  	_ = 	snop  }
0x7: {  	_ = 	snop  }
__scs_overlays_trampoline_lowered:
0x8: {  	[smem:$0x3F85] =	sst s0  }
0x9: {  	[smem:$0x3F86] =	sst s1  }
0xa: {  	[smem:$0x3F87] =	sst s2  }
0xb: {  	[smem:$0x3F88] =	sst s3  }
0xc: {  	[smem:$0x3F89] =	sst s4  }
0xd: {  	[smem:$0x3F8A] =	sst s5  }
0xe: {  	[smem:$0x3F8B] =	sst s6  }
0xf: {  	[smem:$0x3F8C] =	sst s7  }
0x10: {  	[smem:$0x3F8D] =	sst s8  }
0x11: {  	[smem:$0x3F8E] =	sst s9;
	s0 =	simm.s32 @!p0 $0x0  }
0x12: {  	s1 =	sld [smem:$0x3F74];
	s0 =	simm.s32 @p0 $0x1  }
0x13: {  	[smem:$0x3F8F] =	sst s0;
	s0 =	simm.s32 @!p1 $0x0  }
0x14: {  	s2 =	sld [smem:$0x3F73];
	s0 =	simm.s32 @p1 $0x1  }
0x15: {  	[smem:$0x3F90] =	sst s0;
	s0 =	simm.s32 @!p2 $0x0  }
0x16: {  	s3 =	sld [smem:$0x3FDB];
	s0 =	simm.s32 @p2 $0x1  }
0x17: {  	s4 =	simm.s32 $0x1BF5;
	[smem:$0x3F92] =	sst s0  }
0x18: {  	s0 =	sld [smem:$0x3F75];
	_ =	swait.ge [sflag:s4], $0x0  }
0x19: {  	s7 =	sld [smem:$0x3F76]  }
0x1a: {  	s8 =	sadd.s32 $0xFFFFE003, lr  }
0x1b: {  	s9 =	sadd.s32 $0xFFFFFEF7, lr;
	s5 =	simm.s32 $0xFFFFFFFF;
	p2 =	slt.u32 s8, $0xFFFFF086  }
0x1c: {  	p1 =	slt.u32 s9, $0xF7A;
	s5 =	simm.s32 @!p2 $0x0  }
0x1d: {  	s5 =	simm.s32 @p1 $0x1;
	p0 =	seq.s32 s7, s2  }
0x1e: {  	s7 =	smul.u32 @!p0 $0xF7A, s2;
	p2 =	seq.s32 @!p0 s5, $0x0  }
0x1f: {  	s9 =	smul.u32 $0xF7A, s1;
	s8 =	simm.s32 @!p0 $0x1BF5;
	p2 =	por !p2, p0  }
0x20: {  	[sflag:s8] =	ssyncset.s32 @!p0 $0xFFFFF086;
	s6 =	sadd.s32 @!p0 s3, s7;
	s7 =	simm.s32 @!p0 $0x108  }
0x21: {  	s3 =	sadd.s32 s3, s9;
	s6 =	sadd.s32 @!p0 $0x88, s6;
	s7 =	simm.s32 @p2 $0x1082  }
0x22: {  	[simem:s7], [sflag:s8] =	dma.local @!p0 [hbm:s6], $0xF7A  }
0x23: {  	s9 =	sor.u32 $0xD0000000, s2;
	s6 =	simm.s32 $0x108;
	_ =	swait.ge @!p0 [sflag:s8], $0x0  }
0x24: {  	s3 =	sadd.s32 $0x88, s3;
	s6 =	simm.s32 @!p1 $0x1082;
	[sflag:s4] =	ssyncset.s32 $0xFFFFF086  }
0x25: {  	[simem:s6], [sflag:s4] =	dma.local [hbm:s3], $0xF7A  }
0x26: {  	[smem:$0x3F76] =	sst s1;
	(tag) =	ssettag s2;
	_ =	strace s9  }
0x27: {  	s1 =	sld [smem:$0x3F86]  }
0x28: {  	s2 =	sld [smem:$0x3F87]  }
0x29: {  	s4 =	sld [smem:$0x3F89]  }
0x2a: {  	p0 =	seq.s32 s5, $0x0;
	s5 =	sld [smem:$0x3F8A]  }
0x2b: {  	s6 =	sld [smem:$0x3F8B]  }
0x2c: {  	s7 =	sld [smem:$0x3F8C]  }
0x2d: {  	s3 =	simm.s32 $0x108;
	s8 =	sld [smem:$0x3F8D]  }
0x2e: {  	s3 =	simm.s32 @!p0 $0x1082;
	s9 =	sld [smem:$0x3F8E]  }
0x2f: {  	lr =	sadd.s32 s0, s3;
	s0 =	sld [smem:$0x3F85]  }
0x30: {  	s3 =	sld [smem:$0x3F88]  }
0x31: {  	[smem:$0x3F91] =	sst s10  }
0x32: {  	s10 =	sld [smem:$0x3F8F];
	_ =	sdelay $0x3  }
0x33: {  	p0 =	seq.s32 s10, $0x1;
	s10 =	sld [smem:$0x3F91];
	_ =	sdelay $0x3  }
0x34: {  	[smem:$0x3F91] =	sst s10  }
0x35: {  	s10 =	sld [smem:$0x3F90];
	_ =	sdelay $0x3  }
0x36: {  	p1 =	seq.s32 s10, $0x1;
	s10 =	sld [smem:$0x3F91];
	_ =	sdelay $0x3  }
0x37: {  	[smem:$0x3F91] =	sst s10  }
0x38: {  	s10 =	sld [smem:$0x3F92]  }
0x39: {  	_ = 	snop;
	(pc) =	sbr.ind lr, $3  }
0x3a: {  	_ = 	snop  }
0x3b: {  	_ = 	snop  }
0x3c: {  	p2 =	seq.s32 s10, $0x1;
	s10 =	sld [smem:$0x3F91]  }
0x3d: {  	_ =	shalt  }
0x3e: {  	_ =	shalt  }
0x3f: {  	_ =	shalt  }
0x40: {  	_ =	shalt  }
0x41: {  	_ =	shalt  }
0x42: {  	_ =	shalt  }
0x43: {  	_ =	shalt  }
0x44: {  	_ =	shalt  }
0x45: {  	_ =	shalt  }
0x46: {  	_ =	shalt  }
0x47: {  	_ =	shalt  }
0x48: {  	_ =	shalt  }
0x49: {  	_ =	shalt  }
0x4a: {  	_ =	shalt  }
0x4b: {  	_ =	shalt  }
0x4c: {  	_ =	shalt  }
0x4d: {  	_ =	shalt  }
0x4e: {  	_ =	shalt  }
0x4f: {  	_ =	shalt  }
0x50: {  	_ =	shalt  }
0x51: {  	_ =	shalt  }
0x52: {  	_ =	shalt  }
0x53: {  	_ =	shalt  }
0x54: {  	_ =	shalt  }
0x55: {  	_ =	shalt  }
0x56: {  	_ =	shalt  }
0x57: {  	_ =	shalt  }
0x58: {  	_ =	shalt  }
0x59: {  	_ =	shalt  }
0x5a: {  	_ =	shalt  }
0x5b: {  	_ =	shalt  }
0x5c: {  	_ =	shalt  }
0x5d: {  	_ =	shalt  }
0x5e: {  	_ =	shalt  }
0x5f: {  	_ =	shalt  }
0x60: {  	_ =	shalt  }
0x61: {  	_ =	shalt  }
0x62: {  	_ =	shalt  }
0x63: {  	_ =	shalt  }
0x64: {  	_ =	shalt  }
0x65: {  	_ =	shalt  }
0x66: {  	_ =	shalt  }
0x67: {  	_ =	shalt  }
0x68: {  	_ =	shalt  }
0x69: {  	_ =	shalt  }
0x6a: {  	_ =	shalt  }
0x6b: {  	_ =	shalt  }
0x6c: {  	_ =	shalt  }
0x6d: {  	_ =	shalt  }
0x6e: {  	_ =	shalt  }
0x6f: {  	_ =	shalt  }
0x70: {  	_ =	shalt  }
0x71: {  	_ =	shalt  }
0x72: {  	_ =	shalt  }
0x73: {  	_ =	shalt  }
0x74: {  	_ =	shalt  }
0x75: {  	_ =	shalt  }
0x76: {  	_ =	shalt  }
0x77: {  	_ =	shalt  }
0x78: {  	_ =	shalt  }
0x79: {  	_ =	shalt  }
0x7a: {  	_ =	shalt  }
0x7b: {  	_ =	shalt  }
0x7c: {  	_ =	shalt  }
0x7d: {  	_ =	shalt  }
0x7e: {  	_ =	shalt  }
0x7f: {  	_ =	shalt  }
0x80: {  	_ =	shalt  }
0x81: {  	_ =	shalt  }
0x82: {  	_ =	shalt  }
0x83: {  	_ =	shalt  }
0x84: {  	_ =	shalt  }
0x85: {  	_ =	shalt  }
0x86: {  	_ =	shalt  }
0x87: {  	_ =	shalt  }
.Lfunc_end0:
.L_simem_size_0:
called_computation_lowered:
.L_overlay_start_0:
0x88: {  	s2 =	sld [smem:$0x3FD9]  }
0x89: {  	s3 =	sld [smem:$0x3FFE];
	_ =	sdelay $0x1  }
0x8a: {  	s1 =	srdreg.scid  }
0x8b: {  	s0 =	sand.u32 $0x1, s1  }
0x8c: {  	s16 =	sshll.u32 s0, $0xA;
	s2 =	sadd.s32 s3, s2  }
0x8d: {  	s2 =	sadd.s32 s2, s16  }
0x8e: {  	[smem:$0x3F9D] =	sst s2  }
0x8f: {  	_ = 	snop  }
0x90: {  	(tm) =	ssettm $0x1  }
0x91: {  	s17 =	sld [smem:$0x3FFB];
	_ =	sdelay $0x3  }
0x92: {  	_ =	strace s17  }
0x93: {  	s2 =	sld [smem:$0x3FFC];
	_ =	sdelay $0x3  }
0x94: {  	_ =	strace s2  }
0x95: {  	s2 =	sld [smem:$0x3FFD];
	_ =	sdelay $0x3  }
0x96: {  	_ =	strace s2  }
0x97: {  	_ =	strace $0x8FFFFFFF  }
0x98: {  	s18 =	sld [smem:$0x3FDB];
	_ =	sdelay $0x1  }
0x99: {  	s19 =	simm.s32 $_scs_section_size  }
0x9a: {  	s4 =	simm.s32 $_size__tile_overlayer_lowered;
	s5 =	simm.s32 $_tile_overlayer_lowered  }
0x9b: {  	s22 =	simm.s32 $0x1BFF;
	s21 =	sshll.u32 s5, $0x1;
	s2 =	sadd.s32 s19, s18  }
0x9c: {  	s6 =	simm.s32 $0x0;
	s20 =	sshll.u32 s4, $0x1;
	s4 =	sadd.s32 s21, s2  }
0x9d: {  	[timem:s6], [sflag:s22] =	dma.local [hbm:s4], s20  }
0x9e: {  	_ =	swait.ge [sflag:s22], s20  }
0x9f: {  	s3 =	ssub.s32 $0x0, s20;
	[sflag:s22] =	ssyncset.done $0x0  }
0xa0: {  	[sflag:s22] =	ssyncadd.s32 s3;
	_ =	sdelay $0x1  }
0xa1: {  	s23 =	simm.s32 $0x1B8B  }
0xa2: {  	_ =	swait.ge [sflag:s23], $0x1  }
0xa3: {  	[sflag:s23] =	ssyncset.done $0x0  }
0xa4: {  	s25 =	simm.s32 $0x1B8E;
	s24 =	sld [smem:$0x3FFE];
	[sflag:s23] =	ssyncadd.s32 $0xFFFFFFFF  }
0xa5: {  	s26 =	simm.s32 $execute0_lowered;
	[smem:$0x3FD2] =	sst s25  }
0xa6: {  	s4 =	sshll.u32 s26, $0x1;
	_ =	strace $0x80000046;
	[dreg:$0x1] =	wrdreg $0xFFFFFFFF  }
0xa7: {  	s28 =	simm.s32 $_size_execute0_lowered;
	s2 =	sadd.s32 s2, s4;
	[dreg:$0x0] =	wrdreg $0x0  }
0xa8: {  	s4 =	sshll.u32 s28, $0x1;
	[dreg:$0x2] =	wrdreg s2  }
0xa9: {  	[dreg:$0x3] =	wrdreg s4  }
0xaa: {  	[dreg:$0x4] =	wrdreg $0xC0  }
0xab: {  	_ =	task [dreg:s6], $0x5FFFF  }
0xac: {  	[dreg:$0x1] =	wrdreg $0xFFFFFFFF  }
0xad: {  	[dreg:$0x0] =	wrdreg $0x60  }
0xae: {  	[dreg:$0x2] =	wrdreg s24  }
0xaf: {  	[dreg:$0x3] =	wrdreg $0x0  }
0xb0: {  	[dreg:$0x4] =	wrdreg $0x9  }
0xb1: {  	_ =	task.clear_ibuf [dreg:s6], $0x5FFFF;
	_ =	strace $0x90000046  }
0xb2: {  	s29 =	simm.s32 $0x9;
	_ =	strace $0x80000048  }
0xb3: {  	_ =	swait.ge [sflag:s29], $0x1  }
0xb4: {  	[sflag:s29] =	ssyncadd.s32 $0xFFFFFFFF  }
0xb5: {  	_ =	strace $0x90000048  }
0xb6: {  	_ =	sfence  }
0xb7: {  	s30 =	sld [smem:$0x0];
	_ =	sdelay $0x2  }
0xb8: {  	s31 =	sshll.u32 s1, $0xD;
	s1 =	sshrl.u32 s1, $0x2  }
0xb9: {  	s3 =	sand.u32 $0x4000, s31;
	s1 =	sadd.s32 s1, s30  }
0xba: {  	s0 =	sor.u32 s3, s0;
	s1 =	sshll.u32 s1, $0x11  }
0xbb: {  	s0 =	sor.u32 s1, s0  }
0xbc: {  	s0 =	sadd.s32 $0x8F2B, s0  }
0xbd: {  	[sflag:s0] =	ssyncadd.remote.s32 $0x1  }
0xbe: {  	_ =	sfence.sel $0xFFFF  }
0xbf: {  	[dreg:$0x0] =	wrdreg $0xFFFFFFFF;
	(pc) =	sbr.abs _section_cstart, $3  }
0xc0: {  	[dreg:$0x1] =	wrdreg $0xFFFFFFFF  }
0xc1: {  	_ =	task.clear_ibuf [dreg:s6], $0x2FFFF;
	_ =	strace $0x9FFFFFFF  }
0xc2: {  	(tm) =	ssettm $0x7FFFFFFF  }
0xc3: {  	_ =	shalt  }
tec
execute0_lowered:
.L_overlay_start_1:
0x0: {  	(tag) =	ssettag $0x1  }
0x1: {  	s0 =	rddreg [dreg:$0x0]  }
0x2: {  	s2 =	rddreg [dreg:$0x1];
	s3 =	simm.s32 $0x0;
	s11 =	stileid.u32  }
0x3: {  	s6 =	srdreg.scid;
	s20 =	simm.s32 $0x2;
	s21 =	simm.s32 $0x13C00  }
0x4: {  	s22 =	simm.s32 $0x80;
	s23 =	simm.s32 $0x1;
	s1 =	smul.u32 $0x2800, s11  }
0x5: {  	s25 =	simm.s32 $0x1A400;
	s28 =	simm.s32 $0x0;
	s7 =	smul.u32 $0x4F000, s11  }
0x6: {  	[smem:$0x7FF] =	sst s3;
	s9 =	sand.u32 $0x1, s6;
	s15 =	smul.u32 $0x13C00, s11  }
0x7: {  	s4 =	sadd.s32 $0x1EC00, s0;
	s12 =	sadd.s32 $0xAC00, s0;
	s10 =	smul.u32 $0x50000, s9  }
0x8: {  	_ =	strace $0x80000047;
	s16 =	smul.u32 $0x278000, s9;
	s17 =	sshllo.u32 s9, $0x1  }
0x9: {  	s6 =	ssub.s32 $0x2, s9;
	s5 =	sshrl.u32 s1, $0x3;
	s18 =	smul.u32 $0x28000, s17  }
0xa: {  	s26 =	sshrl.u32 s7, $0x2;
	s29 =	sshrl.u32 s6, $0x1;
	s17 =	smul.u32 $0x13C000, s17  }
0xb: {  	s13 =	sadd.s32 s5, s0;
	s0 =	sadd.s32 $0x109200, s0;
	s5 =	sadd.s32 s26, s2  }
0xc: {  	s14 =	ssub.s32 s6, s29;
	s10 =	sadd.s32 s1, s10;
	s16 =	sadd.s32 s15, s16  }
0xd: {  	s26 =	simm.s32 $0x16300;
	s6 =	sadd.s32 $0x4000, s5;
	s7 =	sadd.s32 $0x8000, s5  }
0xe: {  	s8 =	sadd.s32 $0xC000, s5;
	s10 =	sshrl.u32 s10, $0x3;
	s9 =	sadd.s32 $0x10000, s5  }
0xf: {  	s11 =	sadd.s32 $0x5C00, s13;
	s13 =	sadd.s32 $0x5E80, s13;
	s1 =	sadd.s32 s1, s18  }
0x10: {  	s16 =	sshrl.u32 s16, $0x3;
	s17 =	sadd.s32 s15, s17;
	s18 =	smax.u32 s14, $0x1  }
0x11: {  	s10 =	sadd.s32 s12, s10;
	s1 =	sshrl.u32 s1, $0x3;
	s30 =	sadd.s32 s0, s16  }
0x12: {  	s19 =	sadd.s32 $0x280, s10;
	[dreg:$0x4] =	wrdreg s30;
	s15 =	sadd.s32 s12, s1  }
0x13: {  	s31 =	sshrl.u32 s17, $0x3;
	[dreg:$0x3] =	wrdreg s19;
	s12 =	sadd.s32 $0x280, s15  }
0x14: {  	v0 =	vimm.f32 $0.0e+00;
	s17 =	sadd.s32 s0, s31;
	s19 =	simm.s32 $0x16400;
	[dreg:$0x5] =	wrdreg s12  }
.LBB2_1:
0x15: {  	s0 =	sand.u32 $0xFE00, s3  }
0x16: {  	s1 =	sand.u32 $0x70, s3;
	s12 =	sshrl.u32 s0, $0x2  }
0x17: {  	s0 =	simm.s32 $0x40;
	s12 =	sor.u32 s1, s12;
	s1 =	simm.s32 $0x0  }
.LBB2_2:
0x18: {  	p0 =	sne.s32 s0, $0xFFC0  }
0x19: {  	[tilespmem:s12+$0x16400] =	vst v0;
	s1 =	sadd.s32 $0x10, s1;
	s12 =	smov.u32 s0;
	s0 =	sadd.s32 $0x40, s0  }
.Ltmp0:
0x1a: {  	(pc) =	sbr.rel @p0 .LBB2_2-.Ltmp0, $4  }
0x1b: {  	_ = 	snop  }
0x1c: {  	s12 =	sand.u32 $0xFE00, s12  }
0x1d: {  	s14 =	sand.u32 $0x70, s1;
	s12 =	sshrl.u32 s12, $0x2  }
0x1e: {  	s12 =	sor.u32 s14, s12  }
0x1f: {  	[tilespmem:s12+$0x16400] =	vst v0  }
0x20: {  	[spmem:s5] =	stream.linear.scatter [tilespmem:s19], [sflag:$0x2], $0x4000, $0x38;
	[tilespmem:$0x1E400] =	vst v63  }
0x21: {  	_ =	swait.ge [sflag:s20], $0x4000  }
0x22: {  	[sflag:s20] =	ssyncset.done $0x0  }
0x23: {  	[sflag:s20] =	ssyncadd.s32 $0xFFFFC000  }
0x24: {  	[spmem:s6] =	stream.linear.scatter [tilespmem:s19], [sflag:$0x2], $0x4000, $0x38;
	[tilespmem:$0x1E400] =	vst v63  }
0x25: {  	_ =	swait.ge [sflag:s20], $0x4000  }
0x26: {  	[sflag:s20] =	ssyncset.done $0x0  }
0x27: {  	[sflag:s20] =	ssyncadd.s32 $0xFFFFC000  }
0x28: {  	[spmem:s7] =	stream.linear.scatter [tilespmem:s19], [sflag:$0x2], $0x4000, $0x38;
	[tilespmem:$0x1E400] =	vst v63  }
0x29: {  	_ =	swait.ge [sflag:s20], $0x4000  }
0x2a: {  	[sflag:s20] =	ssyncset.done $0x0  }
0x2b: {  	[sflag:s20] =	ssyncadd.s32 $0xFFFFC000  }
0x2c: {  	[spmem:s8] =	stream.linear.scatter [tilespmem:s19], [sflag:$0x2], $0x4000, $0x38;
	[tilespmem:$0x1E400] =	vst v63  }
0x2d: {  	_ =	swait.ge [sflag:s20], $0x4000  }
0x2e: {  	[sflag:s20] =	ssyncset.done $0x0  }
0x2f: {  	[sflag:s20] =	ssyncadd.s32 $0xFFFFC000  }
0x30: {  	[spmem:s9] =	stream.linear.scatter [tilespmem:s19], [sflag:$0x2], $0x3C00, $0x38;
	[tilespmem:$0x1E400] =	vst v63  }
0x31: {  	_ =	swait.ge [sflag:s20], $0x3C00  }
0x32: {  	[sflag:s20] =	ssyncset.done $0x0  }
0x33: {  	[sflag:s20] =	ssyncadd.s32 $0xFFFFC400  }
0x34: {  	[bflag:$0x0] =	sbarrier.arrive $0xFFFF  }
0x35: {  	[tilespmem:s21], [sflag:$0x2] =	stream.linear.gather [hbm4b:s10+s3], $0x1400, $0x38;
	[tilespmem:$0x1E400] =	vst v63  }
0x36: {  	_ =	swait.ge [sflag:s20], $0x1400  }
0x37: {  	[sflag:s20] =	ssyncset.done $0x0  }
0x38: {  	s0 =	simm.s32 $0x15000;
	[sflag:s20] =	ssyncadd.s32 $0xFFFFEC00  }
0x39: {  	[tilespmem:s0], [sflag:$0x2] =	stream.linear.gather [hbm4b:s11+s3], $0x1400, $0x38;
	[tilespmem:$0x1E400] =	vst v63  }
0x3a: {  	s1 =	simm.s32 $0x10000;
	_ =	swait.ge [sflag:s20], $0x1400  }
0x3b: {  	s1 =	sand.u32 $0x10000, s1;
	[sflag:s20] =	ssyncset.done $0x0  }
0x3c: {  	s1 =	sshrl.u32 s1, $0x2;
	[sflag:s20] =	ssyncadd.s32 $0xFFFFEC00  }
0x3d: {  	[tilespmem:s19], [sflag:$0x1] =	stream.indirect.gather [hbm4b:s4+s22], $0x80, s21, s22, $0xb8;
	[tilespmem:$0x1E400] =	vst v63  }
0x3e: {  	s31 =	simm.s32 $0x13C80;
	s14 =	simm.s32 $0x0;
	s1 =	sadd.s32 $0x16400, s1  }
0x3f: {  	[tilespmem:s1], [sflag:$0x1] =	stream.indirect.gather [hbm4b:s4+s22], $0x80, s31, s22, $0xb8;
	[tilespmem:$0x1E400] =	vst v63  }
0x40: {  	s16 =	sand.u32 $0x10000, s14;
	_ =	swait.ge [sflag:s23], $0x4000  }
0x41: {  	s29 =	simm.s32 $0x20000;
	s24 =	sshrl.u32 s16, $0x2;
	[sflag:s23] =	ssyncset.done $0x0  }
0x42: {  	s30 =	simm.s32 $0x15080;
	s12 =	sadd.s32 $0x16400, s24;
	[sflag:s23] =	ssyncadd.s32 $0xFFFFC000  }
0x43: {  	[spmem:s2] =	stream.indirect.scatter.add.f32 [tilespmem:s12], [sflag:$0x2], $0x80, s0, s22, $0xb8;
	[tilespmem:$0x1E400] =	vst v63  }
0x44: {  	s1 =	simm.s32 $0x30000;
	s31 =	sand.u32 $0x10000, s29;
	_ =	swait.ge [sflag:s20], $0x4000  }
0x45: {  	s0 =	simm.s32 $0x13D00;
	s12 =	sshrl.u32 s31, $0x2;
	[sflag:s20] =	ssyncset.done $0x0  }
.LBB2_4:
0x46: {  	s12 =	sadd.s32 $0x16400, s12;
	s14 =	sadd.s32 $0xFFFF0000, s29  }
0x47: {  	[sflag:s20] =	ssyncadd.s32 $0xFFFFC000;
	s29 =	smov.u32 s1;
	s31 =	sadd.s32 $0x10000, s1  }
0x48: {  	[tilespmem:s12], [sflag:$0x1] =	stream.indirect.gather [hbm4b:s4+s22], $0x80, s0, s22, $0xb8;
	[tilespmem:$0x1E400] =	vst v63  }
0x49: {  	p0 =	sne.s32 s1, $0x270000;
	s12 =	sand.u32 $0x10000, s14;
	_ =	swait.ge [sflag:s23], $0x4000  }
.Ltmp1:
0x4a: {  	s12 =	sshrl.u32 s12, $0x2;
	[sflag:s23] =	ssyncset.done $0x0;
	(pc) =	sbr.rel @p0 .LBB2_4-.Ltmp1, $4  }
0x4b: {  	s0 =	sadd.s32 $0x80, s0;
	s1 =	sadd.s32 $0x16400, s12;
	[sflag:s23] =	ssyncadd.s32 $0xFFFFC000  }
0x4c: {  	[spmem:s2] =	stream.indirect.scatter.add.f32 [tilespmem:s1], [sflag:$0x2], $0x80, s30, s22, $0xb8;
	[tilespmem:$0x1E400] =	vst v63  }
0x4d: {  	s1 =	sand.u32 $0x10000, s29;
	s30 =	sadd.s32 $0x80, s30;
	_ =	swait.ge [sflag:s20], $0x4000  }
0x4e: {  	s12 =	sshrl.u32 s1, $0x2;
	s1 =	smov.u32 s31;
	[sflag:s20] =	ssyncset.done $0x0  }
0x4f: {  	s1 =	sadd.s32 $0x16400, s12;
	s31 =	sadd.s32 $0xFFFF0000, s29;
	[sflag:s20] =	ssyncadd.s32 $0xFFFFC000  }
0x50: {  	[tilespmem:s1], [sflag:$0x1] =	stream.indirect.gather [hbm4b:s4+s22], $0x80, s0, s22, $0xb8;
	[tilespmem:$0x1E400] =	vst v63  }
0x51: {  	s12 =	sand.u32 $0x10000, s31;
	_ =	swait.ge [sflag:s23], $0x4000  }
0x52: {  	s0 =	sshrl.u32 s12, $0x2;
	[sflag:s23] =	ssyncset.done $0x0  }
0x53: {  	s0 =	sadd.s32 $0x16400, s0;
	[sflag:s23] =	ssyncadd.s32 $0xFFFFC000  }
0x54: {  	[spmem:s2] =	stream.indirect.scatter.add.f32 [tilespmem:s0], [sflag:$0x2], $0x80, s30, s22, $0xb8;
	[tilespmem:$0x1E400] =	vst v63  }
0x55: {  	_ =	swait.ge [sflag:s20], $0x4000  }
0x56: {  	[sflag:s20] =	ssyncset.done $0x0  }
0x57: {  	[sflag:s20] =	ssyncadd.s32 $0xFFFFC000  }
0x58: {  	_ =	swait.ge [sflag:s23], $0x4000  }
0x59: {  	[sflag:s23] =	ssyncset.done $0x0  }
0x5a: {  	s14 =	simm.s32 $0x16380;
	[sflag:s23] =	ssyncadd.s32 $0xFFFFC000  }
0x5b: {  	[spmem:s2] =	stream.indirect.scatter.add.f32 [tilespmem:s25], [sflag:$0x2], $0x80, s14, s22, $0xb8;
	[tilespmem:$0x1E400] =	vst v63  }
0x5c: {  	_ =	swait.ge [sflag:s20], $0x4000  }
0x5d: {  	[sflag:s20] =	ssyncset.done $0x0  }
0x5e: {  	s16 =	rddreg [dreg:$0x3];
	[sflag:s20] =	ssyncadd.s32 $0xFFFFC000  }
0x5f: {  	[tilespmem:s21], [sflag:$0x2] =	stream.linear.gather [hbm4b:s16+s3], $0x1380, $0x38;
	[tilespmem:$0x1E400] =	vst v63  }
0x60: {  	_ =	swait.ge [sflag:s20], $0x1380  }
0x61: {  	[sflag:s20] =	ssyncset.done $0x0  }
0x62: {  	s0 =	simm.s32 $0x15000;
	[sflag:s20] =	ssyncadd.s32 $0xFFFFEC80  }
0x63: {  	[tilespmem:s0], [sflag:$0x2] =	stream.linear.gather [hbm4b:s13+s3], $0x1380, $0x38;
	[tilespmem:$0x1E400] =	vst v63  }
0x64: {  	s24 =	simm.s32 $0x10000;
	_ =	swait.ge [sflag:s20], $0x1380  }
0x65: {  	s1 =	sand.u32 $0x10000, s24;
	[sflag:s20] =	ssyncset.done $0x0  }
0x66: {  	s1 =	sshrl.u32 s1, $0x2;
	[sflag:s20] =	ssyncadd.s32 $0xFFFFEC80  }
0x67: {  	[tilespmem:s19], [sflag:$0x1] =	stream.indirect.gather [hbm4b:s4+s22], $0x80, s21, s22, $0xb8;
	[tilespmem:$0x1E400] =	vst v63  }
0x68: {  	s31 =	simm.s32 $0x13C80;
	s1 =	sadd.s32 $0x16400, s1;
	s14 =	simm.s32 $0x0  }
0x69: {  	[tilespmem:s1], [sflag:$0x1] =	stream.indirect.gather [hbm4b:s4+s22], $0x80, s31, s22, $0xb8;
	[tilespmem:$0x1E400] =	vst v63  }
0x6a: {  	s16 =	sand.u32 $0x10000, s14;
	_ =	swait.ge [sflag:s23], $0x4000  }
0x6b: {  	s29 =	simm.s32 $0x20000;
	s24 =	sshrl.u32 s16, $0x2;
	[sflag:s23] =	ssyncset.done $0x0  }
0x6c: {  	s30 =	simm.s32 $0x15080;
	s12 =	sadd.s32 $0x16400, s24;
	[sflag:s23] =	ssyncadd.s32 $0xFFFFC000  }
0x6d: {  	[spmem:s2] =	stream.indirect.scatter.add.f32 [tilespmem:s12], [sflag:$0x2], $0x80, s0, s22, $0xb8;
	[tilespmem:$0x1E400] =	vst v63  }
0x6e: {  	s1 =	simm.s32 $0x30000;
	s31 =	sand.u32 $0x10000, s29;
	_ =	swait.ge [sflag:s20], $0x4000  }
0x6f: {  	s0 =	simm.s32 $0x13D00;
	s12 =	sshrl.u32 s31, $0x2;
	[sflag:s20] =	ssyncset.done $0x0  }
.LBB2_6:
0x70: {  	s12 =	sadd.s32 $0x16400, s12;
	s14 =	sadd.s32 $0xFFFF0000, s29  }
0x71: {  	[sflag:s20] =	ssyncadd.s32 $0xFFFFC000;
	s29 =	smov.u32 s1;
	s31 =	sadd.s32 $0x10000, s1  }
0x72: {  	[tilespmem:s12], [sflag:$0x1] =	stream.indirect.gather [hbm4b:s4+s22], $0x80, s0, s22, $0xb8;
	[tilespmem:$0x1E400] =	vst v63  }
0x73: {  	p0 =	sne.s32 s1, $0x260000;
	s12 =	sand.u32 $0x10000, s14;
	_ =	swait.ge [sflag:s23], $0x4000  }
.Ltmp2:
0x74: {  	s12 =	sshrl.u32 s12, $0x2;
	[sflag:s23] =	ssyncset.done $0x0;
	(pc) =	sbr.rel @p0 .LBB2_6-.Ltmp2, $4  }
0x75: {  	s0 =	sadd.s32 $0x80, s0;
	s1 =	sadd.s32 $0x16400, s12;
	[sflag:s23] =	ssyncadd.s32 $0xFFFFC000  }
0x76: {  	[spmem:s2] =	stream.indirect.scatter.add.f32 [tilespmem:s1], [sflag:$0x2], $0x80, s30, s22, $0xb8;
	[tilespmem:$0x1E400] =	vst v63  }
0x77: {  	s1 =	sand.u32 $0x10000, s29;
	s30 =	sadd.s32 $0x80, s30;
	_ =	swait.ge [sflag:s20], $0x4000  }
0x78: {  	s12 =	sshrl.u32 s1, $0x2;
	s1 =	smov.u32 s31;
	[sflag:s20] =	ssyncset.done $0x0  }
0x79: {  	s1 =	sadd.s32 $0x16400, s12;
	s31 =	sadd.s32 $0xFFFF0000, s29;
	[sflag:s20] =	ssyncadd.s32 $0xFFFFC000  }
0x7a: {  	[tilespmem:s1], [sflag:$0x1] =	stream.indirect.gather [hbm4b:s4+s22], $0x80, s0, s22, $0xb8;
	[tilespmem:$0x1E400] =	vst v63  }
0x7b: {  	s12 =	sand.u32 $0x10000, s31;
	_ =	swait.ge [sflag:s23], $0x4000  }
0x7c: {  	s0 =	sshrl.u32 s12, $0x2;
	[sflag:s23] =	ssyncset.done $0x0  }
0x7d: {  	s0 =	sadd.s32 $0x16400, s0;
	[sflag:s23] =	ssyncadd.s32 $0xFFFFC000  }
0x7e: {  	[spmem:s2] =	stream.indirect.scatter.add.f32 [tilespmem:s0], [sflag:$0x2], $0x80, s30, s22, $0xb8;
	[tilespmem:$0x1E400] =	vst v63  }
0x7f: {  	_ =	swait.ge [sflag:s20], $0x4000  }
0x80: {  	[sflag:s20] =	ssyncset.done $0x0  }
0x81: {  	[sflag:s20] =	ssyncadd.s32 $0xFFFFC000  }
0x82: {  	_ =	swait.ge [sflag:s23], $0x4000  }
0x83: {  	[sflag:s23] =	ssyncset.done $0x0  }
0x84: {  	[sflag:s23] =	ssyncadd.s32 $0xFFFFC000  }
0x85: {  	[spmem:s2] =	stream.indirect.scatter.add.f32 [tilespmem:s19], [sflag:$0x2], $0x80, s26, s22, $0xb8;
	[tilespmem:$0x1E400] =	vst v63  }
0x86: {  	_ =	swait.ge [sflag:s20], $0x4000  }
0x87: {  	[sflag:s20] =	ssyncset.done $0x0  }
0x88: {  	s14 =	stileid.u32;
	[sflag:s20] =	ssyncadd.s32 $0xFFFFC000  }
0x89: {  	s0 =	sshll.u32 s14, $0x6;
	s30 =	sshrl.u32 s5, $0x3;
	[bflag:$0x0] =	sbarrier.arrive $0xFFFF  }
0x8a: {  	s29 =	sor.u32 $0x1C02, s0;
	s0 =	simm.s32 $0x0;
	s16 =	rddreg [dreg:$0x4]  }
0x8b: {  	[hbm:s16], [sflag:s29] =	dma.local [spmem:s30], $0x2780  }
0x8c: {  	s24 =	sand.u32 $0xFE00, s0;
	_ =	swait.ge [sflag:s20], $0x2780  }
0x8d: {  	s31 =	sand.u32 $0x70, s0;
	s14 =	sshrl.u32 s24, $0x2;
	[sflag:s20] =	ssyncset.done $0x0  }
0x8e: {  	s1 =	simm.s32 $0x40;
	s12 =	sor.u32 s31, s14;
	[sflag:s20] =	ssyncadd.s32 $0xFFFFD880  }
.LBB2_8:
0x8f: {  	p0 =	sne.s32 s1, $0xFFC0  }
0x90: {  	[tilespmem:s12+$0x16400] =	vst v0;
	s0 =	sadd.s32 $0x10, s0;
	s12 =	smov.u32 s1;
	s1 =	sadd.s32 $0x40, s1  }
.Ltmp3:
0x91: {  	(pc) =	sbr.rel @p0 .LBB2_8-.Ltmp3, $4  }
0x92: {  	_ = 	snop  }
0x93: {  	s12 =	sand.u32 $0xFE00, s12  }
0x94: {  	s14 =	sand.u32 $0x70, s0;
	s12 =	sshrl.u32 s12, $0x2  }
0x95: {  	s12 =	sor.u32 s14, s12  }
0x96: {  	[tilespmem:s12+$0x16400] =	vst v0  }
0x97: {  	[spmem:s5] =	stream.linear.scatter [tilespmem:s19], [sflag:$0x2], $0x4000, $0x38;
	[tilespmem:$0x1E400] =	vst v63  }
0x98: {  	_ =	swait.ge [sflag:s20], $0x4000  }
0x99: {  	[sflag:s20] =	ssyncset.done $0x0  }
0x9a: {  	[sflag:s20] =	ssyncadd.s32 $0xFFFFC000  }
0x9b: {  	[spmem:s6] =	stream.linear.scatter [tilespmem:s19], [sflag:$0x2], $0x4000, $0x38;
	[tilespmem:$0x1E400] =	vst v63  }
0x9c: {  	_ =	swait.ge [sflag:s20], $0x4000  }
0x9d: {  	[sflag:s20] =	ssyncset.done $0x0  }
0x9e: {  	[sflag:s20] =	ssyncadd.s32 $0xFFFFC000  }
0x9f: {  	[spmem:s7] =	stream.linear.scatter [tilespmem:s19], [sflag:$0x2], $0x4000, $0x38;
	[tilespmem:$0x1E400] =	vst v63  }
0xa0: {  	_ =	swait.ge [sflag:s20], $0x4000  }
0xa1: {  	[sflag:s20] =	ssyncset.done $0x0  }
0xa2: {  	[sflag:s20] =	ssyncadd.s32 $0xFFFFC000  }
0xa3: {  	[spmem:s8] =	stream.linear.scatter [tilespmem:s19], [sflag:$0x2], $0x4000, $0x38;
	[tilespmem:$0x1E400] =	vst v63  }
0xa4: {  	_ =	swait.ge [sflag:s20], $0x4000  }
0xa5: {  	[sflag:s20] =	ssyncset.done $0x0  }
0xa6: {  	[sflag:s20] =	ssyncadd.s32 $0xFFFFC000  }
0xa7: {  	[spmem:s9] =	stream.linear.scatter [tilespmem:s19], [sflag:$0x2], $0x3C00, $0x38;
	[tilespmem:$0x1E400] =	vst v63  }
0xa8: {  	_ =	swait.ge [sflag:s20], $0x3C00  }
0xa9: {  	[sflag:s20] =	ssyncset.done $0x0  }
0xaa: {  	[sflag:s20] =	ssyncadd.s32 $0xFFFFC400  }
0xab: {  	[bflag:$0x0] =	sbarrier.arrive $0xFFFF  }
0xac: {  	[tilespmem:s21], [sflag:$0x2] =	stream.linear.gather [hbm4b:s15+s3], $0x1400, $0x38;
	[tilespmem:$0x1E400] =	vst v63  }
0xad: {  	_ =	swait.ge [sflag:s20], $0x1400  }
0xae: {  	[sflag:s20] =	ssyncset.done $0x0  }
0xaf: {  	s0 =	simm.s32 $0x15000;
	[sflag:s20] =	ssyncadd.s32 $0xFFFFEC00  }
0xb0: {  	[tilespmem:s0], [sflag:$0x2] =	stream.linear.gather [hbm4b:s11+s3], $0x1400, $0x38;
	[tilespmem:$0x1E400] =	vst v63  }
0xb1: {  	s1 =	simm.s32 $0x10000;
	_ =	swait.ge [sflag:s20], $0x1400  }
0xb2: {  	s1 =	sand.u32 $0x10000, s1;
	[sflag:s20] =	ssyncset.done $0x0  }
0xb3: {  	s1 =	sshrl.u32 s1, $0x2;
	[sflag:s20] =	ssyncadd.s32 $0xFFFFEC00  }
0xb4: {  	[tilespmem:s19], [sflag:$0x1] =	stream.indirect.gather [hbm4b:s4+s22], $0x80, s21, s22, $0xb8;
	[tilespmem:$0x1E400] =	vst v63  }
0xb5: {  	s24 =	simm.s32 $0x13C80;
	s14 =	simm.s32 $0x0;
	s1 =	sadd.s32 $0x16400, s1  }
0xb6: {  	[tilespmem:s1], [sflag:$0x1] =	stream.indirect.gather [hbm4b:s4+s22], $0x80, s24, s22, $0xb8;
	[tilespmem:$0x1E400] =	vst v63  }
0xb7: {  	s16 =	sand.u32 $0x10000, s14;
	_ =	swait.ge [sflag:s23], $0x4000  }
0xb8: {  	s31 =	simm.s32 $0x20000;
	s1 =	sshrl.u32 s16, $0x2;
	[sflag:s23] =	ssyncset.done $0x0  }
0xb9: {  	s24 =	sand.u32 $0x10000, s31;
	s1 =	sadd.s32 $0x16400, s1;
	[sflag:s23] =	ssyncadd.s32 $0xFFFFC000  }
0xba: {  	[spmem:s2] =	stream.indirect.scatter.add.f32 [tilespmem:s1], [sflag:$0x2], $0x80, s0, s22, $0xb8;
	[tilespmem:$0x1E400] =	vst v63  }
0xbb: {  	s12 =	simm.s32 $0x30000;
	s14 =	sshrl.u32 s24, $0x2;
	_ =	swait.ge [sflag:s20], $0x4000  }
0xbc: {  	s1 =	simm.s32 $0x13D00;
	s0 =	simm.s32 $0x15080;
	[sflag:s20] =	ssyncset.done $0x0  }
.LBB2_10:
0xbd: {  	s14 =	sadd.s32 $0x16400, s14;
	s16 =	sadd.s32 $0xFFFF0000, s31  }
0xbe: {  	[sflag:s20] =	ssyncadd.s32 $0xFFFFC000;
	s31 =	smov.u32 s12;
	s24 =	sadd.s32 $0x10000, s12  }
0xbf: {  	[tilespmem:s14], [sflag:$0x1] =	stream.indirect.gather [hbm4b:s4+s22], $0x80, s1, s22, $0xb8;
	[tilespmem:$0x1E400] =	vst v63  }
0xc0: {  	p0 =	sne.s32 s12, $0x270000;
	s14 =	sand.u32 $0x10000, s16;
	_ =	swait.ge [sflag:s23], $0x4000  }
.Ltmp4:
0xc1: {  	s14 =	sshrl.u32 s14, $0x2;
	[sflag:s23] =	ssyncset.done $0x0;
	(pc) =	sbr.rel @p0 .LBB2_10-.Ltmp4, $4  }
0xc2: {  	s1 =	sadd.s32 $0x80, s1;
	s12 =	sadd.s32 $0x16400, s14;
	[sflag:s23] =	ssyncadd.s32 $0xFFFFC000  }
0xc3: {  	[spmem:s2] =	stream.indirect.scatter.add.f32 [tilespmem:s12], [sflag:$0x2], $0x80, s0, s22, $0xb8;
	[tilespmem:$0x1E400] =	vst v63  }
0xc4: {  	s12 =	sand.u32 $0x10000, s31;
	s0 =	sadd.s32 $0x80, s0;
	_ =	swait.ge [sflag:s20], $0x4000  }
0xc5: {  	s14 =	sshrl.u32 s12, $0x2;
	s12 =	smov.u32 s24;
	[sflag:s20] =	ssyncset.done $0x0  }
0xc6: {  	s12 =	sadd.s32 $0x16400, s14;
	s16 =	sadd.s32 $0xFFFF0000, s31;
	[sflag:s20] =	ssyncadd.s32 $0xFFFFC000  }
0xc7: {  	[tilespmem:s12], [sflag:$0x1] =	stream.indirect.gather [hbm4b:s4+s22], $0x80, s1, s22, $0xb8;
	[tilespmem:$0x1E400] =	vst v63  }
0xc8: {  	s24 =	sand.u32 $0x10000, s16;
	_ =	swait.ge [sflag:s23], $0x4000  }
0xc9: {  	s1 =	sshrl.u32 s24, $0x2;
	[sflag:s23] =	ssyncset.done $0x0  }
0xca: {  	s1 =	sadd.s32 $0x16400, s1;
	[sflag:s23] =	ssyncadd.s32 $0xFFFFC000  }
0xcb: {  	[spmem:s2] =	stream.indirect.scatter.add.f32 [tilespmem:s1], [sflag:$0x2], $0x80, s0, s22, $0xb8;
	[tilespmem:$0x1E400] =	vst v63  }
0xcc: {  	_ =	swait.ge [sflag:s20], $0x4000  }
0xcd: {  	[sflag:s20] =	ssyncset.done $0x0  }
0xce: {  	[sflag:s20] =	ssyncadd.s32 $0xFFFFC000  }
0xcf: {  	_ =	swait.ge [sflag:s23], $0x4000  }
0xd0: {  	[sflag:s23] =	ssyncset.done $0x0  }
0xd1: {  	s1 =	simm.s32 $0x16380;
	[sflag:s23] =	ssyncadd.s32 $0xFFFFC000  }
0xd2: {  	[spmem:s2] =	stream.indirect.scatter.add.f32 [tilespmem:s25], [sflag:$0x2], $0x80, s1, s22, $0xb8;
	[tilespmem:$0x1E400] =	vst v63  }
0xd3: {  	_ =	swait.ge [sflag:s20], $0x4000  }
0xd4: {  	[sflag:s20] =	ssyncset.done $0x0  }
0xd5: {  	s12 =	rddreg [dreg:$0x5];
	[sflag:s20] =	ssyncadd.s32 $0xFFFFC000  }
0xd6: {  	[tilespmem:s21], [sflag:$0x2] =	stream.linear.gather [hbm4b:s12+s3], $0x1380, $0x38;
	[tilespmem:$0x1E400] =	vst v63  }
0xd7: {  	_ =	swait.ge [sflag:s20], $0x1380  }
0xd8: {  	[sflag:s20] =	ssyncset.done $0x0  }
0xd9: {  	s0 =	simm.s32 $0x15000;
	[sflag:s20] =	ssyncadd.s32 $0xFFFFEC80  }
0xda: {  	[tilespmem:s0], [sflag:$0x2] =	stream.linear.gather [hbm4b:s13+s3], $0x1380, $0x38;
	[tilespmem:$0x1E400] =	vst v63  }
0xdb: {  	s14 =	simm.s32 $0x10000;
	_ =	swait.ge [sflag:s20], $0x1380  }
0xdc: {  	s1 =	sand.u32 $0x10000, s14;
	[sflag:s20] =	ssyncset.done $0x0  }
0xdd: {  	s1 =	sshrl.u32 s1, $0x2;
	[sflag:s20] =	ssyncadd.s32 $0xFFFFEC80  }
0xde: {  	[tilespmem:s19], [sflag:$0x1] =	stream.indirect.gather [hbm4b:s4+s22], $0x80, s21, s22, $0xb8;
	[tilespmem:$0x1E400] =	vst v63  }
0xdf: {  	s16 =	simm.s32 $0x13C80;
	s24 =	simm.s32 $0x0;
	s1 =	sadd.s32 $0x16400, s1  }
0xe0: {  	[tilespmem:s1], [sflag:$0x1] =	stream.indirect.gather [hbm4b:s4+s22], $0x80, s16, s22, $0xb8;
	[tilespmem:$0x1E400] =	vst v63  }
0xe1: {  	s16 =	sand.u32 $0x10000, s24;
	_ =	swait.ge [sflag:s23], $0x4000  }
0xe2: {  	s31 =	simm.s32 $0x20000;
	s1 =	sshrl.u32 s16, $0x2;
	[sflag:s23] =	ssyncset.done $0x0  }
0xe3: {  	s24 =	sand.u32 $0x10000, s31;
	s1 =	sadd.s32 $0x16400, s1;
	[sflag:s23] =	ssyncadd.s32 $0xFFFFC000  }
0xe4: {  	[spmem:s2] =	stream.indirect.scatter.add.f32 [tilespmem:s1], [sflag:$0x2], $0x80, s0, s22, $0xb8;
	[tilespmem:$0x1E400] =	vst v63  }
0xe5: {  	s12 =	simm.s32 $0x30000;
	s14 =	sshrl.u32 s24, $0x2;
	_ =	swait.ge [sflag:s20], $0x4000  }
0xe6: {  	s1 =	simm.s32 $0x13D00;
	s0 =	simm.s32 $0x15080;
	[sflag:s20] =	ssyncset.done $0x0  }
.LBB2_12:
0xe7: {  	s14 =	sadd.s32 $0x16400, s14;
	s16 =	sadd.s32 $0xFFFF0000, s31  }
0xe8: {  	[sflag:s20] =	ssyncadd.s32 $0xFFFFC000;
	s31 =	smov.u32 s12;
	s24 =	sadd.s32 $0x10000, s12  }
0xe9: {  	[tilespmem:s14], [sflag:$0x1] =	stream.indirect.gather [hbm4b:s4+s22], $0x80, s1, s22, $0xb8;
	[tilespmem:$0x1E400] =	vst v63  }
0xea: {  	p0 =	sne.s32 s12, $0x260000;
	s14 =	sand.u32 $0x10000, s16;
	_ =	swait.ge [sflag:s23], $0x4000  }
.Ltmp5:
0xeb: {  	s14 =	sshrl.u32 s14, $0x2;
	[sflag:s23] =	ssyncset.done $0x0;
	(pc) =	sbr.rel @p0 .LBB2_12-.Ltmp5, $4  }
0xec: {  	s1 =	sadd.s32 $0x80, s1;
	s12 =	sadd.s32 $0x16400, s14;
	[sflag:s23] =	ssyncadd.s32 $0xFFFFC000  }
0xed: {  	[spmem:s2] =	stream.indirect.scatter.add.f32 [tilespmem:s12], [sflag:$0x2], $0x80, s0, s22, $0xb8;
	[tilespmem:$0x1E400] =	vst v63  }
0xee: {  	s12 =	sand.u32 $0x10000, s31;
	s0 =	sadd.s32 $0x80, s0;
	_ =	swait.ge [sflag:s20], $0x4000  }
0xef: {  	s14 =	sshrl.u32 s12, $0x2;
	s12 =	smov.u32 s24;
	[sflag:s20] =	ssyncset.done $0x0  }
0xf0: {  	s12 =	sadd.s32 $0x16400, s14;
	s24 =	sadd.s32 $0xFFFF0000, s31;
	[sflag:s20] =	ssyncadd.s32 $0xFFFFC000  }
0xf1: {  	[tilespmem:s12], [sflag:$0x1] =	stream.indirect.gather [hbm4b:s4+s22], $0x80, s1, s22, $0xb8;
	[tilespmem:$0x1E400] =	vst v63  }
0xf2: {  	s31 =	sand.u32 $0x10000, s24;
	_ =	swait.ge [sflag:s23], $0x4000  }
0xf3: {  	s1 =	sshrl.u32 s31, $0x2;
	[sflag:s23] =	ssyncset.done $0x0  }
0xf4: {  	s1 =	sadd.s32 $0x16400, s1;
	[sflag:s23] =	ssyncadd.s32 $0xFFFFC000  }
0xf5: {  	[spmem:s2] =	stream.indirect.scatter.add.f32 [tilespmem:s1], [sflag:$0x2], $0x80, s0, s22, $0xb8;
	[tilespmem:$0x1E400] =	vst v63  }
0xf6: {  	_ =	swait.ge [sflag:s20], $0x4000  }
0xf7: {  	[sflag:s20] =	ssyncset.done $0x0  }
0xf8: {  	[sflag:s20] =	ssyncadd.s32 $0xFFFFC000  }
0xf9: {  	_ =	swait.ge [sflag:s23], $0x4000  }
0xfa: {  	[sflag:s23] =	ssyncset.done $0x0  }
0xfb: {  	[sflag:s23] =	ssyncadd.s32 $0xFFFFC000  }
0xfc: {  	[spmem:s2] =	stream.indirect.scatter.add.f32 [tilespmem:s19], [sflag:$0x2], $0x80, s26, s22, $0xb8;
	[tilespmem:$0x1E400] =	vst v63  }
0xfd: {  	_ =	swait.ge [sflag:s20], $0x4000  }
0xfe: {  	s28 =	sadd.s32 $0x1, s28;
	[sflag:s20] =	ssyncset.done $0x0  }
0xff: {  	p0 =	sne.s32 s28, s18;
	[sflag:s20] =	ssyncadd.s32 $0xFFFFC000  }
.Ltmp6:
0x100: {  	[bflag:$0x0] =	sbarrier.arrive $0xFFFF;
	(pc) =	sbr.rel @p0 .LBB2_1-.Ltmp6, $4  }
0x101: {  	[hbm:s17], [sflag:s29] =	dma.local [spmem:s30], $0x2780  }
0x102: {  	_ =	swait.ge [sflag:s20], $0x2780  }
0x103: {  	[sflag:s20] =	ssyncset.done $0x0  }
0x104: {  	[sflag:s20] =	ssyncadd.s32 $0xFFFFD880  }
0x105: {  	_ =	sfence.sel $0x180000  }
0x106: {  	[bflag:$0x0] =	sbarrier.arrive $0xFFFF  }
0x107: {  	_ =	strace $0x90000047  }
0x108: {  	s0 =	stileid.u32;
	[bflag:$0x2] =	sbarrier.arrive $0xFFFF  }
0x109: {  	p0 =	sne.s32 s0, $0x0;
	s0 =	rddreg [dreg:$0x2]  }
0x10a: {  	s0 =	sadd.s32 @!p0 $0x100000, s0  }
0x10b: {  	[sflag:s0] =	ssyncadd.tile.s32 @!p0 $0x1;
	_ =	shalt  }
.Lfunc_end2:
_tile_overlayer_lowered:
.L_overlay_start_2:
0x10c: {  	(tag) =	ssettag $0x2  }
0x10d: {  	s0 =	rddreg [dreg:$0x0];
	s2 =	stileid.u32  }
0x10e: {  	s1 =	rddreg [dreg:$0x1];
	p0 =	sne.s32 s2, $0x0  }
0x10f: {  	s3 =	rddreg [dreg:$0x2];
	[bflag:$0x3] =	sbarrier.arrive $0xFFFF;
	s2 =	simm.s32 @!p0 $0x1C02  }
0x110: {  	[timem:s3], [sflag:s2] =	dma.local @!p0 [hbm:s0], s1  }
0x111: {  	s0 =	simm.s32 @!p0 $0x2  }
0x112: {  	_ =	swait.ge @!p0 [sflag:s0], s1  }
0x113: {  	s1 =	ssub.s32 @!p0 $0x0, s1;
	[sflag:s0] =	ssyncset.done @!p0 $0x0  }
0x114: {  	[sflag:s0] =	ssyncadd.s32 @!p0 s1  }
0x115: {  	[bflag:$0x3] =	sbarrier.arrive $0xFFFF  }
0x116: {  	_ =	shalt  }

// kernel: kernel.13.cloned.1.call-start
scs
__scs_entry_jumppad:
0x0: {  	(pc) =	sbr.rel $0x88, $3  }
0x1: {  	(tag) =	ssettag $0x0;
	lr =	simm.s32 $0x1  }
0x2: {  	[smem:$0x3F76] =	sst lr;
	_ =	strace $0xD0000000  }
0x3: {  	_ = 	snop  }
0x4: {  	_ = 	snop  }
0x5: {  	_ = 	snop  }
0x6: {  	_ = 	snop  }
0x7: {  	_ = 	snop  }
__scs_overlays_trampoline_lowered:
0x8: {  	[smem:$0x3F85] =	sst s0  }
0x9: {  	[smem:$0x3F86] =	sst s1  }
0xa: {  	[smem:$0x3F87] =	sst s2  }
0xb: {  	[smem:$0x3F88] =	sst s3  }
0xc: {  	[smem:$0x3F89] =	sst s4  }
0xd: {  	[smem:$0x3F8A] =	sst s5  }
0xe: {  	[smem:$0x3F8B] =	sst s6  }
0xf: {  	[smem:$0x3F8C] =	sst s7  }
0x10: {  	[smem:$0x3F8D] =	sst s8  }
0x11: {  	[smem:$0x3F8E] =	sst s9;
	s0 =	simm.s32 @!p0 $0x0  }
0x12: {  	s1 =	sld [smem:$0x3F74];
	s0 =	simm.s32 @p0 $0x1  }
0x13: {  	[smem:$0x3F8F] =	sst s0;
	s0 =	simm.s32 @!p1 $0x0  }
0x14: {  	s2 =	sld [smem:$0x3F73];
	s0 =	simm.s32 @p1 $0x1  }
0x15: {  	[smem:$0x3F90] =	sst s0;
	s0 =	simm.s32 @!p2 $0x0  }
0x16: {  	s3 =	sld [smem:$0x3FDB];
	s0 =	simm.s32 @p2 $0x1  }
0x17: {  	s4 =	simm.s32 $0x1BF5;
	[smem:$0x3F92] =	sst s0  }
0x18: {  	s0 =	sld [smem:$0x3F75];
	_ =	swait.ge [sflag:s4], $0x0  }
0x19: {  	s7 =	sld [smem:$0x3F76]  }
0x1a: {  	s8 =	sadd.s32 $0xFFFFE003, lr  }
0x1b: {  	s9 =	sadd.s32 $0xFFFFFEF7, lr;
	s5 =	simm.s32 $0xFFFFFFFF;
	p2 =	slt.u32 s8, $0xFFFFF086  }
0x1c: {  	p1 =	slt.u32 s9, $0xF7A;
	s5 =	simm.s32 @!p2 $0x0  }
0x1d: {  	s5 =	simm.s32 @p1 $0x1;
	p0 =	seq.s32 s7, s2  }
0x1e: {  	s7 =	smul.u32 @!p0 $0xF7A, s2;
	p2 =	seq.s32 @!p0 s5, $0x0  }
0x1f: {  	s9 =	smul.u32 $0xF7A, s1;
	s8 =	simm.s32 @!p0 $0x1BF5;
	p2 =	por !p2, p0  }
0x20: {  	[sflag:s8] =	ssyncset.s32 @!p0 $0xFFFFF086;
	s6 =	sadd.s32 @!p0 s3, s7;
	s7 =	simm.s32 @!p0 $0x108  }
0x21: {  	s3 =	sadd.s32 s3, s9;
	s6 =	sadd.s32 @!p0 $0x88, s6;
	s7 =	simm.s32 @p2 $0x1082  }
0x22: {  	[simem:s7], [sflag:s8] =	dma.local @!p0 [hbm:s6], $0xF7A  }
0x23: {  	s9 =	sor.u32 $0xD0000000, s2;
	s6 =	simm.s32 $0x108;
	_ =	swait.ge @!p0 [sflag:s8], $0x0  }
0x24: {  	s3 =	sadd.s32 $0x88, s3;
	s6 =	simm.s32 @!p1 $0x1082;
	[sflag:s4] =	ssyncset.s32 $0xFFFFF086  }
0x25: {  	[simem:s6], [sflag:s4] =	dma.local [hbm:s3], $0xF7A  }
0x26: {  	[smem:$0x3F76] =	sst s1;
	(tag) =	ssettag s2;
	_ =	strace s9  }
0x27: {  	s1 =	sld [smem:$0x3F86]  }
0x28: {  	s2 =	sld [smem:$0x3F87]  }
0x29: {  	s4 =	sld [smem:$0x3F89]  }
0x2a: {  	p0 =	seq.s32 s5, $0x0;
	s5 =	sld [smem:$0x3F8A]  }
0x2b: {  	s6 =	sld [smem:$0x3F8B]  }
0x2c: {  	s7 =	sld [smem:$0x3F8C]  }
0x2d: {  	s3 =	simm.s32 $0x108;
	s8 =	sld [smem:$0x3F8D]  }
0x2e: {  	s3 =	simm.s32 @!p0 $0x1082;
	s9 =	sld [smem:$0x3F8E]  }
0x2f: {  	lr =	sadd.s32 s0, s3;
	s0 =	sld [smem:$0x3F85]  }
0x30: {  	s3 =	sld [smem:$0x3F88]  }
0x31: {  	[smem:$0x3F91] =	sst s10  }
0x32: {  	s10 =	sld [smem:$0x3F8F];
	_ =	sdelay $0x3  }
0x33: {  	p0 =	seq.s32 s10, $0x1;
	s10 =	sld [smem:$0x3F91];
	_ =	sdelay $0x3  }
0x34: {  	[smem:$0x3F91] =	sst s10  }
0x35: {  	s10 =	sld [smem:$0x3F90];
	_ =	sdelay $0x3  }
0x36: {  	p1 =	seq.s32 s10, $0x1;
	s10 =	sld [smem:$0x3F91];
	_ =	sdelay $0x3  }
0x37: {  	[smem:$0x3F91] =	sst s10  }
0x38: {  	s10 =	sld [smem:$0x3F92]  }
0x39: {  	_ = 	snop;
	(pc) =	sbr.ind lr, $3  }
0x3a: {  	_ = 	snop  }
0x3b: {  	_ = 	snop  }
0x3c: {  	p2 =	seq.s32 s10, $0x1;
	s10 =	sld [smem:$0x3F91]  }
0x3d: {  	_ =	shalt  }
0x3e: {  	_ =	shalt  }
0x3f: {  	_ =	shalt  }
0x40: {  	_ =	shalt  }
0x41: {  	_ =	shalt  }
0x42: {  	_ =	shalt  }
0x43: {  	_ =	shalt  }
0x44: {  	_ =	shalt  }
0x45: {  	_ =	shalt  }
0x46: {  	_ =	shalt  }
0x47: {  	_ =	shalt  }
0x48: {  	_ =	shalt  }
0x49: {  	_ =	shalt  }
0x4a: {  	_ =	shalt  }
0x4b: {  	_ =	shalt  }
0x4c: {  	_ =	shalt  }
0x4d: {  	_ =	shalt  }
0x4e: {  	_ =	shalt  }
0x4f: {  	_ =	shalt  }
0x50: {  	_ =	shalt  }
0x51: {  	_ =	shalt  }
0x52: {  	_ =	shalt  }
0x53: {  	_ =	shalt  }
0x54: {  	_ =	shalt  }
0x55: {  	_ =	shalt  }
0x56: {  	_ =	shalt  }
0x57: {  	_ =	shalt  }
0x58: {  	_ =	shalt  }
0x59: {  	_ =	shalt  }
0x5a: {  	_ =	shalt  }
0x5b: {  	_ =	shalt  }
0x5c: {  	_ =	shalt  }
0x5d: {  	_ =	shalt  }
0x5e: {  	_ =	shalt  }
0x5f: {  	_ =	shalt  }
0x60: {  	_ =	shalt  }
0x61: {  	_ =	shalt  }
0x62: {  	_ =	shalt  }
0x63: {  	_ =	shalt  }
0x64: {  	_ =	shalt  }
0x65: {  	_ =	shalt  }
0x66: {  	_ =	shalt  }
0x67: {  	_ =	shalt  }
0x68: {  	_ =	shalt  }
0x69: {  	_ =	shalt  }
0x6a: {  	_ =	shalt  }
0x6b: {  	_ =	shalt  }
0x6c: {  	_ =	shalt  }
0x6d: {  	_ =	shalt  }
0x6e: {  	_ =	shalt  }
0x6f: {  	_ =	shalt  }
0x70: {  	_ =	shalt  }
0x71: {  	_ =	shalt  }
0x72: {  	_ =	shalt  }
0x73: {  	_ =	shalt  }
0x74: {  	_ =	shalt  }
0x75: {  	_ =	shalt  }
0x76: {  	_ =	shalt  }
0x77: {  	_ =	shalt  }
0x78: {  	_ =	shalt  }
0x79: {  	_ =	shalt  }
0x7a: {  	_ =	shalt  }
0x7b: {  	_ =	shalt  }
0x7c: {  	_ =	shalt  }
0x7d: {  	_ =	shalt  }
0x7e: {  	_ =	shalt  }
0x7f: {  	_ =	shalt  }
0x80: {  	_ =	shalt  }
0x81: {  	_ =	shalt  }
0x82: {  	_ =	shalt  }
0x83: {  	_ =	shalt  }
0x84: {  	_ =	shalt  }
0x85: {  	_ =	shalt  }
0x86: {  	_ =	shalt  }
0x87: {  	_ =	shalt  }
.Lfunc_end0:
.L_simem_size_0:
called_computation.1_lowered:
.L_overlay_start_0:
0x88: {  	s2 =	sld [smem:$0x3FD9]  }
0x89: {  	s3 =	sld [smem:$0x3FFE];
	_ =	sdelay $0x1  }
0x8a: {  	s1 =	srdreg.scid  }
0x8b: {  	s0 =	sand.u32 $0x1, s1  }
0x8c: {  	s16 =	sshll.u32 s0, $0xA;
	s2 =	sadd.s32 s3, s2  }
0x8d: {  	s2 =	sadd.s32 s2, s16  }
0x8e: {  	[smem:$0x3F9D] =	sst s2  }
0x8f: {  	_ = 	snop  }
0x90: {  	(tm) =	ssettm $0x1  }
0x91: {  	s17 =	sld [smem:$0x3FFB];
	_ =	sdelay $0x3  }
0x92: {  	_ =	strace s17  }
0x93: {  	s2 =	sld [smem:$0x3FFC];
	_ =	sdelay $0x3  }
0x94: {  	_ =	strace s2  }
0x95: {  	s2 =	sld [smem:$0x3FFD];
	_ =	sdelay $0x3  }
0x96: {  	_ =	strace s2  }
0x97: {  	_ =	strace $0x8FFFFFFF  }
0x98: {  	s18 =	sld [smem:$0x3FDB];
	_ =	sdelay $0x1  }
0x99: {  	s19 =	simm.s32 $_scs_section_size  }
0x9a: {  	s4 =	simm.s32 $_size__tile_overlayer_lowered;
	s5 =	simm.s32 $_tile_overlayer_lowered  }
0x9b: {  	s22 =	simm.s32 $0x1BFF;
	s21 =	sshll.u32 s5, $0x1;
	s2 =	sadd.s32 s19, s18  }
0x9c: {  	s6 =	simm.s32 $0x0;
	s20 =	sshll.u32 s4, $0x1;
	s4 =	sadd.s32 s21, s2  }
0x9d: {  	[timem:s6], [sflag:s22] =	dma.local [hbm:s4], s20  }
0x9e: {  	_ =	swait.ge [sflag:s22], s20  }
0x9f: {  	s3 =	ssub.s32 $0x0, s20;
	[sflag:s22] =	ssyncset.done $0x0  }
0xa0: {  	[sflag:s22] =	ssyncadd.s32 s3;
	_ =	sdelay $0x1  }
0xa1: {  	s23 =	simm.s32 $0x1B8B  }
0xa2: {  	_ =	swait.ge [sflag:s23], $0x1  }
0xa3: {  	[sflag:s23] =	ssyncset.done $0x0  }
0xa4: {  	s25 =	simm.s32 $0x1B8E;
	s24 =	sld [smem:$0x3FFE];
	[sflag:s23] =	ssyncadd.s32 $0xFFFFFFFF  }
0xa5: {  	s26 =	simm.s32 $execute0_lowered;
	[smem:$0x3FD2] =	sst s25  }
0xa6: {  	s4 =	sshll.u32 s26, $0x1;
	_ =	strace $0x80000049;
	[dreg:$0x1] =	wrdreg $0xFFFFFFFF  }
0xa7: {  	s28 =	simm.s32 $_size_execute0_lowered;
	s2 =	sadd.s32 s2, s4;
	[dreg:$0x0] =	wrdreg $0x0  }
0xa8: {  	s4 =	sshll.u32 s28, $0x1;
	[dreg:$0x2] =	wrdreg s2  }
0xa9: {  	[dreg:$0x3] =	wrdreg s4  }
0xaa: {  	[dreg:$0x4] =	wrdreg $0xC0  }
0xab: {  	_ =	task [dreg:s6], $0x5FFFF  }
0xac: {  	[dreg:$0x1] =	wrdreg $0xFFFFFFFF  }
0xad: {  	[dreg:$0x0] =	wrdreg $0x60  }
0xae: {  	[dreg:$0x2] =	wrdreg s24  }
0xaf: {  	[dreg:$0x3] =	wrdreg $0x0  }
0xb0: {  	[dreg:$0x4] =	wrdreg $0x9  }
0xb1: {  	_ =	task.clear_ibuf [dreg:s6], $0x5FFFF;
	_ =	strace $0x90000049  }
0xb2: {  	s29 =	simm.s32 $0x9;
	_ =	strace $0x8000004B  }
0xb3: {  	_ =	swait.ge [sflag:s29], $0x1  }
0xb4: {  	[sflag:s29] =	ssyncadd.s32 $0xFFFFFFFF  }
0xb5: {  	_ =	strace $0x9000004B  }
0xb6: {  	_ =	sfence  }
0xb7: {  	s30 =	sld [smem:$0x0];
	_ =	sdelay $0x2  }
0xb8: {  	s31 =	sshll.u32 s1, $0xD;
	s1 =	sshrl.u32 s1, $0x2  }
0xb9: {  	s3 =	sand.u32 $0x4000, s31;
	s1 =	sadd.s32 s1, s30  }
0xba: {  	s0 =	sor.u32 s3, s0;
	s1 =	sshll.u32 s1, $0x11  }
0xbb: {  	s0 =	sor.u32 s1, s0  }
0xbc: {  	s0 =	sadd.s32 $0x8F2B, s0  }
0xbd: {  	[sflag:s0] =	ssyncadd.remote.s32 $0x1  }
0xbe: {  	_ =	sfence.sel $0xFFFF  }
0xbf: {  	[dreg:$0x0] =	wrdreg $0xFFFFFFFF;
	(pc) =	sbr.abs _section_cstart, $3  }
0xc0: {  	[dreg:$0x1] =	wrdreg $0xFFFFFFFF  }
0xc1: {  	_ =	task.clear_ibuf [dreg:s6], $0x2FFFF;
	_ =	strace $0x9FFFFFFF  }
0xc2: {  	(tm) =	ssettm $0x7FFFFFFF  }
0xc3: {  	_ =	shalt  }
tec
execute0_lowered:
.L_overlay_start_1:
0x0: {  	(tag) =	ssettag $0x1  }
0x1: {  	s0 =	rddreg [dreg:$0x0]  }
0x2: {  	s2 =	rddreg [dreg:$0x1];
	s3 =	simm.s32 $0x0;
	s11 =	stileid.u32  }
0x3: {  	s6 =	srdreg.scid;
	s20 =	simm.s32 $0x2;
	s21 =	simm.s32 $0x13C00  }
0x4: {  	s22 =	simm.s32 $0x80;
	s23 =	simm.s32 $0x1;
	s1 =	smul.u32 $0x2800, s11  }
0x5: {  	s25 =	simm.s32 $0x1A400;
	s28 =	simm.s32 $0x0;
	s7 =	smul.u32 $0x4F000, s11  }
0x6: {  	[smem:$0x7FF] =	sst s3;
	s9 =	sand.u32 $0x1, s6;
	s15 =	smul.u32 $0x13C00, s11  }
0x7: {  	s4 =	sadd.s32 $0x109200, s0;
	s12 =	sadd.s32 $0xAC00, s0;
	s10 =	smul.u32 $0x50000, s9  }
0x8: {  	_ =	strace $0x8000004A;
	s16 =	smul.u32 $0x278000, s9;
	s17 =	sshllo.u32 s9, $0x1  }
0x9: {  	s6 =	ssub.s32 $0x2, s9;
	s5 =	sshrl.u32 s1, $0x3;
	s18 =	smul.u32 $0x28000, s17  }
0xa: {  	s26 =	sshrl.u32 s7, $0x2;
	s29 =	sshrl.u32 s6, $0x1;
	s17 =	smul.u32 $0x13C000, s17  }
0xb: {  	s13 =	sadd.s32 s5, s0;
	s0 =	sadd.s32 $0x1A5600, s0;
	s5 =	sadd.s32 s26, s2  }
0xc: {  	s14 =	ssub.s32 s6, s29;
	s10 =	sadd.s32 s1, s10;
	s16 =	sadd.s32 s15, s16  }
0xd: {  	s26 =	simm.s32 $0x16300;
	s6 =	sadd.s32 $0x4000, s5;
	s7 =	sadd.s32 $0x8000, s5  }
0xe: {  	s8 =	sadd.s32 $0xC000, s5;
	s10 =	sshrl.u32 s10, $0x3;
	s9 =	sadd.s32 $0x10000, s5  }
0xf: {  	s11 =	sadd.s32 $0x5C00, s13;
	s13 =	sadd.s32 $0x5E80, s13;
	s1 =	sadd.s32 s1, s18  }
0x10: {  	s16 =	sshrl.u32 s16, $0x3;
	s17 =	sadd.s32 s15, s17;
	s18 =	smax.u32 s14, $0x1  }
0x11: {  	s10 =	sadd.s32 s12, s10;
	s1 =	sshrl.u32 s1, $0x3;
	s30 =	sadd.s32 s0, s16  }
0x12: {  	s19 =	sadd.s32 $0x280, s10;
	[dreg:$0x4] =	wrdreg s30;
	s15 =	sadd.s32 s12, s1  }
0x13: {  	s31 =	sshrl.u32 s17, $0x3;
	[dreg:$0x3] =	wrdreg s19;
	s12 =	sadd.s32 $0x280, s15  }
0x14: {  	v0 =	vimm.f32 $0.0e+00;
	s17 =	sadd.s32 s0, s31;
	s19 =	simm.s32 $0x16400;
	[dreg:$0x5] =	wrdreg s12  }
.LBB2_1:
0x15: {  	s0 =	sand.u32 $0xFE00, s3  }
0x16: {  	s1 =	sand.u32 $0x70, s3;
	s12 =	sshrl.u32 s0, $0x2  }
0x17: {  	s0 =	simm.s32 $0x40;
	s12 =	sor.u32 s1, s12;
	s1 =	simm.s32 $0x0  }
.LBB2_2:
0x18: {  	p0 =	sne.s32 s0, $0xFFC0  }
0x19: {  	[tilespmem:s12+$0x16400] =	vst v0;
	s1 =	sadd.s32 $0x10, s1;
	s12 =	smov.u32 s0;
	s0 =	sadd.s32 $0x40, s0  }
.Ltmp0:
0x1a: {  	(pc) =	sbr.rel @p0 .LBB2_2-.Ltmp0, $4  }
0x1b: {  	_ = 	snop  }
0x1c: {  	s12 =	sand.u32 $0xFE00, s12  }
0x1d: {  	s14 =	sand.u32 $0x70, s1;
	s12 =	sshrl.u32 s12, $0x2  }
0x1e: {  	s12 =	sor.u32 s14, s12  }
0x1f: {  	[tilespmem:s12+$0x16400] =	vst v0  }
0x20: {  	[spmem:s5] =	stream.linear.scatter [tilespmem:s19], [sflag:$0x2], $0x4000, $0x38;
	[tilespmem:$0x1E400] =	vst v63  }
0x21: {  	_ =	swait.ge [sflag:s20], $0x4000  }
0x22: {  	[sflag:s20] =	ssyncset.done $0x0  }
0x23: {  	[sflag:s20] =	ssyncadd.s32 $0xFFFFC000  }
0x24: {  	[spmem:s6] =	stream.linear.scatter [tilespmem:s19], [sflag:$0x2], $0x4000, $0x38;
	[tilespmem:$0x1E400] =	vst v63  }
0x25: {  	_ =	swait.ge [sflag:s20], $0x4000  }
0x26: {  	[sflag:s20] =	ssyncset.done $0x0  }
0x27: {  	[sflag:s20] =	ssyncadd.s32 $0xFFFFC000  }
0x28: {  	[spmem:s7] =	stream.linear.scatter [tilespmem:s19], [sflag:$0x2], $0x4000, $0x38;
	[tilespmem:$0x1E400] =	vst v63  }
0x29: {  	_ =	swait.ge [sflag:s20], $0x4000  }
0x2a: {  	[sflag:s20] =	ssyncset.done $0x0  }
0x2b: {  	[sflag:s20] =	ssyncadd.s32 $0xFFFFC000  }
0x2c: {  	[spmem:s8] =	stream.linear.scatter [tilespmem:s19], [sflag:$0x2], $0x4000, $0x38;
	[tilespmem:$0x1E400] =	vst v63  }
0x2d: {  	_ =	swait.ge [sflag:s20], $0x4000  }
0x2e: {  	[sflag:s20] =	ssyncset.done $0x0  }
0x2f: {  	[sflag:s20] =	ssyncadd.s32 $0xFFFFC000  }
0x30: {  	[spmem:s9] =	stream.linear.scatter [tilespmem:s19], [sflag:$0x2], $0x3C00, $0x38;
	[tilespmem:$0x1E400] =	vst v63  }
0x31: {  	_ =	swait.ge [sflag:s20], $0x3C00  }
0x32: {  	[sflag:s20] =	ssyncset.done $0x0  }
0x33: {  	[sflag:s20] =	ssyncadd.s32 $0xFFFFC400  }
0x34: {  	[bflag:$0x0] =	sbarrier.arrive $0xFFFF  }
0x35: {  	[tilespmem:s21], [sflag:$0x2] =	stream.linear.gather [hbm4b:s10+s3], $0x1400, $0x38;
	[tilespmem:$0x1E400] =	vst v63  }
0x36: {  	_ =	swait.ge [sflag:s20], $0x1400  }
0x37: {  	[sflag:s20] =	ssyncset.done $0x0  }
0x38: {  	s0 =	simm.s32 $0x15000;
	[sflag:s20] =	ssyncadd.s32 $0xFFFFEC00  }
0x39: {  	[tilespmem:s0], [sflag:$0x2] =	stream.linear.gather [hbm4b:s11+s3], $0x1400, $0x38;
	[tilespmem:$0x1E400] =	vst v63  }
0x3a: {  	s1 =	simm.s32 $0x10000;
	_ =	swait.ge [sflag:s20], $0x1400  }
0x3b: {  	s1 =	sand.u32 $0x10000, s1;
	[sflag:s20] =	ssyncset.done $0x0  }
0x3c: {  	s1 =	sshrl.u32 s1, $0x2;
	[sflag:s20] =	ssyncadd.s32 $0xFFFFEC00  }
0x3d: {  	[tilespmem:s19], [sflag:$0x1] =	stream.indirect.gather [hbm4b:s4+s22], $0x80, s21, s22, $0xb8;
	[tilespmem:$0x1E400] =	vst v63  }
0x3e: {  	s31 =	simm.s32 $0x13C80;
	s14 =	simm.s32 $0x0;
	s1 =	sadd.s32 $0x16400, s1  }
0x3f: {  	[tilespmem:s1], [sflag:$0x1] =	stream.indirect.gather [hbm4b:s4+s22], $0x80, s31, s22, $0xb8;
	[tilespmem:$0x1E400] =	vst v63  }
0x40: {  	s16 =	sand.u32 $0x10000, s14;
	_ =	swait.ge [sflag:s23], $0x4000  }
0x41: {  	s29 =	simm.s32 $0x20000;
	s24 =	sshrl.u32 s16, $0x2;
	[sflag:s23] =	ssyncset.done $0x0  }
0x42: {  	s30 =	simm.s32 $0x15080;
	s12 =	sadd.s32 $0x16400, s24;
	[sflag:s23] =	ssyncadd.s32 $0xFFFFC000  }
0x43: {  	[spmem:s2] =	stream.indirect.scatter.add.f32 [tilespmem:s12], [sflag:$0x2], $0x80, s0, s22, $0xb8;
	[tilespmem:$0x1E400] =	vst v63  }
0x44: {  	s1 =	simm.s32 $0x30000;
	s31 =	sand.u32 $0x10000, s29;
	_ =	swait.ge [sflag:s20], $0x4000  }
0x45: {  	s0 =	simm.s32 $0x13D00;
	s12 =	sshrl.u32 s31, $0x2;
	[sflag:s20] =	ssyncset.done $0x0  }
.LBB2_4:
0x46: {  	s12 =	sadd.s32 $0x16400, s12;
	s14 =	sadd.s32 $0xFFFF0000, s29  }
0x47: {  	[sflag:s20] =	ssyncadd.s32 $0xFFFFC000;
	s29 =	smov.u32 s1;
	s31 =	sadd.s32 $0x10000, s1  }
0x48: {  	[tilespmem:s12], [sflag:$0x1] =	stream.indirect.gather [hbm4b:s4+s22], $0x80, s0, s22, $0xb8;
	[tilespmem:$0x1E400] =	vst v63  }
0x49: {  	p0 =	sne.s32 s1, $0x270000;
	s12 =	sand.u32 $0x10000, s14;
	_ =	swait.ge [sflag:s23], $0x4000  }
.Ltmp1:
0x4a: {  	s12 =	sshrl.u32 s12, $0x2;
	[sflag:s23] =	ssyncset.done $0x0;
	(pc) =	sbr.rel @p0 .LBB2_4-.Ltmp1, $4  }
0x4b: {  	s0 =	sadd.s32 $0x80, s0;
	s1 =	sadd.s32 $0x16400, s12;
	[sflag:s23] =	ssyncadd.s32 $0xFFFFC000  }
0x4c: {  	[spmem:s2] =	stream.indirect.scatter.add.f32 [tilespmem:s1], [sflag:$0x2], $0x80, s30, s22, $0xb8;
	[tilespmem:$0x1E400] =	vst v63  }
0x4d: {  	s1 =	sand.u32 $0x10000, s29;
	s30 =	sadd.s32 $0x80, s30;
	_ =	swait.ge [sflag:s20], $0x4000  }
0x4e: {  	s12 =	sshrl.u32 s1, $0x2;
	s1 =	smov.u32 s31;
	[sflag:s20] =	ssyncset.done $0x0  }
0x4f: {  	s1 =	sadd.s32 $0x16400, s12;
	s31 =	sadd.s32 $0xFFFF0000, s29;
	[sflag:s20] =	ssyncadd.s32 $0xFFFFC000  }
0x50: {  	[tilespmem:s1], [sflag:$0x1] =	stream.indirect.gather [hbm4b:s4+s22], $0x80, s0, s22, $0xb8;
	[tilespmem:$0x1E400] =	vst v63  }
0x51: {  	s12 =	sand.u32 $0x10000, s31;
	_ =	swait.ge [sflag:s23], $0x4000  }
0x52: {  	s0 =	sshrl.u32 s12, $0x2;
	[sflag:s23] =	ssyncset.done $0x0  }
0x53: {  	s0 =	sadd.s32 $0x16400, s0;
	[sflag:s23] =	ssyncadd.s32 $0xFFFFC000  }
0x54: {  	[spmem:s2] =	stream.indirect.scatter.add.f32 [tilespmem:s0], [sflag:$0x2], $0x80, s30, s22, $0xb8;
	[tilespmem:$0x1E400] =	vst v63  }
0x55: {  	_ =	swait.ge [sflag:s20], $0x4000  }
0x56: {  	[sflag:s20] =	ssyncset.done $0x0  }
0x57: {  	[sflag:s20] =	ssyncadd.s32 $0xFFFFC000  }
0x58: {  	_ =	swait.ge [sflag:s23], $0x4000  }
0x59: {  	[sflag:s23] =	ssyncset.done $0x0  }
0x5a: {  	s14 =	simm.s32 $0x16380;
	[sflag:s23] =	ssyncadd.s32 $0xFFFFC000  }
0x5b: {  	[spmem:s2] =	stream.indirect.scatter.add.f32 [tilespmem:s25], [sflag:$0x2], $0x80, s14, s22, $0xb8;
	[tilespmem:$0x1E400] =	vst v63  }
0x5c: {  	_ =	swait.ge [sflag:s20], $0x4000  }
0x5d: {  	[sflag:s20] =	ssyncset.done $0x0  }
0x5e: {  	s16 =	rddreg [dreg:$0x3];
	[sflag:s20] =	ssyncadd.s32 $0xFFFFC000  }
0x5f: {  	[tilespmem:s21], [sflag:$0x2] =	stream.linear.gather [hbm4b:s16+s3], $0x1380, $0x38;
	[tilespmem:$0x1E400] =	vst v63  }
0x60: {  	_ =	swait.ge [sflag:s20], $0x1380  }
0x61: {  	[sflag:s20] =	ssyncset.done $0x0  }
0x62: {  	s0 =	simm.s32 $0x15000;
	[sflag:s20] =	ssyncadd.s32 $0xFFFFEC80  }
0x63: {  	[tilespmem:s0], [sflag:$0x2] =	stream.linear.gather [hbm4b:s13+s3], $0x1380, $0x38;
	[tilespmem:$0x1E400] =	vst v63  }
0x64: {  	s24 =	simm.s32 $0x10000;
	_ =	swait.ge [sflag:s20], $0x1380  }
0x65: {  	s1 =	sand.u32 $0x10000, s24;
	[sflag:s20] =	ssyncset.done $0x0  }
0x66: {  	s1 =	sshrl.u32 s1, $0x2;
	[sflag:s20] =	ssyncadd.s32 $0xFFFFEC80  }
0x67: {  	[tilespmem:s19], [sflag:$0x1] =	stream.indirect.gather [hbm4b:s4+s22], $0x80, s21, s22, $0xb8;
	[tilespmem:$0x1E400] =	vst v63  }
0x68: {  	s31 =	simm.s32 $0x13C80;
	s1 =	sadd.s32 $0x16400, s1;
	s14 =	simm.s32 $0x0  }
0x69: {  	[tilespmem:s1], [sflag:$0x1] =	stream.indirect.gather [hbm4b:s4+s22], $0x80, s31, s22, $0xb8;
	[tilespmem:$0x1E400] =	vst v63  }
0x6a: {  	s16 =	sand.u32 $0x10000, s14;
	_ =	swait.ge [sflag:s23], $0x4000  }
0x6b: {  	s29 =	simm.s32 $0x20000;
	s24 =	sshrl.u32 s16, $0x2;
	[sflag:s23] =	ssyncset.done $0x0  }
0x6c: {  	s30 =	simm.s32 $0x15080;
	s12 =	sadd.s32 $0x16400, s24;
	[sflag:s23] =	ssyncadd.s32 $0xFFFFC000  }
0x6d: {  	[spmem:s2] =	stream.indirect.scatter.add.f32 [tilespmem:s12], [sflag:$0x2], $0x80, s0, s22, $0xb8;
	[tilespmem:$0x1E400] =	vst v63  }
0x6e: {  	s1 =	simm.s32 $0x30000;
	s31 =	sand.u32 $0x10000, s29;
	_ =	swait.ge [sflag:s20], $0x4000  }
0x6f: {  	s0 =	simm.s32 $0x13D00;
	s12 =	sshrl.u32 s31, $0x2;
	[sflag:s20] =	ssyncset.done $0x0  }
.LBB2_6:
0x70: {  	s12 =	sadd.s32 $0x16400, s12;
	s14 =	sadd.s32 $0xFFFF0000, s29  }
0x71: {  	[sflag:s20] =	ssyncadd.s32 $0xFFFFC000;
	s29 =	smov.u32 s1;
	s31 =	sadd.s32 $0x10000, s1  }
0x72: {  	[tilespmem:s12], [sflag:$0x1] =	stream.indirect.gather [hbm4b:s4+s22], $0x80, s0, s22, $0xb8;
	[tilespmem:$0x1E400] =	vst v63  }
0x73: {  	p0 =	sne.s32 s1, $0x260000;
	s12 =	sand.u32 $0x10000, s14;
	_ =	swait.ge [sflag:s23], $0x4000  }
.Ltmp2:
0x74: {  	s12 =	sshrl.u32 s12, $0x2;
	[sflag:s23] =	ssyncset.done $0x0;
	(pc) =	sbr.rel @p0 .LBB2_6-.Ltmp2, $4  }
0x75: {  	s0 =	sadd.s32 $0x80, s0;
	s1 =	sadd.s32 $0x16400, s12;
	[sflag:s23] =	ssyncadd.s32 $0xFFFFC000  }
0x76: {  	[spmem:s2] =	stream.indirect.scatter.add.f32 [tilespmem:s1], [sflag:$0x2], $0x80, s30, s22, $0xb8;
	[tilespmem:$0x1E400] =	vst v63  }
0x77: {  	s1 =	sand.u32 $0x10000, s29;
	s30 =	sadd.s32 $0x80, s30;
	_ =	swait.ge [sflag:s20], $0x4000  }
0x78: {  	s12 =	sshrl.u32 s1, $0x2;
	s1 =	smov.u32 s31;
	[sflag:s20] =	ssyncset.done $0x0  }
0x79: {  	s1 =	sadd.s32 $0x16400, s12;
	s31 =	sadd.s32 $0xFFFF0000, s29;
	[sflag:s20] =	ssyncadd.s32 $0xFFFFC000  }
0x7a: {  	[tilespmem:s1], [sflag:$0x1] =	stream.indirect.gather [hbm4b:s4+s22], $0x80, s0, s22, $0xb8;
	[tilespmem:$0x1E400] =	vst v63  }
0x7b: {  	s12 =	sand.u32 $0x10000, s31;
	_ =	swait.ge [sflag:s23], $0x4000  }
0x7c: {  	s0 =	sshrl.u32 s12, $0x2;
	[sflag:s23] =	ssyncset.done $0x0  }
0x7d: {  	s0 =	sadd.s32 $0x16400, s0;
	[sflag:s23] =	ssyncadd.s32 $0xFFFFC000  }
0x7e: {  	[spmem:s2] =	stream.indirect.scatter.add.f32 [tilespmem:s0], [sflag:$0x2], $0x80, s30, s22, $0xb8;
	[tilespmem:$0x1E400] =	vst v63  }
0x7f: {  	_ =	swait.ge [sflag:s20], $0x4000  }
0x80: {  	[sflag:s20] =	ssyncset.done $0x0  }
0x81: {  	[sflag:s20] =	ssyncadd.s32 $0xFFFFC000  }
0x82: {  	_ =	swait.ge [sflag:s23], $0x4000  }
0x83: {  	[sflag:s23] =	ssyncset.done $0x0  }
0x84: {  	[sflag:s23] =	ssyncadd.s32 $0xFFFFC000  }
0x85: {  	[spmem:s2] =	stream.indirect.scatter.add.f32 [tilespmem:s19], [sflag:$0x2], $0x80, s26, s22, $0xb8;
	[tilespmem:$0x1E400] =	vst v63  }
0x86: {  	_ =	swait.ge [sflag:s20], $0x4000  }
0x87: {  	[sflag:s20] =	ssyncset.done $0x0  }
0x88: {  	s14 =	stileid.u32;
	[sflag:s20] =	ssyncadd.s32 $0xFFFFC000  }
0x89: {  	s0 =	sshll.u32 s14, $0x6;
	s30 =	sshrl.u32 s5, $0x3;
	[bflag:$0x0] =	sbarrier.arrive $0xFFFF  }
0x8a: {  	s29 =	sor.u32 $0x1C02, s0;
	s0 =	simm.s32 $0x0;
	s16 =	rddreg [dreg:$0x4]  }
0x8b: {  	[hbm:s16], [sflag:s29] =	dma.local [spmem:s30], $0x2780  }
0x8c: {  	s24 =	sand.u32 $0xFE00, s0;
	_ =	swait.ge [sflag:s20], $0x2780  }
0x8d: {  	s31 =	sand.u32 $0x70, s0;
	s14 =	sshrl.u32 s24, $0x2;
	[sflag:s20] =	ssyncset.done $0x0  }
0x8e: {  	s1 =	simm.s32 $0x40;
	s12 =	sor.u32 s31, s14;
	[sflag:s20] =	ssyncadd.s32 $0xFFFFD880  }
.LBB2_8:
0x8f: {  	p0 =	sne.s32 s1, $0xFFC0  }
0x90: {  	[tilespmem:s12+$0x16400] =	vst v0;
	s0 =	sadd.s32 $0x10, s0;
	s12 =	smov.u32 s1;
	s1 =	sadd.s32 $0x40, s1  }
.Ltmp3:
0x91: {  	(pc) =	sbr.rel @p0 .LBB2_8-.Ltmp3, $4  }
0x92: {  	_ = 	snop  }
0x93: {  	s12 =	sand.u32 $0xFE00, s12  }
0x94: {  	s14 =	sand.u32 $0x70, s0;
	s12 =	sshrl.u32 s12, $0x2  }
0x95: {  	s12 =	sor.u32 s14, s12  }
0x96: {  	[tilespmem:s12+$0x16400] =	vst v0  }
0x97: {  	[spmem:s5] =	stream.linear.scatter [tilespmem:s19], [sflag:$0x2], $0x4000, $0x38;
	[tilespmem:$0x1E400] =	vst v63  }
0x98: {  	_ =	swait.ge [sflag:s20], $0x4000  }
0x99: {  	[sflag:s20] =	ssyncset.done $0x0  }
0x9a: {  	[sflag:s20] =	ssyncadd.s32 $0xFFFFC000  }
0x9b: {  	[spmem:s6] =	stream.linear.scatter [tilespmem:s19], [sflag:$0x2], $0x4000, $0x38;
	[tilespmem:$0x1E400] =	vst v63  }
0x9c: {  	_ =	swait.ge [sflag:s20], $0x4000  }
0x9d: {  	[sflag:s20] =	ssyncset.done $0x0  }
0x9e: {  	[sflag:s20] =	ssyncadd.s32 $0xFFFFC000  }
0x9f: {  	[spmem:s7] =	stream.linear.scatter [tilespmem:s19], [sflag:$0x2], $0x4000, $0x38;
	[tilespmem:$0x1E400] =	vst v63  }
0xa0: {  	_ =	swait.ge [sflag:s20], $0x4000  }
0xa1: {  	[sflag:s20] =	ssyncset.done $0x0  }
0xa2: {  	[sflag:s20] =	ssyncadd.s32 $0xFFFFC000  }
0xa3: {  	[spmem:s8] =	stream.linear.scatter [tilespmem:s19], [sflag:$0x2], $0x4000, $0x38;
	[tilespmem:$0x1E400] =	vst v63  }
0xa4: {  	_ =	swait.ge [sflag:s20], $0x4000  }
0xa5: {  	[sflag:s20] =	ssyncset.done $0x0  }
0xa6: {  	[sflag:s20] =	ssyncadd.s32 $0xFFFFC000  }
0xa7: {  	[spmem:s9] =	stream.linear.scatter [tilespmem:s19], [sflag:$0x2], $0x3C00, $0x38;
	[tilespmem:$0x1E400] =	vst v63  }
0xa8: {  	_ =	swait.ge [sflag:s20], $0x3C00  }
0xa9: {  	[sflag:s20] =	ssyncset.done $0x0  }
0xaa: {  	[sflag:s20] =	ssyncadd.s32 $0xFFFFC400  }
0xab: {  	[bflag:$0x0] =	sbarrier.arrive $0xFFFF  }
0xac: {  	[tilespmem:s21], [sflag:$0x2] =	stream.linear.gather [hbm4b:s15+s3], $0x1400, $0x38;
	[tilespmem:$0x1E400] =	vst v63  }
0xad: {  	_ =	swait.ge [sflag:s20], $0x1400  }
0xae: {  	[sflag:s20] =	ssyncset.done $0x0  }
0xaf: {  	s0 =	simm.s32 $0x15000;
	[sflag:s20] =	ssyncadd.s32 $0xFFFFEC00  }
0xb0: {  	[tilespmem:s0], [sflag:$0x2] =	stream.linear.gather [hbm4b:s11+s3], $0x1400, $0x38;
	[tilespmem:$0x1E400] =	vst v63  }
0xb1: {  	s1 =	simm.s32 $0x10000;
	_ =	swait.ge [sflag:s20], $0x1400  }
0xb2: {  	s1 =	sand.u32 $0x10000, s1;
	[sflag:s20] =	ssyncset.done $0x0  }
0xb3: {  	s1 =	sshrl.u32 s1, $0x2;
	[sflag:s20] =	ssyncadd.s32 $0xFFFFEC00  }
0xb4: {  	[tilespmem:s19], [sflag:$0x1] =	stream.indirect.gather [hbm4b:s4+s22], $0x80, s21, s22, $0xb8;
	[tilespmem:$0x1E400] =	vst v63  }
0xb5: {  	s24 =	simm.s32 $0x13C80;
	s14 =	simm.s32 $0x0;
	s1 =	sadd.s32 $0x16400, s1  }
0xb6: {  	[tilespmem:s1], [sflag:$0x1] =	stream.indirect.gather [hbm4b:s4+s22], $0x80, s24, s22, $0xb8;
	[tilespmem:$0x1E400] =	vst v63  }
0xb7: {  	s16 =	sand.u32 $0x10000, s14;
	_ =	swait.ge [sflag:s23], $0x4000  }
0xb8: {  	s31 =	simm.s32 $0x20000;
	s1 =	sshrl.u32 s16, $0x2;
	[sflag:s23] =	ssyncset.done $0x0  }
0xb9: {  	s24 =	sand.u32 $0x10000, s31;
	s1 =	sadd.s32 $0x16400, s1;
	[sflag:s23] =	ssyncadd.s32 $0xFFFFC000  }
0xba: {  	[spmem:s2] =	stream.indirect.scatter.add.f32 [tilespmem:s1], [sflag:$0x2], $0x80, s0, s22, $0xb8;
	[tilespmem:$0x1E400] =	vst v63  }
0xbb: {  	s12 =	simm.s32 $0x30000;
	s14 =	sshrl.u32 s24, $0x2;
	_ =	swait.ge [sflag:s20], $0x4000  }
0xbc: {  	s1 =	simm.s32 $0x13D00;
	s0 =	simm.s32 $0x15080;
	[sflag:s20] =	ssyncset.done $0x0  }
.LBB2_10:
0xbd: {  	s14 =	sadd.s32 $0x16400, s14;
	s16 =	sadd.s32 $0xFFFF0000, s31  }
0xbe: {  	[sflag:s20] =	ssyncadd.s32 $0xFFFFC000;
	s31 =	smov.u32 s12;
	s24 =	sadd.s32 $0x10000, s12  }
0xbf: {  	[tilespmem:s14], [sflag:$0x1] =	stream.indirect.gather [hbm4b:s4+s22], $0x80, s1, s22, $0xb8;
	[tilespmem:$0x1E400] =	vst v63  }
0xc0: {  	p0 =	sne.s32 s12, $0x270000;
	s14 =	sand.u32 $0x10000, s16;
	_ =	swait.ge [sflag:s23], $0x4000  }
.Ltmp4:
0xc1: {  	s14 =	sshrl.u32 s14, $0x2;
	[sflag:s23] =	ssyncset.done $0x0;
	(pc) =	sbr.rel @p0 .LBB2_10-.Ltmp4, $4  }
0xc2: {  	s1 =	sadd.s32 $0x80, s1;
	s12 =	sadd.s32 $0x16400, s14;
	[sflag:s23] =	ssyncadd.s32 $0xFFFFC000  }
0xc3: {  	[spmem:s2] =	stream.indirect.scatter.add.f32 [tilespmem:s12], [sflag:$0x2], $0x80, s0, s22, $0xb8;
	[tilespmem:$0x1E400] =	vst v63  }
0xc4: {  	s12 =	sand.u32 $0x10000, s31;
	s0 =	sadd.s32 $0x80, s0;
	_ =	swait.ge [sflag:s20], $0x4000  }
0xc5: {  	s14 =	sshrl.u32 s12, $0x2;
	s12 =	smov.u32 s24;
	[sflag:s20] =	ssyncset.done $0x0  }
0xc6: {  	s12 =	sadd.s32 $0x16400, s14;
	s16 =	sadd.s32 $0xFFFF0000, s31;
	[sflag:s20] =	ssyncadd.s32 $0xFFFFC000  }
0xc7: {  	[tilespmem:s12], [sflag:$0x1] =	stream.indirect.gather [hbm4b:s4+s22], $0x80, s1, s22, $0xb8;
	[tilespmem:$0x1E400] =	vst v63  }
0xc8: {  	s24 =	sand.u32 $0x10000, s16;
	_ =	swait.ge [sflag:s23], $0x4000  }
0xc9: {  	s1 =	sshrl.u32 s24, $0x2;
	[sflag:s23] =	ssyncset.done $0x0  }
0xca: {  	s1 =	sadd.s32 $0x16400, s1;
	[sflag:s23] =	ssyncadd.s32 $0xFFFFC000  }
0xcb: {  	[spmem:s2] =	stream.indirect.scatter.add.f32 [tilespmem:s1], [sflag:$0x2], $0x80, s0, s22, $0xb8;
	[tilespmem:$0x1E400] =	vst v63  }
0xcc: {  	_ =	swait.ge [sflag:s20], $0x4000  }
0xcd: {  	[sflag:s20] =	ssyncset.done $0x0  }
0xce: {  	[sflag:s20] =	ssyncadd.s32 $0xFFFFC000  }
0xcf: {  	_ =	swait.ge [sflag:s23], $0x4000  }
0xd0: {  	[sflag:s23] =	ssyncset.done $0x0  }
0xd1: {  	s1 =	simm.s32 $0x16380;
	[sflag:s23] =	ssyncadd.s32 $0xFFFFC000  }
0xd2: {  	[spmem:s2] =	stream.indirect.scatter.add.f32 [tilespmem:s25], [sflag:$0x2], $0x80, s1, s22, $0xb8;
	[tilespmem:$0x1E400] =	vst v63  }
0xd3: {  	_ =	swait.ge [sflag:s20], $0x4000  }
0xd4: {  	[sflag:s20] =	ssyncset.done $0x0  }
0xd5: {  	s12 =	rddreg [dreg:$0x5];
	[sflag:s20] =	ssyncadd.s32 $0xFFFFC000  }
0xd6: {  	[tilespmem:s21], [sflag:$0x2] =	stream.linear.gather [hbm4b:s12+s3], $0x1380, $0x38;
	[tilespmem:$0x1E400] =	vst v63  }
0xd7: {  	_ =	swait.ge [sflag:s20], $0x1380  }
0xd8: {  	[sflag:s20] =	ssyncset.done $0x0  }
0xd9: {  	s0 =	simm.s32 $0x15000;
	[sflag:s20] =	ssyncadd.s32 $0xFFFFEC80  }
0xda: {  	[tilespmem:s0], [sflag:$0x2] =	stream.linear.gather [hbm4b:s13+s3], $0x1380, $0x38;
	[tilespmem:$0x1E400] =	vst v63  }
0xdb: {  	s14 =	simm.s32 $0x10000;
	_ =	swait.ge [sflag:s20], $0x1380  }
0xdc: {  	s1 =	sand.u32 $0x10000, s14;
	[sflag:s20] =	ssyncset.done $0x0  }
0xdd: {  	s1 =	sshrl.u32 s1, $0x2;
	[sflag:s20] =	ssyncadd.s32 $0xFFFFEC80  }
0xde: {  	[tilespmem:s19], [sflag:$0x1] =	stream.indirect.gather [hbm4b:s4+s22], $0x80, s21, s22, $0xb8;
	[tilespmem:$0x1E400] =	vst v63  }
0xdf: {  	s16 =	simm.s32 $0x13C80;
	s24 =	simm.s32 $0x0;
	s1 =	sadd.s32 $0x16400, s1  }
0xe0: {  	[tilespmem:s1], [sflag:$0x1] =	stream.indirect.gather [hbm4b:s4+s22], $0x80, s16, s22, $0xb8;
	[tilespmem:$0x1E400] =	vst v63  }
0xe1: {  	s16 =	sand.u32 $0x10000, s24;
	_ =	swait.ge [sflag:s23], $0x4000  }
0xe2: {  	s31 =	simm.s32 $0x20000;
	s1 =	sshrl.u32 s16, $0x2;
	[sflag:s23] =	ssyncset.done $0x0  }
0xe3: {  	s24 =	sand.u32 $0x10000, s31;
	s1 =	sadd.s32 $0x16400, s1;
	[sflag:s23] =	ssyncadd.s32 $0xFFFFC000  }
0xe4: {  	[spmem:s2] =	stream.indirect.scatter.add.f32 [tilespmem:s1], [sflag:$0x2], $0x80, s0, s22, $0xb8;
	[tilespmem:$0x1E400] =	vst v63  }
0xe5: {  	s12 =	simm.s32 $0x30000;
	s14 =	sshrl.u32 s24, $0x2;
	_ =	swait.ge [sflag:s20], $0x4000  }
0xe6: {  	s1 =	simm.s32 $0x13D00;
	s0 =	simm.s32 $0x15080;
	[sflag:s20] =	ssyncset.done $0x0  }
.LBB2_12:
0xe7: {  	s14 =	sadd.s32 $0x16400, s14;
	s16 =	sadd.s32 $0xFFFF0000, s31  }
0xe8: {  	[sflag:s20] =	ssyncadd.s32 $0xFFFFC000;
	s31 =	smov.u32 s12;
	s24 =	sadd.s32 $0x10000, s12  }
0xe9: {  	[tilespmem:s14], [sflag:$0x1] =	stream.indirect.gather [hbm4b:s4+s22], $0x80, s1, s22, $0xb8;
	[tilespmem:$0x1E400] =	vst v63  }
0xea: {  	p0 =	sne.s32 s12, $0x260000;
	s14 =	sand.u32 $0x10000, s16;
	_ =	swait.ge [sflag:s23], $0x4000  }
.Ltmp5:
0xeb: {  	s14 =	sshrl.u32 s14, $0x2;
	[sflag:s23] =	ssyncset.done $0x0;
	(pc) =	sbr.rel @p0 .LBB2_12-.Ltmp5, $4  }
0xec: {  	s1 =	sadd.s32 $0x80, s1;
	s12 =	sadd.s32 $0x16400, s14;
	[sflag:s23] =	ssyncadd.s32 $0xFFFFC000  }
0xed: {  	[spmem:s2] =	stream.indirect.scatter.add.f32 [tilespmem:s12], [sflag:$0x2], $0x80, s0, s22, $0xb8;
	[tilespmem:$0x1E400] =	vst v63  }
0xee: {  	s12 =	sand.u32 $0x10000, s31;
	s0 =	sadd.s32 $0x80, s0;
	_ =	swait.ge [sflag:s20], $0x4000  }
0xef: {  	s14 =	sshrl.u32 s12, $0x2;
	s12 =	smov.u32 s24;
	[sflag:s20] =	ssyncset.done $0x0  }
0xf0: {  	s12 =	sadd.s32 $0x16400, s14;
	s24 =	sadd.s32 $0xFFFF0000, s31;
	[sflag:s20] =	ssyncadd.s32 $0xFFFFC000  }
0xf1: {  	[tilespmem:s12], [sflag:$0x1] =	stream.indirect.gather [hbm4b:s4+s22], $0x80, s1, s22, $0xb8;
	[tilespmem:$0x1E400] =	vst v63  }
0xf2: {  	s31 =	sand.u32 $0x10000, s24;
	_ =	swait.ge [sflag:s23], $0x4000  }
0xf3: {  	s1 =	sshrl.u32 s31, $0x2;
	[sflag:s23] =	ssyncset.done $0x0  }
0xf4: {  	s1 =	sadd.s32 $0x16400, s1;
	[sflag:s23] =	ssyncadd.s32 $0xFFFFC000  }
0xf5: {  	[spmem:s2] =	stream.indirect.scatter.add.f32 [tilespmem:s1], [sflag:$0x2], $0x80, s0, s22, $0xb8;
	[tilespmem:$0x1E400] =	vst v63  }
0xf6: {  	_ =	swait.ge [sflag:s20], $0x4000  }
0xf7: {  	[sflag:s20] =	ssyncset.done $0x0  }
0xf8: {  	[sflag:s20] =	ssyncadd.s32 $0xFFFFC000  }
0xf9: {  	_ =	swait.ge [sflag:s23], $0x4000  }
0xfa: {  	[sflag:s23] =	ssyncset.done $0x0  }
0xfb: {  	[sflag:s23] =	ssyncadd.s32 $0xFFFFC000  }
0xfc: {  	[spmem:s2] =	stream.indirect.scatter.add.f32 [tilespmem:s19], [sflag:$0x2], $0x80, s26, s22, $0xb8;
	[tilespmem:$0x1E400] =	vst v63  }
0xfd: {  	_ =	swait.ge [sflag:s20], $0x4000  }
0xfe: {  	s28 =	sadd.s32 $0x1, s28;
	[sflag:s20] =	ssyncset.done $0x0  }
0xff: {  	p0 =	sne.s32 s28, s18;
	[sflag:s20] =	ssyncadd.s32 $0xFFFFC000  }
.Ltmp6:
0x100: {  	[bflag:$0x0] =	sbarrier.arrive $0xFFFF;
	(pc) =	sbr.rel @p0 .LBB2_1-.Ltmp6, $4  }
0x101: {  	[hbm:s17], [sflag:s29] =	dma.local [spmem:s30], $0x2780  }
0x102: {  	_ =	swait.ge [sflag:s20], $0x2780  }
0x103: {  	[sflag:s20] =	ssyncset.done $0x0  }
0x104: {  	[sflag:s20] =	ssyncadd.s32 $0xFFFFD880  }
0x105: {  	_ =	sfence.sel $0x180000  }
0x106: {  	[bflag:$0x0] =	sbarrier.arrive $0xFFFF  }
0x107: {  	_ =	strace $0x9000004A  }
0x108: {  	s0 =	stileid.u32;
	[bflag:$0x2] =	sbarrier.arrive $0xFFFF  }
0x109: {  	p0 =	sne.s32 s0, $0x0;
	s0 =	rddreg [dreg:$0x2]  }
0x10a: {  	s0 =	sadd.s32 @!p0 $0x100000, s0  }
0x10b: {  	[sflag:s0] =	ssyncadd.tile.s32 @!p0 $0x1;
	_ =	shalt  }
.Lfunc_end2:
_tile_overlayer_lowered:
.L_overlay_start_2:
0x10c: {  	(tag) =	ssettag $0x2  }
0x10d: {  	s0 =	rddreg [dreg:$0x0];
	s2 =	stileid.u32  }
0x10e: {  	s1 =	rddreg [dreg:$0x1];
	p0 =	sne.s32 s2, $0x0  }
0x10f: {  	s3 =	rddreg [dreg:$0x2];
	[bflag:$0x3] =	sbarrier.arrive $0xFFFF;
	s2 =	simm.s32 @!p0 $0x1C02  }
0x110: {  	[timem:s3], [sflag:s2] =	dma.local @!p0 [hbm:s0], s1  }
0x111: {  	s0 =	simm.s32 @!p0 $0x2  }
0x112: {  	_ =	swait.ge @!p0 [sflag:s0], s1  }
0x113: {  	s1 =	ssub.s32 @!p0 $0x0, s1;
	[sflag:s0] =	ssyncset.done @!p0 $0x0  }
0x114: {  	[sflag:s0] =	ssyncadd.s32 @!p0 s1  }
0x115: {  	[bflag:$0x3] =	sbarrier.arrive $0xFFFF  }
0x116: {  	_ =	shalt  }

// kernel: kernel.16.cloned.1.call-start
scs
__scs_entry_jumppad:
0x0: {  	(pc) =	sbr.rel $0x88, $3  }
0x1: {  	(tag) =	ssettag $0x0;
	lr =	simm.s32 $0x1  }
0x2: {  	[smem:$0x3F76] =	sst lr;
	_ =	strace $0xD0000000  }
0x3: {  	_ = 	snop  }
0x4: {  	_ = 	snop  }
0x5: {  	_ = 	snop  }
0x6: {  	_ = 	snop  }
0x7: {  	_ = 	snop  }
__scs_overlays_trampoline_lowered:
0x8: {  	[smem:$0x3F85] =	sst s0  }
0x9: {  	[smem:$0x3F86] =	sst s1  }
0xa: {  	[smem:$0x3F87] =	sst s2  }
0xb: {  	[smem:$0x3F88] =	sst s3  }
0xc: {  	[smem:$0x3F89] =	sst s4  }
0xd: {  	[smem:$0x3F8A] =	sst s5  }
0xe: {  	[smem:$0x3F8B] =	sst s6  }
0xf: {  	[smem:$0x3F8C] =	sst s7  }
0x10: {  	[smem:$0x3F8D] =	sst s8  }
0x11: {  	[smem:$0x3F8E] =	sst s9;
	s0 =	simm.s32 @!p0 $0x0  }
0x12: {  	s1 =	sld [smem:$0x3F74];
	s0 =	simm.s32 @p0 $0x1  }
0x13: {  	[smem:$0x3F8F] =	sst s0;
	s0 =	simm.s32 @!p1 $0x0  }
0x14: {  	s2 =	sld [smem:$0x3F73];
	s0 =	simm.s32 @p1 $0x1  }
0x15: {  	[smem:$0x3F90] =	sst s0;
	s0 =	simm.s32 @!p2 $0x0  }
0x16: {  	s3 =	sld [smem:$0x3FDB];
	s0 =	simm.s32 @p2 $0x1  }
0x17: {  	s4 =	simm.s32 $0x1BF5;
	[smem:$0x3F92] =	sst s0  }
0x18: {  	s0 =	sld [smem:$0x3F75];
	_ =	swait.ge [sflag:s4], $0x0  }
0x19: {  	s7 =	sld [smem:$0x3F76]  }
0x1a: {  	s8 =	sadd.s32 $0xFFFFE003, lr  }
0x1b: {  	s9 =	sadd.s32 $0xFFFFFEF7, lr;
	s5 =	simm.s32 $0xFFFFFFFF;
	p2 =	slt.u32 s8, $0xFFFFF086  }
0x1c: {  	p1 =	slt.u32 s9, $0xF7A;
	s5 =	simm.s32 @!p2 $0x0  }
0x1d: {  	s5 =	simm.s32 @p1 $0x1;
	p0 =	seq.s32 s7, s2  }
0x1e: {  	s7 =	smul.u32 @!p0 $0xF7A, s2;
	p2 =	seq.s32 @!p0 s5, $0x0  }
0x1f: {  	s9 =	smul.u32 $0xF7A, s1;
	s8 =	simm.s32 @!p0 $0x1BF5;
	p2 =	por !p2, p0  }
0x20: {  	[sflag:s8] =	ssyncset.s32 @!p0 $0xFFFFF086;
	s6 =	sadd.s32 @!p0 s3, s7;
	s7 =	simm.s32 @!p0 $0x108  }
0x21: {  	s3 =	sadd.s32 s3, s9;
	s6 =	sadd.s32 @!p0 $0x88, s6;
	s7 =	simm.s32 @p2 $0x1082  }
0x22: {  	[simem:s7], [sflag:s8] =	dma.local @!p0 [hbm:s6], $0xF7A  }
0x23: {  	s9 =	sor.u32 $0xD0000000, s2;
	s6 =	simm.s32 $0x108;
	_ =	swait.ge @!p0 [sflag:s8], $0x0  }
0x24: {  	s3 =	sadd.s32 $0x88, s3;
	s6 =	simm.s32 @!p1 $0x1082;
	[sflag:s4] =	ssyncset.s32 $0xFFFFF086  }
0x25: {  	[simem:s6], [sflag:s4] =	dma.local [hbm:s3], $0xF7A  }
0x26: {  	[smem:$0x3F76] =	sst s1;
	(tag) =	ssettag s2;
	_ =	strace s9  }
0x27: {  	s1 =	sld [smem:$0x3F86]  }
0x28: {  	s2 =	sld [smem:$0x3F87]  }
0x29: {  	s4 =	sld [smem:$0x3F89]  }
0x2a: {  	p0 =	seq.s32 s5, $0x0;
	s5 =	sld [smem:$0x3F8A]  }
0x2b: {  	s6 =	sld [smem:$0x3F8B]  }
0x2c: {  	s7 =	sld [smem:$0x3F8C]  }
0x2d: {  	s3 =	simm.s32 $0x108;
	s8 =	sld [smem:$0x3F8D]  }
0x2e: {  	s3 =	simm.s32 @!p0 $0x1082;
	s9 =	sld [smem:$0x3F8E]  }
0x2f: {  	lr =	sadd.s32 s0, s3;
	s0 =	sld [smem:$0x3F85]  }
0x30: {  	s3 =	sld [smem:$0x3F88]  }
0x31: {  	[smem:$0x3F91] =	sst s10  }
0x32: {  	s10 =	sld [smem:$0x3F8F];
	_ =	sdelay $0x3  }
0x33: {  	p0 =	seq.s32 s10, $0x1;
	s10 =	sld [smem:$0x3F91];
	_ =	sdelay $0x3  }
0x34: {  	[smem:$0x3F91] =	sst s10  }
0x35: {  	s10 =	sld [smem:$0x3F90];
	_ =	sdelay $0x3  }
0x36: {  	p1 =	seq.s32 s10, $0x1;
	s10 =	sld [smem:$0x3F91];
	_ =	sdelay $0x3  }
0x37: {  	[smem:$0x3F91] =	sst s10  }
0x38: {  	s10 =	sld [smem:$0x3F92]  }
0x39: {  	_ = 	snop;
	(pc) =	sbr.ind lr, $3  }
0x3a: {  	_ = 	snop  }
0x3b: {  	_ = 	snop  }
0x3c: {  	p2 =	seq.s32 s10, $0x1;
	s10 =	sld [smem:$0x3F91]  }
0x3d: {  	_ =	shalt  }
0x3e: {  	_ =	shalt  }
0x3f: {  	_ =	shalt  }
0x40: {  	_ =	shalt  }
0x41: {  	_ =	shalt  }
0x42: {  	_ =	shalt  }
0x43: {  	_ =	shalt  }
0x44: {  	_ =	shalt  }
0x45: {  	_ =	shalt  }
0x46: {  	_ =	shalt  }
0x47: {  	_ =	shalt  }
0x48: {  	_ =	shalt  }
0x49: {  	_ =	shalt  }
0x4a: {  	_ =	shalt  }
0x4b: {  	_ =	shalt  }
0x4c: {  	_ =	shalt  }
0x4d: {  	_ =	shalt  }
0x4e: {  	_ =	shalt  }
0x4f: {  	_ =	shalt  }
0x50: {  	_ =	shalt  }
0x51: {  	_ =	shalt  }
0x52: {  	_ =	shalt  }
0x53: {  	_ =	shalt  }
0x54: {  	_ =	shalt  }
0x55: {  	_ =	shalt  }
0x56: {  	_ =	shalt  }
0x57: {  	_ =	shalt  }
0x58: {  	_ =	shalt  }
0x59: {  	_ =	shalt  }
0x5a: {  	_ =	shalt  }
0x5b: {  	_ =	shalt  }
0x5c: {  	_ =	shalt  }
0x5d: {  	_ =	shalt  }
0x5e: {  	_ =	shalt  }
0x5f: {  	_ =	shalt  }
0x60: {  	_ =	shalt  }
0x61: {  	_ =	shalt  }
0x62: {  	_ =	shalt  }
0x63: {  	_ =	shalt  }
0x64: {  	_ =	shalt  }
0x65: {  	_ =	shalt  }
0x66: {  	_ =	shalt  }
0x67: {  	_ =	shalt  }
0x68: {  	_ =	shalt  }
0x69: {  	_ =	shalt  }
0x6a: {  	_ =	shalt  }
0x6b: {  	_ =	shalt  }
0x6c: {  	_ =	shalt  }
0x6d: {  	_ =	shalt  }
0x6e: {  	_ =	shalt  }
0x6f: {  	_ =	shalt  }
0x70: {  	_ =	shalt  }
0x71: {  	_ =	shalt  }
0x72: {  	_ =	shalt  }
0x73: {  	_ =	shalt  }
0x74: {  	_ =	shalt  }
0x75: {  	_ =	shalt  }
0x76: {  	_ =	shalt  }
0x77: {  	_ =	shalt  }
0x78: {  	_ =	shalt  }
0x79: {  	_ =	shalt  }
0x7a: {  	_ =	shalt  }
0x7b: {  	_ =	shalt  }
0x7c: {  	_ =	shalt  }
0x7d: {  	_ =	shalt  }
0x7e: {  	_ =	shalt  }
0x7f: {  	_ =	shalt  }
0x80: {  	_ =	shalt  }
0x81: {  	_ =	shalt  }
0x82: {  	_ =	shalt  }
0x83: {  	_ =	shalt  }
0x84: {  	_ =	shalt  }
0x85: {  	_ =	shalt  }
0x86: {  	_ =	shalt  }
0x87: {  	_ =	shalt  }
.Lfunc_end0:
.L_simem_size_0:
called_computation.2_lowered:
.L_overlay_start_0:
0x88: {  	s2 =	sld [smem:$0x3FD9]  }
0x89: {  	s3 =	sld [smem:$0x3FFE];
	_ =	sdelay $0x1  }
0x8a: {  	s1 =	srdreg.scid  }
0x8b: {  	s0 =	sand.u32 $0x1, s1  }
0x8c: {  	s16 =	sshll.u32 s0, $0xA;
	s2 =	sadd.s32 s3, s2  }
0x8d: {  	s2 =	sadd.s32 s2, s16  }
0x8e: {  	[smem:$0x3F9D] =	sst s2  }
0x8f: {  	_ = 	snop  }
0x90: {  	(tm) =	ssettm $0x1  }
0x91: {  	s17 =	sld [smem:$0x3FFB];
	_ =	sdelay $0x3  }
0x92: {  	_ =	strace s17  }
0x93: {  	s2 =	sld [smem:$0x3FFC];
	_ =	sdelay $0x3  }
0x94: {  	_ =	strace s2  }
0x95: {  	s2 =	sld [smem:$0x3FFD];
	_ =	sdelay $0x3  }
0x96: {  	_ =	strace s2  }
0x97: {  	_ =	strace $0x8FFFFFFF  }
0x98: {  	s18 =	sld [smem:$0x3FDB];
	_ =	sdelay $0x1  }
0x99: {  	s19 =	simm.s32 $_scs_section_size  }
0x9a: {  	s4 =	simm.s32 $_size__tile_overlayer_lowered;
	s5 =	simm.s32 $_tile_overlayer_lowered  }
0x9b: {  	s22 =	simm.s32 $0x1BFF;
	s21 =	sshll.u32 s5, $0x1;
	s2 =	sadd.s32 s19, s18  }
0x9c: {  	s6 =	simm.s32 $0x0;
	s20 =	sshll.u32 s4, $0x1;
	s4 =	sadd.s32 s21, s2  }
0x9d: {  	[timem:s6], [sflag:s22] =	dma.local [hbm:s4], s20  }
0x9e: {  	_ =	swait.ge [sflag:s22], s20  }
0x9f: {  	s3 =	ssub.s32 $0x0, s20;
	[sflag:s22] =	ssyncset.done $0x0  }
0xa0: {  	[sflag:s22] =	ssyncadd.s32 s3;
	_ =	sdelay $0x1  }
0xa1: {  	s23 =	simm.s32 $0x1B8B  }
0xa2: {  	_ =	swait.ge [sflag:s23], $0x1  }
0xa3: {  	[sflag:s23] =	ssyncset.done $0x0  }
0xa4: {  	s25 =	simm.s32 $0x1B8E;
	s24 =	sld [smem:$0x3FFE];
	[sflag:s23] =	ssyncadd.s32 $0xFFFFFFFF  }
0xa5: {  	s26 =	simm.s32 $execute0_lowered;
	[smem:$0x3FD2] =	sst s25  }
0xa6: {  	s4 =	sshll.u32 s26, $0x1;
	_ =	strace $0x8000004C;
	[dreg:$0x1] =	wrdreg $0xFFFFFFFF  }
0xa7: {  	s28 =	simm.s32 $_size_execute0_lowered;
	s2 =	sadd.s32 s2, s4;
	[dreg:$0x0] =	wrdreg $0x0  }
0xa8: {  	s4 =	sshll.u32 s28, $0x1;
	[dreg:$0x2] =	wrdreg s2  }
0xa9: {  	[dreg:$0x3] =	wrdreg s4  }
0xaa: {  	[dreg:$0x4] =	wrdreg $0xC0  }
0xab: {  	_ =	task [dreg:s6], $0x5FFFF  }
0xac: {  	[dreg:$0x1] =	wrdreg $0xFFFFFFFF  }
0xad: {  	[dreg:$0x0] =	wrdreg $0x60  }
0xae: {  	[dreg:$0x2] =	wrdreg s24  }
0xaf: {  	[dreg:$0x3] =	wrdreg $0x0  }
0xb0: {  	[dreg:$0x4] =	wrdreg $0x9  }
0xb1: {  	_ =	task.clear_ibuf [dreg:s6], $0x5FFFF;
	_ =	strace $0x9000004C  }
0xb2: {  	s29 =	simm.s32 $0x9;
	_ =	strace $0x8000004E  }
0xb3: {  	_ =	swait.ge [sflag:s29], $0x1  }
0xb4: {  	[sflag:s29] =	ssyncadd.s32 $0xFFFFFFFF  }
0xb5: {  	_ =	strace $0x9000004E  }
0xb6: {  	_ =	sfence  }
0xb7: {  	s30 =	sld [smem:$0x0];
	_ =	sdelay $0x2  }
0xb8: {  	s31 =	sshll.u32 s1, $0xD;
	s1 =	sshrl.u32 s1, $0x2  }
0xb9: {  	s3 =	sand.u32 $0x4000, s31;
	s1 =	sadd.s32 s1, s30  }
0xba: {  	s0 =	sor.u32 s3, s0;
	s1 =	sshll.u32 s1, $0x11  }
0xbb: {  	s0 =	sor.u32 s1, s0  }
0xbc: {  	s0 =	sadd.s32 $0x8F2B, s0  }
0xbd: {  	[sflag:s0] =	ssyncadd.remote.s32 $0x1  }
0xbe: {  	_ =	sfence.sel $0xFFFF  }
0xbf: {  	[dreg:$0x0] =	wrdreg $0xFFFFFFFF;
	(pc) =	sbr.abs _section_cstart, $3  }
0xc0: {  	[dreg:$0x1] =	wrdreg $0xFFFFFFFF  }
0xc1: {  	_ =	task.clear_ibuf [dreg:s6], $0x2FFFF;
	_ =	strace $0x9FFFFFFF  }
0xc2: {  	(tm) =	ssettm $0x7FFFFFFF  }
0xc3: {  	_ =	shalt  }
tec
execute0_lowered:
.L_overlay_start_1:
0x0: {  	(tag) =	ssettag $0x1  }
0x1: {  	s0 =	rddreg [dreg:$0x0]  }
0x2: {  	s2 =	rddreg [dreg:$0x1];
	s3 =	simm.s32 $0x0;
	s11 =	stileid.u32  }
0x3: {  	s6 =	srdreg.scid;
	s20 =	simm.s32 $0x2;
	s21 =	simm.s32 $0x13C00  }
0x4: {  	s22 =	simm.s32 $0x80;
	s23 =	simm.s32 $0x1;
	s1 =	smul.u32 $0x2800, s11  }
0x5: {  	s25 =	simm.s32 $0x1A400;
	s28 =	simm.s32 $0x0;
	s7 =	smul.u32 $0x4F000, s11  }
0x6: {  	[smem:$0x7FF] =	sst s3;
	s9 =	sand.u32 $0x1, s6;
	s15 =	smul.u32 $0x13C00, s11  }
0x7: {  	s4 =	sadd.s32 $0x1A5600, s0;
	s12 =	sadd.s32 $0xAC00, s0;
	s10 =	smul.u32 $0x50000, s9  }
0x8: {  	_ =	strace $0x8000004D;
	s16 =	smul.u32 $0x278000, s9;
	s17 =	sshllo.u32 s9, $0x1  }
0x9: {  	s6 =	ssub.s32 $0x2, s9;
	s5 =	sshrl.u32 s1, $0x3;
	s18 =	smul.u32 $0x28000, s17  }
0xa: {  	s26 =	sshrl.u32 s7, $0x2;
	s29 =	sshrl.u32 s6, $0x1;
	s17 =	smul.u32 $0x13C000, s17  }
0xb: {  	s13 =	sadd.s32 s5, s0;
	s0 =	sadd.s32 $0x241A00, s0;
	s5 =	sadd.s32 s26, s2  }
0xc: {  	s14 =	ssub.s32 s6, s29;
	s10 =	sadd.s32 s1, s10;
	s16 =	sadd.s32 s15, s16  }
0xd: {  	s26 =	simm.s32 $0x16300;
	s6 =	sadd.s32 $0x4000, s5;
	s7 =	sadd.s32 $0x8000, s5  }
0xe: {  	s8 =	sadd.s32 $0xC000, s5;
	s10 =	sshrl.u32 s10, $0x3;
	s9 =	sadd.s32 $0x10000, s5  }
0xf: {  	s11 =	sadd.s32 $0x5C00, s13;
	s13 =	sadd.s32 $0x5E80, s13;
	s1 =	sadd.s32 s1, s18  }
0x10: {  	s16 =	sshrl.u32 s16, $0x3;
	s17 =	sadd.s32 s15, s17;
	s18 =	smax.u32 s14, $0x1  }
0x11: {  	s10 =	sadd.s32 s12, s10;
	s1 =	sshrl.u32 s1, $0x3;
	s30 =	sadd.s32 s0, s16  }
0x12: {  	s19 =	sadd.s32 $0x280, s10;
	[dreg:$0x4] =	wrdreg s30;
	s15 =	sadd.s32 s12, s1  }
0x13: {  	s31 =	sshrl.u32 s17, $0x3;
	[dreg:$0x3] =	wrdreg s19;
	s12 =	sadd.s32 $0x280, s15  }
0x14: {  	v0 =	vimm.f32 $0.0e+00;
	s17 =	sadd.s32 s0, s31;
	s19 =	simm.s32 $0x16400;
	[dreg:$0x5] =	wrdreg s12  }
.LBB2_1:
0x15: {  	s0 =	sand.u32 $0xFE00, s3  }
0x16: {  	s1 =	sand.u32 $0x70, s3;
	s12 =	sshrl.u32 s0, $0x2  }
0x17: {  	s0 =	simm.s32 $0x40;
	s12 =	sor.u32 s1, s12;
	s1 =	simm.s32 $0x0  }
.LBB2_2:
0x18: {  	p0 =	sne.s32 s0, $0xFFC0  }
0x19: {  	[tilespmem:s12+$0x16400] =	vst v0;
	s1 =	sadd.s32 $0x10, s1;
	s12 =	smov.u32 s0;
	s0 =	sadd.s32 $0x40, s0  }
.Ltmp0:
0x1a: {  	(pc) =	sbr.rel @p0 .LBB2_2-.Ltmp0, $4  }
0x1b: {  	_ = 	snop  }
0x1c: {  	s12 =	sand.u32 $0xFE00, s12  }
0x1d: {  	s14 =	sand.u32 $0x70, s1;
	s12 =	sshrl.u32 s12, $0x2  }
0x1e: {  	s12 =	sor.u32 s14, s12  }
0x1f: {  	[tilespmem:s12+$0x16400] =	vst v0  }
0x20: {  	[spmem:s5] =	stream.linear.scatter [tilespmem:s19], [sflag:$0x2], $0x4000, $0x38;
	[tilespmem:$0x1E400] =	vst v63  }
0x21: {  	_ =	swait.ge [sflag:s20], $0x4000  }
0x22: {  	[sflag:s20] =	ssyncset.done $0x0  }
0x23: {  	[sflag:s20] =	ssyncadd.s32 $0xFFFFC000  }
0x24: {  	[spmem:s6] =	stream.linear.scatter [tilespmem:s19], [sflag:$0x2], $0x4000, $0x38;
	[tilespmem:$0x1E400] =	vst v63  }
0x25: {  	_ =	swait.ge [sflag:s20], $0x4000  }
0x26: {  	[sflag:s20] =	ssyncset.done $0x0  }
0x27: {  	[sflag:s20] =	ssyncadd.s32 $0xFFFFC000  }
0x28: {  	[spmem:s7] =	stream.linear.scatter [tilespmem:s19], [sflag:$0x2], $0x4000, $0x38;
	[tilespmem:$0x1E400] =	vst v63  }
0x29: {  	_ =	swait.ge [sflag:s20], $0x4000  }
0x2a: {  	[sflag:s20] =	ssyncset.done $0x0  }
0x2b: {  	[sflag:s20] =	ssyncadd.s32 $0xFFFFC000  }
0x2c: {  	[spmem:s8] =	stream.linear.scatter [tilespmem:s19], [sflag:$0x2], $0x4000, $0x38;
	[tilespmem:$0x1E400] =	vst v63  }
0x2d: {  	_ =	swait.ge [sflag:s20], $0x4000  }
0x2e: {  	[sflag:s20] =	ssyncset.done $0x0  }
0x2f: {  	[sflag:s20] =	ssyncadd.s32 $0xFFFFC000  }
0x30: {  	[spmem:s9] =	stream.linear.scatter [tilespmem:s19], [sflag:$0x2], $0x3C00, $0x38;
	[tilespmem:$0x1E400] =	vst v63  }
0x31: {  	_ =	swait.ge [sflag:s20], $0x3C00  }
0x32: {  	[sflag:s20] =	ssyncset.done $0x0  }
0x33: {  	[sflag:s20] =	ssyncadd.s32 $0xFFFFC400  }
0x34: {  	[bflag:$0x0] =	sbarrier.arrive $0xFFFF  }
0x35: {  	[tilespmem:s21], [sflag:$0x2] =	stream.linear.gather [hbm4b:s10+s3], $0x1400, $0x38;
	[tilespmem:$0x1E400] =	vst v63  }
0x36: {  	_ =	swait.ge [sflag:s20], $0x1400  }
0x37: {  	[sflag:s20] =	ssyncset.done $0x0  }
0x38: {  	s0 =	simm.s32 $0x15000;
	[sflag:s20] =	ssyncadd.s32 $0xFFFFEC00  }
0x39: {  	[tilespmem:s0], [sflag:$0x2] =	stream.linear.gather [hbm4b:s11+s3], $0x1400, $0x38;
	[tilespmem:$0x1E400] =	vst v63  }
0x3a: {  	s1 =	simm.s32 $0x10000;
	_ =	swait.ge [sflag:s20], $0x1400  }
0x3b: {  	s1 =	sand.u32 $0x10000, s1;
	[sflag:s20] =	ssyncset.done $0x0  }
0x3c: {  	s1 =	sshrl.u32 s1, $0x2;
	[sflag:s20] =	ssyncadd.s32 $0xFFFFEC00  }
0x3d: {  	[tilespmem:s19], [sflag:$0x1] =	stream.indirect.gather [hbm4b:s4+s22], $0x80, s21, s22, $0xb8;
	[tilespmem:$0x1E400] =	vst v63  }
0x3e: {  	s31 =	simm.s32 $0x13C80;
	s14 =	simm.s32 $0x0;
	s1 =	sadd.s32 $0x16400, s1  }
0x3f: {  	[tilespmem:s1], [sflag:$0x1] =	stream.indirect.gather [hbm4b:s4+s22], $0x80, s31, s22, $0xb8;
	[tilespmem:$0x1E400] =	vst v63  }
0x40: {  	s16 =	sand.u32 $0x10000, s14;
	_ =	swait.ge [sflag:s23], $0x4000  }
0x41: {  	s29 =	simm.s32 $0x20000;
	s24 =	sshrl.u32 s16, $0x2;
	[sflag:s23] =	ssyncset.done $0x0  }
0x42: {  	s30 =	simm.s32 $0x15080;
	s12 =	sadd.s32 $0x16400, s24;
	[sflag:s23] =	ssyncadd.s32 $0xFFFFC000  }
0x43: {  	[spmem:s2] =	stream.indirect.scatter.add.f32 [tilespmem:s12], [sflag:$0x2], $0x80, s0, s22, $0xb8;
	[tilespmem:$0x1E400] =	vst v63  }
0x44: {  	s1 =	simm.s32 $0x30000;
	s31 =	sand.u32 $0x10000, s29;
	_ =	swait.ge [sflag:s20], $0x4000  }
0x45: {  	s0 =	simm.s32 $0x13D00;
	s12 =	sshrl.u32 s31, $0x2;
	[sflag:s20] =	ssyncset.done $0x0  }
.LBB2_4:
0x46: {  	s12 =	sadd.s32 $0x16400, s12;
	s14 =	sadd.s32 $0xFFFF0000, s29  }
0x47: {  	[sflag:s20] =	ssyncadd.s32 $0xFFFFC000;
	s29 =	smov.u32 s1;
	s31 =	sadd.s32 $0x10000, s1  }
0x48: {  	[tilespmem:s12], [sflag:$0x1] =	stream.indirect.gather [hbm4b:s4+s22], $0x80, s0, s22, $0xb8;
	[tilespmem:$0x1E400] =	vst v63  }
0x49: {  	p0 =	sne.s32 s1, $0x270000;
	s12 =	sand.u32 $0x10000, s14;
	_ =	swait.ge [sflag:s23], $0x4000  }
.Ltmp1:
0x4a: {  	s12 =	sshrl.u32 s12, $0x2;
	[sflag:s23] =	ssyncset.done $0x0;
	(pc) =	sbr.rel @p0 .LBB2_4-.Ltmp1, $4  }
0x4b: {  	s0 =	sadd.s32 $0x80, s0;
	s1 =	sadd.s32 $0x16400, s12;
	[sflag:s23] =	ssyncadd.s32 $0xFFFFC000  }
0x4c: {  	[spmem:s2] =	stream.indirect.scatter.add.f32 [tilespmem:s1], [sflag:$0x2], $0x80, s30, s22, $0xb8;
	[tilespmem:$0x1E400] =	vst v63  }
0x4d: {  	s1 =	sand.u32 $0x10000, s29;
	s30 =	sadd.s32 $0x80, s30;
	_ =	swait.ge [sflag:s20], $0x4000  }
0x4e: {  	s12 =	sshrl.u32 s1, $0x2;
	s1 =	smov.u32 s31;
	[sflag:s20] =	ssyncset.done $0x0  }
0x4f: {  	s1 =	sadd.s32 $0x16400, s12;
	s31 =	sadd.s32 $0xFFFF0000, s29;
	[sflag:s20] =	ssyncadd.s32 $0xFFFFC000  }
0x50: {  	[tilespmem:s1], [sflag:$0x1] =	stream.indirect.gather [hbm4b:s4+s22], $0x80, s0, s22, $0xb8;
	[tilespmem:$0x1E400] =	vst v63  }
0x51: {  	s12 =	sand.u32 $0x10000, s31;
	_ =	swait.ge [sflag:s23], $0x4000  }
0x52: {  	s0 =	sshrl.u32 s12, $0x2;
	[sflag:s23] =	ssyncset.done $0x0  }
0x53: {  	s0 =	sadd.s32 $0x16400, s0;
	[sflag:s23] =	ssyncadd.s32 $0xFFFFC000  }
0x54: {  	[spmem:s2] =	stream.indirect.scatter.add.f32 [tilespmem:s0], [sflag:$0x2], $0x80, s30, s22, $0xb8;
	[tilespmem:$0x1E400] =	vst v63  }
0x55: {  	_ =	swait.ge [sflag:s20], $0x4000  }
0x56: {  	[sflag:s20] =	ssyncset.done $0x0  }
0x57: {  	[sflag:s20] =	ssyncadd.s32 $0xFFFFC000  }
0x58: {  	_ =	swait.ge [sflag:s23], $0x4000  }
0x59: {  	[sflag:s23] =	ssyncset.done $0x0  }
0x5a: {  	s14 =	simm.s32 $0x16380;
	[sflag:s23] =	ssyncadd.s32 $0xFFFFC000  }
0x5b: {  	[spmem:s2] =	stream.indirect.scatter.add.f32 [tilespmem:s25], [sflag:$0x2], $0x80, s14, s22, $0xb8;
	[tilespmem:$0x1E400] =	vst v63  }
0x5c: {  	_ =	swait.ge [sflag:s20], $0x4000  }
0x5d: {  	[sflag:s20] =	ssyncset.done $0x0  }
0x5e: {  	s16 =	rddreg [dreg:$0x3];
	[sflag:s20] =	ssyncadd.s32 $0xFFFFC000  }
0x5f: {  	[tilespmem:s21], [sflag:$0x2] =	stream.linear.gather [hbm4b:s16+s3], $0x1380, $0x38;
	[tilespmem:$0x1E400] =	vst v63  }
0x60: {  	_ =	swait.ge [sflag:s20], $0x1380  }
0x61: {  	[sflag:s20] =	ssyncset.done $0x0  }
0x62: {  	s0 =	simm.s32 $0x15000;
	[sflag:s20] =	ssyncadd.s32 $0xFFFFEC80  }
0x63: {  	[tilespmem:s0], [sflag:$0x2] =	stream.linear.gather [hbm4b:s13+s3], $0x1380, $0x38;
	[tilespmem:$0x1E400] =	vst v63  }
0x64: {  	s24 =	simm.s32 $0x10000;
	_ =	swait.ge [sflag:s20], $0x1380  }
0x65: {  	s1 =	sand.u32 $0x10000, s24;
	[sflag:s20] =	ssyncset.done $0x0  }
0x66: {  	s1 =	sshrl.u32 s1, $0x2;
	[sflag:s20] =	ssyncadd.s32 $0xFFFFEC80  }
0x67: {  	[tilespmem:s19], [sflag:$0x1] =	stream.indirect.gather [hbm4b:s4+s22], $0x80, s21, s22, $0xb8;
	[tilespmem:$0x1E400] =	vst v63  }
0x68: {  	s31 =	simm.s32 $0x13C80;
	s1 =	sadd.s32 $0x16400, s1;
	s14 =	simm.s32 $0x0  }
0x69: {  	[tilespmem:s1], [sflag:$0x1] =	stream.indirect.gather [hbm4b:s4+s22], $0x80, s31, s22, $0xb8;
	[tilespmem:$0x1E400] =	vst v63  }
0x6a: {  	s16 =	sand.u32 $0x10000, s14;
	_ =	swait.ge [sflag:s23], $0x4000  }
0x6b: {  	s29 =	simm.s32 $0x20000;
	s24 =	sshrl.u32 s16, $0x2;
	[sflag:s23] =	ssyncset.done $0x0  }
0x6c: {  	s30 =	simm.s32 $0x15080;
	s12 =	sadd.s32 $0x16400, s24;
	[sflag:s23] =	ssyncadd.s32 $0xFFFFC000  }
0x6d: {  	[spmem:s2] =	stream.indirect.scatter.add.f32 [tilespmem:s12], [sflag:$0x2], $0x80, s0, s22, $0xb8;
	[tilespmem:$0x1E400] =	vst v63  }
0x6e: {  	s1 =	simm.s32 $0x30000;
	s31 =	sand.u32 $0x10000, s29;
	_ =	swait.ge [sflag:s20], $0x4000  }
0x6f: {  	s0 =	simm.s32 $0x13D00;
	s12 =	sshrl.u32 s31, $0x2;
	[sflag:s20] =	ssyncset.done $0x0  }
.LBB2_6:
0x70: {  	s12 =	sadd.s32 $0x16400, s12;
	s14 =	sadd.s32 $0xFFFF0000, s29  }
0x71: {  	[sflag:s20] =	ssyncadd.s32 $0xFFFFC000;
	s29 =	smov.u32 s1;
	s31 =	sadd.s32 $0x10000, s1  }
0x72: {  	[tilespmem:s12], [sflag:$0x1] =	stream.indirect.gather [hbm4b:s4+s22], $0x80, s0, s22, $0xb8;
	[tilespmem:$0x1E400] =	vst v63  }
0x73: {  	p0 =	sne.s32 s1, $0x260000;
	s12 =	sand.u32 $0x10000, s14;
	_ =	swait.ge [sflag:s23], $0x4000  }
.Ltmp2:
0x74: {  	s12 =	sshrl.u32 s12, $0x2;
	[sflag:s23] =	ssyncset.done $0x0;
	(pc) =	sbr.rel @p0 .LBB2_6-.Ltmp2, $4  }
0x75: {  	s0 =	sadd.s32 $0x80, s0;
	s1 =	sadd.s32 $0x16400, s12;
	[sflag:s23] =	ssyncadd.s32 $0xFFFFC000  }
0x76: {  	[spmem:s2] =	stream.indirect.scatter.add.f32 [tilespmem:s1], [sflag:$0x2], $0x80, s30, s22, $0xb8;
	[tilespmem:$0x1E400] =	vst v63  }
0x77: {  	s1 =	sand.u32 $0x10000, s29;
	s30 =	sadd.s32 $0x80, s30;
	_ =	swait.ge [sflag:s20], $0x4000  }
0x78: {  	s12 =	sshrl.u32 s1, $0x2;
	s1 =	smov.u32 s31;
	[sflag:s20] =	ssyncset.done $0x0  }
0x79: {  	s1 =	sadd.s32 $0x16400, s12;
	s31 =	sadd.s32 $0xFFFF0000, s29;
	[sflag:s20] =	ssyncadd.s32 $0xFFFFC000  }
0x7a: {  	[tilespmem:s1], [sflag:$0x1] =	stream.indirect.gather [hbm4b:s4+s22], $0x80, s0, s22, $0xb8;
	[tilespmem:$0x1E400] =	vst v63  }
0x7b: {  	s12 =	sand.u32 $0x10000, s31;
	_ =	swait.ge [sflag:s23], $0x4000  }
0x7c: {  	s0 =	sshrl.u32 s12, $0x2;
	[sflag:s23] =	ssyncset.done $0x0  }
0x7d: {  	s0 =	sadd.s32 $0x16400, s0;
	[sflag:s23] =	ssyncadd.s32 $0xFFFFC000  }
0x7e: {  	[spmem:s2] =	stream.indirect.scatter.add.f32 [tilespmem:s0], [sflag:$0x2], $0x80, s30, s22, $0xb8;
	[tilespmem:$0x1E400] =	vst v63  }
0x7f: {  	_ =	swait.ge [sflag:s20], $0x4000  }
0x80: {  	[sflag:s20] =	ssyncset.done $0x0  }
0x81: {  	[sflag:s20] =	ssyncadd.s32 $0xFFFFC000  }
0x82: {  	_ =	swait.ge [sflag:s23], $0x4000  }
0x83: {  	[sflag:s23] =	ssyncset.done $0x0  }
0x84: {  	[sflag:s23] =	ssyncadd.s32 $0xFFFFC000  }
0x85: {  	[spmem:s2] =	stream.indirect.scatter.add.f32 [tilespmem:s19], [sflag:$0x2], $0x80, s26, s22, $0xb8;
	[tilespmem:$0x1E400] =	vst v63  }
0x86: {  	_ =	swait.ge [sflag:s20], $0x4000  }
0x87: {  	[sflag:s20] =	ssyncset.done $0x0  }
0x88: {  	s14 =	stileid.u32;
	[sflag:s20] =	ssyncadd.s32 $0xFFFFC000  }
0x89: {  	s0 =	sshll.u32 s14, $0x6;
	s30 =	sshrl.u32 s5, $0x3;
	[bflag:$0x0] =	sbarrier.arrive $0xFFFF  }
0x8a: {  	s29 =	sor.u32 $0x1C02, s0;
	s0 =	simm.s32 $0x0;
	s16 =	rddreg [dreg:$0x4]  }
0x8b: {  	[hbm:s16], [sflag:s29] =	dma.local [spmem:s30], $0x2780  }
0x8c: {  	s24 =	sand.u32 $0xFE00, s0;
	_ =	swait.ge [sflag:s20], $0x2780  }
0x8d: {  	s31 =	sand.u32 $0x70, s0;
	s14 =	sshrl.u32 s24, $0x2;
	[sflag:s20] =	ssyncset.done $0x0  }
0x8e: {  	s1 =	simm.s32 $0x40;
	s12 =	sor.u32 s31, s14;
	[sflag:s20] =	ssyncadd.s32 $0xFFFFD880  }
.LBB2_8:
0x8f: {  	p0 =	sne.s32 s1, $0xFFC0  }
0x90: {  	[tilespmem:s12+$0x16400] =	vst v0;
	s0 =	sadd.s32 $0x10, s0;
	s12 =	smov.u32 s1;
	s1 =	sadd.s32 $0x40, s1  }
.Ltmp3:
0x91: {  	(pc) =	sbr.rel @p0 .LBB2_8-.Ltmp3, $4  }
0x92: {  	_ = 	snop  }
0x93: {  	s12 =	sand.u32 $0xFE00, s12  }
0x94: {  	s14 =	sand.u32 $0x70, s0;
	s12 =	sshrl.u32 s12, $0x2  }
0x95: {  	s12 =	sor.u32 s14, s12  }
0x96: {  	[tilespmem:s12+$0x16400] =	vst v0  }
0x97: {  	[spmem:s5] =	stream.linear.scatter [tilespmem:s19], [sflag:$0x2], $0x4000, $0x38;
	[tilespmem:$0x1E400] =	vst v63  }
0x98: {  	_ =	swait.ge [sflag:s20], $0x4000  }
0x99: {  	[sflag:s20] =	ssyncset.done $0x0  }
0x9a: {  	[sflag:s20] =	ssyncadd.s32 $0xFFFFC000  }
0x9b: {  	[spmem:s6] =	stream.linear.scatter [tilespmem:s19], [sflag:$0x2], $0x4000, $0x38;
	[tilespmem:$0x1E400] =	vst v63  }
0x9c: {  	_ =	swait.ge [sflag:s20], $0x4000  }
0x9d: {  	[sflag:s20] =	ssyncset.done $0x0  }
0x9e: {  	[sflag:s20] =	ssyncadd.s32 $0xFFFFC000  }
0x9f: {  	[spmem:s7] =	stream.linear.scatter [tilespmem:s19], [sflag:$0x2], $0x4000, $0x38;
	[tilespmem:$0x1E400] =	vst v63  }
0xa0: {  	_ =	swait.ge [sflag:s20], $0x4000  }
0xa1: {  	[sflag:s20] =	ssyncset.done $0x0  }
0xa2: {  	[sflag:s20] =	ssyncadd.s32 $0xFFFFC000  }
0xa3: {  	[spmem:s8] =	stream.linear.scatter [tilespmem:s19], [sflag:$0x2], $0x4000, $0x38;
	[tilespmem:$0x1E400] =	vst v63  }
0xa4: {  	_ =	swait.ge [sflag:s20], $0x4000  }
0xa5: {  	[sflag:s20] =	ssyncset.done $0x0  }
0xa6: {  	[sflag:s20] =	ssyncadd.s32 $0xFFFFC000  }
0xa7: {  	[spmem:s9] =	stream.linear.scatter [tilespmem:s19], [sflag:$0x2], $0x3C00, $0x38;
	[tilespmem:$0x1E400] =	vst v63  }
0xa8: {  	_ =	swait.ge [sflag:s20], $0x3C00  }
0xa9: {  	[sflag:s20] =	ssyncset.done $0x0  }
0xaa: {  	[sflag:s20] =	ssyncadd.s32 $0xFFFFC400  }
0xab: {  	[bflag:$0x0] =	sbarrier.arrive $0xFFFF  }
0xac: {  	[tilespmem:s21], [sflag:$0x2] =	stream.linear.gather [hbm4b:s15+s3], $0x1400, $0x38;
	[tilespmem:$0x1E400] =	vst v63  }
0xad: {  	_ =	swait.ge [sflag:s20], $0x1400  }
0xae: {  	[sflag:s20] =	ssyncset.done $0x0  }
0xaf: {  	s0 =	simm.s32 $0x15000;
	[sflag:s20] =	ssyncadd.s32 $0xFFFFEC00  }
0xb0: {  	[tilespmem:s0], [sflag:$0x2] =	stream.linear.gather [hbm4b:s11+s3], $0x1400, $0x38;
	[tilespmem:$0x1E400] =	vst v63  }
0xb1: {  	s1 =	simm.s32 $0x10000;
	_ =	swait.ge [sflag:s20], $0x1400  }
0xb2: {  	s1 =	sand.u32 $0x10000, s1;
	[sflag:s20] =	ssyncset.done $0x0  }
0xb3: {  	s1 =	sshrl.u32 s1, $0x2;
	[sflag:s20] =	ssyncadd.s32 $0xFFFFEC00  }
0xb4: {  	[tilespmem:s19], [sflag:$0x1] =	stream.indirect.gather [hbm4b:s4+s22], $0x80, s21, s22, $0xb8;
	[tilespmem:$0x1E400] =	vst v63  }
0xb5: {  	s24 =	simm.s32 $0x13C80;
	s14 =	simm.s32 $0x0;
	s1 =	sadd.s32 $0x16400, s1  }
0xb6: {  	[tilespmem:s1], [sflag:$0x1] =	stream.indirect.gather [hbm4b:s4+s22], $0x80, s24, s22, $0xb8;
	[tilespmem:$0x1E400] =	vst v63  }
0xb7: {  	s16 =	sand.u32 $0x10000, s14;
	_ =	swait.ge [sflag:s23], $0x4000  }
0xb8: {  	s31 =	simm.s32 $0x20000;
	s1 =	sshrl.u32 s16, $0x2;
	[sflag:s23] =	ssyncset.done $0x0  }
0xb9: {  	s24 =	sand.u32 $0x10000, s31;
	s1 =	sadd.s32 $0x16400, s1;
	[sflag:s23] =	ssyncadd.s32 $0xFFFFC000  }
0xba: {  	[spmem:s2] =	stream.indirect.scatter.add.f32 [tilespmem:s1], [sflag:$0x2], $0x80, s0, s22, $0xb8;
	[tilespmem:$0x1E400] =	vst v63  }
0xbb: {  	s12 =	simm.s32 $0x30000;
	s14 =	sshrl.u32 s24, $0x2;
	_ =	swait.ge [sflag:s20], $0x4000  }
0xbc: {  	s1 =	simm.s32 $0x13D00;
	s0 =	simm.s32 $0x15080;
	[sflag:s20] =	ssyncset.done $0x0  }
.LBB2_10:
0xbd: {  	s14 =	sadd.s32 $0x16400, s14;
	s16 =	sadd.s32 $0xFFFF0000, s31  }
0xbe: {  	[sflag:s20] =	ssyncadd.s32 $0xFFFFC000;
	s31 =	smov.u32 s12;
	s24 =	sadd.s32 $0x10000, s12  }
0xbf: {  	[tilespmem:s14], [sflag:$0x1] =	stream.indirect.gather [hbm4b:s4+s22], $0x80, s1, s22, $0xb8;
	[tilespmem:$0x1E400] =	vst v63  }
0xc0: {  	p0 =	sne.s32 s12, $0x270000;
	s14 =	sand.u32 $0x10000, s16;
	_ =	swait.ge [sflag:s23], $0x4000  }
.Ltmp4:
0xc1: {  	s14 =	sshrl.u32 s14, $0x2;
	[sflag:s23] =	ssyncset.done $0x0;
	(pc) =	sbr.rel @p0 .LBB2_10-.Ltmp4, $4  }
0xc2: {  	s1 =	sadd.s32 $0x80, s1;
	s12 =	sadd.s32 $0x16400, s14;
	[sflag:s23] =	ssyncadd.s32 $0xFFFFC000  }
0xc3: {  	[spmem:s2] =	stream.indirect.scatter.add.f32 [tilespmem:s12], [sflag:$0x2], $0x80, s0, s22, $0xb8;
	[tilespmem:$0x1E400] =	vst v63  }
0xc4: {  	s12 =	sand.u32 $0x10000, s31;
	s0 =	sadd.s32 $0x80, s0;
	_ =	swait.ge [sflag:s20], $0x4000  }
0xc5: {  	s14 =	sshrl.u32 s12, $0x2;
	s12 =	smov.u32 s24;
	[sflag:s20] =	ssyncset.done $0x0  }
0xc6: {  	s12 =	sadd.s32 $0x16400, s14;
	s16 =	sadd.s32 $0xFFFF0000, s31;
	[sflag:s20] =	ssyncadd.s32 $0xFFFFC000  }
0xc7: {  	[tilespmem:s12], [sflag:$0x1] =	stream.indirect.gather [hbm4b:s4+s22], $0x80, s1, s22, $0xb8;
	[tilespmem:$0x1E400] =	vst v63  }
0xc8: {  	s24 =	sand.u32 $0x10000, s16;
	_ =	swait.ge [sflag:s23], $0x4000  }
0xc9: {  	s1 =	sshrl.u32 s24, $0x2;
	[sflag:s23] =	ssyncset.done $0x0  }
0xca: {  	s1 =	sadd.s32 $0x16400, s1;
	[sflag:s23] =	ssyncadd.s32 $0xFFFFC000  }
0xcb: {  	[spmem:s2] =	stream.indirect.scatter.add.f32 [tilespmem:s1], [sflag:$0x2], $0x80, s0, s22, $0xb8;
	[tilespmem:$0x1E400] =	vst v63  }
0xcc: {  	_ =	swait.ge [sflag:s20], $0x4000  }
0xcd: {  	[sflag:s20] =	ssyncset.done $0x0  }
0xce: {  	[sflag:s20] =	ssyncadd.s32 $0xFFFFC000  }
0xcf: {  	_ =	swait.ge [sflag:s23], $0x4000  }
0xd0: {  	[sflag:s23] =	ssyncset.done $0x0  }
0xd1: {  	s1 =	simm.s32 $0x16380;
	[sflag:s23] =	ssyncadd.s32 $0xFFFFC000  }
0xd2: {  	[spmem:s2] =	stream.indirect.scatter.add.f32 [tilespmem:s25], [sflag:$0x2], $0x80, s1, s22, $0xb8;
	[tilespmem:$0x1E400] =	vst v63  }
0xd3: {  	_ =	swait.ge [sflag:s20], $0x4000  }
0xd4: {  	[sflag:s20] =	ssyncset.done $0x0  }
0xd5: {  	s12 =	rddreg [dreg:$0x5];
	[sflag:s20] =	ssyncadd.s32 $0xFFFFC000  }
0xd6: {  	[tilespmem:s21], [sflag:$0x2] =	stream.linear.gather [hbm4b:s12+s3], $0x1380, $0x38;
	[tilespmem:$0x1E400] =	vst v63  }
0xd7: {  	_ =	swait.ge [sflag:s20], $0x1380  }
0xd8: {  	[sflag:s20] =	ssyncset.done $0x0  }
0xd9: {  	s0 =	simm.s32 $0x15000;
	[sflag:s20] =	ssyncadd.s32 $0xFFFFEC80  }
0xda: {  	[tilespmem:s0], [sflag:$0x2] =	stream.linear.gather [hbm4b:s13+s3], $0x1380, $0x38;
	[tilespmem:$0x1E400] =	vst v63  }
0xdb: {  	s14 =	simm.s32 $0x10000;
	_ =	swait.ge [sflag:s20], $0x1380  }
0xdc: {  	s1 =	sand.u32 $0x10000, s14;
	[sflag:s20] =	ssyncset.done $0x0  }
0xdd: {  	s1 =	sshrl.u32 s1, $0x2;
	[sflag:s20] =	ssyncadd.s32 $0xFFFFEC80  }
0xde: {  	[tilespmem:s19], [sflag:$0x1] =	stream.indirect.gather [hbm4b:s4+s22], $0x80, s21, s22, $0xb8;
	[tilespmem:$0x1E400] =	vst v63  }
0xdf: {  	s16 =	simm.s32 $0x13C80;
	s24 =	simm.s32 $0x0;
	s1 =	sadd.s32 $0x16400, s1  }
0xe0: {  	[tilespmem:s1], [sflag:$0x1] =	stream.indirect.gather [hbm4b:s4+s22], $0x80, s16, s22, $0xb8;
	[tilespmem:$0x1E400] =	vst v63  }
0xe1: {  	s16 =	sand.u32 $0x10000, s24;
	_ =	swait.ge [sflag:s23], $0x4000  }
0xe2: {  	s31 =	simm.s32 $0x20000;
	s1 =	sshrl.u32 s16, $0x2;
	[sflag:s23] =	ssyncset.done $0x0  }
0xe3: {  	s24 =	sand.u32 $0x10000, s31;
	s1 =	sadd.s32 $0x16400, s1;
	[sflag:s23] =	ssyncadd.s32 $0xFFFFC000  }
0xe4: {  	[spmem:s2] =	stream.indirect.scatter.add.f32 [tilespmem:s1], [sflag:$0x2], $0x80, s0, s22, $0xb8;
	[tilespmem:$0x1E400] =	vst v63  }
0xe5: {  	s12 =	simm.s32 $0x30000;
	s14 =	sshrl.u32 s24, $0x2;
	_ =	swait.ge [sflag:s20], $0x4000  }
0xe6: {  	s1 =	simm.s32 $0x13D00;
	s0 =	simm.s32 $0x15080;
	[sflag:s20] =	ssyncset.done $0x0  }
.LBB2_12:
0xe7: {  	s14 =	sadd.s32 $0x16400, s14;
	s16 =	sadd.s32 $0xFFFF0000, s31  }
0xe8: {  	[sflag:s20] =	ssyncadd.s32 $0xFFFFC000;
	s31 =	smov.u32 s12;
	s24 =	sadd.s32 $0x10000, s12  }
0xe9: {  	[tilespmem:s14], [sflag:$0x1] =	stream.indirect.gather [hbm4b:s4+s22], $0x80, s1, s22, $0xb8;
	[tilespmem:$0x1E400] =	vst v63  }
0xea: {  	p0 =	sne.s32 s12, $0x260000;
	s14 =	sand.u32 $0x10000, s16;
	_ =	swait.ge [sflag:s23], $0x4000  }
.Ltmp5:
0xeb: {  	s14 =	sshrl.u32 s14, $0x2;
	[sflag:s23] =	ssyncset.done $0x0;
	(pc) =	sbr.rel @p0 .LBB2_12-.Ltmp5, $4  }
0xec: {  	s1 =	sadd.s32 $0x80, s1;
	s12 =	sadd.s32 $0x16400, s14;
	[sflag:s23] =	ssyncadd.s32 $0xFFFFC000  }
0xed: {  	[spmem:s2] =	stream.indirect.scatter.add.f32 [tilespmem:s12], [sflag:$0x2], $0x80, s0, s22, $0xb8;
	[tilespmem:$0x1E400] =	vst v63  }
0xee: {  	s12 =	sand.u32 $0x10000, s31;
	s0 =	sadd.s32 $0x80, s0;
	_ =	swait.ge [sflag:s20], $0x4000  }
0xef: {  	s14 =	sshrl.u32 s12, $0x2;
	s12 =	smov.u32 s24;
	[sflag:s20] =	ssyncset.done $0x0  }
0xf0: {  	s12 =	sadd.s32 $0x16400, s14;
	s24 =	sadd.s32 $0xFFFF0000, s31;
	[sflag:s20] =	ssyncadd.s32 $0xFFFFC000  }
0xf1: {  	[tilespmem:s12], [sflag:$0x1] =	stream.indirect.gather [hbm4b:s4+s22], $0x80, s1, s22, $0xb8;
	[tilespmem:$0x1E400] =	vst v63  }
0xf2: {  	s31 =	sand.u32 $0x10000, s24;
	_ =	swait.ge [sflag:s23], $0x4000  }
0xf3: {  	s1 =	sshrl.u32 s31, $0x2;
	[sflag:s23] =	ssyncset.done $0x0  }
0xf4: {  	s1 =	sadd.s32 $0x16400, s1;
	[sflag:s23] =	ssyncadd.s32 $0xFFFFC000  }
0xf5: {  	[spmem:s2] =	stream.indirect.scatter.add.f32 [tilespmem:s1], [sflag:$0x2], $0x80, s0, s22, $0xb8;
	[tilespmem:$0x1E400] =	vst v63  }
0xf6: {  	_ =	swait.ge [sflag:s20], $0x4000  }
0xf7: {  	[sflag:s20] =	ssyncset.done $0x0  }
0xf8: {  	[sflag:s20] =	ssyncadd.s32 $0xFFFFC000  }
0xf9: {  	_ =	swait.ge [sflag:s23], $0x4000  }
0xfa: {  	[sflag:s23] =	ssyncset.done $0x0  }
0xfb: {  	[sflag:s23] =	ssyncadd.s32 $0xFFFFC000  }
0xfc: {  	[spmem:s2] =	stream.indirect.scatter.add.f32 [tilespmem:s19], [sflag:$0x2], $0x80, s26, s22, $0xb8;
	[tilespmem:$0x1E400] =	vst v63  }
0xfd: {  	_ =	swait.ge [sflag:s20], $0x4000  }
0xfe: {  	s28 =	sadd.s32 $0x1, s28;
	[sflag:s20] =	ssyncset.done $0x0  }
0xff: {  	p0 =	sne.s32 s28, s18;
	[sflag:s20] =	ssyncadd.s32 $0xFFFFC000  }
.Ltmp6:
0x100: {  	[bflag:$0x0] =	sbarrier.arrive $0xFFFF;
	(pc) =	sbr.rel @p0 .LBB2_1-.Ltmp6, $4  }
0x101: {  	[hbm:s17], [sflag:s29] =	dma.local [spmem:s30], $0x2780  }
0x102: {  	_ =	swait.ge [sflag:s20], $0x2780  }
0x103: {  	[sflag:s20] =	ssyncset.done $0x0  }
0x104: {  	[sflag:s20] =	ssyncadd.s32 $0xFFFFD880  }
0x105: {  	_ =	sfence.sel $0x180000  }
0x106: {  	[bflag:$0x0] =	sbarrier.arrive $0xFFFF  }
0x107: {  	_ =	strace $0x9000004D  }
0x108: {  	s0 =	stileid.u32;
	[bflag:$0x2] =	sbarrier.arrive $0xFFFF  }
0x109: {  	p0 =	sne.s32 s0, $0x0;
	s0 =	rddreg [dreg:$0x2]  }
0x10a: {  	s0 =	sadd.s32 @!p0 $0x100000, s0  }
0x10b: {  	[sflag:s0] =	ssyncadd.tile.s32 @!p0 $0x1;
	_ =	shalt  }
.Lfunc_end2:
_tile_overlayer_lowered:
.L_overlay_start_2:
0x10c: {  	(tag) =	ssettag $0x2  }
0x10d: {  	s0 =	rddreg [dreg:$0x0];
	s2 =	stileid.u32  }
0x10e: {  	s1 =	rddreg [dreg:$0x1];
	p0 =	sne.s32 s2, $0x0  }
0x10f: {  	s3 =	rddreg [dreg:$0x2];
	[bflag:$0x3] =	sbarrier.arrive $0xFFFF;
	s2 =	simm.s32 @!p0 $0x1C02  }
0x110: {  	[timem:s3], [sflag:s2] =	dma.local @!p0 [hbm:s0], s1  }
0x111: {  	s0 =	simm.s32 @!p0 $0x2  }
0x112: {  	_ =	swait.ge @!p0 [sflag:s0], s1  }
0x113: {  	s1 =	ssub.s32 @!p0 $0x0, s1;
	[sflag:s0] =	ssyncset.done @!p0 $0x0  }
0x114: {  	[sflag:s0] =	ssyncadd.s32 @!p0 s1  }
0x115: {  	[bflag:$0x3] =	sbarrier.arrive $0xFFFF  }
0x116: {  	_ =	shalt  }

</sc_bundles>
